<compile_context>
chip_gen: v7x
topology: tpu7x:2x2x1
jax: 0.10.2.dev20260603
libtpu: 0.0.44.dev20260713+nightly
codegen_flags: <defaults>
</compile_context>

<pallas_src>
import functools

import jax
import jax.numpy as jnp
from jax import lax
from jax.experimental import pallas as pl
from jax.experimental.pallas import tpu as pltpu
from jax.experimental.pallas import tpu_sc as plsc

NC = 2
NS = 16
NW = NC * NS
LANES = 16

SUB = 782
HALF = SUB * 128 // 2
TB_PER_W = 4
LT_CHUNK = 5


def _tc_dtable(w_ref, p_ref):
    w0 = w_ref[0]
    w1 = w_ref[1]
    d = 1.0 / (1.0 + jnp.exp(w1 - w0))
    bits = jax.lax.bitcast_convert_type(d, jnp.uint32) + jnp.uint32(0x8000)
    lo = (bits[: SUB // 2] >> 16) & jnp.uint32(0xFFFF)
    hi = bits[SUB // 2 :] & jnp.uint32(0xFFFF0000)
    p_ref[...] = jax.lax.bitcast_convert_type(lo | hi, jnp.int32)


def _make_sc_gather(nlt, ntb):
    n_chunks = nlt // LT_CHUNK
    l_chunk = 8 * LT_CHUNK
    mesh = plsc.VectorSubcoreMesh(core_axis_name="c", subcore_axis_name="s")

    @functools.partial(
        pl.kernel,
        out_type=jax.ShapeDtypeStruct((8 * nlt, 2 * ntb, 128), jnp.float32),
        mesh=mesh,
        compiler_params=pltpu.CompilerParams(needs_layout_passes=False),
        scratch_types=[
            pltpu.VMEM((HALF,), jnp.int32),
            pltpu.VMEM((2, LT_CHUNK, 2, 8, 128), jnp.int32),
            pltpu.VMEM((2, l_chunk, 4, 128), jnp.float32),
            pltpu.VMEM_SHARED((HALF,), jnp.int32),
            pltpu.SemaphoreType.DMA,
            pltpu.SemaphoreType.DMA,
            pltpu.SemaphoreType.DMA,
        ],
    )
    def sc_gather(tbl_hbm, idx_hbm, out_hbm, tbl_v, idx_v, out_v, tbl_sp,
                  in_sem, out_sem, tab_sem):
        sid = lax.axis_index("s")
        wid = sid * NC + lax.axis_index("c")
        n_units = (TB_PER_W // 2) * n_chunks

        def unit_slices(u):
            pr = u // n_chunks
            lc = u - pr * n_chunks
            tb = wid * TB_PER_W + 2 * pr
            src = idx_hbm.at[
                pl.ds(lc * LT_CHUNK, LT_CHUNK), pl.ds(tb, 2), :, :
            ]
            dst = out_hbm.at[
                pl.ds(lc * l_chunk, l_chunk), pl.ds(2 * tb, 4), :
            ]
            return src, dst

        def start_in(u, buf):
            src, _ = unit_slices(u)
            return pltpu.async_copy(src, idx_v.at[buf], in_sem)

        start_in(0, 0)
        start_in(1, 1)

        tsl = HALF // NS
        toff = sid * tsl
        pltpu.sync_copy(tbl_hbm.at[pl.ds(toff, tsl)], tbl_v.at[pl.ds(toff, tsl)])
        pltpu.sync_copy(tbl_v.at[pl.ds(toff, tsl)], tbl_sp.at[pl.ds(toff, tsl)])
        plsc.subcore_barrier()
        pltpu.async_copy(tbl_sp, tbl_v, tab_sem).wait()

        half = jnp.int32(HALF)
        mask_hi = jnp.int32(-65536)

        def run_unit(u, b):
            src, dst = unit_slices(u)
            pltpu.make_async_copy(src, idx_v.at[b], in_sem).wait()

            @pl.when(u >= 2)
            def _():
                pltpu.make_async_copy(out_v.at[b], dst, out_sem).wait()

            @plsc.parallel_loop(0, l_chunk)
            def body(ll):
                lt = ll >> 3
                ls = ll & 7
                for tbh in range(2):
                    for j in range(128 // LANES):
                        v = idx_v[b, lt, tbh, ls, pl.ds(j * LANES, LANES)]
                        c = v >= half
                        vv = jnp.where(c, v - half, v)
                        g = plsc.load_gather(tbl_v, [vv])
                        bits = jnp.where(c, g & mask_hi, g << 16)
                        dv = plsc.bitcast(bits, jnp.float32)
                        out_v[b, ll, 2 * tbh, pl.ds(j * LANES, LANES)] = dv
                        out_v[b, ll, 2 * tbh + 1, pl.ds(j * LANES, LANES)] = (
                            1.0 - dv
                        )

            pltpu.async_copy(out_v.at[b], dst, out_sem)

            @pl.when(u + 2 < n_units)
            def _():
                start_in(u + 2, b)

        def group(g, carry):
            run_unit(2 * g, 0)
            run_unit(2 * g + 1, 1)
            return carry

        lax.fori_loop(0, n_units // 2, group, 0)
        _, dst0 = unit_slices(n_units - 2)
        _, dst1 = unit_slices(n_units - 1)
        pltpu.make_async_copy(out_v.at[0], dst0, out_sem).wait()
        pltpu.make_async_copy(out_v.at[1], dst1, out_sem).wait()

    return sc_gather


def kernel(feat_idx, W):
    b, h = feat_idx.shape
    v = W.shape[0]
    pad_v = SUB * 128
    ntb = b // 128
    nlt = h // 8
    assert v <= pad_v and ntb == NW * TB_PER_W and nlt % LT_CHUNK == 0

    w_t = jnp.pad(W, ((0, pad_v - v), (0, 0))).T.reshape(2, SUB, 128)
    tbl = pl.pallas_call(
        _tc_dtable,
        out_shape=jax.ShapeDtypeStruct((SUB // 2, 128), jnp.int32),
    )(w_t)

    idx4 = feat_idx.T.reshape(nlt, 8, ntb, 128).transpose(0, 2, 1, 3)

    out3 = _make_sc_gather(nlt, ntb)(tbl.reshape(HALF), idx4)
    return (
        out3.reshape(h, ntb, 2, 128)
        .transpose(1, 3, 0, 2)
        .reshape(b, h, 2)
    )

# --- scband reference (transcript-rebuilt; emitter-appended) ---
"""Pipeline reference for scband-my-simple-nb-21483426414613 (READ-ONLY COPY).

The authoritative reference and input builder live on the scoring server;
editing this copy changes nothing except your own understanding.
"""

import jax, jax.numpy as jnp
import numpy as np

NF = 100000
BATCH = 16384
HIST = 200

def setup_inputs(seed: int = 0) -> dict:
    key = jax.random.key(seed)
    k1, k2 = jax.random.split(key)
    feat_idx = jax.random.randint(k1, (BATCH, HIST), 0, NF + 1)
    # Embedding table: (nf+1, 2), uniform(-0.1, 0.1), padding_idx=0 row zeroed
    W = jax.random.uniform(k2, (NF + 1, 2), minval=-0.1, maxval=0.1, dtype=jnp.float32)
    W = W.at[0].set(0.0)
    return {"feat_idx": feat_idx, "W": W}

def reference(feat_idx, W):
    # w = self.w(feat_idx)  -> embedding gather
    w = jnp.take(W, feat_idx, axis=0)  # [B, L, 2]
    # return F.softmax(w)  (implicit last-dim softmax)
    return jax.nn.softmax(w, axis=-1)

if __name__ == "__main__":
    import jax
    _d = setup_inputs()
    print(jax.jit(kernel)(*tuple(_d.values())))

</pallas_src>

<mosaic_0001>
#map = affine_map<(d0, d1) -> (0)>
#map1 = affine_map<(d0, d1) -> (0, 0, 0, 0)>
#map2 = affine_map<(d0, d1) -> (0, 0, 0)>
module attributes {stable_mosaic.version = 14 : i64} {
  func.func @sc_gather(%arg0: i32, %arg1: i32, %arg2: memref<50048xi32, #tpu.memory_space<hbm>>, %arg3: memref<25x128x8x128xi32, #tpu.memory_space<hbm>>, %arg4: memref<200x256x128xf32, #tpu.memory_space<hbm>>, %arg5: memref<50048xi32, #tpu.memory_space<vmem>>, %arg6: memref<2x5x2x8x128xi32, #tpu.memory_space<vmem>>, %arg7: memref<2x40x4x128xf32, #tpu.memory_space<vmem>>, %arg8: memref<50048xi32, #tpu.memory_space<vmem_shared>>, %arg9: memref<!tpu.dma_semaphore, #tpu.memory_space<semaphore_mem>>, %arg10: memref<!tpu.dma_semaphore, #tpu.memory_space<semaphore_mem>>, %arg11: memref<!tpu.dma_semaphore, #tpu.memory_space<semaphore_mem>>) attributes {dimension_semantics = [#tpu.dimension_semantics<core_parallel>, #tpu.dimension_semantics<subcore_parallel>], iteration_bounds = array<i64: 2, 16>, scalar_prefetch = 0 : i64, scratch_operands = 7 : i64, tpu.core_type = #tpu.core_type<sc_vector_subcore>, window_params = [{transform_indices = #map}, {transform_indices = #map1}, {transform_indices = #map2}]} {
    %mul3A = arith.constant 2 : i32
    %mul3A_0 = arith.muli %arg1, %mul3A : i32
    %add3A = arith.addi %mul3A_0, %arg0 : i32
    %mul3A_1 = arith.constant 4 : i32
    %mul3A_2 = arith.muli %add3A, %mul3A_1 : i32
    %add3A_3 = arith.constant 0 : i32
    %add3A_4 = arith.addi %mul3A_2, %add3A_3 : i32
    %mul3A_5 = arith.constant 2 : i32
    %mul3A_6 = arith.muli %mul3A_5, %add3A_4 : i32
    %dma_start3A = arith.constant 0 : i32
    %dma_start3A_7 = arith.constant 0 : i32
    %dma_start3A_8 = arith.constant 0 : i32
    %dma_start3A_9 = arith.constant 0 : i32
    %dma_start3A_10 = arith.constant 0 : i32
    %dma_start3A_11 = tpu.memref_slice %arg6[%dma_start3A, %dma_start3A_7, %dma_start3A_8, %dma_start3A_9, %dma_start3A_10] : memref<2x5x2x8x128xi32, #tpu.memory_space<vmem>> -> memref<1x5x2x8x128xi32, #tpu.memory_space<vmem>>
    %dma_start3A_12 = tpu.memref_squeeze %dma_start3A_11 : memref<1x5x2x8x128xi32, #tpu.memory_space<vmem>> -> memref<5x2x8x128xi32, #tpu.memory_space<vmem>>
    %dma_start3A_13 = arith.constant 0 : i32
    %dma_start3A_14 = arith.constant 0 : i32
    %dma_start3A_15 = arith.constant 0 : i32
    %dma_start3A_16 = tpu.memref_slice %arg3[%dma_start3A_13, %add3A_4, %dma_start3A_14, %dma_start3A_15] : memref<25x128x8x128xi32, #tpu.memory_space<hbm>> -> memref<5x2x8x128xi32, #tpu.memory_space<hbm>>
    %dma_start3A_17 = arith.constant 0 : i32
    %dma_start3A_18 = arith.constant 0 : i32
    %dma_start3A_19 = arith.constant 0 : i32
    %dma_start3A_20 = arith.constant 0 : i32
    %dma_start3A_21 = tpu.memref_slice %arg6[%dma_start3A, %dma_start3A_17, %dma_start3A_18, %dma_start3A_19, %dma_start3A_20] : memref<2x5x2x8x128xi32, #tpu.memory_space<vmem>> -> memref<1x5x2x8x128xi32, #tpu.memory_space<vmem>>
    %dma_start3A_22 = tpu.memref_squeeze %dma_start3A_21 : memref<1x5x2x8x128xi32, #tpu.memory_space<vmem>> -> memref<5x2x8x128xi32, #tpu.memory_space<vmem>>
    %dma_start3A_23 = arith.constant 0 : i32
    %dma_start3A_24 = arith.constant 0 : i32
    %dma_start3A_25 = arith.constant 0 : i32
    %dma_start3A_26 = tpu.memref_slice %arg3[%dma_start3A_23, %add3A_4, %dma_start3A_24, %dma_start3A_25] : memref<25x128x8x128xi32, #tpu.memory_space<hbm>> -> memref<5x2x8x128xi32, #tpu.memory_space<hbm>>
    tpu.enqueue_dma source(%dma_start3A_26 : memref<5x2x8x128xi32, #tpu.memory_space<hbm>>) target(%dma_start3A_22 : memref<5x2x8x128xi32, #tpu.memory_space<vmem>>) target_semaphore(%arg9 : memref<!tpu.dma_semaphore, #tpu.memory_space<semaphore_mem>>)
    %mul3A_27 = arith.constant 4 : i32
    %mul3A_28 = arith.muli %add3A, %mul3A_27 : i32
    %add3A_29 = arith.constant 0 : i32
    %add3A_30 = arith.addi %mul3A_28, %add3A_29 : i32
    %mul3A_31 = arith.constant 2 : i32
    %mul3A_32 = arith.muli %mul3A_31, %add3A_30 : i32
    %dma_start3A_33 = arith.constant 1 : i32
    %dma_start3A_34 = arith.constant 0 : i32
    %dma_start3A_35 = arith.constant 0 : i32
    %dma_start3A_36 = arith.constant 0 : i32
    %dma_start3A_37 = arith.constant 0 : i32
    %dma_start3A_38 = tpu.memref_slice %arg6[%dma_start3A_33, %dma_start3A_34, %dma_start3A_35, %dma_start3A_36, %dma_start3A_37] : memref<2x5x2x8x128xi32, #tpu.memory_space<vmem>> -> memref<1x5x2x8x128xi32, #tpu.memory_space<vmem>>
    %dma_start3A_39 = tpu.memref_squeeze %dma_start3A_38 : memref<1x5x2x8x128xi32, #tpu.memory_space<vmem>> -> memref<5x2x8x128xi32, #tpu.memory_space<vmem>>
    %dma_start3A_40 = arith.constant 5 : i32
    %dma_start3A_41 = arith.constant 0 : i32
    %dma_start3A_42 = arith.constant 0 : i32
    %dma_start3A_43 = tpu.memref_slice %arg3[%dma_start3A_40, %add3A_30, %dma_start3A_41, %dma_start3A_42] : memref<25x128x8x128xi32, #tpu.memory_space<hbm>> -> memref<5x2x8x128xi32, #tpu.memory_space<hbm>>
    %dma_start3A_44 = arith.constant 0 : i32
    %dma_start3A_45 = arith.constant 0 : i32
    %dma_start3A_46 = arith.constant 0 : i32
    %dma_start3A_47 = arith.constant 0 : i32
    %dma_start3A_48 = tpu.memref_slice %arg6[%dma_start3A_33, %dma_start3A_44, %dma_start3A_45, %dma_start3A_46, %dma_start3A_47] : memref<2x5x2x8x128xi32, #tpu.memory_space<vmem>> -> memref<1x5x2x8x128xi32, #tpu.memory_space<vmem>>
    %dma_start3A_49 = tpu.memref_squeeze %dma_start3A_48 : memref<1x5x2x8x128xi32, #tpu.memory_space<vmem>> -> memref<5x2x8x128xi32, #tpu.memory_space<vmem>>
    %dma_start3A_50 = arith.constant 5 : i32
    %dma_start3A_51 = arith.constant 0 : i32
    %dma_start3A_52 = arith.constant 0 : i32
    %dma_start3A_53 = tpu.memref_slice %arg3[%dma_start3A_50, %add3A_30, %dma_start3A_51, %dma_start3A_52] : memref<25x128x8x128xi32, #tpu.memory_space<hbm>> -> memref<5x2x8x128xi32, #tpu.memory_space<hbm>>
    tpu.enqueue_dma source(%dma_start3A_53 : memref<5x2x8x128xi32, #tpu.memory_space<hbm>>) target(%dma_start3A_49 : memref<5x2x8x128xi32, #tpu.memory_space<vmem>>) target_semaphore(%arg9 : memref<!tpu.dma_semaphore, #tpu.memory_space<semaphore_mem>>)
    %mul3A_54 = arith.constant 3128 : i32
    %mul3A_55 = arith.muli %arg1, %mul3A_54 : i32
    "tpu.region"() ({
      %run_scoped3A = tpu.sem_alloc : memref<!tpu.dma_semaphore, #tpu.memory_space<semaphore_mem>>
      %dma_start3A_108 = tpu.memref_slice %arg5[%mul3A_55] : memref<50048xi32, #tpu.memory_space<vmem>> -> memref<3128xi32, #tpu.memory_space<vmem>>
      %dma_start3A_109 = tpu.memref_slice %arg2[%mul3A_55] : memref<50048xi32, #tpu.memory_space<hbm>> -> memref<3128xi32, #tpu.memory_space<hbm>>
      %dma_start3A_110 = tpu.memref_slice %arg5[%mul3A_55] : memref<50048xi32, #tpu.memory_space<vmem>> -> memref<3128xi32, #tpu.memory_space<vmem>>
      %dma_start3A_111 = tpu.memref_slice %arg2[%mul3A_55] : memref<50048xi32, #tpu.memory_space<hbm>> -> memref<3128xi32, #tpu.memory_space<hbm>>
      tpu.enqueue_dma source(%dma_start3A_111 : memref<3128xi32, #tpu.memory_space<hbm>>) target(%dma_start3A_110 : memref<3128xi32, #tpu.memory_space<vmem>>) target_semaphore(%run_scoped3A : memref<!tpu.dma_semaphore, #tpu.memory_space<semaphore_mem>>)
      %dma_wait3A_112 = tpu.memref_slice %arg5[%mul3A_55] : memref<50048xi32, #tpu.memory_space<vmem>> -> memref<3128xi32, #tpu.memory_space<vmem>>
      %dma_wait3A_113 = tpu.memref_slice %arg2[%mul3A_55] : memref<50048xi32, #tpu.memory_space<hbm>> -> memref<3128xi32, #tpu.memory_space<hbm>>
      %dma_wait3A_114 = tpu.memref_slice %arg5[%mul3A_55] : memref<50048xi32, #tpu.memory_space<vmem>> -> memref<3128xi32, #tpu.memory_space<vmem>>
      %dma_wait3A_115 = tpu.memref_slice %arg2[%mul3A_55] : memref<50048xi32, #tpu.memory_space<hbm>> -> memref<3128xi32, #tpu.memory_space<hbm>>
      tpu.wait_dma2 semaphore(%run_scoped3A : memref<!tpu.dma_semaphore, #tpu.memory_space<semaphore_mem>>) src(%dma_wait3A_115 : memref<3128xi32, #tpu.memory_space<hbm>>) dst(%dma_wait3A_114 : memref<3128xi32, #tpu.memory_space<vmem>>)
      tpu.yield
    }) : () -> ()
    "tpu.region"() ({
      %run_scoped3A = tpu.sem_alloc : memref<!tpu.dma_semaphore, #tpu.memory_space<semaphore_mem>>
      %dma_start3A_108 = tpu.memref_slice %arg5[%mul3A_55] : memref<50048xi32, #tpu.memory_space<vmem>> -> memref<3128xi32, #tpu.memory_space<vmem>>
      %dma_start3A_109 = tpu.memref_slice %arg8[%mul3A_55] : memref<50048xi32, #tpu.memory_space<vmem_shared>> -> memref<3128xi32, #tpu.memory_space<vmem_shared>>
      %dma_start3A_110 = tpu.memref_slice %arg8[%mul3A_55] : memref<50048xi32, #tpu.memory_space<vmem_shared>> -> memref<3128xi32, #tpu.memory_space<vmem_shared>>
      %dma_start3A_111 = tpu.memref_slice %arg5[%mul3A_55] : memref<50048xi32, #tpu.memory_space<vmem>> -> memref<3128xi32, #tpu.memory_space<vmem>>
      tpu.enqueue_dma source(%dma_start3A_111 : memref<3128xi32, #tpu.memory_space<vmem>>) target(%dma_start3A_110 : memref<3128xi32, #tpu.memory_space<vmem_shared>>) target_semaphore(%run_scoped3A : memref<!tpu.dma_semaphore, #tpu.memory_space<semaphore_mem>>)
      %dma_wait3A_112 = tpu.memref_slice %arg5[%mul3A_55] : memref<50048xi32, #tpu.memory_space<vmem>> -> memref<3128xi32, #tpu.memory_space<vmem>>
      %dma_wait3A_113 = tpu.memref_slice %arg8[%mul3A_55] : memref<50048xi32, #tpu.memory_space<vmem_shared>> -> memref<3128xi32, #tpu.memory_space<vmem_shared>>
      %dma_wait3A_114 = tpu.memref_slice %arg8[%mul3A_55] : memref<50048xi32, #tpu.memory_space<vmem_shared>> -> memref<3128xi32, #tpu.memory_space<vmem_shared>>
      %dma_wait3A_115 = tpu.memref_slice %arg5[%mul3A_55] : memref<50048xi32, #tpu.memory_space<vmem>> -> memref<3128xi32, #tpu.memory_space<vmem>>
      tpu.wait_dma2 semaphore(%run_scoped3A : memref<!tpu.dma_semaphore, #tpu.memory_space<semaphore_mem>>) src(%dma_wait3A_115 : memref<3128xi32, #tpu.memory_space<vmem>>) dst(%dma_wait3A_114 : memref<3128xi32, #tpu.memory_space<vmem_shared>>)
      tpu.yield
    }) : () -> ()
    %barrier3A = arith.constant 0 : index
    tpu.barrier barrier_id(%barrier3A)
    tpu.enqueue_dma source(%arg8 : memref<50048xi32, #tpu.memory_space<vmem_shared>>) target(%arg5 : memref<50048xi32, #tpu.memory_space<vmem>>) target_semaphore(%arg11 : memref<!tpu.dma_semaphore, #tpu.memory_space<semaphore_mem>>)
    tpu.wait_dma2 semaphore(%arg11 : memref<!tpu.dma_semaphore, #tpu.memory_space<semaphore_mem>>) src(%arg8 : memref<50048xi32, #tpu.memory_space<vmem_shared>>) dst(%arg5 : memref<50048xi32, #tpu.memory_space<vmem>>)
    %scan3A = arith.constant 0 : i32
    %scan3A_56 = arith.constant 50048 : i32
    %scan3A_57 = arith.constant -65536 : i32
    %scan3A_58 = arith.constant 0 : i32
    %scan3A_59 = arith.constant 5 : i32
    %scan3A_60 = arith.addi %scan3A_58, %scan3A_59 : i32
    %scan3A_61 = arith.constant 1 : i32
    scf.for %scan3A_108 = %scan3A_58 to %scan3A_60 step %scan3A_61  : i32 {
      %mul3A_109 = arith.constant 2 : i32
      %mul3A_110 = arith.muli %mul3A_109, %scan3A_108 : i32
      %jit3A = arith.constant 5 : i32
      %div3A = arith.divsi %mul3A_110, %jit3A : i32
      %sign3A = arith.constant 0 : i32
      %sign3A_111 = arith.cmpi sgt, %mul3A_110, %sign3A : i32
      %sign3A_112 = arith.extui %sign3A_111 : i1 to i32
      %sign3A_113 = arith.constant 0 : i32
      %sign3A_114 = arith.cmpi slt, %mul3A_110, %sign3A_113 : i32
      %sign3A_115 = arith.extui %sign3A_114 : i1 to i32
      %sign3A_116 = arith.subi %sign3A_112, %sign3A_115 : i32
      %sign3A_117 = arith.constant 0 : i32
      %sign3A_118 = arith.cmpi sgt, %jit3A, %sign3A_117 : i32
      %sign3A_119 = arith.extui %sign3A_118 : i1 to i32
      %sign3A_120 = arith.constant 0 : i32
      %sign3A_121 = arith.cmpi slt, %jit3A, %sign3A_120 : i32
      %sign3A_122 = arith.extui %sign3A_121 : i1 to i32
      %sign3A_123 = arith.subi %sign3A_119, %sign3A_122 : i32
      %ne3A = arith.cmpi ne, %sign3A_116, %sign3A_123 : i32
      %rem3A = arith.remsi %mul3A_110, %jit3A : i32
      %ne3A_124 = arith.constant 0 : i32
      %ne3A_125 = arith.cmpi ne, %rem3A, %ne3A_124 : i32
      %and3A = arith.andi %ne3A, %ne3A_125 : i1
      %sub3A = arith.constant 1 : i32
      %sub3A_126 = arith.subi %div3A, %sub3A : i32
      %select_n3A = arith.select %and3A, %sub3A_126, %div3A : i32
      %mul3A_127 = arith.constant 5 : i32
      %mul3A_128 = arith.muli %select_n3A, %mul3A_127 : i32
      %sub3A_129 = arith.subi %mul3A_110, %mul3A_128 : i32
      %mul3A_130 = arith.constant 4 : i32
      %mul3A_131 = arith.muli %add3A, %mul3A_130 : i32
      %mul3A_132 = arith.constant 2 : i32
      %mul3A_133 = arith.muli %mul3A_132, %select_n3A : i32
      %add3A_134 = arith.addi %mul3A_131, %mul3A_133 : i32
      %mul3A_135 = arith.constant 5 : i32
      %mul3A_136 = arith.muli %sub3A_129, %mul3A_135 : i32
      %mul3A_137 = arith.constant 40 : i32
      %mul3A_138 = arith.muli %sub3A_129, %mul3A_137 : i32
      %mul3A_139 = arith.constant 2 : i32
      %mul3A_140 = arith.muli %mul3A_139, %add3A_134 : i32
      %dma_wait3A_141 = arith.constant 0 : i32
      %dma_wait3A_142 = arith.constant 0 : i32
      %dma_wait3A_143 = arith.constant 0 : i32
      %dma_wait3A_144 = arith.constant 0 : i32
      %dma_wait3A_145 = arith.constant 0 : i32
      %dma_wait3A_146 = tpu.memref_slice %arg6[%dma_wait3A_141, %dma_wait3A_142, %dma_wait3A_143, %dma_wait3A_144, %dma_wait3A_145] : memref<2x5x2x8x128xi32, #tpu.memory_space<vmem>> -> memref<1x5x2x8x128xi32, #tpu.memory_space<vmem>>
      %dma_wait3A_147 = tpu.memref_squeeze %dma_wait3A_146 : memref<1x5x2x8x128xi32, #tpu.memory_space<vmem>> -> memref<5x2x8x128xi32, #tpu.memory_space<vmem>>
      %dma_wait3A_148 = arith.constant 0 : i32
      %dma_wait3A_149 = arith.constant 0 : i32
      %dma_wait3A_150 = tpu.memref_slice %arg3[%mul3A_136, %add3A_134, %dma_wait3A_148, %dma_wait3A_149] : memref<25x128x8x128xi32, #tpu.memory_space<hbm>> -> memref<5x2x8x128xi32, #tpu.memory_space<hbm>>
      %dma_wait3A_151 = arith.constant 0 : i32
      %dma_wait3A_152 = arith.constant 0 : i32
      %dma_wait3A_153 = arith.constant 0 : i32
      %dma_wait3A_154 = arith.constant 0 : i32
      %dma_wait3A_155 = tpu.memref_slice %arg6[%dma_wait3A_141, %dma_wait3A_151, %dma_wait3A_152, %dma_wait3A_153, %dma_wait3A_154] : memref<2x5x2x8x128xi32, #tpu.memory_space<vmem>> -> memref<1x5x2x8x128xi32, #tpu.memory_space<vmem>>
      %dma_wait3A_156 = tpu.memref_squeeze %dma_wait3A_155 : memref<1x5x2x8x128xi32, #tpu.memory_space<vmem>> -> memref<5x2x8x128xi32, #tpu.memory_space<vmem>>
      %dma_wait3A_157 = arith.constant 0 : i32
      %dma_wait3A_158 = arith.constant 0 : i32
      %dma_wait3A_159 = tpu.memref_slice %arg3[%mul3A_136, %add3A_134, %dma_wait3A_157, %dma_wait3A_158] : memref<25x128x8x128xi32, #tpu.memory_space<hbm>> -> memref<5x2x8x128xi32, #tpu.memory_space<hbm>>
      tpu.wait_dma2 semaphore(%arg9 : memref<!tpu.dma_semaphore, #tpu.memory_space<semaphore_mem>>) src(%dma_wait3A_159 : memref<5x2x8x128xi32, #tpu.memory_space<hbm>>) dst(%dma_wait3A_156 : memref<5x2x8x128xi32, #tpu.memory_space<vmem>>)
      %ge3A = arith.constant 2 : i32
      %ge3A_160 = arith.cmpi sge, %mul3A_110, %ge3A : i32
      %convert_element_type3A = arith.extui %ge3A_160 : i1 to i32
      %cond3A = arith.constant 0 : i32
      %cond3A_161 = arith.cmpi ne, %convert_element_type3A, %cond3A : i32
      scf.if %cond3A_161 {
        %dma_wait3A_276 = arith.constant 0 : i32
        %dma_wait3A_277 = arith.constant 0 : i32
        %dma_wait3A_278 = arith.constant 0 : i32
        %dma_wait3A_279 = arith.constant 0 : i32
        %dma_wait3A_280 = tpu.memref_slice %arg7[%dma_wait3A_276, %dma_wait3A_277, %dma_wait3A_278, %dma_wait3A_279] : memref<2x40x4x128xf32, #tpu.memory_space<vmem>> -> memref<1x40x4x128xf32, #tpu.memory_space<vmem>>
        %dma_wait3A_281 = tpu.memref_squeeze %dma_wait3A_280 : memref<1x40x4x128xf32, #tpu.memory_space<vmem>> -> memref<40x4x128xf32, #tpu.memory_space<vmem>>
        %dma_wait3A_282 = arith.constant 0 : i32
        %dma_wait3A_283 = tpu.memref_slice %arg4[%mul3A_138, %mul3A_140, %dma_wait3A_282] : memref<200x256x128xf32, #tpu.memory_space<hbm>> -> memref<40x4x128xf32, #tpu.memory_space<hbm>>
        %dma_wait3A_284 = arith.constant 0 : i32
        %dma_wait3A_285 = tpu.memref_slice %arg4[%mul3A_138, %mul3A_140, %dma_wait3A_284] : memref<200x256x128xf32, #tpu.memory_space<hbm>> -> memref<40x4x128xf32, #tpu.memory_space<hbm>>
        %dma_wait3A_286 = arith.constant 0 : i32
        %dma_wait3A_287 = arith.constant 0 : i32
        %dma_wait3A_288 = arith.constant 0 : i32
        %dma_wait3A_289 = tpu.memref_slice %arg7[%dma_wait3A_276, %dma_wait3A_286, %dma_wait3A_287, %dma_wait3A_288] : memref<2x40x4x128xf32, #tpu.memory_space<vmem>> -> memref<1x40x4x128xf32, #tpu.memory_space<vmem>>
        %dma_wait3A_290 = tpu.memref_squeeze %dma_wait3A_289 : memref<1x40x4x128xf32, #tpu.memory_space<vmem>> -> memref<40x4x128xf32, #tpu.memory_space<vmem>>
        tpu.wait_dma2 semaphore(%arg10 : memref<!tpu.dma_semaphore, #tpu.memory_space<semaphore_mem>>) src(%dma_wait3A_290 : memref<40x4x128xf32, #tpu.memory_space<vmem>>) dst(%dma_wait3A_285 : memref<40x4x128xf32, #tpu.memory_space<hbm>>)
      } else {
      }
      %parallel_loop3A = arith.constant 0 : i32
      %parallel_loop3A_162 = arith.constant 40 : i32
      %parallel_loop3A_163 = arith.constant 1 : i32
      scf.for %parallel_loop3A_276 = %parallel_loop3A to %parallel_loop3A_162 step %parallel_loop3A_163  : i32 {
        %parallel_loop3A_277 = arith.constant 3 : i32
        %parallel_loop3A_278 = arith.shrsi %parallel_loop3A_276, %parallel_loop3A_277 : i32
        %parallel_loop3A_279 = arith.constant 7 : i32
        %parallel_loop3A_280 = arith.andi %parallel_loop3A_276, %parallel_loop3A_279 : i32
        %parallel_loop3A_281 = arith.constant 0 : i32
        %parallel_loop3A_282 = arith.constant 0 : i32
        %parallel_loop3A_283 = arith.index_cast %parallel_loop3A_281 : i32 to index
        %parallel_loop3A_284 = arith.index_cast %parallel_loop3A_278 : i32 to index
        %parallel_loop3A_285 = arith.index_cast %parallel_loop3A_282 : i32 to index
        %parallel_loop3A_286 = arith.index_cast %parallel_loop3A_280 : i32 to index
        %parallel_loop3A_287 = arith.constant 0 : index
        %parallel_loop3A_288 = tpu.vector_load %arg6[%parallel_loop3A_283, %parallel_loop3A_284, %parallel_loop3A_285, %parallel_loop3A_286, %parallel_loop3A_287] {strides = array<i32>} : memref<2x5x2x8x128xi32, #tpu.memory_space<vmem>>, vector<16xi32>,
        %parallel_loop3A_289 = vector.broadcast %scan3A_56 : i32 to vector<16xi32>
        %parallel_loop3A_290 = arith.cmpi sge, %parallel_loop3A_288, %parallel_loop3A_289 : vector<16xi32>
        %parallel_loop3A_291 = vector.broadcast %scan3A_56 : i32 to vector<16xi32>
        %parallel_loop3A_292 = arith.subi %parallel_loop3A_288, %parallel_loop3A_291 : vector<16xi32>
        %parallel_loop3A_293 = arith.select %parallel_loop3A_290, %parallel_loop3A_292, %parallel_loop3A_288 : vector<16xi1>, vector<16xi32>
        %parallel_loop3A_294 = tpu.vector_load_idx %arg5[%parallel_loop3A_293] : memref<50048xi32, #tpu.memory_space<vmem>>[vector<16xi32>], vector<16xi32>,
        %parallel_loop3A_295 = vector.broadcast %scan3A_57 : i32 to vector<16xi32>
        %parallel_loop3A_296 = arith.andi %parallel_loop3A_294, %parallel_loop3A_295 : vector<16xi32>
        %parallel_loop3A_297 = arith.constant 16 : i32
        %parallel_loop3A_298 = vector.broadcast %parallel_loop3A_297 : i32 to vector<16xi32>
        %parallel_loop3A_299 = arith.shli %parallel_loop3A_294, %parallel_loop3A_298 : vector<16xi32>
        %parallel_loop3A_300 = arith.select %parallel_loop3A_290, %parallel_loop3A_296, %parallel_loop3A_299 : vector<16xi1>, vector<16xi32>
        %parallel_loop3A_301 = vector.bitcast %parallel_loop3A_300 : vector<16xi32> to vector<16xf32>
        %parallel_loop3A_302 = arith.constant 0 : i32
        %parallel_loop3A_303 = arith.constant 0 : i32
        %parallel_loop3A_304 = arith.index_cast %parallel_loop3A_302 : i32 to index
        %parallel_loop3A_305 = arith.index_cast %parallel_loop3A_276 : i32 to index
        %parallel_loop3A_306 = arith.index_cast %parallel_loop3A_303 : i32 to index
        %parallel_loop3A_307 = arith.constant 0 : index
        %parallel_loop3A_308 = tpu.vector_load %arg7[%parallel_loop3A_304, %parallel_loop3A_305, %parallel_loop3A_306, %parallel_loop3A_307] {strides = array<i32>} : memref<2x40x4x128xf32, #tpu.memory_space<vmem>>, vector<16xf32>,
        tpu.vector_store %arg7[%parallel_loop3A_304, %parallel_loop3A_305, %parallel_loop3A_306, %parallel_loop3A_307], %parallel_loop3A_301 {strides = array<i32>} : memref<2x40x4x128xf32, #tpu.memory_space<vmem>>, vector<16xf32>,
        %parallel_loop3A_309 = arith.constant 1.000000e+00 : f32
        %parallel_loop3A_310 = vector.broadcast %parallel_loop3A_309 : f32 to vector<16xf32>
        %parallel_loop3A_311 = arith.subf %parallel_loop3A_310, %parallel_loop3A_301 : vector<16xf32>
        %parallel_loop3A_312 = arith.constant 0 : i32
        %parallel_loop3A_313 = arith.constant 1 : i32
        %parallel_loop3A_314 = arith.index_cast %parallel_loop3A_312 : i32 to index
        %parallel_loop3A_315 = arith.index_cast %parallel_loop3A_276 : i32 to index
        %parallel_loop3A_316 = arith.index_cast %parallel_loop3A_313 : i32 to index
        %parallel_loop3A_317 = arith.constant 0 : index
        %parallel_loop3A_318 = tpu.vector_load %arg7[%parallel_loop3A_314, %parallel_loop3A_315, %parallel_loop3A_316, %parallel_loop3A_317] {strides = array<i32>} : memref<2x40x4x128xf32, #tpu.memory_space<vmem>>, vector<16xf32>,
        tpu.vector_store %arg7[%parallel_loop3A_314, %parallel_loop3A_315, %parallel_loop3A_316, %parallel_loop3A_317], %parallel_loop3A_311 {strides = array<i32>} : memref<2x40x4x128xf32, #tpu.memory_space<vmem>>, vector<16xf32>,
        %parallel_loop3A_319 = arith.constant 0 : i32
        %parallel_loop3A_320 = arith.constant 0 : i32
        %parallel_loop3A_321 = arith.index_cast %parallel_loop3A_319 : i32 to index
        %parallel_loop3A_322 = arith.index_cast %parallel_loop3A_278 : i32 to index
        %parallel_loop3A_323 = arith.index_cast %parallel_loop3A_320 : i32 to index
        %parallel_loop3A_324 = arith.index_cast %parallel_loop3A_280 : i32 to index
        %parallel_loop3A_325 = arith.constant 16 : index
        %parallel_loop3A_326 = tpu.vector_load %arg6[%parallel_loop3A_321, %parallel_loop3A_322, %parallel_loop3A_323, %parallel_loop3A_324, %parallel_loop3A_325] {strides = array<i32>} : memref<2x5x2x8x128xi32, #tpu.memory_space<vmem>>, vector<16xi32>,
        %parallel_loop3A_327 = vector.broadcast %scan3A_56 : i32 to vector<16xi32>
        %parallel_loop3A_328 = arith.cmpi sge, %parallel_loop3A_326, %parallel_loop3A_327 : vector<16xi32>
        %parallel_loop3A_329 = vector.broadcast %scan3A_56 : i32 to vector<16xi32>
        %parallel_loop3A_330 = arith.subi %parallel_loop3A_326, %parallel_loop3A_329 : vector<16xi32>
        %parallel_loop3A_331 = arith.select %parallel_loop3A_328, %parallel_loop3A_330, %parallel_loop3A_326 : vector<16xi1>, vector<16xi32>
        %parallel_loop3A_332 = tpu.vector_load_idx %arg5[%parallel_loop3A_331] : memref<50048xi32, #tpu.memory_space<vmem>>[vector<16xi32>], vector<16xi32>,
        %parallel_loop3A_333 = vector.broadcast %scan3A_57 : i32 to vector<16xi32>
        %parallel_loop3A_334 = arith.andi %parallel_loop3A_332, %parallel_loop3A_333 : vector<16xi32>
        %parallel_loop3A_335 = arith.constant 16 : i32
        %parallel_loop3A_336 = vector.broadcast %parallel_loop3A_335 : i32 to vector<16xi32>
        %parallel_loop3A_337 = arith.shli %parallel_loop3A_332, %parallel_loop3A_336 : vector<16xi32>
        %parallel_loop3A_338 = arith.select %parallel_loop3A_328, %parallel_loop3A_334, %parallel_loop3A_337 : vector<16xi1>, vector<16xi32>
        %parallel_loop3A_339 = vector.bitcast %parallel_loop3A_338 : vector<16xi32> to vector<16xf32>
        %parallel_loop3A_340 = arith.constant 0 : i32
        %parallel_loop3A_341 = arith.constant 0 : i32
        %parallel_loop3A_342 = arith.index_cast %parallel_loop3A_340 : i32 to index
        %parallel_loop3A_343 = arith.index_cast %parallel_loop3A_276 : i32 to index
        %parallel_loop3A_344 = arith.index_cast %parallel_loop3A_341 : i32 to index
        %parallel_loop3A_345 = arith.constant 16 : index
        %parallel_loop3A_346 = tpu.vector_load %arg7[%parallel_loop3A_342, %parallel_loop3A_343, %parallel_loop3A_344, %parallel_loop3A_345] {strides = array<i32>} : memref<2x40x4x128xf32, #tpu.memory_space<vmem>>, vector<16xf32>,
        tpu.vector_store %arg7[%parallel_loop3A_342, %parallel_loop3A_343, %parallel_loop3A_344, %parallel_loop3A_345], %parallel_loop3A_339 {strides = array<i32>} : memref<2x40x4x128xf32, #tpu.memory_space<vmem>>, vector<16xf32>,
        %parallel_loop3A_347 = arith.constant 1.000000e+00 : f32
        %parallel_loop3A_348 = vector.broadcast %parallel_loop3A_347 : f32 to vector<16xf32>
        %parallel_loop3A_349 = arith.subf %parallel_loop3A_348, %parallel_loop3A_339 : vector<16xf32>
        %parallel_loop3A_350 = arith.constant 0 : i32
        %parallel_loop3A_351 = arith.constant 1 : i32
        %parallel_loop3A_352 = arith.index_cast %parallel_loop3A_350 : i32 to index
        %parallel_loop3A_353 = arith.index_cast %parallel_loop3A_276 : i32 to index
        %parallel_loop3A_354 = arith.index_cast %parallel_loop3A_351 : i32 to index
        %parallel_loop3A_355 = arith.constant 16 : index
        %parallel_loop3A_356 = tpu.vector_load %arg7[%parallel_loop3A_352, %parallel_loop3A_353, %parallel_loop3A_354, %parallel_loop3A_355] {strides = array<i32>} : memref<2x40x4x128xf32, #tpu.memory_space<vmem>>, vector<16xf32>,
        tpu.vector_store %arg7[%parallel_loop3A_352, %parallel_loop3A_353, %parallel_loop3A_354, %parallel_loop3A_355], %parallel_loop3A_349 {strides = array<i32>} : memref<2x40x4x128xf32, #tpu.memory_space<vmem>>, vector<16xf32>,
        %parallel_loop3A_357 = arith.constant 0 : i32
        %parallel_loop3A_358 = arith.constant 0 : i32
        %parallel_loop3A_359 = arith.index_cast %parallel_loop3A_357 : i32 to index
        %parallel_loop3A_360 = arith.index_cast %parallel_loop3A_278 : i32 to index
        %parallel_loop3A_361 = arith.index_cast %parallel_loop3A_358 : i32 to index
        %parallel_loop3A_362 = arith.index_cast %parallel_loop3A_280 : i32 to index
        %parallel_loop3A_363 = arith.constant 32 : index
        %parallel_loop3A_364 = tpu.vector_load %arg6[%parallel_loop3A_359, %parallel_loop3A_360, %parallel_loop3A_361, %parallel_loop3A_362, %parallel_loop3A_363] {strides = array<i32>} : memref<2x5x2x8x128xi32, #tpu.memory_space<vmem>>, vector<16xi32>,
        %parallel_loop3A_365 = vector.broadcast %scan3A_56 : i32 to vector<16xi32>
        %parallel_loop3A_366 = arith.cmpi sge, %parallel_loop3A_364, %parallel_loop3A_365 : vector<16xi32>
        %parallel_loop3A_367 = vector.broadcast %scan3A_56 : i32 to vector<16xi32>
        %parallel_loop3A_368 = arith.subi %parallel_loop3A_364, %parallel_loop3A_367 : vector<16xi32>
        %parallel_loop3A_369 = arith.select %parallel_loop3A_366, %parallel_loop3A_368, %parallel_loop3A_364 : vector<16xi1>, vector<16xi32>
        %parallel_loop3A_370 = tpu.vector_load_idx %arg5[%parallel_loop3A_369] : memref<50048xi32, #tpu.memory_space<vmem>>[vector<16xi32>], vector<16xi32>,
        %parallel_loop3A_371 = vector.broadcast %scan3A_57 : i32 to vector<16xi32>
        %parallel_loop3A_372 = arith.andi %parallel_loop3A_370, %parallel_loop3A_371 : vector<16xi32>
        %parallel_loop3A_373 = arith.constant 16 : i32
        %parallel_loop3A_374 = vector.broadcast %parallel_loop3A_373 : i32 to vector<16xi32>
        %parallel_loop3A_375 = arith.shli %parallel_loop3A_370, %parallel_loop3A_374 : vector<16xi32>
        %parallel_loop3A_376 = arith.select %parallel_loop3A_366, %parallel_loop3A_372, %parallel_loop3A_375 : vector<16xi1>, vector<16xi32>
        %parallel_loop3A_377 = vector.bitcast %parallel_loop3A_376 : vector<16xi32> to vector<16xf32>
        %parallel_loop3A_378 = arith.constant 0 : i32
        %parallel_loop3A_379 = arith.constant 0 : i32
        %parallel_loop3A_380 = arith.index_cast %parallel_loop3A_378 : i32 to index
        %parallel_loop3A_381 = arith.index_cast %parallel_loop3A_276 : i32 to index
        %parallel_loop3A_382 = arith.index_cast %parallel_loop3A_379 : i32 to index
        %parallel_loop3A_383 = arith.constant 32 : index
        %parallel_loop3A_384 = tpu.vector_load %arg7[%parallel_loop3A_380, %parallel_loop3A_381, %parallel_loop3A_382, %parallel_loop3A_383] {strides = array<i32>} : memref<2x40x4x128xf32, #tpu.memory_space<vmem>>, vector<16xf32>,
        tpu.vector_store %arg7[%parallel_loop3A_380, %parallel_loop3A_381, %parallel_loop3A_382, %parallel_loop3A_383], %parallel_loop3A_377 {strides = array<i32>} : memref<2x40x4x128xf32, #tpu.memory_space<vmem>>, vector<16xf32>,
        %parallel_loop3A_385 = arith.constant 1.000000e+00 : f32
        %parallel_loop3A_386 = vector.broadcast %parallel_loop3A_385 : f32 to vector<16xf32>
        %parallel_loop3A_387 = arith.subf %parallel_loop3A_386, %parallel_loop3A_377 : vector<16xf32>
        %parallel_loop3A_388 = arith.constant 0 : i32
        %parallel_loop3A_389 = arith.constant 1 : i32
        %parallel_loop3A_390 = arith.index_cast %parallel_loop3A_388 : i32 to index
        %parallel_loop3A_391 = arith.index_cast %parallel_loop3A_276 : i32 to index
        %parallel_loop3A_392 = arith.index_cast %parallel_loop3A_389 : i32 to index
        %parallel_loop3A_393 = arith.constant 32 : index
        %parallel_loop3A_394 = tpu.vector_load %arg7[%parallel_loop3A_390, %parallel_loop3A_391, %parallel_loop3A_392, %parallel_loop3A_393] {strides = array<i32>} : memref<2x40x4x128xf32, #tpu.memory_space<vmem>>, vector<16xf32>,
        tpu.vector_store %arg7[%parallel_loop3A_390, %parallel_loop3A_391, %parallel_loop3A_392, %parallel_loop3A_393], %parallel_loop3A_387 {strides = array<i32>} : memref<2x40x4x128xf32, #tpu.memory_space<vmem>>, vector<16xf32>,
        %parallel_loop3A_395 = arith.constant 0 : i32
        %parallel_loop3A_396 = arith.constant 0 : i32
        %parallel_loop3A_397 = arith.index_cast %parallel_loop3A_395 : i32 to index
        %parallel_loop3A_398 = arith.index_cast %parallel_loop3A_278 : i32 to index
        %parallel_loop3A_399 = arith.index_cast %parallel_loop3A_396 : i32 to index
        %parallel_loop3A_400 = arith.index_cast %parallel_loop3A_280 : i32 to index
        %parallel_loop3A_401 = arith.constant 48 : index
        %parallel_loop3A_402 = tpu.vector_load %arg6[%parallel_loop3A_397, %parallel_loop3A_398, %parallel_loop3A_399, %parallel_loop3A_400, %parallel_loop3A_401] {strides = array<i32>} : memref<2x5x2x8x128xi32, #tpu.memory_space<vmem>>, vector<16xi32>,
        %parallel_loop3A_403 = vector.broadcast %scan3A_56 : i32 to vector<16xi32>
        %parallel_loop3A_404 = arith.cmpi sge, %parallel_loop3A_402, %parallel_loop3A_403 : vector<16xi32>
        %parallel_loop3A_405 = vector.broadcast %scan3A_56 : i32 to vector<16xi32>
        %parallel_loop3A_406 = arith.subi %parallel_loop3A_402, %parallel_loop3A_405 : vector<16xi32>
        %parallel_loop3A_407 = arith.select %parallel_loop3A_404, %parallel_loop3A_406, %parallel_loop3A_402 : vector<16xi1>, vector<16xi32>
        %parallel_loop3A_408 = tpu.vector_load_idx %arg5[%parallel_loop3A_407] : memref<50048xi32, #tpu.memory_space<vmem>>[vector<16xi32>], vector<16xi32>,
        %parallel_loop3A_409 = vector.broadcast %scan3A_57 : i32 to vector<16xi32>
        %parallel_loop3A_410 = arith.andi %parallel_loop3A_408, %parallel_loop3A_409 : vector<16xi32>
        %parallel_loop3A_411 = arith.constant 16 : i32
        %parallel_loop3A_412 = vector.broadcast %parallel_loop3A_411 : i32 to vector<16xi32>
        %parallel_loop3A_413 = arith.shli %parallel_loop3A_408, %parallel_loop3A_412 : vector<16xi32>
        %parallel_loop3A_414 = arith.select %parallel_loop3A_404, %parallel_loop3A_410, %parallel_loop3A_413 : vector<16xi1>, vector<16xi32>
        %parallel_loop3A_415 = vector.bitcast %parallel_loop3A_414 : vector<16xi32> to vector<16xf32>
        %parallel_loop3A_416 = arith.constant 0 : i32
        %parallel_loop3A_417 = arith.constant 0 : i32
        %parallel_loop3A_418 = arith.index_cast %parallel_loop3A_416 : i32 to index
        %parallel_loop3A_419 = arith.index_cast %parallel_loop3A_276 : i32 to index
        %parallel_loop3A_420 = arith.index_cast %parallel_loop3A_417 : i32 to index
        %parallel_loop3A_421 = arith.constant 48 : index
        %parallel_loop3A_422 = tpu.vector_load %arg7[%parallel_loop3A_418, %parallel_loop3A_419, %parallel_loop3A_420, %parallel_loop3A_421] {strides = array<i32>} : memref<2x40x4x128xf32, #tpu.memory_space<vmem>>, vector<16xf32>,
        tpu.vector_store %arg7[%parallel_loop3A_418, %parallel_loop3A_419, %parallel_loop3A_420, %parallel_loop3A_421], %parallel_loop3A_415 {strides = array<i32>} : memref<2x40x4x128xf32, #tpu.memory_space<vmem>>, vector<16xf32>,
        %parallel_loop3A_423 = arith.constant 1.000000e+00 : f32
        %parallel_loop3A_424 = vector.broadcast %parallel_loop3A_423 : f32 to vector<16xf32>
        %parallel_loop3A_425 = arith.subf %parallel_loop3A_424, %parallel_loop3A_415 : vector<16xf32>
        %parallel_loop3A_426 = arith.constant 0 : i32
        %parallel_loop3A_427 = arith.constant 1 : i32
        %parallel_loop3A_428 = arith.index_cast %parallel_loop3A_426 : i32 to index
        %parallel_loop3A_429 = arith.index_cast %parallel_loop3A_276 : i32 to index
        %parallel_loop3A_430 = arith.index_cast %parallel_loop3A_427 : i32 to index
        %parallel_loop3A_431 = arith.constant 48 : index
        %parallel_loop3A_432 = tpu.vector_load %arg7[%parallel_loop3A_428, %parallel_loop3A_429, %parallel_loop3A_430, %parallel_loop3A_431] {strides = array<i32>} : memref<2x40x4x128xf32, #tpu.memory_space<vmem>>, vector<16xf32>,
        tpu.vector_store %arg7[%parallel_loop3A_428, %parallel_loop3A_429, %parallel_loop3A_430, %parallel_loop3A_431], %parallel_loop3A_425 {strides = array<i32>} : memref<2x40x4x128xf32, #tpu.memory_space<vmem>>, vector<16xf32>,
        %parallel_loop3A_433 = arith.constant 0 : i32
        %parallel_loop3A_434 = arith.constant 0 : i32
        %parallel_loop3A_435 = arith.index_cast %parallel_loop3A_433 : i32 to index
        %parallel_loop3A_436 = arith.index_cast %parallel_loop3A_278 : i32 to index
        %parallel_loop3A_437 = arith.index_cast %parallel_loop3A_434 : i32 to index
        %parallel_loop3A_438 = arith.index_cast %parallel_loop3A_280 : i32 to index
        %parallel_loop3A_439 = arith.constant 64 : index
        %parallel_loop3A_440 = tpu.vector_load %arg6[%parallel_loop3A_435, %parallel_loop3A_436, %parallel_loop3A_437, %parallel_loop3A_438, %parallel_loop3A_439] {strides = array<i32>} : memref<2x5x2x8x128xi32, #tpu.memory_space<vmem>>, vector<16xi32>,
        %parallel_loop3A_441 = vector.broadcast %scan3A_56 : i32 to vector<16xi32>
        %parallel_loop3A_442 = arith.cmpi sge, %parallel_loop3A_440, %parallel_loop3A_441 : vector<16xi32>
        %parallel_loop3A_443 = vector.broadcast %scan3A_56 : i32 to vector<16xi32>
        %parallel_loop3A_444 = arith.subi %parallel_loop3A_440, %parallel_loop3A_443 : vector<16xi32>
        %parallel_loop3A_445 = arith.select %parallel_loop3A_442, %parallel_loop3A_444, %parallel_loop3A_440 : vector<16xi1>, vector<16xi32>
        %parallel_loop3A_446 = tpu.vector_load_idx %arg5[%parallel_loop3A_445] : memref<50048xi32, #tpu.memory_space<vmem>>[vector<16xi32>], vector<16xi32>,
        %parallel_loop3A_447 = vector.broadcast %scan3A_57 : i32 to vector<16xi32>
        %parallel_loop3A_448 = arith.andi %parallel_loop3A_446, %parallel_loop3A_447 : vector<16xi32>
        %parallel_loop3A_449 = arith.constant 16 : i32
        %parallel_loop3A_450 = vector.broadcast %parallel_loop3A_449 : i32 to vector<16xi32>
        %parallel_loop3A_451 = arith.shli %parallel_loop3A_446, %parallel_loop3A_450 : vector<16xi32>
        %parallel_loop3A_452 = arith.select %parallel_loop3A_442, %parallel_loop3A_448, %parallel_loop3A_451 : vector<16xi1>, vector<16xi32>
        %parallel_loop3A_453 = vector.bitcast %parallel_loop3A_452 : vector<16xi32> to vector<16xf32>
        %parallel_loop3A_454 = arith.constant 0 : i32
        %parallel_loop3A_455 = arith.constant 0 : i32
        %parallel_loop3A_456 = arith.index_cast %parallel_loop3A_454 : i32 to index
        %parallel_loop3A_457 = arith.index_cast %parallel_loop3A_276 : i32 to index
        %parallel_loop3A_458 = arith.index_cast %parallel_loop3A_455 : i32 to index
        %parallel_loop3A_459 = arith.constant 64 : index
        %parallel_loop3A_460 = tpu.vector_load %arg7[%parallel_loop3A_456, %parallel_loop3A_457, %parallel_loop3A_458, %parallel_loop3A_459] {strides = array<i32>} : memref<2x40x4x128xf32, #tpu.memory_space<vmem>>, vector<16xf32>,
        tpu.vector_store %arg7[%parallel_loop3A_456, %parallel_loop3A_457, %parallel_loop3A_458, %parallel_loop3A_459], %parallel_loop3A_453 {strides = array<i32>} : memref<2x40x4x128xf32, #tpu.memory_space<vmem>>, vector<16xf32>,
        %parallel_loop3A_461 = arith.constant 1.000000e+00 : f32
        %parallel_loop3A_462 = vector.broadcast %parallel_loop3A_461 : f32 to vector<16xf32>
        %parallel_loop3A_463 = arith.subf %parallel_loop3A_462, %parallel_loop3A_453 : vector<16xf32>
        %parallel_loop3A_464 = arith.constant 0 : i32
        %parallel_loop3A_465 = arith.constant 1 : i32
        %parallel_loop3A_466 = arith.index_cast %parallel_loop3A_464 : i32 to index
        %parallel_loop3A_467 = arith.index_cast %parallel_loop3A_276 : i32 to index
        %parallel_loop3A_468 = arith.index_cast %parallel_loop3A_465 : i32 to index
        %parallel_loop3A_469 = arith.constant 64 : index
        %parallel_loop3A_470 = tpu.vector_load %arg7[%parallel_loop3A_466, %parallel_loop3A_467, %parallel_loop3A_468, %parallel_loop3A_469] {strides = array<i32>} : memref<2x40x4x128xf32, #tpu.memory_space<vmem>>, vector<16xf32>,
        tpu.vector_store %arg7[%parallel_loop3A_466, %parallel_loop3A_467, %parallel_loop3A_468, %parallel_loop3A_469], %parallel_loop3A_463 {strides = array<i32>} : memref<2x40x4x128xf32, #tpu.memory_space<vmem>>, vector<16xf32>,
        %parallel_loop3A_471 = arith.constant 0 : i32
        %parallel_loop3A_472 = arith.constant 0 : i32
        %parallel_loop3A_473 = arith.index_cast %parallel_loop3A_471 : i32 to index
        %parallel_loop3A_474 = arith.index_cast %parallel_loop3A_278 : i32 to index
        %parallel_loop3A_475 = arith.index_cast %parallel_loop3A_472 : i32 to index
        %parallel_loop3A_476 = arith.index_cast %parallel_loop3A_280 : i32 to index
        %parallel_loop3A_477 = arith.constant 80 : index
        %parallel_loop3A_478 = tpu.vector_load %arg6[%parallel_loop3A_473, %parallel_loop3A_474, %parallel_loop3A_475, %parallel_loop3A_476, %parallel_loop3A_477] {strides = array<i32>} : memref<2x5x2x8x128xi32, #tpu.memory_space<vmem>>, vector<16xi32>,
        %parallel_loop3A_479 = vector.broadcast %scan3A_56 : i32 to vector<16xi32>
        %parallel_loop3A_480 = arith.cmpi sge, %parallel_loop3A_478, %parallel_loop3A_479 : vector<16xi32>
        %parallel_loop3A_481 = vector.broadcast %scan3A_56 : i32 to vector<16xi32>
        %parallel_loop3A_482 = arith.subi %parallel_loop3A_478, %parallel_loop3A_481 : vector<16xi32>
        %parallel_loop3A_483 = arith.select %parallel_loop3A_480, %parallel_loop3A_482, %parallel_loop3A_478 : vector<16xi1>, vector<16xi32>
        %parallel_loop3A_484 = tpu.vector_load_idx %arg5[%parallel_loop3A_483] : memref<50048xi32, #tpu.memory_space<vmem>>[vector<16xi32>], vector<16xi32>,
        %parallel_loop3A_485 = vector.broadcast %scan3A_57 : i32 to vector<16xi32>
        %parallel_loop3A_486 = arith.andi %parallel_loop3A_484, %parallel_loop3A_485 : vector<16xi32>
        %parallel_loop3A_487 = arith.constant 16 : i32
        %parallel_loop3A_488 = vector.broadcast %parallel_loop3A_487 : i32 to vector<16xi32>
        %parallel_loop3A_489 = arith.shli %parallel_loop3A_484, %parallel_loop3A_488 : vector<16xi32>
        %parallel_loop3A_490 = arith.select %parallel_loop3A_480, %parallel_loop3A_486, %parallel_loop3A_489 : vector<16xi1>, vector<16xi32>
        %parallel_loop3A_491 = vector.bitcast %parallel_loop3A_490 : vector<16xi32> to vector<16xf32>
        %parallel_loop3A_492 = arith.constant 0 : i32
        %parallel_loop3A_493 = arith.constant 0 : i32
        %parallel_loop3A_494 = arith.index_cast %parallel_loop3A_492 : i32 to index
        %parallel_loop3A_495 = arith.index_cast %parallel_loop3A_276 : i32 to index
        %parallel_loop3A_496 = arith.index_cast %parallel_loop3A_493 : i32 to index
        %parallel_loop3A_497 = arith.constant 80 : index
        %parallel_loop3A_498 = tpu.vector_load %arg7[%parallel_loop3A_494, %parallel_loop3A_495, %parallel_loop3A_496, %parallel_loop3A_497] {strides = array<i32>} : memref<2x40x4x128xf32, #tpu.memory_space<vmem>>, vector<16xf32>,
        tpu.vector_store %arg7[%parallel_loop3A_494, %parallel_loop3A_495, %parallel_loop3A_496, %parallel_loop3A_497], %parallel_loop3A_491 {strides = array<i32>} : memref<2x40x4x128xf32, #tpu.memory_space<vmem>>, vector<16xf32>,
        %parallel_loop3A_499 = arith.constant 1.000000e+00 : f32
        %parallel_loop3A_500 = vector.broadcast %parallel_loop3A_499 : f32 to vector<16xf32>
        %parallel_loop3A_501 = arith.subf %parallel_loop3A_500, %parallel_loop3A_491 : vector<16xf32>
        %parallel_loop3A_502 = arith.constant 0 : i32
        %parallel_loop3A_503 = arith.constant 1 : i32
        %parallel_loop3A_504 = arith.index_cast %parallel_loop3A_502 : i32 to index
        %parallel_loop3A_505 = arith.index_cast %parallel_loop3A_276 : i32 to index
        %parallel_loop3A_506 = arith.index_cast %parallel_loop3A_503 : i32 to index
        %parallel_loop3A_507 = arith.constant 80 : index
        %parallel_loop3A_508 = tpu.vector_load %arg7[%parallel_loop3A_504, %parallel_loop3A_505, %parallel_loop3A_506, %parallel_loop3A_507] {strides = array<i32>} : memref<2x40x4x128xf32, #tpu.memory_space<vmem>>, vector<16xf32>,
        tpu.vector_store %arg7[%parallel_loop3A_504, %parallel_loop3A_505, %parallel_loop3A_506, %parallel_loop3A_507], %parallel_loop3A_501 {strides = array<i32>} : memref<2x40x4x128xf32, #tpu.memory_space<vmem>>, vector<16xf32>,
        %parallel_loop3A_509 = arith.constant 0 : i32
        %parallel_loop3A_510 = arith.constant 0 : i32
        %parallel_loop3A_511 = arith.index_cast %parallel_loop3A_509 : i32 to index
        %parallel_loop3A_512 = arith.index_cast %parallel_loop3A_278 : i32 to index
        %parallel_loop3A_513 = arith.index_cast %parallel_loop3A_510 : i32 to index
        %parallel_loop3A_514 = arith.index_cast %parallel_loop3A_280 : i32 to index
        %parallel_loop3A_515 = arith.constant 96 : index
        %parallel_loop3A_516 = tpu.vector_load %arg6[%parallel_loop3A_511, %parallel_loop3A_512, %parallel_loop3A_513, %parallel_loop3A_514, %parallel_loop3A_515] {strides = array<i32>} : memref<2x5x2x8x128xi32, #tpu.memory_space<vmem>>, vector<16xi32>,
        %parallel_loop3A_517 = vector.broadcast %scan3A_56 : i32 to vector<16xi32>
        %parallel_loop3A_518 = arith.cmpi sge, %parallel_loop3A_516, %parallel_loop3A_517 : vector<16xi32>
        %parallel_loop3A_519 = vector.broadcast %scan3A_56 : i32 to vector<16xi32>
        %parallel_loop3A_520 = arith.subi %parallel_loop3A_516, %parallel_loop3A_519 : vector<16xi32>
        %parallel_loop3A_521 = arith.select %parallel_loop3A_518, %parallel_loop3A_520, %parallel_loop3A_516 : vector<16xi1>, vector<16xi32>
        %parallel_loop3A_522 = tpu.vector_load_idx %arg5[%parallel_loop3A_521] : memref<50048xi32, #tpu.memory_space<vmem>>[vector<16xi32>], vector<16xi32>,
        %parallel_loop3A_523 = vector.broadcast %scan3A_57 : i32 to vector<16xi32>
        %parallel_loop3A_524 = arith.andi %parallel_loop3A_522, %parallel_loop3A_523 : vector<16xi32>
        %parallel_loop3A_525 = arith.constant 16 : i32
        %parallel_loop3A_526 = vector.broadcast %parallel_loop3A_525 : i32 to vector<16xi32>
        %parallel_loop3A_527 = arith.shli %parallel_loop3A_522, %parallel_loop3A_526 : vector<16xi32>
        %parallel_loop3A_528 = arith.select %parallel_loop3A_518, %parallel_loop3A_524, %parallel_loop3A_527 : vector<16xi1>, vector<16xi32>
        %parallel_loop3A_529 = vector.bitcast %parallel_loop3A_528 : vector<16xi32> to vector<16xf32>
        %parallel_loop3A_530 = arith.constant 0 : i32
        %parallel_loop3A_531 = arith.constant 0 : i32
        %parallel_loop3A_532 = arith.index_cast %parallel_loop3A_530 : i32 to index
        %parallel_loop3A_533 = arith.index_cast %parallel_loop3A_276 : i32 to index
        %parallel_loop3A_534 = arith.index_cast %parallel_loop3A_531 : i32 to index
        %parallel_loop3A_535 = arith.constant 96 : index
        %parallel_loop3A_536 = tpu.vector_load %arg7[%parallel_loop3A_532, %parallel_loop3A_533, %parallel_loop3A_534, %parallel_loop3A_535] {strides = array<i32>} : memref<2x40x4x128xf32, #tpu.memory_space<vmem>>, vector<16xf32>,
        tpu.vector_store %arg7[%parallel_loop3A_532, %parallel_loop3A_533, %parallel_loop3A_534, %parallel_loop3A_535], %parallel_loop3A_529 {strides = array<i32>} : memref<2x40x4x128xf32, #tpu.memory_space<vmem>>, vector<16xf32>,
        %parallel_loop3A_537 = arith.constant 1.000000e+00 : f32
        %parallel_loop3A_538 = vector.broadcast %parallel_loop3A_537 : f32 to vector<16xf32>
        %parallel_loop3A_539 = arith.subf %parallel_loop3A_538, %parallel_loop3A_529 : vector<16xf32>
        %parallel_loop3A_540 = arith.constant 0 : i32
        %parallel_loop3A_541 = arith.constant 1 : i32
        %parallel_loop3A_542 = arith.index_cast %parallel_loop3A_540 : i32 to index
        %parallel_loop3A_543 = arith.index_cast %parallel_loop3A_276 : i32 to index
        %parallel_loop3A_544 = arith.index_cast %parallel_loop3A_541 : i32 to index
        %parallel_loop3A_545 = arith.constant 96 : index
        %parallel_loop3A_546 = tpu.vector_load %arg7[%parallel_loop3A_542, %parallel_loop3A_543, %parallel_loop3A_544, %parallel_loop3A_545] {strides = array<i32>} : memref<2x40x4x128xf32, #tpu.memory_space<vmem>>, vector<16xf32>,
        tpu.vector_store %arg7[%parallel_loop3A_542, %parallel_loop3A_543, %parallel_loop3A_544, %parallel_loop3A_545], %parallel_loop3A_539 {strides = array<i32>} : memref<2x40x4x128xf32, #tpu.memory_space<vmem>>, vector<16xf32>,
        %parallel_loop3A_547 = arith.constant 0 : i32
        %parallel_loop3A_548 = arith.constant 0 : i32
        %parallel_loop3A_549 = arith.index_cast %parallel_loop3A_547 : i32 to index
        %parallel_loop3A_550 = arith.index_cast %parallel_loop3A_278 : i32 to index
        %parallel_loop3A_551 = arith.index_cast %parallel_loop3A_548 : i32 to index
        %parallel_loop3A_552 = arith.index_cast %parallel_loop3A_280 : i32 to index
        %parallel_loop3A_553 = arith.constant 112 : index
        %parallel_loop3A_554 = tpu.vector_load %arg6[%parallel_loop3A_549, %parallel_loop3A_550, %parallel_loop3A_551, %parallel_loop3A_552, %parallel_loop3A_553] {strides = array<i32>} : memref<2x5x2x8x128xi32, #tpu.memory_space<vmem>>, vector<16xi32>,
        %parallel_loop3A_555 = vector.broadcast %scan3A_56 : i32 to vector<16xi32>
        %parallel_loop3A_556 = arith.cmpi sge, %parallel_loop3A_554, %parallel_loop3A_555 : vector<16xi32>
        %parallel_loop3A_557 = vector.broadcast %scan3A_56 : i32 to vector<16xi32>
        %parallel_loop3A_558 = arith.subi %parallel_loop3A_554, %parallel_loop3A_557 : vector<16xi32>
        %parallel_loop3A_559 = arith.select %parallel_loop3A_556, %parallel_loop3A_558, %parallel_loop3A_554 : vector<16xi1>, vector<16xi32>
        %parallel_loop3A_560 = tpu.vector_load_idx %arg5[%parallel_loop3A_559] : memref<50048xi32, #tpu.memory_space<vmem>>[vector<16xi32>], vector<16xi32>,
        %parallel_loop3A_561 = vector.broadcast %scan3A_57 : i32 to vector<16xi32>
        %parallel_loop3A_562 = arith.andi %parallel_loop3A_560, %parallel_loop3A_561 : vector<16xi32>
        %parallel_loop3A_563 = arith.constant 16 : i32
        %parallel_loop3A_564 = vector.broadcast %parallel_loop3A_563 : i32 to vector<16xi32>
        %parallel_loop3A_565 = arith.shli %parallel_loop3A_560, %parallel_loop3A_564 : vector<16xi32>
        %parallel_loop3A_566 = arith.select %parallel_loop3A_556, %parallel_loop3A_562, %parallel_loop3A_565 : vector<16xi1>, vector<16xi32>
        %parallel_loop3A_567 = vector.bitcast %parallel_loop3A_566 : vector<16xi32> to vector<16xf32>
        %parallel_loop3A_568 = arith.constant 0 : i32
        %parallel_loop3A_569 = arith.constant 0 : i32
        %parallel_loop3A_570 = arith.index_cast %parallel_loop3A_568 : i32 to index
        %parallel_loop3A_571 = arith.index_cast %parallel_loop3A_276 : i32 to index
        %parallel_loop3A_572 = arith.index_cast %parallel_loop3A_569 : i32 to index
        %parallel_loop3A_573 = arith.constant 112 : index
        %parallel_loop3A_574 = tpu.vector_load %arg7[%parallel_loop3A_570, %parallel_loop3A_571, %parallel_loop3A_572, %parallel_loop3A_573] {strides = array<i32>} : memref<2x40x4x128xf32, #tpu.memory_space<vmem>>, vector<16xf32>,
        tpu.vector_store %arg7[%parallel_loop3A_570, %parallel_loop3A_571, %parallel_loop3A_572, %parallel_loop3A_573], %parallel_loop3A_567 {strides = array<i32>} : memref<2x40x4x128xf32, #tpu.memory_space<vmem>>, vector<16xf32>,
        %parallel_loop3A_575 = arith.constant 1.000000e+00 : f32
        %parallel_loop3A_576 = vector.broadcast %parallel_loop3A_575 : f32 to vector<16xf32>
        %parallel_loop3A_577 = arith.subf %parallel_loop3A_576, %parallel_loop3A_567 : vector<16xf32>
        %parallel_loop3A_578 = arith.constant 0 : i32
        %parallel_loop3A_579 = arith.constant 1 : i32
        %parallel_loop3A_580 = arith.index_cast %parallel_loop3A_578 : i32 to index
        %parallel_loop3A_581 = arith.index_cast %parallel_loop3A_276 : i32 to index
        %parallel_loop3A_582 = arith.index_cast %parallel_loop3A_579 : i32 to index
        %parallel_loop3A_583 = arith.constant 112 : index
        %parallel_loop3A_584 = tpu.vector_load %arg7[%parallel_loop3A_580, %parallel_loop3A_581, %parallel_loop3A_582, %parallel_loop3A_583] {strides = array<i32>} : memref<2x40x4x128xf32, #tpu.memory_space<vmem>>, vector<16xf32>,
        tpu.vector_store %arg7[%parallel_loop3A_580, %parallel_loop3A_581, %parallel_loop3A_582, %parallel_loop3A_583], %parallel_loop3A_577 {strides = array<i32>} : memref<2x40x4x128xf32, #tpu.memory_space<vmem>>, vector<16xf32>,
        %parallel_loop3A_585 = arith.constant 0 : i32
        %parallel_loop3A_586 = arith.constant 1 : i32
        %parallel_loop3A_587 = arith.index_cast %parallel_loop3A_585 : i32 to index
        %parallel_loop3A_588 = arith.index_cast %parallel_loop3A_278 : i32 to index
        %parallel_loop3A_589 = arith.index_cast %parallel_loop3A_586 : i32 to index
        %parallel_loop3A_590 = arith.index_cast %parallel_loop3A_280 : i32 to index
        %parallel_loop3A_591 = arith.constant 0 : index
        %parallel_loop3A_592 = tpu.vector_load %arg6[%parallel_loop3A_587, %parallel_loop3A_588, %parallel_loop3A_589, %parallel_loop3A_590, %parallel_loop3A_591] {strides = array<i32>} : memref<2x5x2x8x128xi32, #tpu.memory_space<vmem>>, vector<16xi32>,
        %parallel_loop3A_593 = vector.broadcast %scan3A_56 : i32 to vector<16xi32>
        %parallel_loop3A_594 = arith.cmpi sge, %parallel_loop3A_592, %parallel_loop3A_593 : vector<16xi32>
        %parallel_loop3A_595 = vector.broadcast %scan3A_56 : i32 to vector<16xi32>
        %parallel_loop3A_596 = arith.subi %parallel_loop3A_592, %parallel_loop3A_595 : vector<16xi32>
        %parallel_loop3A_597 = arith.select %parallel_loop3A_594, %parallel_loop3A_596, %parallel_loop3A_592 : vector<16xi1>, vector<16xi32>
        %parallel_loop3A_598 = tpu.vector_load_idx %arg5[%parallel_loop3A_597] : memref<50048xi32, #tpu.memory_space<vmem>>[vector<16xi32>], vector<16xi32>,
        %parallel_loop3A_599 = vector.broadcast %scan3A_57 : i32 to vector<16xi32>
        %parallel_loop3A_600 = arith.andi %parallel_loop3A_598, %parallel_loop3A_599 : vector<16xi32>
        %parallel_loop3A_601 = arith.constant 16 : i32
        %parallel_loop3A_602 = vector.broadcast %parallel_loop3A_601 : i32 to vector<16xi32>
        %parallel_loop3A_603 = arith.shli %parallel_loop3A_598, %parallel_loop3A_602 : vector<16xi32>
        %parallel_loop3A_604 = arith.select %parallel_loop3A_594, %parallel_loop3A_600, %parallel_loop3A_603 : vector<16xi1>, vector<16xi32>
        %parallel_loop3A_605 = vector.bitcast %parallel_loop3A_604 : vector<16xi32> to vector<16xf32>
        %parallel_loop3A_606 = arith.constant 0 : i32
        %parallel_loop3A_607 = arith.constant 2 : i32
        %parallel_loop3A_608 = arith.index_cast %parallel_loop3A_606 : i32 to index
        %parallel_loop3A_609 = arith.index_cast %parallel_loop3A_276 : i32 to index
        %parallel_loop3A_610 = arith.index_cast %parallel_loop3A_607 : i32 to index
        %parallel_loop3A_611 = arith.constant 0 : index
        %parallel_loop3A_612 = tpu.vector_load %arg7[%parallel_loop3A_608, %parallel_loop3A_609, %parallel_loop3A_610, %parallel_loop3A_611] {strides = array<i32>} : memref<2x40x4x128xf32, #tpu.memory_space<vmem>>, vector<16xf32>,
        tpu.vector_store %arg7[%parallel_loop3A_608, %parallel_loop3A_609, %parallel_loop3A_610, %parallel_loop3A_611], %parallel_loop3A_605 {strides = array<i32>} : memref<2x40x4x128xf32, #tpu.memory_space<vmem>>, vector<16xf32>,
        %parallel_loop3A_613 = arith.constant 1.000000e+00 : f32
        %parallel_loop3A_614 = vector.broadcast %parallel_loop3A_613 : f32 to vector<16xf32>
        %parallel_loop3A_615 = arith.subf %parallel_loop3A_614, %parallel_loop3A_605 : vector<16xf32>
        %parallel_loop3A_616 = arith.constant 0 : i32
        %parallel_loop3A_617 = arith.constant 3 : i32
        %parallel_loop3A_618 = arith.index_cast %parallel_loop3A_616 : i32 to index
        %parallel_loop3A_619 = arith.index_cast %parallel_loop3A_276 : i32 to index
        %parallel_loop3A_620 = arith.index_cast %parallel_loop3A_617 : i32 to index
        %parallel_loop3A_621 = arith.constant 0 : index
        %parallel_loop3A_622 = tpu.vector_load %arg7[%parallel_loop3A_618, %parallel_loop3A_619, %parallel_loop3A_620, %parallel_loop3A_621] {strides = array<i32>} : memref<2x40x4x128xf32, #tpu.memory_space<vmem>>, vector<16xf32>,
        tpu.vector_store %arg7[%parallel_loop3A_618, %parallel_loop3A_619, %parallel_loop3A_620, %parallel_loop3A_621], %parallel_loop3A_615 {strides = array<i32>} : memref<2x40x4x128xf32, #tpu.memory_space<vmem>>, vector<16xf32>,
        %parallel_loop3A_623 = arith.constant 0 : i32
        %parallel_loop3A_624 = arith.constant 1 : i32
        %parallel_loop3A_625 = arith.index_cast %parallel_loop3A_623 : i32 to index
        %parallel_loop3A_626 = arith.index_cast %parallel_loop3A_278 : i32 to index
        %parallel_loop3A_627 = arith.index_cast %parallel_loop3A_624 : i32 to index
        %parallel_loop3A_628 = arith.index_cast %parallel_loop3A_280 : i32 to index
        %parallel_loop3A_629 = arith.constant 16 : index
        %parallel_loop3A_630 = tpu.vector_load %arg6[%parallel_loop3A_625, %parallel_loop3A_626, %parallel_loop3A_627, %parallel_loop3A_628, %parallel_loop3A_629] {strides = array<i32>} : memref<2x5x2x8x128xi32, #tpu.memory_space<vmem>>, vector<16xi32>,
        %parallel_loop3A_631 = vector.broadcast %scan3A_56 : i32 to vector<16xi32>
        %parallel_loop3A_632 = arith.cmpi sge, %parallel_loop3A_630, %parallel_loop3A_631 : vector<16xi32>
        %parallel_loop3A_633 = vector.broadcast %scan3A_56 : i32 to vector<16xi32>
        %parallel_loop3A_634 = arith.subi %parallel_loop3A_630, %parallel_loop3A_633 : vector<16xi32>
        %parallel_loop3A_635 = arith.select %parallel_loop3A_632, %parallel_loop3A_634, %parallel_loop3A_630 : vector<16xi1>, vector<16xi32>
        %parallel_loop3A_636 = tpu.vector_load_idx %arg5[%parallel_loop3A_635] : memref<50048xi32, #tpu.memory_space<vmem>>[vector<16xi32>], vector<16xi32>,
        %parallel_loop3A_637 = vector.broadcast %scan3A_57 : i32 to vector<16xi32>
        %parallel_loop3A_638 = arith.andi %parallel_loop3A_636, %parallel_loop3A_637 : vector<16xi32>
        %parallel_loop3A_639 = arith.constant 16 : i32
        %parallel_loop3A_640 = vector.broadcast %parallel_loop3A_639 : i32 to vector<16xi32>
        %parallel_loop3A_641 = arith.shli %parallel_loop3A_636, %parallel_loop3A_640 : vector<16xi32>
        %parallel_loop3A_642 = arith.select %parallel_loop3A_632, %parallel_loop3A_638, %parallel_loop3A_641 : vector<16xi1>, vector<16xi32>
        %parallel_loop3A_643 = vector.bitcast %parallel_loop3A_642 : vector<16xi32> to vector<16xf32>
        %parallel_loop3A_644 = arith.constant 0 : i32
        %parallel_loop3A_645 = arith.constant 2 : i32
        %parallel_loop3A_646 = arith.index_cast %parallel_loop3A_644 : i32 to index
        %parallel_loop3A_647 = arith.index_cast %parallel_loop3A_276 : i32 to index
        %parallel_loop3A_648 = arith.index_cast %parallel_loop3A_645 : i32 to index
        %parallel_loop3A_649 = arith.constant 16 : index
        %parallel_loop3A_650 = tpu.vector_load %arg7[%parallel_loop3A_646, %parallel_loop3A_647, %parallel_loop3A_648, %parallel_loop3A_649] {strides = array<i32>} : memref<2x40x4x128xf32, #tpu.memory_space<vmem>>, vector<16xf32>,
        tpu.vector_store %arg7[%parallel_loop3A_646, %parallel_loop3A_647, %parallel_loop3A_648, %parallel_loop3A_649], %parallel_loop3A_643 {strides = array<i32>} : memref<2x40x4x128xf32, #tpu.memory_space<vmem>>, vector<16xf32>,
        %parallel_loop3A_651 = arith.constant 1.000000e+00 : f32
        %parallel_loop3A_652 = vector.broadcast %parallel_loop3A_651 : f32 to vector<16xf32>
        %parallel_loop3A_653 = arith.subf %parallel_loop3A_652, %parallel_loop3A_643 : vector<16xf32>
        %parallel_loop3A_654 = arith.constant 0 : i32
        %parallel_loop3A_655 = arith.constant 3 : i32
        %parallel_loop3A_656 = arith.index_cast %parallel_loop3A_654 : i32 to index
        %parallel_loop3A_657 = arith.index_cast %parallel_loop3A_276 : i32 to index
        %parallel_loop3A_658 = arith.index_cast %parallel_loop3A_655 : i32 to index
        %parallel_loop3A_659 = arith.constant 16 : index
        %parallel_loop3A_660 = tpu.vector_load %arg7[%parallel_loop3A_656, %parallel_loop3A_657, %parallel_loop3A_658, %parallel_loop3A_659] {strides = array<i32>} : memref<2x40x4x128xf32, #tpu.memory_space<vmem>>, vector<16xf32>,
        tpu.vector_store %arg7[%parallel_loop3A_656, %parallel_loop3A_657, %parallel_loop3A_658, %parallel_loop3A_659], %parallel_loop3A_653 {strides = array<i32>} : memref<2x40x4x128xf32, #tpu.memory_space<vmem>>, vector<16xf32>,
        %parallel_loop3A_661 = arith.constant 0 : i32
        %parallel_loop3A_662 = arith.constant 1 : i32
        %parallel_loop3A_663 = arith.index_cast %parallel_loop3A_661 : i32 to index
        %parallel_loop3A_664 = arith.index_cast %parallel_loop3A_278 : i32 to index
        %parallel_loop3A_665 = arith.index_cast %parallel_loop3A_662 : i32 to index
        %parallel_loop3A_666 = arith.index_cast %parallel_loop3A_280 : i32 to index
        %parallel_loop3A_667 = arith.constant 32 : index
        %parallel_loop3A_668 = tpu.vector_load %arg6[%parallel_loop3A_663, %parallel_loop3A_664, %parallel_loop3A_665, %parallel_loop3A_666, %parallel_loop3A_667] {strides = array<i32>} : memref<2x5x2x8x128xi32, #tpu.memory_space<vmem>>, vector<16xi32>,
        %parallel_loop3A_669 = vector.broadcast %scan3A_56 : i32 to vector<16xi32>
        %parallel_loop3A_670 = arith.cmpi sge, %parallel_loop3A_668, %parallel_loop3A_669 : vector<16xi32>
        %parallel_loop3A_671 = vector.broadcast %scan3A_56 : i32 to vector<16xi32>
        %parallel_loop3A_672 = arith.subi %parallel_loop3A_668, %parallel_loop3A_671 : vector<16xi32>
        %parallel_loop3A_673 = arith.select %parallel_loop3A_670, %parallel_loop3A_672, %parallel_loop3A_668 : vector<16xi1>, vector<16xi32>
        %parallel_loop3A_674 = tpu.vector_load_idx %arg5[%parallel_loop3A_673] : memref<50048xi32, #tpu.memory_space<vmem>>[vector<16xi32>], vector<16xi32>,
        %parallel_loop3A_675 = vector.broadcast %scan3A_57 : i32 to vector<16xi32>
        %parallel_loop3A_676 = arith.andi %parallel_loop3A_674, %parallel_loop3A_675 : vector<16xi32>
        %parallel_loop3A_677 = arith.constant 16 : i32
        %parallel_loop3A_678 = vector.broadcast %parallel_loop3A_677 : i32 to vector<16xi32>
        %parallel_loop3A_679 = arith.shli %parallel_loop3A_674, %parallel_loop3A_678 : vector<16xi32>
        %parallel_loop3A_680 = arith.select %parallel_loop3A_670, %parallel_loop3A_676, %parallel_loop3A_679 : vector<16xi1>, vector<16xi32>
        %parallel_loop3A_681 = vector.bitcast %parallel_loop3A_680 : vector<16xi32> to vector<16xf32>
        %parallel_loop3A_682 = arith.constant 0 : i32
        %parallel_loop3A_683 = arith.constant 2 : i32
        %parallel_loop3A_684 = arith.index_cast %parallel_loop3A_682 : i32 to index
        %parallel_loop3A_685 = arith.index_cast %parallel_loop3A_276 : i32 to index
        %parallel_loop3A_686 = arith.index_cast %parallel_loop3A_683 : i32 to index
        %parallel_loop3A_687 = arith.constant 32 : index
        %parallel_loop3A_688 = tpu.vector_load %arg7[%parallel_loop3A_684, %parallel_loop3A_685, %parallel_loop3A_686, %parallel_loop3A_687] {strides = array<i32>} : memref<2x40x4x128xf32, #tpu.memory_space<vmem>>, vector<16xf32>,
        tpu.vector_store %arg7[%parallel_loop3A_684, %parallel_loop3A_685, %parallel_loop3A_686, %parallel_loop3A_687], %parallel_loop3A_681 {strides = array<i32>} : memref<2x40x4x128xf32, #tpu.memory_space<vmem>>, vector<16xf32>,
        %parallel_loop3A_689 = arith.constant 1.000000e+00 : f32
        %parallel_loop3A_690 = vector.broadcast %parallel_loop3A_689 : f32 to vector<16xf32>
        %parallel_loop3A_691 = arith.subf %parallel_loop3A_690, %parallel_loop3A_681 : vector<16xf32>
        %parallel_loop3A_692 = arith.constant 0 : i32
        %parallel_loop3A_693 = arith.constant 3 : i32
        %parallel_loop3A_694 = arith.index_cast %parallel_loop3A_692 : i32 to index
        %parallel_loop3A_695 = arith.index_cast %parallel_loop3A_276 : i32 to index
        %parallel_loop3A_696 = arith.index_cast %parallel_loop3A_693 : i32 to index
        %parallel_loop3A_697 = arith.constant 32 : index
        %parallel_loop3A_698 = tpu.vector_load %arg7[%parallel_loop3A_694, %parallel_loop3A_695, %parallel_loop3A_696, %parallel_loop3A_697] {strides = array<i32>} : memref<2x40x4x128xf32, #tpu.memory_space<vmem>>, vector<16xf32>,
        tpu.vector_store %arg7[%parallel_loop3A_694, %parallel_loop3A_695, %parallel_loop3A_696, %parallel_loop3A_697], %parallel_loop3A_691 {strides = array<i32>} : memref<2x40x4x128xf32, #tpu.memory_space<vmem>>, vector<16xf32>,
        %parallel_loop3A_699 = arith.constant 0 : i32
        %parallel_loop3A_700 = arith.constant 1 : i32
        %parallel_loop3A_701 = arith.index_cast %parallel_loop3A_699 : i32 to index
        %parallel_loop3A_702 = arith.index_cast %parallel_loop3A_278 : i32 to index
        %parallel_loop3A_703 = arith.index_cast %parallel_loop3A_700 : i32 to index
        %parallel_loop3A_704 = arith.index_cast %parallel_loop3A_280 : i32 to index
        %parallel_loop3A_705 = arith.constant 48 : index
        %parallel_loop3A_706 = tpu.vector_load %arg6[%parallel_loop3A_701, %parallel_loop3A_702, %parallel_loop3A_703, %parallel_loop3A_704, %parallel_loop3A_705] {strides = array<i32>} : memref<2x5x2x8x128xi32, #tpu.memory_space<vmem>>, vector<16xi32>,
        %parallel_loop3A_707 = vector.broadcast %scan3A_56 : i32 to vector<16xi32>
        %parallel_loop3A_708 = arith.cmpi sge, %parallel_loop3A_706, %parallel_loop3A_707 : vector<16xi32>
        %parallel_loop3A_709 = vector.broadcast %scan3A_56 : i32 to vector<16xi32>
        %parallel_loop3A_710 = arith.subi %parallel_loop3A_706, %parallel_loop3A_709 : vector<16xi32>
        %parallel_loop3A_711 = arith.select %parallel_loop3A_708, %parallel_loop3A_710, %parallel_loop3A_706 : vector<16xi1>, vector<16xi32>
        %parallel_loop3A_712 = tpu.vector_load_idx %arg5[%parallel_loop3A_711] : memref<50048xi32, #tpu.memory_space<vmem>>[vector<16xi32>], vector<16xi32>,
        %parallel_loop3A_713 = vector.broadcast %scan3A_57 : i32 to vector<16xi32>
        %parallel_loop3A_714 = arith.andi %parallel_loop3A_712, %parallel_loop3A_713 : vector<16xi32>
        %parallel_loop3A_715 = arith.constant 16 : i32
        %parallel_loop3A_716 = vector.broadcast %parallel_loop3A_715 : i32 to vector<16xi32>
        %parallel_loop3A_717 = arith.shli %parallel_loop3A_712, %parallel_loop3A_716 : vector<16xi32>
        %parallel_loop3A_718 = arith.select %parallel_loop3A_708, %parallel_loop3A_714, %parallel_loop3A_717 : vector<16xi1>, vector<16xi32>
        %parallel_loop3A_719 = vector.bitcast %parallel_loop3A_718 : vector<16xi32> to vector<16xf32>
        %parallel_loop3A_720 = arith.constant 0 : i32
        %parallel_loop3A_721 = arith.constant 2 : i32
        %parallel_loop3A_722 = arith.index_cast %parallel_loop3A_720 : i32 to index
        %parallel_loop3A_723 = arith.index_cast %parallel_loop3A_276 : i32 to index
        %parallel_loop3A_724 = arith.index_cast %parallel_loop3A_721 : i32 to index
        %parallel_loop3A_725 = arith.constant 48 : index
        %parallel_loop3A_726 = tpu.vector_load %arg7[%parallel_loop3A_722, %parallel_loop3A_723, %parallel_loop3A_724, %parallel_loop3A_725] {strides = array<i32>} : memref<2x40x4x128xf32, #tpu.memory_space<vmem>>, vector<16xf32>,
        tpu.vector_store %arg7[%parallel_loop3A_722, %parallel_loop3A_723, %parallel_loop3A_724, %parallel_loop3A_725], %parallel_loop3A_719 {strides = array<i32>} : memref<2x40x4x128xf32, #tpu.memory_space<vmem>>, vector<16xf32>,
        %parallel_loop3A_727 = arith.constant 1.000000e+00 : f32
        %parallel_loop3A_728 = vector.broadcast %parallel_loop3A_727 : f32 to vector<16xf32>
        %parallel_loop3A_729 = arith.subf %parallel_loop3A_728, %parallel_loop3A_719 : vector<16xf32>
        %parallel_loop3A_730 = arith.constant 0 : i32
        %parallel_loop3A_731 = arith.constant 3 : i32
        %parallel_loop3A_732 = arith.index_cast %parallel_loop3A_730 : i32 to index
        %parallel_loop3A_733 = arith.index_cast %parallel_loop3A_276 : i32 to index
        %parallel_loop3A_734 = arith.index_cast %parallel_loop3A_731 : i32 to index
        %parallel_loop3A_735 = arith.constant 48 : index
        %parallel_loop3A_736 = tpu.vector_load %arg7[%parallel_loop3A_732, %parallel_loop3A_733, %parallel_loop3A_734, %parallel_loop3A_735] {strides = array<i32>} : memref<2x40x4x128xf32, #tpu.memory_space<vmem>>, vector<16xf32>,
        tpu.vector_store %arg7[%parallel_loop3A_732, %parallel_loop3A_733, %parallel_loop3A_734, %parallel_loop3A_735], %parallel_loop3A_729 {strides = array<i32>} : memref<2x40x4x128xf32, #tpu.memory_space<vmem>>, vector<16xf32>,
        %parallel_loop3A_737 = arith.constant 0 : i32
        %parallel_loop3A_738 = arith.constant 1 : i32
        %parallel_loop3A_739 = arith.index_cast %parallel_loop3A_737 : i32 to index
        %parallel_loop3A_740 = arith.index_cast %parallel_loop3A_278 : i32 to index
        %parallel_loop3A_741 = arith.index_cast %parallel_loop3A_738 : i32 to index
        %parallel_loop3A_742 = arith.index_cast %parallel_loop3A_280 : i32 to index
        %parallel_loop3A_743 = arith.constant 64 : index
        %parallel_loop3A_744 = tpu.vector_load %arg6[%parallel_loop3A_739, %parallel_loop3A_740, %parallel_loop3A_741, %parallel_loop3A_742, %parallel_loop3A_743] {strides = array<i32>} : memref<2x5x2x8x128xi32, #tpu.memory_space<vmem>>, vector<16xi32>,
        %parallel_loop3A_745 = vector.broadcast %scan3A_56 : i32 to vector<16xi32>
        %parallel_loop3A_746 = arith.cmpi sge, %parallel_loop3A_744, %parallel_loop3A_745 : vector<16xi32>
        %parallel_loop3A_747 = vector.broadcast %scan3A_56 : i32 to vector<16xi32>
        %parallel_loop3A_748 = arith.subi %parallel_loop3A_744, %parallel_loop3A_747 : vector<16xi32>
        %parallel_loop3A_749 = arith.select %parallel_loop3A_746, %parallel_loop3A_748, %parallel_loop3A_744 : vector<16xi1>, vector<16xi32>
        %parallel_loop3A_750 = tpu.vector_load_idx %arg5[%parallel_loop3A_749] : memref<50048xi32, #tpu.memory_space<vmem>>[vector<16xi32>], vector<16xi32>,
        %parallel_loop3A_751 = vector.broadcast %scan3A_57 : i32 to vector<16xi32>
        %parallel_loop3A_752 = arith.andi %parallel_loop3A_750, %parallel_loop3A_751 : vector<16xi32>
        %parallel_loop3A_753 = arith.constant 16 : i32
        %parallel_loop3A_754 = vector.broadcast %parallel_loop3A_753 : i32 to vector<16xi32>
        %parallel_loop3A_755 = arith.shli %parallel_loop3A_750, %parallel_loop3A_754 : vector<16xi32>
        %parallel_loop3A_756 = arith.select %parallel_loop3A_746, %parallel_loop3A_752, %parallel_loop3A_755 : vector<16xi1>, vector<16xi32>
        %parallel_loop3A_757 = vector.bitcast %parallel_loop3A_756 : vector<16xi32> to vector<16xf32>
        %parallel_loop3A_758 = arith.constant 0 : i32
        %parallel_loop3A_759 = arith.constant 2 : i32
        %parallel_loop3A_760 = arith.index_cast %parallel_loop3A_758 : i32 to index
        %parallel_loop3A_761 = arith.index_cast %parallel_loop3A_276 : i32 to index
        %parallel_loop3A_762 = arith.index_cast %parallel_loop3A_759 : i32 to index
        %parallel_loop3A_763 = arith.constant 64 : index
        %parallel_loop3A_764 = tpu.vector_load %arg7[%parallel_loop3A_760, %parallel_loop3A_761, %parallel_loop3A_762, %parallel_loop3A_763] {strides = array<i32>} : memref<2x40x4x128xf32, #tpu.memory_space<vmem>>, vector<16xf32>,
        tpu.vector_store %arg7[%parallel_loop3A_760, %parallel_loop3A_761, %parallel_loop3A_762, %parallel_loop3A_763], %parallel_loop3A_757 {strides = array<i32>} : memref<2x40x4x128xf32, #tpu.memory_space<vmem>>, vector<16xf32>,
        %parallel_loop3A_765 = arith.constant 1.000000e+00 : f32
        %parallel_loop3A_766 = vector.broadcast %parallel_loop3A_765 : f32 to vector<16xf32>
        %parallel_loop3A_767 = arith.subf %parallel_loop3A_766, %parallel_loop3A_757 : vector<16xf32>
        %parallel_loop3A_768 = arith.constant 0 : i32
        %parallel_loop3A_769 = arith.constant 3 : i32
        %parallel_loop3A_770 = arith.index_cast %parallel_loop3A_768 : i32 to index
        %parallel_loop3A_771 = arith.index_cast %parallel_loop3A_276 : i32 to index
        %parallel_loop3A_772 = arith.index_cast %parallel_loop3A_769 : i32 to index
        %parallel_loop3A_773 = arith.constant 64 : index
        %parallel_loop3A_774 = tpu.vector_load %arg7[%parallel_loop3A_770, %parallel_loop3A_771, %parallel_loop3A_772, %parallel_loop3A_773] {strides = array<i32>} : memref<2x40x4x128xf32, #tpu.memory_space<vmem>>, vector<16xf32>,
        tpu.vector_store %arg7[%parallel_loop3A_770, %parallel_loop3A_771, %parallel_loop3A_772, %parallel_loop3A_773], %parallel_loop3A_767 {strides = array<i32>} : memref<2x40x4x128xf32, #tpu.memory_space<vmem>>, vector<16xf32>,
        %parallel_loop3A_775 = arith.constant 0 : i32
        %parallel_loop3A_776 = arith.constant 1 : i32
        %parallel_loop3A_777 = arith.index_cast %parallel_loop3A_775 : i32 to index
        %parallel_loop3A_778 = arith.index_cast %parallel_loop3A_278 : i32 to index
        %parallel_loop3A_779 = arith.index_cast %parallel_loop3A_776 : i32 to index
        %parallel_loop3A_780 = arith.index_cast %parallel_loop3A_280 : i32 to index
        %parallel_loop3A_781 = arith.constant 80 : index
        %parallel_loop3A_782 = tpu.vector_load %arg6[%parallel_loop3A_777, %parallel_loop3A_778, %parallel_loop3A_779, %parallel_loop3A_780, %parallel_loop3A_781] {strides = array<i32>} : memref<2x5x2x8x128xi32, #tpu.memory_space<vmem>>, vector<16xi32>,
        %parallel_loop3A_783 = vector.broadcast %scan3A_56 : i32 to vector<16xi32>
        %parallel_loop3A_784 = arith.cmpi sge, %parallel_loop3A_782, %parallel_loop3A_783 : vector<16xi32>
        %parallel_loop3A_785 = vector.broadcast %scan3A_56 : i32 to vector<16xi32>
        %parallel_loop3A_786 = arith.subi %parallel_loop3A_782, %parallel_loop3A_785 : vector<16xi32>
        %parallel_loop3A_787 = arith.select %parallel_loop3A_784, %parallel_loop3A_786, %parallel_loop3A_782 : vector<16xi1>, vector<16xi32>
        %parallel_loop3A_788 = tpu.vector_load_idx %arg5[%parallel_loop3A_787] : memref<50048xi32, #tpu.memory_space<vmem>>[vector<16xi32>], vector<16xi32>,
        %parallel_loop3A_789 = vector.broadcast %scan3A_57 : i32 to vector<16xi32>
        %parallel_loop3A_790 = arith.andi %parallel_loop3A_788, %parallel_loop3A_789 : vector<16xi32>
        %parallel_loop3A_791 = arith.constant 16 : i32
        %parallel_loop3A_792 = vector.broadcast %parallel_loop3A_791 : i32 to vector<16xi32>
        %parallel_loop3A_793 = arith.shli %parallel_loop3A_788, %parallel_loop3A_792 : vector<16xi32>
        %parallel_loop3A_794 = arith.select %parallel_loop3A_784, %parallel_loop3A_790, %parallel_loop3A_793 : vector<16xi1>, vector<16xi32>
        %parallel_loop3A_795 = vector.bitcast %parallel_loop3A_794 : vector<16xi32> to vector<16xf32>
        %parallel_loop3A_796 = arith.constant 0 : i32
        %parallel_loop3A_797 = arith.constant 2 : i32
        %parallel_loop3A_798 = arith.index_cast %parallel_loop3A_796 : i32 to index
        %parallel_loop3A_799 = arith.index_cast %parallel_loop3A_276 : i32 to index
        %parallel_loop3A_800 = arith.index_cast %parallel_loop3A_797 : i32 to index
        %parallel_loop3A_801 = arith.constant 80 : index
        %parallel_loop3A_802 = tpu.vector_load %arg7[%parallel_loop3A_798, %parallel_loop3A_799, %parallel_loop3A_800, %parallel_loop3A_801] {strides = array<i32>} : memref<2x40x4x128xf32, #tpu.memory_space<vmem>>, vector<16xf32>,
        tpu.vector_store %arg7[%parallel_loop3A_798, %parallel_loop3A_799, %parallel_loop3A_800, %parallel_loop3A_801], %parallel_loop3A_795 {strides = array<i32>} : memref<2x40x4x128xf32, #tpu.memory_space<vmem>>, vector<16xf32>,
        %parallel_loop3A_803 = arith.constant 1.000000e+00 : f32
        %parallel_loop3A_804 = vector.broadcast %parallel_loop3A_803 : f32 to vector<16xf32>
        %parallel_loop3A_805 = arith.subf %parallel_loop3A_804, %parallel_loop3A_795 : vector<16xf32>
        %parallel_loop3A_806 = arith.constant 0 : i32
        %parallel_loop3A_807 = arith.constant 3 : i32
        %parallel_loop3A_808 = arith.index_cast %parallel_loop3A_806 : i32 to index
        %parallel_loop3A_809 = arith.index_cast %parallel_loop3A_276 : i32 to index
        %parallel_loop3A_810 = arith.index_cast %parallel_loop3A_807 : i32 to index
        %parallel_loop3A_811 = arith.constant 80 : index
        %parallel_loop3A_812 = tpu.vector_load %arg7[%parallel_loop3A_808, %parallel_loop3A_809, %parallel_loop3A_810, %parallel_loop3A_811] {strides = array<i32>} : memref<2x40x4x128xf32, #tpu.memory_space<vmem>>, vector<16xf32>,
        tpu.vector_store %arg7[%parallel_loop3A_808, %parallel_loop3A_809, %parallel_loop3A_810, %parallel_loop3A_811], %parallel_loop3A_805 {strides = array<i32>} : memref<2x40x4x128xf32, #tpu.memory_space<vmem>>, vector<16xf32>,
        %parallel_loop3A_813 = arith.constant 0 : i32
        %parallel_loop3A_814 = arith.constant 1 : i32
        %parallel_loop3A_815 = arith.index_cast %parallel_loop3A_813 : i32 to index
        %parallel_loop3A_816 = arith.index_cast %parallel_loop3A_278 : i32 to index
        %parallel_loop3A_817 = arith.index_cast %parallel_loop3A_814 : i32 to index
        %parallel_loop3A_818 = arith.index_cast %parallel_loop3A_280 : i32 to index
        %parallel_loop3A_819 = arith.constant 96 : index
        %parallel_loop3A_820 = tpu.vector_load %arg6[%parallel_loop3A_815, %parallel_loop3A_816, %parallel_loop3A_817, %parallel_loop3A_818, %parallel_loop3A_819] {strides = array<i32>} : memref<2x5x2x8x128xi32, #tpu.memory_space<vmem>>, vector<16xi32>,
        %parallel_loop3A_821 = vector.broadcast %scan3A_56 : i32 to vector<16xi32>
        %parallel_loop3A_822 = arith.cmpi sge, %parallel_loop3A_820, %parallel_loop3A_821 : vector<16xi32>
        %parallel_loop3A_823 = vector.broadcast %scan3A_56 : i32 to vector<16xi32>
        %parallel_loop3A_824 = arith.subi %parallel_loop3A_820, %parallel_loop3A_823 : vector<16xi32>
        %parallel_loop3A_825 = arith.select %parallel_loop3A_822, %parallel_loop3A_824, %parallel_loop3A_820 : vector<16xi1>, vector<16xi32>
        %parallel_loop3A_826 = tpu.vector_load_idx %arg5[%parallel_loop3A_825] : memref<50048xi32, #tpu.memory_space<vmem>>[vector<16xi32>], vector<16xi32>,
        %parallel_loop3A_827 = vector.broadcast %scan3A_57 : i32 to vector<16xi32>
        %parallel_loop3A_828 = arith.andi %parallel_loop3A_826, %parallel_loop3A_827 : vector<16xi32>
        %parallel_loop3A_829 = arith.constant 16 : i32
        %parallel_loop3A_830 = vector.broadcast %parallel_loop3A_829 : i32 to vector<16xi32>
        %parallel_loop3A_831 = arith.shli %parallel_loop3A_826, %parallel_loop3A_830 : vector<16xi32>
        %parallel_loop3A_832 = arith.select %parallel_loop3A_822, %parallel_loop3A_828, %parallel_loop3A_831 : vector<16xi1>, vector<16xi32>
        %parallel_loop3A_833 = vector.bitcast %parallel_loop3A_832 : vector<16xi32> to vector<16xf32>
        %parallel_loop3A_834 = arith.constant 0 : i32
        %parallel_loop3A_835 = arith.constant 2 : i32
        %parallel_loop3A_836 = arith.index_cast %parallel_loop3A_834 : i32 to index
        %parallel_loop3A_837 = arith.index_cast %parallel_loop3A_276 : i32 to index
        %parallel_loop3A_838 = arith.index_cast %parallel_loop3A_835 : i32 to index
        %parallel_loop3A_839 = arith.constant 96 : index
        %parallel_loop3A_840 = tpu.vector_load %arg7[%parallel_loop3A_836, %parallel_loop3A_837, %parallel_loop3A_838, %parallel_loop3A_839] {strides = array<i32>} : memref<2x40x4x128xf32, #tpu.memory_space<vmem>>, vector<16xf32>,
        tpu.vector_store %arg7[%parallel_loop3A_836, %parallel_loop3A_837, %parallel_loop3A_838, %parallel_loop3A_839], %parallel_loop3A_833 {strides = array<i32>} : memref<2x40x4x128xf32, #tpu.memory_space<vmem>>, vector<16xf32>,
        %parallel_loop3A_841 = arith.constant 1.000000e+00 : f32
        %parallel_loop3A_842 = vector.broadcast %parallel_loop3A_841 : f32 to vector<16xf32>
        %parallel_loop3A_843 = arith.subf %parallel_loop3A_842, %parallel_loop3A_833 : vector<16xf32>
        %parallel_loop3A_844 = arith.constant 0 : i32
        %parallel_loop3A_845 = arith.constant 3 : i32
        %parallel_loop3A_846 = arith.index_cast %parallel_loop3A_844 : i32 to index
        %parallel_loop3A_847 = arith.index_cast %parallel_loop3A_276 : i32 to index
        %parallel_loop3A_848 = arith.index_cast %parallel_loop3A_845 : i32 to index
        %parallel_loop3A_849 = arith.constant 96 : index
        %parallel_loop3A_850 = tpu.vector_load %arg7[%parallel_loop3A_846, %parallel_loop3A_847, %parallel_loop3A_848, %parallel_loop3A_849] {strides = array<i32>} : memref<2x40x4x128xf32, #tpu.memory_space<vmem>>, vector<16xf32>,
        tpu.vector_store %arg7[%parallel_loop3A_846, %parallel_loop3A_847, %parallel_loop3A_848, %parallel_loop3A_849], %parallel_loop3A_843 {strides = array<i32>} : memref<2x40x4x128xf32, #tpu.memory_space<vmem>>, vector<16xf32>,
        %parallel_loop3A_851 = arith.constant 0 : i32
        %parallel_loop3A_852 = arith.constant 1 : i32
        %parallel_loop3A_853 = arith.index_cast %parallel_loop3A_851 : i32 to index
        %parallel_loop3A_854 = arith.index_cast %parallel_loop3A_278 : i32 to index
        %parallel_loop3A_855 = arith.index_cast %parallel_loop3A_852 : i32 to index
        %parallel_loop3A_856 = arith.index_cast %parallel_loop3A_280 : i32 to index
        %parallel_loop3A_857 = arith.constant 112 : index
        %parallel_loop3A_858 = tpu.vector_load %arg6[%parallel_loop3A_853, %parallel_loop3A_854, %parallel_loop3A_855, %parallel_loop3A_856, %parallel_loop3A_857] {strides = array<i32>} : memref<2x5x2x8x128xi32, #tpu.memory_space<vmem>>, vector<16xi32>,
        %parallel_loop3A_859 = vector.broadcast %scan3A_56 : i32 to vector<16xi32>
        %parallel_loop3A_860 = arith.cmpi sge, %parallel_loop3A_858, %parallel_loop3A_859 : vector<16xi32>
        %parallel_loop3A_861 = vector.broadcast %scan3A_56 : i32 to vector<16xi32>
        %parallel_loop3A_862 = arith.subi %parallel_loop3A_858, %parallel_loop3A_861 : vector<16xi32>
        %parallel_loop3A_863 = arith.select %parallel_loop3A_860, %parallel_loop3A_862, %parallel_loop3A_858 : vector<16xi1>, vector<16xi32>
        %parallel_loop3A_864 = tpu.vector_load_idx %arg5[%parallel_loop3A_863] : memref<50048xi32, #tpu.memory_space<vmem>>[vector<16xi32>], vector<16xi32>,
        %parallel_loop3A_865 = vector.broadcast %scan3A_57 : i32 to vector<16xi32>
        %parallel_loop3A_866 = arith.andi %parallel_loop3A_864, %parallel_loop3A_865 : vector<16xi32>
        %parallel_loop3A_867 = arith.constant 16 : i32
        %parallel_loop3A_868 = vector.broadcast %parallel_loop3A_867 : i32 to vector<16xi32>
        %parallel_loop3A_869 = arith.shli %parallel_loop3A_864, %parallel_loop3A_868 : vector<16xi32>
        %parallel_loop3A_870 = arith.select %parallel_loop3A_860, %parallel_loop3A_866, %parallel_loop3A_869 : vector<16xi1>, vector<16xi32>
        %parallel_loop3A_871 = vector.bitcast %parallel_loop3A_870 : vector<16xi32> to vector<16xf32>
        %parallel_loop3A_872 = arith.constant 0 : i32
        %parallel_loop3A_873 = arith.constant 2 : i32
        %parallel_loop3A_874 = arith.index_cast %parallel_loop3A_872 : i32 to index
        %parallel_loop3A_875 = arith.index_cast %parallel_loop3A_276 : i32 to index
        %parallel_loop3A_876 = arith.index_cast %parallel_loop3A_873 : i32 to index
        %parallel_loop3A_877 = arith.constant 112 : index
        %parallel_loop3A_878 = tpu.vector_load %arg7[%parallel_loop3A_874, %parallel_loop3A_875, %parallel_loop3A_876, %parallel_loop3A_877] {strides = array<i32>} : memref<2x40x4x128xf32, #tpu.memory_space<vmem>>, vector<16xf32>,
        tpu.vector_store %arg7[%parallel_loop3A_874, %parallel_loop3A_875, %parallel_loop3A_876, %parallel_loop3A_877], %parallel_loop3A_871 {strides = array<i32>} : memref<2x40x4x128xf32, #tpu.memory_space<vmem>>, vector<16xf32>,
        %parallel_loop3A_879 = arith.constant 1.000000e+00 : f32
        %parallel_loop3A_880 = vector.broadcast %parallel_loop3A_879 : f32 to vector<16xf32>
        %parallel_loop3A_881 = arith.subf %parallel_loop3A_880, %parallel_loop3A_871 : vector<16xf32>
        %parallel_loop3A_882 = arith.constant 0 : i32
        %parallel_loop3A_883 = arith.constant 3 : i32
        %parallel_loop3A_884 = arith.index_cast %parallel_loop3A_882 : i32 to index
        %parallel_loop3A_885 = arith.index_cast %parallel_loop3A_276 : i32 to index
        %parallel_loop3A_886 = arith.index_cast %parallel_loop3A_883 : i32 to index
        %parallel_loop3A_887 = arith.constant 112 : index
        %parallel_loop3A_888 = tpu.vector_load %arg7[%parallel_loop3A_884, %parallel_loop3A_885, %parallel_loop3A_886, %parallel_loop3A_887] {strides = array<i32>} : memref<2x40x4x128xf32, #tpu.memory_space<vmem>>, vector<16xf32>,
        tpu.vector_store %arg7[%parallel_loop3A_884, %parallel_loop3A_885, %parallel_loop3A_886, %parallel_loop3A_887], %parallel_loop3A_881 {strides = array<i32>} : memref<2x40x4x128xf32, #tpu.memory_space<vmem>>, vector<16xf32>,
      } {sc.loop_unroll_factor = 1 : i64, sc.parallel_access}
      %dma_start3A_164 = arith.constant 0 : i32
      %dma_start3A_165 = arith.constant 0 : i32
      %dma_start3A_166 = arith.constant 0 : i32
      %dma_start3A_167 = arith.constant 0 : i32
      %dma_start3A_168 = tpu.memref_slice %arg7[%dma_start3A_164, %dma_start3A_165, %dma_start3A_166, %dma_start3A_167] : memref<2x40x4x128xf32, #tpu.memory_space<vmem>> -> memref<1x40x4x128xf32, #tpu.memory_space<vmem>>
      %dma_start3A_169 = tpu.memref_squeeze %dma_start3A_168 : memref<1x40x4x128xf32, #tpu.memory_space<vmem>> -> memref<40x4x128xf32, #tpu.memory_space<vmem>>
      %dma_start3A_170 = arith.constant 0 : i32
      %dma_start3A_171 = tpu.memref_slice %arg4[%mul3A_138, %mul3A_140, %dma_start3A_170] : memref<200x256x128xf32, #tpu.memory_space<hbm>> -> memref<40x4x128xf32, #tpu.memory_space<hbm>>
      %dma_start3A_172 = arith.constant 0 : i32
      %dma_start3A_173 = tpu.memref_slice %arg4[%mul3A_138, %mul3A_140, %dma_start3A_172] : memref<200x256x128xf32, #tpu.memory_space<hbm>> -> memref<40x4x128xf32, #tpu.memory_space<hbm>>
      %dma_start3A_174 = arith.constant 0 : i32
      %dma_start3A_175 = arith.constant 0 : i32
      %dma_start3A_176 = arith.constant 0 : i32
      %dma_start3A_177 = tpu.memref_slice %arg7[%dma_start3A_164, %dma_start3A_174, %dma_start3A_175, %dma_start3A_176] : memref<2x40x4x128xf32, #tpu.memory_space<vmem>> -> memref<1x40x4x128xf32, #tpu.memory_space<vmem>>
      %dma_start3A_178 = tpu.memref_squeeze %dma_start3A_177 : memref<1x40x4x128xf32, #tpu.memory_space<vmem>> -> memref<40x4x128xf32, #tpu.memory_space<vmem>>
      tpu.enqueue_dma source(%dma_start3A_178 : memref<40x4x128xf32, #tpu.memory_space<vmem>>) target(%dma_start3A_173 : memref<40x4x128xf32, #tpu.memory_space<hbm>>) target_semaphore(%arg10 : memref<!tpu.dma_semaphore, #tpu.memory_space<semaphore_mem>>)
      %add3A_179 = arith.constant 2 : i32
      %add3A_180 = arith.addi %mul3A_110, %add3A_179 : i32
      %lt3A = arith.constant 10 : i32
      %lt3A_181 = arith.cmpi slt, %add3A_180, %lt3A : i32
      %convert_element_type3A_182 = arith.extui %lt3A_181 : i1 to i32
      %cond3A_183 = arith.constant 0 : i32
      %cond3A_184 = arith.cmpi ne, %convert_element_type3A_182, %cond3A_183 : i32
      scf.if %cond3A_184 {
        %add3A_276 = arith.constant 2 : i32
        %add3A_277 = arith.addi %mul3A_110, %add3A_276 : i32
        %jit3A_278 = arith.constant 5 : i32
        %div3A_279 = arith.divsi %add3A_277, %jit3A_278 : i32
        %sign3A_280 = arith.constant 0 : i32
        %sign3A_281 = arith.cmpi sgt, %add3A_277, %sign3A_280 : i32
        %sign3A_282 = arith.extui %sign3A_281 : i1 to i32
        %sign3A_283 = arith.constant 0 : i32
        %sign3A_284 = arith.cmpi slt, %add3A_277, %sign3A_283 : i32
        %sign3A_285 = arith.extui %sign3A_284 : i1 to i32
        %sign3A_286 = arith.subi %sign3A_282, %sign3A_285 : i32
        %sign3A_287 = arith.constant 0 : i32
        %sign3A_288 = arith.cmpi sgt, %jit3A_278, %sign3A_287 : i32
        %sign3A_289 = arith.extui %sign3A_288 : i1 to i32
        %sign3A_290 = arith.constant 0 : i32
        %sign3A_291 = arith.cmpi slt, %jit3A_278, %sign3A_290 : i32
        %sign3A_292 = arith.extui %sign3A_291 : i1 to i32
        %sign3A_293 = arith.subi %sign3A_289, %sign3A_292 : i32
        %ne3A_294 = arith.cmpi ne, %sign3A_286, %sign3A_293 : i32
        %rem3A_295 = arith.remsi %add3A_277, %jit3A_278 : i32
        %ne3A_296 = arith.constant 0 : i32
        %ne3A_297 = arith.cmpi ne, %rem3A_295, %ne3A_296 : i32
        %and3A_298 = arith.andi %ne3A_294, %ne3A_297 : i1
        %sub3A_299 = arith.constant 1 : i32
        %sub3A_300 = arith.subi %div3A_279, %sub3A_299 : i32
        %select_n3A_301 = arith.select %and3A_298, %sub3A_300, %div3A_279 : i32
        %mul3A_302 = arith.constant 5 : i32
        %mul3A_303 = arith.muli %select_n3A_301, %mul3A_302 : i32
        %sub3A_304 = arith.subi %add3A_277, %mul3A_303 : i32
        %mul3A_305 = arith.constant 4 : i32
        %mul3A_306 = arith.muli %add3A, %mul3A_305 : i32
        %mul3A_307 = arith.constant 2 : i32
        %mul3A_308 = arith.muli %mul3A_307, %select_n3A_301 : i32
        %add3A_309 = arith.addi %mul3A_306, %mul3A_308 : i32
        %mul3A_310 = arith.constant 5 : i32
        %mul3A_311 = arith.muli %sub3A_304, %mul3A_310 : i32
        %mul3A_312 = arith.constant 40 : i32
        %mul3A_313 = arith.muli %sub3A_304, %mul3A_312 : i32
        %mul3A_314 = arith.constant 2 : i32
        %mul3A_315 = arith.muli %mul3A_314, %add3A_309 : i32
        %dma_start3A_316 = arith.constant 0 : i32
        %dma_start3A_317 = arith.constant 0 : i32
        %dma_start3A_318 = arith.constant 0 : i32
        %dma_start3A_319 = arith.constant 0 : i32
        %dma_start3A_320 = arith.constant 0 : i32
        %dma_start3A_321 = tpu.memref_slice %arg6[%dma_start3A_316, %dma_start3A_317, %dma_start3A_318, %dma_start3A_319, %dma_start3A_320] : memref<2x5x2x8x128xi32, #tpu.memory_space<vmem>> -> memref<1x5x2x8x128xi32, #tpu.memory_space<vmem>>
        %dma_start3A_322 = tpu.memref_squeeze %dma_start3A_321 : memref<1x5x2x8x128xi32, #tpu.memory_space<vmem>> -> memref<5x2x8x128xi32, #tpu.memory_space<vmem>>
        %dma_start3A_323 = arith.constant 0 : i32
        %dma_start3A_324 = arith.constant 0 : i32
        %dma_start3A_325 = tpu.memref_slice %arg3[%mul3A_311, %add3A_309, %dma_start3A_323, %dma_start3A_324] : memref<25x128x8x128xi32, #tpu.memory_space<hbm>> -> memref<5x2x8x128xi32, #tpu.memory_space<hbm>>
        %dma_start3A_326 = arith.constant 0 : i32
        %dma_start3A_327 = arith.constant 0 : i32
        %dma_start3A_328 = arith.constant 0 : i32
        %dma_start3A_329 = arith.constant 0 : i32
        %dma_start3A_330 = tpu.memref_slice %arg6[%dma_start3A_316, %dma_start3A_326, %dma_start3A_327, %dma_start3A_328, %dma_start3A_329] : memref<2x5x2x8x128xi32, #tpu.memory_space<vmem>> -> memref<1x5x2x8x128xi32, #tpu.memory_space<vmem>>
        %dma_start3A_331 = tpu.memref_squeeze %dma_start3A_330 : memref<1x5x2x8x128xi32, #tpu.memory_space<vmem>> -> memref<5x2x8x128xi32, #tpu.memory_space<vmem>>
        %dma_start3A_332 = arith.constant 0 : i32
        %dma_start3A_333 = arith.constant 0 : i32
        %dma_start3A_334 = tpu.memref_slice %arg3[%mul3A_311, %add3A_309, %dma_start3A_332, %dma_start3A_333] : memref<25x128x8x128xi32, #tpu.memory_space<hbm>> -> memref<5x2x8x128xi32, #tpu.memory_space<hbm>>
        tpu.enqueue_dma source(%dma_start3A_334 : memref<5x2x8x128xi32, #tpu.memory_space<hbm>>) target(%dma_start3A_331 : memref<5x2x8x128xi32, #tpu.memory_space<vmem>>) target_semaphore(%arg9 : memref<!tpu.dma_semaphore, #tpu.memory_space<semaphore_mem>>)
      } else {
      }
      %mul3A_185 = arith.constant 2 : i32
      %mul3A_186 = arith.muli %mul3A_185, %scan3A_108 : i32
      %add3A_187 = arith.constant 1 : i32
      %add3A_188 = arith.addi %mul3A_186, %add3A_187 : i32
      %jit3A_189 = arith.constant 5 : i32
      %div3A_190 = arith.divsi %add3A_188, %jit3A_189 : i32
      %sign3A_191 = arith.constant 0 : i32
      %sign3A_192 = arith.cmpi sgt, %add3A_188, %sign3A_191 : i32
      %sign3A_193 = arith.extui %sign3A_192 : i1 to i32
      %sign3A_194 = arith.constant 0 : i32
      %sign3A_195 = arith.cmpi slt, %add3A_188, %sign3A_194 : i32
      %sign3A_196 = arith.extui %sign3A_195 : i1 to i32
      %sign3A_197 = arith.subi %sign3A_193, %sign3A_196 : i32
      %sign3A_198 = arith.constant 0 : i32
      %sign3A_199 = arith.cmpi sgt, %jit3A_189, %sign3A_198 : i32
      %sign3A_200 = arith.extui %sign3A_199 : i1 to i32
      %sign3A_201 = arith.constant 0 : i32
      %sign3A_202 = arith.cmpi slt, %jit3A_189, %sign3A_201 : i32
      %sign3A_203 = arith.extui %sign3A_202 : i1 to i32
      %sign3A_204 = arith.subi %sign3A_200, %sign3A_203 : i32
      %ne3A_205 = arith.cmpi ne, %sign3A_197, %sign3A_204 : i32
      %rem3A_206 = arith.remsi %add3A_188, %jit3A_189 : i32
      %ne3A_207 = arith.constant 0 : i32
      %ne3A_208 = arith.cmpi ne, %rem3A_206, %ne3A_207 : i32
      %and3A_209 = arith.andi %ne3A_205, %ne3A_208 : i1
      %sub3A_210 = arith.constant 1 : i32
      %sub3A_211 = arith.subi %div3A_190, %sub3A_210 : i32
      %select_n3A_212 = arith.select %and3A_209, %sub3A_211, %div3A_190 : i32
      %mul3A_213 = arith.constant 5 : i32
      %mul3A_214 = arith.muli %select_n3A_212, %mul3A_213 : i32
      %sub3A_215 = arith.subi %add3A_188, %mul3A_214 : i32
      %mul3A_216 = arith.constant 4 : i32
      %mul3A_217 = arith.muli %add3A, %mul3A_216 : i32
      %mul3A_218 = arith.constant 2 : i32
      %mul3A_219 = arith.muli %mul3A_218, %select_n3A_212 : i32
      %add3A_220 = arith.addi %mul3A_217, %mul3A_219 : i32
      %mul3A_221 = arith.constant 5 : i32
      %mul3A_222 = arith.muli %sub3A_215, %mul3A_221 : i32
      %mul3A_223 = arith.constant 40 : i32
      %mul3A_224 = arith.muli %sub3A_215, %mul3A_223 : i32
      %mul3A_225 = arith.constant 2 : i32
      %mul3A_226 = arith.muli %mul3A_225, %add3A_220 : i32
      %dma_wait3A_227 = arith.constant 1 : i32
      %dma_wait3A_228 = arith.constant 0 : i32
      %dma_wait3A_229 = arith.constant 0 : i32
      %dma_wait3A_230 = arith.constant 0 : i32
      %dma_wait3A_231 = arith.constant 0 : i32
      %dma_wait3A_232 = tpu.memref_slice %arg6[%dma_wait3A_227, %dma_wait3A_228, %dma_wait3A_229, %dma_wait3A_230, %dma_wait3A_231] : memref<2x5x2x8x128xi32, #tpu.memory_space<vmem>> -> memref<1x5x2x8x128xi32, #tpu.memory_space<vmem>>
      %dma_wait3A_233 = tpu.memref_squeeze %dma_wait3A_232 : memref<1x5x2x8x128xi32, #tpu.memory_space<vmem>> -> memref<5x2x8x128xi32, #tpu.memory_space<vmem>>
      %dma_wait3A_234 = arith.constant 0 : i32
      %dma_wait3A_235 = arith.constant 0 : i32
      %dma_wait3A_236 = tpu.memref_slice %arg3[%mul3A_222, %add3A_220, %dma_wait3A_234, %dma_wait3A_235] : memref<25x128x8x128xi32, #tpu.memory_space<hbm>> -> memref<5x2x8x128xi32, #tpu.memory_space<hbm>>
      %dma_wait3A_237 = arith.constant 0 : i32
      %dma_wait3A_238 = arith.constant 0 : i32
      %dma_wait3A_239 = arith.constant 0 : i32
      %dma_wait3A_240 = arith.constant 0 : i32
      %dma_wait3A_241 = tpu.memref_slice %arg6[%dma_wait3A_227, %dma_wait3A_237, %dma_wait3A_238, %dma_wait3A_239, %dma_wait3A_240] : memref<2x5x2x8x128xi32, #tpu.memory_space<vmem>> -> memref<1x5x2x8x128xi32, #tpu.memory_space<vmem>>
      %dma_wait3A_242 = tpu.memref_squeeze %dma_wait3A_241 : memref<1x5x2x8x128xi32, #tpu.memory_space<vmem>> -> memref<5x2x8x128xi32, #tpu.memory_space<vmem>>
      %dma_wait3A_243 = arith.constant 0 : i32
      %dma_wait3A_244 = arith.constant 0 : i32
      %dma_wait3A_245 = tpu.memref_slice %arg3[%mul3A_222, %add3A_220, %dma_wait3A_243, %dma_wait3A_244] : memref<25x128x8x128xi32, #tpu.memory_space<hbm>> -> memref<5x2x8x128xi32, #tpu.memory_space<hbm>>
      tpu.wait_dma2 semaphore(%arg9 : memref<!tpu.dma_semaphore, #tpu.memory_space<semaphore_mem>>) src(%dma_wait3A_245 : memref<5x2x8x128xi32, #tpu.memory_space<hbm>>) dst(%dma_wait3A_242 : memref<5x2x8x128xi32, #tpu.memory_space<vmem>>)
      %ge3A_246 = arith.constant 2 : i32
      %ge3A_247 = arith.cmpi sge, %add3A_188, %ge3A_246 : i32
      %convert_element_type3A_248 = arith.extui %ge3A_247 : i1 to i32
      %cond3A_249 = arith.constant 0 : i32
      %cond3A_250 = arith.cmpi ne, %convert_element_type3A_248, %cond3A_249 : i32
      scf.if %cond3A_250 {
        %dma_wait3A_276 = arith.constant 1 : i32
        %dma_wait3A_277 = arith.constant 0 : i32
        %dma_wait3A_278 = arith.constant 0 : i32
        %dma_wait3A_279 = arith.constant 0 : i32
        %dma_wait3A_280 = tpu.memref_slice %arg7[%dma_wait3A_276, %dma_wait3A_277, %dma_wait3A_278, %dma_wait3A_279] : memref<2x40x4x128xf32, #tpu.memory_space<vmem>> -> memref<1x40x4x128xf32, #tpu.memory_space<vmem>>
        %dma_wait3A_281 = tpu.memref_squeeze %dma_wait3A_280 : memref<1x40x4x128xf32, #tpu.memory_space<vmem>> -> memref<40x4x128xf32, #tpu.memory_space<vmem>>
        %dma_wait3A_282 = arith.constant 0 : i32
        %dma_wait3A_283 = tpu.memref_slice %arg4[%mul3A_224, %mul3A_226, %dma_wait3A_282] : memref<200x256x128xf32, #tpu.memory_space<hbm>> -> memref<40x4x128xf32, #tpu.memory_space<hbm>>
        %dma_wait3A_284 = arith.constant 0 : i32
        %dma_wait3A_285 = tpu.memref_slice %arg4[%mul3A_224, %mul3A_226, %dma_wait3A_284] : memref<200x256x128xf32, #tpu.memory_space<hbm>> -> memref<40x4x128xf32, #tpu.memory_space<hbm>>
        %dma_wait3A_286 = arith.constant 0 : i32
        %dma_wait3A_287 = arith.constant 0 : i32
        %dma_wait3A_288 = arith.constant 0 : i32
        %dma_wait3A_289 = tpu.memref_slice %arg7[%dma_wait3A_276, %dma_wait3A_286, %dma_wait3A_287, %dma_wait3A_288] : memref<2x40x4x128xf32, #tpu.memory_space<vmem>> -> memref<1x40x4x128xf32, #tpu.memory_space<vmem>>
        %dma_wait3A_290 = tpu.memref_squeeze %dma_wait3A_289 : memref<1x40x4x128xf32, #tpu.memory_space<vmem>> -> memref<40x4x128xf32, #tpu.memory_space<vmem>>
        tpu.wait_dma2 semaphore(%arg10 : memref<!tpu.dma_semaphore, #tpu.memory_space<semaphore_mem>>) src(%dma_wait3A_290 : memref<40x4x128xf32, #tpu.memory_space<vmem>>) dst(%dma_wait3A_285 : memref<40x4x128xf32, #tpu.memory_space<hbm>>)
      } else {
      }
      %parallel_loop3A_251 = arith.constant 0 : i32
      %parallel_loop3A_252 = arith.constant 40 : i32
      %parallel_loop3A_253 = arith.constant 1 : i32
      scf.for %parallel_loop3A_276 = %parallel_loop3A_251 to %parallel_loop3A_252 step %parallel_loop3A_253  : i32 {
        %parallel_loop3A_277 = arith.constant 3 : i32
        %parallel_loop3A_278 = arith.shrsi %parallel_loop3A_276, %parallel_loop3A_277 : i32
        %parallel_loop3A_279 = arith.constant 7 : i32
        %parallel_loop3A_280 = arith.andi %parallel_loop3A_276, %parallel_loop3A_279 : i32
        %parallel_loop3A_281 = arith.constant 1 : i32
        %parallel_loop3A_282 = arith.constant 0 : i32
        %parallel_loop3A_283 = arith.index_cast %parallel_loop3A_281 : i32 to index
        %parallel_loop3A_284 = arith.index_cast %parallel_loop3A_278 : i32 to index
        %parallel_loop3A_285 = arith.index_cast %parallel_loop3A_282 : i32 to index
        %parallel_loop3A_286 = arith.index_cast %parallel_loop3A_280 : i32 to index
        %parallel_loop3A_287 = arith.constant 0 : index
        %parallel_loop3A_288 = tpu.vector_load %arg6[%parallel_loop3A_283, %parallel_loop3A_284, %parallel_loop3A_285, %parallel_loop3A_286, %parallel_loop3A_287] {strides = array<i32>} : memref<2x5x2x8x128xi32, #tpu.memory_space<vmem>>, vector<16xi32>,
        %parallel_loop3A_289 = vector.broadcast %scan3A_56 : i32 to vector<16xi32>
        %parallel_loop3A_290 = arith.cmpi sge, %parallel_loop3A_288, %parallel_loop3A_289 : vector<16xi32>
        %parallel_loop3A_291 = vector.broadcast %scan3A_56 : i32 to vector<16xi32>
        %parallel_loop3A_292 = arith.subi %parallel_loop3A_288, %parallel_loop3A_291 : vector<16xi32>
        %parallel_loop3A_293 = arith.select %parallel_loop3A_290, %parallel_loop3A_292, %parallel_loop3A_288 : vector<16xi1>, vector<16xi32>
        %parallel_loop3A_294 = tpu.vector_load_idx %arg5[%parallel_loop3A_293] : memref<50048xi32, #tpu.memory_space<vmem>>[vector<16xi32>], vector<16xi32>,
        %parallel_loop3A_295 = vector.broadcast %scan3A_57 : i32 to vector<16xi32>
        %parallel_loop3A_296 = arith.andi %parallel_loop3A_294, %parallel_loop3A_295 : vector<16xi32>
        %parallel_loop3A_297 = arith.constant 16 : i32
        %parallel_loop3A_298 = vector.broadcast %parallel_loop3A_297 : i32 to vector<16xi32>
        %parallel_loop3A_299 = arith.shli %parallel_loop3A_294, %parallel_loop3A_298 : vector<16xi32>
        %parallel_loop3A_300 = arith.select %parallel_loop3A_290, %parallel_loop3A_296, %parallel_loop3A_299 : vector<16xi1>, vector<16xi32>
        %parallel_loop3A_301 = vector.bitcast %parallel_loop3A_300 : vector<16xi32> to vector<16xf32>
        %parallel_loop3A_302 = arith.constant 1 : i32
        %parallel_loop3A_303 = arith.constant 0 : i32
        %parallel_loop3A_304 = arith.index_cast %parallel_loop3A_302 : i32 to index
        %parallel_loop3A_305 = arith.index_cast %parallel_loop3A_276 : i32 to index
        %parallel_loop3A_306 = arith.index_cast %parallel_loop3A_303 : i32 to index
        %parallel_loop3A_307 = arith.constant 0 : index
        %parallel_loop3A_308 = tpu.vector_load %arg7[%parallel_loop3A_304, %parallel_loop3A_305, %parallel_loop3A_306, %parallel_loop3A_307] {strides = array<i32>} : memref<2x40x4x128xf32, #tpu.memory_space<vmem>>, vector<16xf32>,
        tpu.vector_store %arg7[%parallel_loop3A_304, %parallel_loop3A_305, %parallel_loop3A_306, %parallel_loop3A_307], %parallel_loop3A_301 {strides = array<i32>} : memref<2x40x4x128xf32, #tpu.memory_space<vmem>>, vector<16xf32>,
        %parallel_loop3A_309 = arith.constant 1.000000e+00 : f32
        %parallel_loop3A_310 = vector.broadcast %parallel_loop3A_309 : f32 to vector<16xf32>
        %parallel_loop3A_311 = arith.subf %parallel_loop3A_310, %parallel_loop3A_301 : vector<16xf32>
        %parallel_loop3A_312 = arith.constant 1 : i32
        %parallel_loop3A_313 = arith.constant 1 : i32
        %parallel_loop3A_314 = arith.index_cast %parallel_loop3A_312 : i32 to index
        %parallel_loop3A_315 = arith.index_cast %parallel_loop3A_276 : i32 to index
        %parallel_loop3A_316 = arith.index_cast %parallel_loop3A_313 : i32 to index
        %parallel_loop3A_317 = arith.constant 0 : index
        %parallel_loop3A_318 = tpu.vector_load %arg7[%parallel_loop3A_314, %parallel_loop3A_315, %parallel_loop3A_316, %parallel_loop3A_317] {strides = array<i32>} : memref<2x40x4x128xf32, #tpu.memory_space<vmem>>, vector<16xf32>,
        tpu.vector_store %arg7[%parallel_loop3A_314, %parallel_loop3A_315, %parallel_loop3A_316, %parallel_loop3A_317], %parallel_loop3A_311 {strides = array<i32>} : memref<2x40x4x128xf32, #tpu.memory_space<vmem>>, vector<16xf32>,
        %parallel_loop3A_319 = arith.constant 1 : i32
        %parallel_loop3A_320 = arith.constant 0 : i32
        %parallel_loop3A_321 = arith.index_cast %parallel_loop3A_319 : i32 to index
        %parallel_loop3A_322 = arith.index_cast %parallel_loop3A_278 : i32 to index
        %parallel_loop3A_323 = arith.index_cast %parallel_loop3A_320 : i32 to index
        %parallel_loop3A_324 = arith.index_cast %parallel_loop3A_280 : i32 to index
        %parallel_loop3A_325 = arith.constant 16 : index
        %parallel_loop3A_326 = tpu.vector_load %arg6[%parallel_loop3A_321, %parallel_loop3A_322, %parallel_loop3A_323, %parallel_loop3A_324, %parallel_loop3A_325] {strides = array<i32>} : memref<2x5x2x8x128xi32, #tpu.memory_space<vmem>>, vector<16xi32>,
        %parallel_loop3A_327 = vector.broadcast %scan3A_56 : i32 to vector<16xi32>
        %parallel_loop3A_328 = arith.cmpi sge, %parallel_loop3A_326, %parallel_loop3A_327 : vector<16xi32>
        %parallel_loop3A_329 = vector.broadcast %scan3A_56 : i32 to vector<16xi32>
        %parallel_loop3A_330 = arith.subi %parallel_loop3A_326, %parallel_loop3A_329 : vector<16xi32>
        %parallel_loop3A_331 = arith.select %parallel_loop3A_328, %parallel_loop3A_330, %parallel_loop3A_326 : vector<16xi1>, vector<16xi32>
        %parallel_loop3A_332 = tpu.vector_load_idx %arg5[%parallel_loop3A_331] : memref<50048xi32, #tpu.memory_space<vmem>>[vector<16xi32>], vector<16xi32>,
        %parallel_loop3A_333 = vector.broadcast %scan3A_57 : i32 to vector<16xi32>
        %parallel_loop3A_334 = arith.andi %parallel_loop3A_332, %parallel_loop3A_333 : vector<16xi32>
        %parallel_loop3A_335 = arith.constant 16 : i32
        %parallel_loop3A_336 = vector.broadcast %parallel_loop3A_335 : i32 to vector<16xi32>
        %parallel_loop3A_337 = arith.shli %parallel_loop3A_332, %parallel_loop3A_336 : vector<16xi32>
        %parallel_loop3A_338 = arith.select %parallel_loop3A_328, %parallel_loop3A_334, %parallel_loop3A_337 : vector<16xi1>, vector<16xi32>
        %parallel_loop3A_339 = vector.bitcast %parallel_loop3A_338 : vector<16xi32> to vector<16xf32>
        %parallel_loop3A_340 = arith.constant 1 : i32
        %parallel_loop3A_341 = arith.constant 0 : i32
        %parallel_loop3A_342 = arith.index_cast %parallel_loop3A_340 : i32 to index
        %parallel_loop3A_343 = arith.index_cast %parallel_loop3A_276 : i32 to index
        %parallel_loop3A_344 = arith.index_cast %parallel_loop3A_341 : i32 to index
        %parallel_loop3A_345 = arith.constant 16 : index
        %parallel_loop3A_346 = tpu.vector_load %arg7[%parallel_loop3A_342, %parallel_loop3A_343, %parallel_loop3A_344, %parallel_loop3A_345] {strides = array<i32>} : memref<2x40x4x128xf32, #tpu.memory_space<vmem>>, vector<16xf32>,
        tpu.vector_store %arg7[%parallel_loop3A_342, %parallel_loop3A_343, %parallel_loop3A_344, %parallel_loop3A_345], %parallel_loop3A_339 {strides = array<i32>} : memref<2x40x4x128xf32, #tpu.memory_space<vmem>>, vector<16xf32>,
        %parallel_loop3A_347 = arith.constant 1.000000e+00 : f32
        %parallel_loop3A_348 = vector.broadcast %parallel_loop3A_347 : f32 to vector<16xf32>
        %parallel_loop3A_349 = arith.subf %parallel_loop3A_348, %parallel_loop3A_339 : vector<16xf32>
        %parallel_loop3A_350 = arith.constant 1 : i32
        %parallel_loop3A_351 = arith.constant 1 : i32
        %parallel_loop3A_352 = arith.index_cast %parallel_loop3A_350 : i32 to index
        %parallel_loop3A_353 = arith.index_cast %parallel_loop3A_276 : i32 to index
        %parallel_loop3A_354 = arith.index_cast %parallel_loop3A_351 : i32 to index
        %parallel_loop3A_355 = arith.constant 16 : index
        %parallel_loop3A_356 = tpu.vector_load %arg7[%parallel_loop3A_352, %parallel_loop3A_353, %parallel_loop3A_354, %parallel_loop3A_355] {strides = array<i32>} : memref<2x40x4x128xf32, #tpu.memory_space<vmem>>, vector<16xf32>,
        tpu.vector_store %arg7[%parallel_loop3A_352, %parallel_loop3A_353, %parallel_loop3A_354, %parallel_loop3A_355], %parallel_loop3A_349 {strides = array<i32>} : memref<2x40x4x128xf32, #tpu.memory_space<vmem>>, vector<16xf32>,
        %parallel_loop3A_357 = arith.constant 1 : i32
        %parallel_loop3A_358 = arith.constant 0 : i32
        %parallel_loop3A_359 = arith.index_cast %parallel_loop3A_357 : i32 to index
        %parallel_loop3A_360 = arith.index_cast %parallel_loop3A_278 : i32 to index
        %parallel_loop3A_361 = arith.index_cast %parallel_loop3A_358 : i32 to index
        %parallel_loop3A_362 = arith.index_cast %parallel_loop3A_280 : i32 to index
        %parallel_loop3A_363 = arith.constant 32 : index
        %parallel_loop3A_364 = tpu.vector_load %arg6[%parallel_loop3A_359, %parallel_loop3A_360, %parallel_loop3A_361, %parallel_loop3A_362, %parallel_loop3A_363] {strides = array<i32>} : memref<2x5x2x8x128xi32, #tpu.memory_space<vmem>>, vector<16xi32>,
        %parallel_loop3A_365 = vector.broadcast %scan3A_56 : i32 to vector<16xi32>
        %parallel_loop3A_366 = arith.cmpi sge, %parallel_loop3A_364, %parallel_loop3A_365 : vector<16xi32>
        %parallel_loop3A_367 = vector.broadcast %scan3A_56 : i32 to vector<16xi32>
        %parallel_loop3A_368 = arith.subi %parallel_loop3A_364, %parallel_loop3A_367 : vector<16xi32>
        %parallel_loop3A_369 = arith.select %parallel_loop3A_366, %parallel_loop3A_368, %parallel_loop3A_364 : vector<16xi1>, vector<16xi32>
        %parallel_loop3A_370 = tpu.vector_load_idx %arg5[%parallel_loop3A_369] : memref<50048xi32, #tpu.memory_space<vmem>>[vector<16xi32>], vector<16xi32>,
        %parallel_loop3A_371 = vector.broadcast %scan3A_57 : i32 to vector<16xi32>
        %parallel_loop3A_372 = arith.andi %parallel_loop3A_370, %parallel_loop3A_371 : vector<16xi32>
        %parallel_loop3A_373 = arith.constant 16 : i32
        %parallel_loop3A_374 = vector.broadcast %parallel_loop3A_373 : i32 to vector<16xi32>
        %parallel_loop3A_375 = arith.shli %parallel_loop3A_370, %parallel_loop3A_374 : vector<16xi32>
        %parallel_loop3A_376 = arith.select %parallel_loop3A_366, %parallel_loop3A_372, %parallel_loop3A_375 : vector<16xi1>, vector<16xi32>
        %parallel_loop3A_377 = vector.bitcast %parallel_loop3A_376 : vector<16xi32> to vector<16xf32>
        %parallel_loop3A_378 = arith.constant 1 : i32
        %parallel_loop3A_379 = arith.constant 0 : i32
        %parallel_loop3A_380 = arith.index_cast %parallel_loop3A_378 : i32 to index
        %parallel_loop3A_381 = arith.index_cast %parallel_loop3A_276 : i32 to index
        %parallel_loop3A_382 = arith.index_cast %parallel_loop3A_379 : i32 to index
        %parallel_loop3A_383 = arith.constant 32 : index
        %parallel_loop3A_384 = tpu.vector_load %arg7[%parallel_loop3A_380, %parallel_loop3A_381, %parallel_loop3A_382, %parallel_loop3A_383] {strides = array<i32>} : memref<2x40x4x128xf32, #tpu.memory_space<vmem>>, vector<16xf32>,
        tpu.vector_store %arg7[%parallel_loop3A_380, %parallel_loop3A_381, %parallel_loop3A_382, %parallel_loop3A_383], %parallel_loop3A_377 {strides = array<i32>} : memref<2x40x4x128xf32, #tpu.memory_space<vmem>>, vector<16xf32>,
        %parallel_loop3A_385 = arith.constant 1.000000e+00 : f32
        %parallel_loop3A_386 = vector.broadcast %parallel_loop3A_385 : f32 to vector<16xf32>
        %parallel_loop3A_387 = arith.subf %parallel_loop3A_386, %parallel_loop3A_377 : vector<16xf32>
        %parallel_loop3A_388 = arith.constant 1 : i32
        %parallel_loop3A_389 = arith.constant 1 : i32
        %parallel_loop3A_390 = arith.index_cast %parallel_loop3A_388 : i32 to index
        %parallel_loop3A_391 = arith.index_cast %parallel_loop3A_276 : i32 to index
        %parallel_loop3A_392 = arith.index_cast %parallel_loop3A_389 : i32 to index
        %parallel_loop3A_393 = arith.constant 32 : index
        %parallel_loop3A_394 = tpu.vector_load %arg7[%parallel_loop3A_390, %parallel_loop3A_391, %parallel_loop3A_392, %parallel_loop3A_393] {strides = array<i32>} : memref<2x40x4x128xf32, #tpu.memory_space<vmem>>, vector<16xf32>,
        tpu.vector_store %arg7[%parallel_loop3A_390, %parallel_loop3A_391, %parallel_loop3A_392, %parallel_loop3A_393], %parallel_loop3A_387 {strides = array<i32>} : memref<2x40x4x128xf32, #tpu.memory_space<vmem>>, vector<16xf32>,
        %parallel_loop3A_395 = arith.constant 1 : i32
        %parallel_loop3A_396 = arith.constant 0 : i32
        %parallel_loop3A_397 = arith.index_cast %parallel_loop3A_395 : i32 to index
        %parallel_loop3A_398 = arith.index_cast %parallel_loop3A_278 : i32 to index
        %parallel_loop3A_399 = arith.index_cast %parallel_loop3A_396 : i32 to index
        %parallel_loop3A_400 = arith.index_cast %parallel_loop3A_280 : i32 to index
        %parallel_loop3A_401 = arith.constant 48 : index
        %parallel_loop3A_402 = tpu.vector_load %arg6[%parallel_loop3A_397, %parallel_loop3A_398, %parallel_loop3A_399, %parallel_loop3A_400, %parallel_loop3A_401] {strides = array<i32>} : memref<2x5x2x8x128xi32, #tpu.memory_space<vmem>>, vector<16xi32>,
        %parallel_loop3A_403 = vector.broadcast %scan3A_56 : i32 to vector<16xi32>
        %parallel_loop3A_404 = arith.cmpi sge, %parallel_loop3A_402, %parallel_loop3A_403 : vector<16xi32>
        %parallel_loop3A_405 = vector.broadcast %scan3A_56 : i32 to vector<16xi32>
        %parallel_loop3A_406 = arith.subi %parallel_loop3A_402, %parallel_loop3A_405 : vector<16xi32>
        %parallel_loop3A_407 = arith.select %parallel_loop3A_404, %parallel_loop3A_406, %parallel_loop3A_402 : vector<16xi1>, vector<16xi32>
        %parallel_loop3A_408 = tpu.vector_load_idx %arg5[%parallel_loop3A_407] : memref<50048xi32, #tpu.memory_space<vmem>>[vector<16xi32>], vector<16xi32>,
        %parallel_loop3A_409 = vector.broadcast %scan3A_57 : i32 to vector<16xi32>
        %parallel_loop3A_410 = arith.andi %parallel_loop3A_408, %parallel_loop3A_409 : vector<16xi32>
        %parallel_loop3A_411 = arith.constant 16 : i32
        %parallel_loop3A_412 = vector.broadcast %parallel_loop3A_411 : i32 to vector<16xi32>
        %parallel_loop3A_413 = arith.shli %parallel_loop3A_408, %parallel_loop3A_412 : vector<16xi32>
        %parallel_loop3A_414 = arith.select %parallel_loop3A_404, %parallel_loop3A_410, %parallel_loop3A_413 : vector<16xi1>, vector<16xi32>
        %parallel_loop3A_415 = vector.bitcast %parallel_loop3A_414 : vector<16xi32> to vector<16xf32>
        %parallel_loop3A_416 = arith.constant 1 : i32
        %parallel_loop3A_417 = arith.constant 0 : i32
        %parallel_loop3A_418 = arith.index_cast %parallel_loop3A_416 : i32 to index
        %parallel_loop3A_419 = arith.index_cast %parallel_loop3A_276 : i32 to index
        %parallel_loop3A_420 = arith.index_cast %parallel_loop3A_417 : i32 to index
        %parallel_loop3A_421 = arith.constant 48 : index
        %parallel_loop3A_422 = tpu.vector_load %arg7[%parallel_loop3A_418, %parallel_loop3A_419, %parallel_loop3A_420, %parallel_loop3A_421] {strides = array<i32>} : memref<2x40x4x128xf32, #tpu.memory_space<vmem>>, vector<16xf32>,
        tpu.vector_store %arg7[%parallel_loop3A_418, %parallel_loop3A_419, %parallel_loop3A_420, %parallel_loop3A_421], %parallel_loop3A_415 {strides = array<i32>} : memref<2x40x4x128xf32, #tpu.memory_space<vmem>>, vector<16xf32>,
        %parallel_loop3A_423 = arith.constant 1.000000e+00 : f32
        %parallel_loop3A_424 = vector.broadcast %parallel_loop3A_423 : f32 to vector<16xf32>
        %parallel_loop3A_425 = arith.subf %parallel_loop3A_424, %parallel_loop3A_415 : vector<16xf32>
        %parallel_loop3A_426 = arith.constant 1 : i32
        %parallel_loop3A_427 = arith.constant 1 : i32
        %parallel_loop3A_428 = arith.index_cast %parallel_loop3A_426 : i32 to index
        %parallel_loop3A_429 = arith.index_cast %parallel_loop3A_276 : i32 to index
        %parallel_loop3A_430 = arith.index_cast %parallel_loop3A_427 : i32 to index
        %parallel_loop3A_431 = arith.constant 48 : index
        %parallel_loop3A_432 = tpu.vector_load %arg7[%parallel_loop3A_428, %parallel_loop3A_429, %parallel_loop3A_430, %parallel_loop3A_431] {strides = array<i32>} : memref<2x40x4x128xf32, #tpu.memory_space<vmem>>, vector<16xf32>,
        tpu.vector_store %arg7[%parallel_loop3A_428, %parallel_loop3A_429, %parallel_loop3A_430, %parallel_loop3A_431], %parallel_loop3A_425 {strides = array<i32>} : memref<2x40x4x128xf32, #tpu.memory_space<vmem>>, vector<16xf32>,
        %parallel_loop3A_433 = arith.constant 1 : i32
        %parallel_loop3A_434 = arith.constant 0 : i32
        %parallel_loop3A_435 = arith.index_cast %parallel_loop3A_433 : i32 to index
        %parallel_loop3A_436 = arith.index_cast %parallel_loop3A_278 : i32 to index
        %parallel_loop3A_437 = arith.index_cast %parallel_loop3A_434 : i32 to index
        %parallel_loop3A_438 = arith.index_cast %parallel_loop3A_280 : i32 to index
        %parallel_loop3A_439 = arith.constant 64 : index
        %parallel_loop3A_440 = tpu.vector_load %arg6[%parallel_loop3A_435, %parallel_loop3A_436, %parallel_loop3A_437, %parallel_loop3A_438, %parallel_loop3A_439] {strides = array<i32>} : memref<2x5x2x8x128xi32, #tpu.memory_space<vmem>>, vector<16xi32>,
        %parallel_loop3A_441 = vector.broadcast %scan3A_56 : i32 to vector<16xi32>
        %parallel_loop3A_442 = arith.cmpi sge, %parallel_loop3A_440, %parallel_loop3A_441 : vector<16xi32>
        %parallel_loop3A_443 = vector.broadcast %scan3A_56 : i32 to vector<16xi32>
        %parallel_loop3A_444 = arith.subi %parallel_loop3A_440, %parallel_loop3A_443 : vector<16xi32>
        %parallel_loop3A_445 = arith.select %parallel_loop3A_442, %parallel_loop3A_444, %parallel_loop3A_440 : vector<16xi1>, vector<16xi32>
        %parallel_loop3A_446 = tpu.vector_load_idx %arg5[%parallel_loop3A_445] : memref<50048xi32, #tpu.memory_space<vmem>>[vector<16xi32>], vector<16xi32>,
        %parallel_loop3A_447 = vector.broadcast %scan3A_57 : i32 to vector<16xi32>
        %parallel_loop3A_448 = arith.andi %parallel_loop3A_446, %parallel_loop3A_447 : vector<16xi32>
        %parallel_loop3A_449 = arith.constant 16 : i32
        %parallel_loop3A_450 = vector.broadcast %parallel_loop3A_449 : i32 to vector<16xi32>
        %parallel_loop3A_451 = arith.shli %parallel_loop3A_446, %parallel_loop3A_450 : vector<16xi32>
        %parallel_loop3A_452 = arith.select %parallel_loop3A_442, %parallel_loop3A_448, %parallel_loop3A_451 : vector<16xi1>, vector<16xi32>
        %parallel_loop3A_453 = vector.bitcast %parallel_loop3A_452 : vector<16xi32> to vector<16xf32>
        %parallel_loop3A_454 = arith.constant 1 : i32
        %parallel_loop3A_455 = arith.constant 0 : i32
        %parallel_loop3A_456 = arith.index_cast %parallel_loop3A_454 : i32 to index
        %parallel_loop3A_457 = arith.index_cast %parallel_loop3A_276 : i32 to index
        %parallel_loop3A_458 = arith.index_cast %parallel_loop3A_455 : i32 to index
        %parallel_loop3A_459 = arith.constant 64 : index
        %parallel_loop3A_460 = tpu.vector_load %arg7[%parallel_loop3A_456, %parallel_loop3A_457, %parallel_loop3A_458, %parallel_loop3A_459] {strides = array<i32>} : memref<2x40x4x128xf32, #tpu.memory_space<vmem>>, vector<16xf32>,
        tpu.vector_store %arg7[%parallel_loop3A_456, %parallel_loop3A_457, %parallel_loop3A_458, %parallel_loop3A_459], %parallel_loop3A_453 {strides = array<i32>} : memref<2x40x4x128xf32, #tpu.memory_space<vmem>>, vector<16xf32>,
        %parallel_loop3A_461 = arith.constant 1.000000e+00 : f32
        %parallel_loop3A_462 = vector.broadcast %parallel_loop3A_461 : f32 to vector<16xf32>
        %parallel_loop3A_463 = arith.subf %parallel_loop3A_462, %parallel_loop3A_453 : vector<16xf32>
        %parallel_loop3A_464 = arith.constant 1 : i32
        %parallel_loop3A_465 = arith.constant 1 : i32
        %parallel_loop3A_466 = arith.index_cast %parallel_loop3A_464 : i32 to index
        %parallel_loop3A_467 = arith.index_cast %parallel_loop3A_276 : i32 to index
        %parallel_loop3A_468 = arith.index_cast %parallel_loop3A_465 : i32 to index
        %parallel_loop3A_469 = arith.constant 64 : index
        %parallel_loop3A_470 = tpu.vector_load %arg7[%parallel_loop3A_466, %parallel_loop3A_467, %parallel_loop3A_468, %parallel_loop3A_469] {strides = array<i32>} : memref<2x40x4x128xf32, #tpu.memory_space<vmem>>, vector<16xf32>,
        tpu.vector_store %arg7[%parallel_loop3A_466, %parallel_loop3A_467, %parallel_loop3A_468, %parallel_loop3A_469], %parallel_loop3A_463 {strides = array<i32>} : memref<2x40x4x128xf32, #tpu.memory_space<vmem>>, vector<16xf32>,
        %parallel_loop3A_471 = arith.constant 1 : i32
        %parallel_loop3A_472 = arith.constant 0 : i32
        %parallel_loop3A_473 = arith.index_cast %parallel_loop3A_471 : i32 to index
        %parallel_loop3A_474 = arith.index_cast %parallel_loop3A_278 : i32 to index
        %parallel_loop3A_475 = arith.index_cast %parallel_loop3A_472 : i32 to index
        %parallel_loop3A_476 = arith.index_cast %parallel_loop3A_280 : i32 to index
        %parallel_loop3A_477 = arith.constant 80 : index
        %parallel_loop3A_478 = tpu.vector_load %arg6[%parallel_loop3A_473, %parallel_loop3A_474, %parallel_loop3A_475, %parallel_loop3A_476, %parallel_loop3A_477] {strides = array<i32>} : memref<2x5x2x8x128xi32, #tpu.memory_space<vmem>>, vector<16xi32>,
        %parallel_loop3A_479 = vector.broadcast %scan3A_56 : i32 to vector<16xi32>
        %parallel_loop3A_480 = arith.cmpi sge, %parallel_loop3A_478, %parallel_loop3A_479 : vector<16xi32>
        %parallel_loop3A_481 = vector.broadcast %scan3A_56 : i32 to vector<16xi32>
        %parallel_loop3A_482 = arith.subi %parallel_loop3A_478, %parallel_loop3A_481 : vector<16xi32>
        %parallel_loop3A_483 = arith.select %parallel_loop3A_480, %parallel_loop3A_482, %parallel_loop3A_478 : vector<16xi1>, vector<16xi32>
        %parallel_loop3A_484 = tpu.vector_load_idx %arg5[%parallel_loop3A_483] : memref<50048xi32, #tpu.memory_space<vmem>>[vector<16xi32>], vector<16xi32>,
        %parallel_loop3A_485 = vector.broadcast %scan3A_57 : i32 to vector<16xi32>
        %parallel_loop3A_486 = arith.andi %parallel_loop3A_484, %parallel_loop3A_485 : vector<16xi32>
        %parallel_loop3A_487 = arith.constant 16 : i32
        %parallel_loop3A_488 = vector.broadcast %parallel_loop3A_487 : i32 to vector<16xi32>
        %parallel_loop3A_489 = arith.shli %parallel_loop3A_484, %parallel_loop3A_488 : vector<16xi32>
        %parallel_loop3A_490 = arith.select %parallel_loop3A_480, %parallel_loop3A_486, %parallel_loop3A_489 : vector<16xi1>, vector<16xi32>
        %parallel_loop3A_491 = vector.bitcast %parallel_loop3A_490 : vector<16xi32> to vector<16xf32>
        %parallel_loop3A_492 = arith.constant 1 : i32
        %parallel_loop3A_493 = arith.constant 0 : i32
        %parallel_loop3A_494 = arith.index_cast %parallel_loop3A_492 : i32 to index
        %parallel_loop3A_495 = arith.index_cast %parallel_loop3A_276 : i32 to index
        %parallel_loop3A_496 = arith.index_cast %parallel_loop3A_493 : i32 to index
        %parallel_loop3A_497 = arith.constant 80 : index
        %parallel_loop3A_498 = tpu.vector_load %arg7[%parallel_loop3A_494, %parallel_loop3A_495, %parallel_loop3A_496, %parallel_loop3A_497] {strides = array<i32>} : memref<2x40x4x128xf32, #tpu.memory_space<vmem>>, vector<16xf32>,
        tpu.vector_store %arg7[%parallel_loop3A_494, %parallel_loop3A_495, %parallel_loop3A_496, %parallel_loop3A_497], %parallel_loop3A_491 {strides = array<i32>} : memref<2x40x4x128xf32, #tpu.memory_space<vmem>>, vector<16xf32>,
        %parallel_loop3A_499 = arith.constant 1.000000e+00 : f32
        %parallel_loop3A_500 = vector.broadcast %parallel_loop3A_499 : f32 to vector<16xf32>
        %parallel_loop3A_501 = arith.subf %parallel_loop3A_500, %parallel_loop3A_491 : vector<16xf32>
        %parallel_loop3A_502 = arith.constant 1 : i32
        %parallel_loop3A_503 = arith.constant 1 : i32
        %parallel_loop3A_504 = arith.index_cast %parallel_loop3A_502 : i32 to index
        %parallel_loop3A_505 = arith.index_cast %parallel_loop3A_276 : i32 to index
        %parallel_loop3A_506 = arith.index_cast %parallel_loop3A_503 : i32 to index
        %parallel_loop3A_507 = arith.constant 80 : index
        %parallel_loop3A_508 = tpu.vector_load %arg7[%parallel_loop3A_504, %parallel_loop3A_505, %parallel_loop3A_506, %parallel_loop3A_507] {strides = array<i32>} : memref<2x40x4x128xf32, #tpu.memory_space<vmem>>, vector<16xf32>,
        tpu.vector_store %arg7[%parallel_loop3A_504, %parallel_loop3A_505, %parallel_loop3A_506, %parallel_loop3A_507], %parallel_loop3A_501 {strides = array<i32>} : memref<2x40x4x128xf32, #tpu.memory_space<vmem>>, vector<16xf32>,
        %parallel_loop3A_509 = arith.constant 1 : i32
        %parallel_loop3A_510 = arith.constant 0 : i32
        %parallel_loop3A_511 = arith.index_cast %parallel_loop3A_509 : i32 to index
        %parallel_loop3A_512 = arith.index_cast %parallel_loop3A_278 : i32 to index
        %parallel_loop3A_513 = arith.index_cast %parallel_loop3A_510 : i32 to index
        %parallel_loop3A_514 = arith.index_cast %parallel_loop3A_280 : i32 to index
        %parallel_loop3A_515 = arith.constant 96 : index
        %parallel_loop3A_516 = tpu.vector_load %arg6[%parallel_loop3A_511, %parallel_loop3A_512, %parallel_loop3A_513, %parallel_loop3A_514, %parallel_loop3A_515] {strides = array<i32>} : memref<2x5x2x8x128xi32, #tpu.memory_space<vmem>>, vector<16xi32>,
        %parallel_loop3A_517 = vector.broadcast %scan3A_56 : i32 to vector<16xi32>
        %parallel_loop3A_518 = arith.cmpi sge, %parallel_loop3A_516, %parallel_loop3A_517 : vector<16xi32>
        %parallel_loop3A_519 = vector.broadcast %scan3A_56 : i32 to vector<16xi32>
        %parallel_loop3A_520 = arith.subi %parallel_loop3A_516, %parallel_loop3A_519 : vector<16xi32>
        %parallel_loop3A_521 = arith.select %parallel_loop3A_518, %parallel_loop3A_520, %parallel_loop3A_516 : vector<16xi1>, vector<16xi32>
        %parallel_loop3A_522 = tpu.vector_load_idx %arg5[%parallel_loop3A_521] : memref<50048xi32, #tpu.memory_space<vmem>>[vector<16xi32>], vector<16xi32>,
        %parallel_loop3A_523 = vector.broadcast %scan3A_57 : i32 to vector<16xi32>
        %parallel_loop3A_524 = arith.andi %parallel_loop3A_522, %parallel_loop3A_523 : vector<16xi32>
        %parallel_loop3A_525 = arith.constant 16 : i32
        %parallel_loop3A_526 = vector.broadcast %parallel_loop3A_525 : i32 to vector<16xi32>
        %parallel_loop3A_527 = arith.shli %parallel_loop3A_522, %parallel_loop3A_526 : vector<16xi32>
        %parallel_loop3A_528 = arith.select %parallel_loop3A_518, %parallel_loop3A_524, %parallel_loop3A_527 : vector<16xi1>, vector<16xi32>
        %parallel_loop3A_529 = vector.bitcast %parallel_loop3A_528 : vector<16xi32> to vector<16xf32>
        %parallel_loop3A_530 = arith.constant 1 : i32
        %parallel_loop3A_531 = arith.constant 0 : i32
        %parallel_loop3A_532 = arith.index_cast %parallel_loop3A_530 : i32 to index
        %parallel_loop3A_533 = arith.index_cast %parallel_loop3A_276 : i32 to index
        %parallel_loop3A_534 = arith.index_cast %parallel_loop3A_531 : i32 to index
        %parallel_loop3A_535 = arith.constant 96 : index
        %parallel_loop3A_536 = tpu.vector_load %arg7[%parallel_loop3A_532, %parallel_loop3A_533, %parallel_loop3A_534, %parallel_loop3A_535] {strides = array<i32>} : memref<2x40x4x128xf32, #tpu.memory_space<vmem>>, vector<16xf32>,
        tpu.vector_store %arg7[%parallel_loop3A_532, %parallel_loop3A_533, %parallel_loop3A_534, %parallel_loop3A_535], %parallel_loop3A_529 {strides = array<i32>} : memref<2x40x4x128xf32, #tpu.memory_space<vmem>>, vector<16xf32>,
        %parallel_loop3A_537 = arith.constant 1.000000e+00 : f32
        %parallel_loop3A_538 = vector.broadcast %parallel_loop3A_537 : f32 to vector<16xf32>
        %parallel_loop3A_539 = arith.subf %parallel_loop3A_538, %parallel_loop3A_529 : vector<16xf32>
        %parallel_loop3A_540 = arith.constant 1 : i32
        %parallel_loop3A_541 = arith.constant 1 : i32
        %parallel_loop3A_542 = arith.index_cast %parallel_loop3A_540 : i32 to index
        %parallel_loop3A_543 = arith.index_cast %parallel_loop3A_276 : i32 to index
        %parallel_loop3A_544 = arith.index_cast %parallel_loop3A_541 : i32 to index
        %parallel_loop3A_545 = arith.constant 96 : index
        %parallel_loop3A_546 = tpu.vector_load %arg7[%parallel_loop3A_542, %parallel_loop3A_543, %parallel_loop3A_544, %parallel_loop3A_545] {strides = array<i32>} : memref<2x40x4x128xf32, #tpu.memory_space<vmem>>, vector<16xf32>,
        tpu.vector_store %arg7[%parallel_loop3A_542, %parallel_loop3A_543, %parallel_loop3A_544, %parallel_loop3A_545], %parallel_loop3A_539 {strides = array<i32>} : memref<2x40x4x128xf32, #tpu.memory_space<vmem>>, vector<16xf32>,
        %parallel_loop3A_547 = arith.constant 1 : i32
        %parallel_loop3A_548 = arith.constant 0 : i32
        %parallel_loop3A_549 = arith.index_cast %parallel_loop3A_547 : i32 to index
        %parallel_loop3A_550 = arith.index_cast %parallel_loop3A_278 : i32 to index
        %parallel_loop3A_551 = arith.index_cast %parallel_loop3A_548 : i32 to index
        %parallel_loop3A_552 = arith.index_cast %parallel_loop3A_280 : i32 to index
        %parallel_loop3A_553 = arith.constant 112 : index
        %parallel_loop3A_554 = tpu.vector_load %arg6[%parallel_loop3A_549, %parallel_loop3A_550, %parallel_loop3A_551, %parallel_loop3A_552, %parallel_loop3A_553] {strides = array<i32>} : memref<2x5x2x8x128xi32, #tpu.memory_space<vmem>>, vector<16xi32>,
        %parallel_loop3A_555 = vector.broadcast %scan3A_56 : i32 to vector<16xi32>
        %parallel_loop3A_556 = arith.cmpi sge, %parallel_loop3A_554, %parallel_loop3A_555 : vector<16xi32>
        %parallel_loop3A_557 = vector.broadcast %scan3A_56 : i32 to vector<16xi32>
        %parallel_loop3A_558 = arith.subi %parallel_loop3A_554, %parallel_loop3A_557 : vector<16xi32>
        %parallel_loop3A_559 = arith.select %parallel_loop3A_556, %parallel_loop3A_558, %parallel_loop3A_554 : vector<16xi1>, vector<16xi32>
        %parallel_loop3A_560 = tpu.vector_load_idx %arg5[%parallel_loop3A_559] : memref<50048xi32, #tpu.memory_space<vmem>>[vector<16xi32>], vector<16xi32>,
        %parallel_loop3A_561 = vector.broadcast %scan3A_57 : i32 to vector<16xi32>
        %parallel_loop3A_562 = arith.andi %parallel_loop3A_560, %parallel_loop3A_561 : vector<16xi32>
        %parallel_loop3A_563 = arith.constant 16 : i32
        %parallel_loop3A_564 = vector.broadcast %parallel_loop3A_563 : i32 to vector<16xi32>
        %parallel_loop3A_565 = arith.shli %parallel_loop3A_560, %parallel_loop3A_564 : vector<16xi32>
        %parallel_loop3A_566 = arith.select %parallel_loop3A_556, %parallel_loop3A_562, %parallel_loop3A_565 : vector<16xi1>, vector<16xi32>
        %parallel_loop3A_567 = vector.bitcast %parallel_loop3A_566 : vector<16xi32> to vector<16xf32>
        %parallel_loop3A_568 = arith.constant 1 : i32
        %parallel_loop3A_569 = arith.constant 0 : i32
        %parallel_loop3A_570 = arith.index_cast %parallel_loop3A_568 : i32 to index
        %parallel_loop3A_571 = arith.index_cast %parallel_loop3A_276 : i32 to index
        %parallel_loop3A_572 = arith.index_cast %parallel_loop3A_569 : i32 to index
        %parallel_loop3A_573 = arith.constant 112 : index
        %parallel_loop3A_574 = tpu.vector_load %arg7[%parallel_loop3A_570, %parallel_loop3A_571, %parallel_loop3A_572, %parallel_loop3A_573] {strides = array<i32>} : memref<2x40x4x128xf32, #tpu.memory_space<vmem>>, vector<16xf32>,
        tpu.vector_store %arg7[%parallel_loop3A_570, %parallel_loop3A_571, %parallel_loop3A_572, %parallel_loop3A_573], %parallel_loop3A_567 {strides = array<i32>} : memref<2x40x4x128xf32, #tpu.memory_space<vmem>>, vector<16xf32>,
        %parallel_loop3A_575 = arith.constant 1.000000e+00 : f32
        %parallel_loop3A_576 = vector.broadcast %parallel_loop3A_575 : f32 to vector<16xf32>
        %parallel_loop3A_577 = arith.subf %parallel_loop3A_576, %parallel_loop3A_567 : vector<16xf32>
        %parallel_loop3A_578 = arith.constant 1 : i32
        %parallel_loop3A_579 = arith.constant 1 : i32
        %parallel_loop3A_580 = arith.index_cast %parallel_loop3A_578 : i32 to index
        %parallel_loop3A_581 = arith.index_cast %parallel_loop3A_276 : i32 to index
        %parallel_loop3A_582 = arith.index_cast %parallel_loop3A_579 : i32 to index
        %parallel_loop3A_583 = arith.constant 112 : index
        %parallel_loop3A_584 = tpu.vector_load %arg7[%parallel_loop3A_580, %parallel_loop3A_581, %parallel_loop3A_582, %parallel_loop3A_583] {strides = array<i32>} : memref<2x40x4x128xf32, #tpu.memory_space<vmem>>, vector<16xf32>,
        tpu.vector_store %arg7[%parallel_loop3A_580, %parallel_loop3A_581, %parallel_loop3A_582, %parallel_loop3A_583], %parallel_loop3A_577 {strides = array<i32>} : memref<2x40x4x128xf32, #tpu.memory_space<vmem>>, vector<16xf32>,
        %parallel_loop3A_585 = arith.constant 1 : i32
        %parallel_loop3A_586 = arith.constant 1 : i32
        %parallel_loop3A_587 = arith.index_cast %parallel_loop3A_585 : i32 to index
        %parallel_loop3A_588 = arith.index_cast %parallel_loop3A_278 : i32 to index
        %parallel_loop3A_589 = arith.index_cast %parallel_loop3A_586 : i32 to index
        %parallel_loop3A_590 = arith.index_cast %parallel_loop3A_280 : i32 to index
        %parallel_loop3A_591 = arith.constant 0 : index
        %parallel_loop3A_592 = tpu.vector_load %arg6[%parallel_loop3A_587, %parallel_loop3A_588, %parallel_loop3A_589, %parallel_loop3A_590, %parallel_loop3A_591] {strides = array<i32>} : memref<2x5x2x8x128xi32, #tpu.memory_space<vmem>>, vector<16xi32>,
        %parallel_loop3A_593 = vector.broadcast %scan3A_56 : i32 to vector<16xi32>
        %parallel_loop3A_594 = arith.cmpi sge, %parallel_loop3A_592, %parallel_loop3A_593 : vector<16xi32>
        %parallel_loop3A_595 = vector.broadcast %scan3A_56 : i32 to vector<16xi32>
        %parallel_loop3A_596 = arith.subi %parallel_loop3A_592, %parallel_loop3A_595 : vector<16xi32>
        %parallel_loop3A_597 = arith.select %parallel_loop3A_594, %parallel_loop3A_596, %parallel_loop3A_592 : vector<16xi1>, vector<16xi32>
        %parallel_loop3A_598 = tpu.vector_load_idx %arg5[%parallel_loop3A_597] : memref<50048xi32, #tpu.memory_space<vmem>>[vector<16xi32>], vector<16xi32>,
        %parallel_loop3A_599 = vector.broadcast %scan3A_57 : i32 to vector<16xi32>
        %parallel_loop3A_600 = arith.andi %parallel_loop3A_598, %parallel_loop3A_599 : vector<16xi32>
        %parallel_loop3A_601 = arith.constant 16 : i32
        %parallel_loop3A_602 = vector.broadcast %parallel_loop3A_601 : i32 to vector<16xi32>
        %parallel_loop3A_603 = arith.shli %parallel_loop3A_598, %parallel_loop3A_602 : vector<16xi32>
        %parallel_loop3A_604 = arith.select %parallel_loop3A_594, %parallel_loop3A_600, %parallel_loop3A_603 : vector<16xi1>, vector<16xi32>
        %parallel_loop3A_605 = vector.bitcast %parallel_loop3A_604 : vector<16xi32> to vector<16xf32>
        %parallel_loop3A_606 = arith.constant 1 : i32
        %parallel_loop3A_607 = arith.constant 2 : i32
        %parallel_loop3A_608 = arith.index_cast %parallel_loop3A_606 : i32 to index
        %parallel_loop3A_609 = arith.index_cast %parallel_loop3A_276 : i32 to index
        %parallel_loop3A_610 = arith.index_cast %parallel_loop3A_607 : i32 to index
        %parallel_loop3A_611 = arith.constant 0 : index
        %parallel_loop3A_612 = tpu.vector_load %arg7[%parallel_loop3A_608, %parallel_loop3A_609, %parallel_loop3A_610, %parallel_loop3A_611] {strides = array<i32>} : memref<2x40x4x128xf32, #tpu.memory_space<vmem>>, vector<16xf32>,
        tpu.vector_store %arg7[%parallel_loop3A_608, %parallel_loop3A_609, %parallel_loop3A_610, %parallel_loop3A_611], %parallel_loop3A_605 {strides = array<i32>} : memref<2x40x4x128xf32, #tpu.memory_space<vmem>>, vector<16xf32>,
        %parallel_loop3A_613 = arith.constant 1.000000e+00 : f32
        %parallel_loop3A_614 = vector.broadcast %parallel_loop3A_613 : f32 to vector<16xf32>
        %parallel_loop3A_615 = arith.subf %parallel_loop3A_614, %parallel_loop3A_605 : vector<16xf32>
        %parallel_loop3A_616 = arith.constant 1 : i32
        %parallel_loop3A_617 = arith.constant 3 : i32
        %parallel_loop3A_618 = arith.index_cast %parallel_loop3A_616 : i32 to index
        %parallel_loop3A_619 = arith.index_cast %parallel_loop3A_276 : i32 to index
        %parallel_loop3A_620 = arith.index_cast %parallel_loop3A_617 : i32 to index
        %parallel_loop3A_621 = arith.constant 0 : index
        %parallel_loop3A_622 = tpu.vector_load %arg7[%parallel_loop3A_618, %parallel_loop3A_619, %parallel_loop3A_620, %parallel_loop3A_621] {strides = array<i32>} : memref<2x40x4x128xf32, #tpu.memory_space<vmem>>, vector<16xf32>,
        tpu.vector_store %arg7[%parallel_loop3A_618, %parallel_loop3A_619, %parallel_loop3A_620, %parallel_loop3A_621], %parallel_loop3A_615 {strides = array<i32>} : memref<2x40x4x128xf32, #tpu.memory_space<vmem>>, vector<16xf32>,
        %parallel_loop3A_623 = arith.constant 1 : i32
        %parallel_loop3A_624 = arith.constant 1 : i32
        %parallel_loop3A_625 = arith.index_cast %parallel_loop3A_623 : i32 to index
        %parallel_loop3A_626 = arith.index_cast %parallel_loop3A_278 : i32 to index
        %parallel_loop3A_627 = arith.index_cast %parallel_loop3A_624 : i32 to index
        %parallel_loop3A_628 = arith.index_cast %parallel_loop3A_280 : i32 to index
        %parallel_loop3A_629 = arith.constant 16 : index
        %parallel_loop3A_630 = tpu.vector_load %arg6[%parallel_loop3A_625, %parallel_loop3A_626, %parallel_loop3A_627, %parallel_loop3A_628, %parallel_loop3A_629] {strides = array<i32>} : memref<2x5x2x8x128xi32, #tpu.memory_space<vmem>>, vector<16xi32>,
        %parallel_loop3A_631 = vector.broadcast %scan3A_56 : i32 to vector<16xi32>
        %parallel_loop3A_632 = arith.cmpi sge, %parallel_loop3A_630, %parallel_loop3A_631 : vector<16xi32>
        %parallel_loop3A_633 = vector.broadcast %scan3A_56 : i32 to vector<16xi32>
        %parallel_loop3A_634 = arith.subi %parallel_loop3A_630, %parallel_loop3A_633 : vector<16xi32>
        %parallel_loop3A_635 = arith.select %parallel_loop3A_632, %parallel_loop3A_634, %parallel_loop3A_630 : vector<16xi1>, vector<16xi32>
        %parallel_loop3A_636 = tpu.vector_load_idx %arg5[%parallel_loop3A_635] : memref<50048xi32, #tpu.memory_space<vmem>>[vector<16xi32>], vector<16xi32>,
        %parallel_loop3A_637 = vector.broadcast %scan3A_57 : i32 to vector<16xi32>
        %parallel_loop3A_638 = arith.andi %parallel_loop3A_636, %parallel_loop3A_637 : vector<16xi32>
        %parallel_loop3A_639 = arith.constant 16 : i32
        %parallel_loop3A_640 = vector.broadcast %parallel_loop3A_639 : i32 to vector<16xi32>
        %parallel_loop3A_641 = arith.shli %parallel_loop3A_636, %parallel_loop3A_640 : vector<16xi32>
        %parallel_loop3A_642 = arith.select %parallel_loop3A_632, %parallel_loop3A_638, %parallel_loop3A_641 : vector<16xi1>, vector<16xi32>
        %parallel_loop3A_643 = vector.bitcast %parallel_loop3A_642 : vector<16xi32> to vector<16xf32>
        %parallel_loop3A_644 = arith.constant 1 : i32
        %parallel_loop3A_645 = arith.constant 2 : i32
        %parallel_loop3A_646 = arith.index_cast %parallel_loop3A_644 : i32 to index
        %parallel_loop3A_647 = arith.index_cast %parallel_loop3A_276 : i32 to index
        %parallel_loop3A_648 = arith.index_cast %parallel_loop3A_645 : i32 to index
        %parallel_loop3A_649 = arith.constant 16 : index
        %parallel_loop3A_650 = tpu.vector_load %arg7[%parallel_loop3A_646, %parallel_loop3A_647, %parallel_loop3A_648, %parallel_loop3A_649] {strides = array<i32>} : memref<2x40x4x128xf32, #tpu.memory_space<vmem>>, vector<16xf32>,
        tpu.vector_store %arg7[%parallel_loop3A_646, %parallel_loop3A_647, %parallel_loop3A_648, %parallel_loop3A_649], %parallel_loop3A_643 {strides = array<i32>} : memref<2x40x4x128xf32, #tpu.memory_space<vmem>>, vector<16xf32>,
        %parallel_loop3A_651 = arith.constant 1.000000e+00 : f32
        %parallel_loop3A_652 = vector.broadcast %parallel_loop3A_651 : f32 to vector<16xf32>
        %parallel_loop3A_653 = arith.subf %parallel_loop3A_652, %parallel_loop3A_643 : vector<16xf32>
        %parallel_loop3A_654 = arith.constant 1 : i32
        %parallel_loop3A_655 = arith.constant 3 : i32
        %parallel_loop3A_656 = arith.index_cast %parallel_loop3A_654 : i32 to index
        %parallel_loop3A_657 = arith.index_cast %parallel_loop3A_276 : i32 to index
        %parallel_loop3A_658 = arith.index_cast %parallel_loop3A_655 : i32 to index
        %parallel_loop3A_659 = arith.constant 16 : index
        %parallel_loop3A_660 = tpu.vector_load %arg7[%parallel_loop3A_656, %parallel_loop3A_657, %parallel_loop3A_658, %parallel_loop3A_659] {strides = array<i32>} : memref<2x40x4x128xf32, #tpu.memory_space<vmem>>, vector<16xf32>,
        tpu.vector_store %arg7[%parallel_loop3A_656, %parallel_loop3A_657, %parallel_loop3A_658, %parallel_loop3A_659], %parallel_loop3A_653 {strides = array<i32>} : memref<2x40x4x128xf32, #tpu.memory_space<vmem>>, vector<16xf32>,
        %parallel_loop3A_661 = arith.constant 1 : i32
        %parallel_loop3A_662 = arith.constant 1 : i32
        %parallel_loop3A_663 = arith.index_cast %parallel_loop3A_661 : i32 to index
        %parallel_loop3A_664 = arith.index_cast %parallel_loop3A_278 : i32 to index
        %parallel_loop3A_665 = arith.index_cast %parallel_loop3A_662 : i32 to index
        %parallel_loop3A_666 = arith.index_cast %parallel_loop3A_280 : i32 to index
        %parallel_loop3A_667 = arith.constant 32 : index
        %parallel_loop3A_668 = tpu.vector_load %arg6[%parallel_loop3A_663, %parallel_loop3A_664, %parallel_loop3A_665, %parallel_loop3A_666, %parallel_loop3A_667] {strides = array<i32>} : memref<2x5x2x8x128xi32, #tpu.memory_space<vmem>>, vector<16xi32>,
        %parallel_loop3A_669 = vector.broadcast %scan3A_56 : i32 to vector<16xi32>
        %parallel_loop3A_670 = arith.cmpi sge, %parallel_loop3A_668, %parallel_loop3A_669 : vector<16xi32>
        %parallel_loop3A_671 = vector.broadcast %scan3A_56 : i32 to vector<16xi32>
        %parallel_loop3A_672 = arith.subi %parallel_loop3A_668, %parallel_loop3A_671 : vector<16xi32>
        %parallel_loop3A_673 = arith.select %parallel_loop3A_670, %parallel_loop3A_672, %parallel_loop3A_668 : vector<16xi1>, vector<16xi32>
        %parallel_loop3A_674 = tpu.vector_load_idx %arg5[%parallel_loop3A_673] : memref<50048xi32, #tpu.memory_space<vmem>>[vector<16xi32>], vector<16xi32>,
        %parallel_loop3A_675 = vector.broadcast %scan3A_57 : i32 to vector<16xi32>
        %parallel_loop3A_676 = arith.andi %parallel_loop3A_674, %parallel_loop3A_675 : vector<16xi32>
        %parallel_loop3A_677 = arith.constant 16 : i32
        %parallel_loop3A_678 = vector.broadcast %parallel_loop3A_677 : i32 to vector<16xi32>
        %parallel_loop3A_679 = arith.shli %parallel_loop3A_674, %parallel_loop3A_678 : vector<16xi32>
        %parallel_loop3A_680 = arith.select %parallel_loop3A_670, %parallel_loop3A_676, %parallel_loop3A_679 : vector<16xi1>, vector<16xi32>
        %parallel_loop3A_681 = vector.bitcast %parallel_loop3A_680 : vector<16xi32> to vector<16xf32>
        %parallel_loop3A_682 = arith.constant 1 : i32
        %parallel_loop3A_683 = arith.constant 2 : i32
        %parallel_loop3A_684 = arith.index_cast %parallel_loop3A_682 : i32 to index
        %parallel_loop3A_685 = arith.index_cast %parallel_loop3A_276 : i32 to index
        %parallel_loop3A_686 = arith.index_cast %parallel_loop3A_683 : i32 to index
        %parallel_loop3A_687 = arith.constant 32 : index
        %parallel_loop3A_688 = tpu.vector_load %arg7[%parallel_loop3A_684, %parallel_loop3A_685, %parallel_loop3A_686, %parallel_loop3A_687] {strides = array<i32>} : memref<2x40x4x128xf32, #tpu.memory_space<vmem>>, vector<16xf32>,
        tpu.vector_store %arg7[%parallel_loop3A_684, %parallel_loop3A_685, %parallel_loop3A_686, %parallel_loop3A_687], %parallel_loop3A_681 {strides = array<i32>} : memref<2x40x4x128xf32, #tpu.memory_space<vmem>>, vector<16xf32>,
        %parallel_loop3A_689 = arith.constant 1.000000e+00 : f32
        %parallel_loop3A_690 = vector.broadcast %parallel_loop3A_689 : f32 to vector<16xf32>
        %parallel_loop3A_691 = arith.subf %parallel_loop3A_690, %parallel_loop3A_681 : vector<16xf32>
        %parallel_loop3A_692 = arith.constant 1 : i32
        %parallel_loop3A_693 = arith.constant 3 : i32
        %parallel_loop3A_694 = arith.index_cast %parallel_loop3A_692 : i32 to index
        %parallel_loop3A_695 = arith.index_cast %parallel_loop3A_276 : i32 to index
        %parallel_loop3A_696 = arith.index_cast %parallel_loop3A_693 : i32 to index
        %parallel_loop3A_697 = arith.constant 32 : index
        %parallel_loop3A_698 = tpu.vector_load %arg7[%parallel_loop3A_694, %parallel_loop3A_695, %parallel_loop3A_696, %parallel_loop3A_697] {strides = array<i32>} : memref<2x40x4x128xf32, #tpu.memory_space<vmem>>, vector<16xf32>,
        tpu.vector_store %arg7[%parallel_loop3A_694, %parallel_loop3A_695, %parallel_loop3A_696, %parallel_loop3A_697], %parallel_loop3A_691 {strides = array<i32>} : memref<2x40x4x128xf32, #tpu.memory_space<vmem>>, vector<16xf32>,
        %parallel_loop3A_699 = arith.constant 1 : i32
        %parallel_loop3A_700 = arith.constant 1 : i32
        %parallel_loop3A_701 = arith.index_cast %parallel_loop3A_699 : i32 to index
        %parallel_loop3A_702 = arith.index_cast %parallel_loop3A_278 : i32 to index
        %parallel_loop3A_703 = arith.index_cast %parallel_loop3A_700 : i32 to index
        %parallel_loop3A_704 = arith.index_cast %parallel_loop3A_280 : i32 to index
        %parallel_loop3A_705 = arith.constant 48 : index
        %parallel_loop3A_706 = tpu.vector_load %arg6[%parallel_loop3A_701, %parallel_loop3A_702, %parallel_loop3A_703, %parallel_loop3A_704, %parallel_loop3A_705] {strides = array<i32>} : memref<2x5x2x8x128xi32, #tpu.memory_space<vmem>>, vector<16xi32>,
        %parallel_loop3A_707 = vector.broadcast %scan3A_56 : i32 to vector<16xi32>
        %parallel_loop3A_708 = arith.cmpi sge, %parallel_loop3A_706, %parallel_loop3A_707 : vector<16xi32>
        %parallel_loop3A_709 = vector.broadcast %scan3A_56 : i32 to vector<16xi32>
        %parallel_loop3A_710 = arith.subi %parallel_loop3A_706, %parallel_loop3A_709 : vector<16xi32>
        %parallel_loop3A_711 = arith.select %parallel_loop3A_708, %parallel_loop3A_710, %parallel_loop3A_706 : vector<16xi1>, vector<16xi32>
        %parallel_loop3A_712 = tpu.vector_load_idx %arg5[%parallel_loop3A_711] : memref<50048xi32, #tpu.memory_space<vmem>>[vector<16xi32>], vector<16xi32>,
        %parallel_loop3A_713 = vector.broadcast %scan3A_57 : i32 to vector<16xi32>
        %parallel_loop3A_714 = arith.andi %parallel_loop3A_712, %parallel_loop3A_713 : vector<16xi32>
        %parallel_loop3A_715 = arith.constant 16 : i32
        %parallel_loop3A_716 = vector.broadcast %parallel_loop3A_715 : i32 to vector<16xi32>
        %parallel_loop3A_717 = arith.shli %parallel_loop3A_712, %parallel_loop3A_716 : vector<16xi32>
        %parallel_loop3A_718 = arith.select %parallel_loop3A_708, %parallel_loop3A_714, %parallel_loop3A_717 : vector<16xi1>, vector<16xi32>
        %parallel_loop3A_719 = vector.bitcast %parallel_loop3A_718 : vector<16xi32> to vector<16xf32>
        %parallel_loop3A_720 = arith.constant 1 : i32
        %parallel_loop3A_721 = arith.constant 2 : i32
        %parallel_loop3A_722 = arith.index_cast %parallel_loop3A_720 : i32 to index
        %parallel_loop3A_723 = arith.index_cast %parallel_loop3A_276 : i32 to index
        %parallel_loop3A_724 = arith.index_cast %parallel_loop3A_721 : i32 to index
        %parallel_loop3A_725 = arith.constant 48 : index
        %parallel_loop3A_726 = tpu.vector_load %arg7[%parallel_loop3A_722, %parallel_loop3A_723, %parallel_loop3A_724, %parallel_loop3A_725] {strides = array<i32>} : memref<2x40x4x128xf32, #tpu.memory_space<vmem>>, vector<16xf32>,
        tpu.vector_store %arg7[%parallel_loop3A_722, %parallel_loop3A_723, %parallel_loop3A_724, %parallel_loop3A_725], %parallel_loop3A_719 {strides = array<i32>} : memref<2x40x4x128xf32, #tpu.memory_space<vmem>>, vector<16xf32>,
        %parallel_loop3A_727 = arith.constant 1.000000e+00 : f32
        %parallel_loop3A_728 = vector.broadcast %parallel_loop3A_727 : f32 to vector<16xf32>
        %parallel_loop3A_729 = arith.subf %parallel_loop3A_728, %parallel_loop3A_719 : vector<16xf32>
        %parallel_loop3A_730 = arith.constant 1 : i32
        %parallel_loop3A_731 = arith.constant 3 : i32
        %parallel_loop3A_732 = arith.index_cast %parallel_loop3A_730 : i32 to index
        %parallel_loop3A_733 = arith.index_cast %parallel_loop3A_276 : i32 to index
        %parallel_loop3A_734 = arith.index_cast %parallel_loop3A_731 : i32 to index
        %parallel_loop3A_735 = arith.constant 48 : index
        %parallel_loop3A_736 = tpu.vector_load %arg7[%parallel_loop3A_732, %parallel_loop3A_733, %parallel_loop3A_734, %parallel_loop3A_735] {strides = array<i32>} : memref<2x40x4x128xf32, #tpu.memory_space<vmem>>, vector<16xf32>,
        tpu.vector_store %arg7[%parallel_loop3A_732, %parallel_loop3A_733, %parallel_loop3A_734, %parallel_loop3A_735], %parallel_loop3A_729 {strides = array<i32>} : memref<2x40x4x128xf32, #tpu.memory_space<vmem>>, vector<16xf32>,
        %parallel_loop3A_737 = arith.constant 1 : i32
        %parallel_loop3A_738 = arith.constant 1 : i32
        %parallel_loop3A_739 = arith.index_cast %parallel_loop3A_737 : i32 to index
        %parallel_loop3A_740 = arith.index_cast %parallel_loop3A_278 : i32 to index
        %parallel_loop3A_741 = arith.index_cast %parallel_loop3A_738 : i32 to index
        %parallel_loop3A_742 = arith.index_cast %parallel_loop3A_280 : i32 to index
        %parallel_loop3A_743 = arith.constant 64 : index
        %parallel_loop3A_744 = tpu.vector_load %arg6[%parallel_loop3A_739, %parallel_loop3A_740, %parallel_loop3A_741, %parallel_loop3A_742, %parallel_loop3A_743] {strides = array<i32>} : memref<2x5x2x8x128xi32, #tpu.memory_space<vmem>>, vector<16xi32>,
        %parallel_loop3A_745 = vector.broadcast %scan3A_56 : i32 to vector<16xi32>
        %parallel_loop3A_746 = arith.cmpi sge, %parallel_loop3A_744, %parallel_loop3A_745 : vector<16xi32>
        %parallel_loop3A_747 = vector.broadcast %scan3A_56 : i32 to vector<16xi32>
        %parallel_loop3A_748 = arith.subi %parallel_loop3A_744, %parallel_loop3A_747 : vector<16xi32>
        %parallel_loop3A_749 = arith.select %parallel_loop3A_746, %parallel_loop3A_748, %parallel_loop3A_744 : vector<16xi1>, vector<16xi32>
        %parallel_loop3A_750 = tpu.vector_load_idx %arg5[%parallel_loop3A_749] : memref<50048xi32, #tpu.memory_space<vmem>>[vector<16xi32>], vector<16xi32>,
        %parallel_loop3A_751 = vector.broadcast %scan3A_57 : i32 to vector<16xi32>
        %parallel_loop3A_752 = arith.andi %parallel_loop3A_750, %parallel_loop3A_751 : vector<16xi32>
        %parallel_loop3A_753 = arith.constant 16 : i32
        %parallel_loop3A_754 = vector.broadcast %parallel_loop3A_753 : i32 to vector<16xi32>
        %parallel_loop3A_755 = arith.shli %parallel_loop3A_750, %parallel_loop3A_754 : vector<16xi32>
        %parallel_loop3A_756 = arith.select %parallel_loop3A_746, %parallel_loop3A_752, %parallel_loop3A_755 : vector<16xi1>, vector<16xi32>
        %parallel_loop3A_757 = vector.bitcast %parallel_loop3A_756 : vector<16xi32> to vector<16xf32>
        %parallel_loop3A_758 = arith.constant 1 : i32
        %parallel_loop3A_759 = arith.constant 2 : i32
        %parallel_loop3A_760 = arith.index_cast %parallel_loop3A_758 : i32 to index
        %parallel_loop3A_761 = arith.index_cast %parallel_loop3A_276 : i32 to index
        %parallel_loop3A_762 = arith.index_cast %parallel_loop3A_759 : i32 to index
        %parallel_loop3A_763 = arith.constant 64 : index
        %parallel_loop3A_764 = tpu.vector_load %arg7[%parallel_loop3A_760, %parallel_loop3A_761, %parallel_loop3A_762, %parallel_loop3A_763] {strides = array<i32>} : memref<2x40x4x128xf32, #tpu.memory_space<vmem>>, vector<16xf32>,
        tpu.vector_store %arg7[%parallel_loop3A_760, %parallel_loop3A_761, %parallel_loop3A_762, %parallel_loop3A_763], %parallel_loop3A_757 {strides = array<i32>} : memref<2x40x4x128xf32, #tpu.memory_space<vmem>>, vector<16xf32>,
        %parallel_loop3A_765 = arith.constant 1.000000e+00 : f32
        %parallel_loop3A_766 = vector.broadcast %parallel_loop3A_765 : f32 to vector<16xf32>
        %parallel_loop3A_767 = arith.subf %parallel_loop3A_766, %parallel_loop3A_757 : vector<16xf32>
        %parallel_loop3A_768 = arith.constant 1 : i32
        %parallel_loop3A_769 = arith.constant 3 : i32
        %parallel_loop3A_770 = arith.index_cast %parallel_loop3A_768 : i32 to index
        %parallel_loop3A_771 = arith.index_cast %parallel_loop3A_276 : i32 to index
        %parallel_loop3A_772 = arith.index_cast %parallel_loop3A_769 : i32 to index
        %parallel_loop3A_773 = arith.constant 64 : index
        %parallel_loop3A_774 = tpu.vector_load %arg7[%parallel_loop3A_770, %parallel_loop3A_771, %parallel_loop3A_772, %parallel_loop3A_773] {strides = array<i32>} : memref<2x40x4x128xf32, #tpu.memory_space<vmem>>, vector<16xf32>,
        tpu.vector_store %arg7[%parallel_loop3A_770, %parallel_loop3A_771, %parallel_loop3A_772, %parallel_loop3A_773], %parallel_loop3A_767 {strides = array<i32>} : memref<2x40x4x128xf32, #tpu.memory_space<vmem>>, vector<16xf32>,
        %parallel_loop3A_775 = arith.constant 1 : i32
        %parallel_loop3A_776 = arith.constant 1 : i32
        %parallel_loop3A_777 = arith.index_cast %parallel_loop3A_775 : i32 to index
        %parallel_loop3A_778 = arith.index_cast %parallel_loop3A_278 : i32 to index
        %parallel_loop3A_779 = arith.index_cast %parallel_loop3A_776 : i32 to index
        %parallel_loop3A_780 = arith.index_cast %parallel_loop3A_280 : i32 to index
        %parallel_loop3A_781 = arith.constant 80 : index
        %parallel_loop3A_782 = tpu.vector_load %arg6[%parallel_loop3A_777, %parallel_loop3A_778, %parallel_loop3A_779, %parallel_loop3A_780, %parallel_loop3A_781] {strides = array<i32>} : memref<2x5x2x8x128xi32, #tpu.memory_space<vmem>>, vector<16xi32>,
        %parallel_loop3A_783 = vector.broadcast %scan3A_56 : i32 to vector<16xi32>
        %parallel_loop3A_784 = arith.cmpi sge, %parallel_loop3A_782, %parallel_loop3A_783 : vector<16xi32>
        %parallel_loop3A_785 = vector.broadcast %scan3A_56 : i32 to vector<16xi32>
        %parallel_loop3A_786 = arith.subi %parallel_loop3A_782, %parallel_loop3A_785 : vector<16xi32>
        %parallel_loop3A_787 = arith.select %parallel_loop3A_784, %parallel_loop3A_786, %parallel_loop3A_782 : vector<16xi1>, vector<16xi32>
        %parallel_loop3A_788 = tpu.vector_load_idx %arg5[%parallel_loop3A_787] : memref<50048xi32, #tpu.memory_space<vmem>>[vector<16xi32>], vector<16xi32>,
        %parallel_loop3A_789 = vector.broadcast %scan3A_57 : i32 to vector<16xi32>
        %parallel_loop3A_790 = arith.andi %parallel_loop3A_788, %parallel_loop3A_789 : vector<16xi32>
        %parallel_loop3A_791 = arith.constant 16 : i32
        %parallel_loop3A_792 = vector.broadcast %parallel_loop3A_791 : i32 to vector<16xi32>
        %parallel_loop3A_793 = arith.shli %parallel_loop3A_788, %parallel_loop3A_792 : vector<16xi32>
        %parallel_loop3A_794 = arith.select %parallel_loop3A_784, %parallel_loop3A_790, %parallel_loop3A_793 : vector<16xi1>, vector<16xi32>
        %parallel_loop3A_795 = vector.bitcast %parallel_loop3A_794 : vector<16xi32> to vector<16xf32>
        %parallel_loop3A_796 = arith.constant 1 : i32
        %parallel_loop3A_797 = arith.constant 2 : i32
        %parallel_loop3A_798 = arith.index_cast %parallel_loop3A_796 : i32 to index
        %parallel_loop3A_799 = arith.index_cast %parallel_loop3A_276 : i32 to index
        %parallel_loop3A_800 = arith.index_cast %parallel_loop3A_797 : i32 to index
        %parallel_loop3A_801 = arith.constant 80 : index
        %parallel_loop3A_802 = tpu.vector_load %arg7[%parallel_loop3A_798, %parallel_loop3A_799, %parallel_loop3A_800, %parallel_loop3A_801] {strides = array<i32>} : memref<2x40x4x128xf32, #tpu.memory_space<vmem>>, vector<16xf32>,
        tpu.vector_store %arg7[%parallel_loop3A_798, %parallel_loop3A_799, %parallel_loop3A_800, %parallel_loop3A_801], %parallel_loop3A_795 {strides = array<i32>} : memref<2x40x4x128xf32, #tpu.memory_space<vmem>>, vector<16xf32>,
        %parallel_loop3A_803 = arith.constant 1.000000e+00 : f32
        %parallel_loop3A_804 = vector.broadcast %parallel_loop3A_803 : f32 to vector<16xf32>
        %parallel_loop3A_805 = arith.subf %parallel_loop3A_804, %parallel_loop3A_795 : vector<16xf32>
        %parallel_loop3A_806 = arith.constant 1 : i32
        %parallel_loop3A_807 = arith.constant 3 : i32
        %parallel_loop3A_808 = arith.index_cast %parallel_loop3A_806 : i32 to index
        %parallel_loop3A_809 = arith.index_cast %parallel_loop3A_276 : i32 to index
        %parallel_loop3A_810 = arith.index_cast %parallel_loop3A_807 : i32 to index
        %parallel_loop3A_811 = arith.constant 80 : index
        %parallel_loop3A_812 = tpu.vector_load %arg7[%parallel_loop3A_808, %parallel_loop3A_809, %parallel_loop3A_810, %parallel_loop3A_811] {strides = array<i32>} : memref<2x40x4x128xf32, #tpu.memory_space<vmem>>, vector<16xf32>,
        tpu.vector_store %arg7[%parallel_loop3A_808, %parallel_loop3A_809, %parallel_loop3A_810, %parallel_loop3A_811], %parallel_loop3A_805 {strides = array<i32>} : memref<2x40x4x128xf32, #tpu.memory_space<vmem>>, vector<16xf32>,
        %parallel_loop3A_813 = arith.constant 1 : i32
        %parallel_loop3A_814 = arith.constant 1 : i32
        %parallel_loop3A_815 = arith.index_cast %parallel_loop3A_813 : i32 to index
        %parallel_loop3A_816 = arith.index_cast %parallel_loop3A_278 : i32 to index
        %parallel_loop3A_817 = arith.index_cast %parallel_loop3A_814 : i32 to index
        %parallel_loop3A_818 = arith.index_cast %parallel_loop3A_280 : i32 to index
        %parallel_loop3A_819 = arith.constant 96 : index
        %parallel_loop3A_820 = tpu.vector_load %arg6[%parallel_loop3A_815, %parallel_loop3A_816, %parallel_loop3A_817, %parallel_loop3A_818, %parallel_loop3A_819] {strides = array<i32>} : memref<2x5x2x8x128xi32, #tpu.memory_space<vmem>>, vector<16xi32>,
        %parallel_loop3A_821 = vector.broadcast %scan3A_56 : i32 to vector<16xi32>
        %parallel_loop3A_822 = arith.cmpi sge, %parallel_loop3A_820, %parallel_loop3A_821 : vector<16xi32>
        %parallel_loop3A_823 = vector.broadcast %scan3A_56 : i32 to vector<16xi32>
        %parallel_loop3A_824 = arith.subi %parallel_loop3A_820, %parallel_loop3A_823 : vector<16xi32>
        %parallel_loop3A_825 = arith.select %parallel_loop3A_822, %parallel_loop3A_824, %parallel_loop3A_820 : vector<16xi1>, vector<16xi32>
        %parallel_loop3A_826 = tpu.vector_load_idx %arg5[%parallel_loop3A_825] : memref<50048xi32, #tpu.memory_space<vmem>>[vector<16xi32>], vector<16xi32>,
        %parallel_loop3A_827 = vector.broadcast %scan3A_57 : i32 to vector<16xi32>
        %parallel_loop3A_828 = arith.andi %parallel_loop3A_826, %parallel_loop3A_827 : vector<16xi32>
        %parallel_loop3A_829 = arith.constant 16 : i32
        %parallel_loop3A_830 = vector.broadcast %parallel_loop3A_829 : i32 to vector<16xi32>
        %parallel_loop3A_831 = arith.shli %parallel_loop3A_826, %parallel_loop3A_830 : vector<16xi32>
        %parallel_loop3A_832 = arith.select %parallel_loop3A_822, %parallel_loop3A_828, %parallel_loop3A_831 : vector<16xi1>, vector<16xi32>
        %parallel_loop3A_833 = vector.bitcast %parallel_loop3A_832 : vector<16xi32> to vector<16xf32>
        %parallel_loop3A_834 = arith.constant 1 : i32
        %parallel_loop3A_835 = arith.constant 2 : i32
        %parallel_loop3A_836 = arith.index_cast %parallel_loop3A_834 : i32 to index
        %parallel_loop3A_837 = arith.index_cast %parallel_loop3A_276 : i32 to index
        %parallel_loop3A_838 = arith.index_cast %parallel_loop3A_835 : i32 to index
        %parallel_loop3A_839 = arith.constant 96 : index
        %parallel_loop3A_840 = tpu.vector_load %arg7[%parallel_loop3A_836, %parallel_loop3A_837, %parallel_loop3A_838, %parallel_loop3A_839] {strides = array<i32>} : memref<2x40x4x128xf32, #tpu.memory_space<vmem>>, vector<16xf32>,
        tpu.vector_store %arg7[%parallel_loop3A_836, %parallel_loop3A_837, %parallel_loop3A_838, %parallel_loop3A_839], %parallel_loop3A_833 {strides = array<i32>} : memref<2x40x4x128xf32, #tpu.memory_space<vmem>>, vector<16xf32>,
        %parallel_loop3A_841 = arith.constant 1.000000e+00 : f32
        %parallel_loop3A_842 = vector.broadcast %parallel_loop3A_841 : f32 to vector<16xf32>
        %parallel_loop3A_843 = arith.subf %parallel_loop3A_842, %parallel_loop3A_833 : vector<16xf32>
        %parallel_loop3A_844 = arith.constant 1 : i32
        %parallel_loop3A_845 = arith.constant 3 : i32
        %parallel_loop3A_846 = arith.index_cast %parallel_loop3A_844 : i32 to index
        %parallel_loop3A_847 = arith.index_cast %parallel_loop3A_276 : i32 to index
        %parallel_loop3A_848 = arith.index_cast %parallel_loop3A_845 : i32 to index
        %parallel_loop3A_849 = arith.constant 96 : index
        %parallel_loop3A_850 = tpu.vector_load %arg7[%parallel_loop3A_846, %parallel_loop3A_847, %parallel_loop3A_848, %parallel_loop3A_849] {strides = array<i32>} : memref<2x40x4x128xf32, #tpu.memory_space<vmem>>, vector<16xf32>,
        tpu.vector_store %arg7[%parallel_loop3A_846, %parallel_loop3A_847, %parallel_loop3A_848, %parallel_loop3A_849], %parallel_loop3A_843 {strides = array<i32>} : memref<2x40x4x128xf32, #tpu.memory_space<vmem>>, vector<16xf32>,
        %parallel_loop3A_851 = arith.constant 1 : i32
        %parallel_loop3A_852 = arith.constant 1 : i32
        %parallel_loop3A_853 = arith.index_cast %parallel_loop3A_851 : i32 to index
        %parallel_loop3A_854 = arith.index_cast %parallel_loop3A_278 : i32 to index
        %parallel_loop3A_855 = arith.index_cast %parallel_loop3A_852 : i32 to index
        %parallel_loop3A_856 = arith.index_cast %parallel_loop3A_280 : i32 to index
        %parallel_loop3A_857 = arith.constant 112 : index
        %parallel_loop3A_858 = tpu.vector_load %arg6[%parallel_loop3A_853, %parallel_loop3A_854, %parallel_loop3A_855, %parallel_loop3A_856, %parallel_loop3A_857] {strides = array<i32>} : memref<2x5x2x8x128xi32, #tpu.memory_space<vmem>>, vector<16xi32>,
        %parallel_loop3A_859 = vector.broadcast %scan3A_56 : i32 to vector<16xi32>
        %parallel_loop3A_860 = arith.cmpi sge, %parallel_loop3A_858, %parallel_loop3A_859 : vector<16xi32>
        %parallel_loop3A_861 = vector.broadcast %scan3A_56 : i32 to vector<16xi32>
        %parallel_loop3A_862 = arith.subi %parallel_loop3A_858, %parallel_loop3A_861 : vector<16xi32>
        %parallel_loop3A_863 = arith.select %parallel_loop3A_860, %parallel_loop3A_862, %parallel_loop3A_858 : vector<16xi1>, vector<16xi32>
        %parallel_loop3A_864 = tpu.vector_load_idx %arg5[%parallel_loop3A_863] : memref<50048xi32, #tpu.memory_space<vmem>>[vector<16xi32>], vector<16xi32>,
        %parallel_loop3A_865 = vector.broadcast %scan3A_57 : i32 to vector<16xi32>
        %parallel_loop3A_866 = arith.andi %parallel_loop3A_864, %parallel_loop3A_865 : vector<16xi32>
        %parallel_loop3A_867 = arith.constant 16 : i32
        %parallel_loop3A_868 = vector.broadcast %parallel_loop3A_867 : i32 to vector<16xi32>
        %parallel_loop3A_869 = arith.shli %parallel_loop3A_864, %parallel_loop3A_868 : vector<16xi32>
        %parallel_loop3A_870 = arith.select %parallel_loop3A_860, %parallel_loop3A_866, %parallel_loop3A_869 : vector<16xi1>, vector<16xi32>
        %parallel_loop3A_871 = vector.bitcast %parallel_loop3A_870 : vector<16xi32> to vector<16xf32>
        %parallel_loop3A_872 = arith.constant 1 : i32
        %parallel_loop3A_873 = arith.constant 2 : i32
        %parallel_loop3A_874 = arith.index_cast %parallel_loop3A_872 : i32 to index
        %parallel_loop3A_875 = arith.index_cast %parallel_loop3A_276 : i32 to index
        %parallel_loop3A_876 = arith.index_cast %parallel_loop3A_873 : i32 to index
        %parallel_loop3A_877 = arith.constant 112 : index
        %parallel_loop3A_878 = tpu.vector_load %arg7[%parallel_loop3A_874, %parallel_loop3A_875, %parallel_loop3A_876, %parallel_loop3A_877] {strides = array<i32>} : memref<2x40x4x128xf32, #tpu.memory_space<vmem>>, vector<16xf32>,
        tpu.vector_store %arg7[%parallel_loop3A_874, %parallel_loop3A_875, %parallel_loop3A_876, %parallel_loop3A_877], %parallel_loop3A_871 {strides = array<i32>} : memref<2x40x4x128xf32, #tpu.memory_space<vmem>>, vector<16xf32>,
        %parallel_loop3A_879 = arith.constant 1.000000e+00 : f32
        %parallel_loop3A_880 = vector.broadcast %parallel_loop3A_879 : f32 to vector<16xf32>
        %parallel_loop3A_881 = arith.subf %parallel_loop3A_880, %parallel_loop3A_871 : vector<16xf32>
        %parallel_loop3A_882 = arith.constant 1 : i32
        %parallel_loop3A_883 = arith.constant 3 : i32
        %parallel_loop3A_884 = arith.index_cast %parallel_loop3A_882 : i32 to index
        %parallel_loop3A_885 = arith.index_cast %parallel_loop3A_276 : i32 to index
        %parallel_loop3A_886 = arith.index_cast %parallel_loop3A_883 : i32 to index
        %parallel_loop3A_887 = arith.constant 112 : index
        %parallel_loop3A_888 = tpu.vector_load %arg7[%parallel_loop3A_884, %parallel_loop3A_885, %parallel_loop3A_886, %parallel_loop3A_887] {strides = array<i32>} : memref<2x40x4x128xf32, #tpu.memory_space<vmem>>, vector<16xf32>,
        tpu.vector_store %arg7[%parallel_loop3A_884, %parallel_loop3A_885, %parallel_loop3A_886, %parallel_loop3A_887], %parallel_loop3A_881 {strides = array<i32>} : memref<2x40x4x128xf32, #tpu.memory_space<vmem>>, vector<16xf32>,
      } {sc.loop_unroll_factor = 1 : i64, sc.parallel_access}
      %dma_start3A_254 = arith.constant 1 : i32
      %dma_start3A_255 = arith.constant 0 : i32
      %dma_start3A_256 = arith.constant 0 : i32
      %dma_start3A_257 = arith.constant 0 : i32
      %dma_start3A_258 = tpu.memref_slice %arg7[%dma_start3A_254, %dma_start3A_255, %dma_start3A_256, %dma_start3A_257] : memref<2x40x4x128xf32, #tpu.memory_space<vmem>> -> memref<1x40x4x128xf32, #tpu.memory_space<vmem>>
      %dma_start3A_259 = tpu.memref_squeeze %dma_start3A_258 : memref<1x40x4x128xf32, #tpu.memory_space<vmem>> -> memref<40x4x128xf32, #tpu.memory_space<vmem>>
      %dma_start3A_260 = arith.constant 0 : i32
      %dma_start3A_261 = tpu.memref_slice %arg4[%mul3A_224, %mul3A_226, %dma_start3A_260] : memref<200x256x128xf32, #tpu.memory_space<hbm>> -> memref<40x4x128xf32, #tpu.memory_space<hbm>>
      %dma_start3A_262 = arith.constant 0 : i32
      %dma_start3A_263 = tpu.memref_slice %arg4[%mul3A_224, %mul3A_226, %dma_start3A_262] : memref<200x256x128xf32, #tpu.memory_space<hbm>> -> memref<40x4x128xf32, #tpu.memory_space<hbm>>
      %dma_start3A_264 = arith.constant 0 : i32
      %dma_start3A_265 = arith.constant 0 : i32
      %dma_start3A_266 = arith.constant 0 : i32
      %dma_start3A_267 = tpu.memref_slice %arg7[%dma_start3A_254, %dma_start3A_264, %dma_start3A_265, %dma_start3A_266] : memref<2x40x4x128xf32, #tpu.memory_space<vmem>> -> memref<1x40x4x128xf32, #tpu.memory_space<vmem>>
      %dma_start3A_268 = tpu.memref_squeeze %dma_start3A_267 : memref<1x40x4x128xf32, #tpu.memory_space<vmem>> -> memref<40x4x128xf32, #tpu.memory_space<vmem>>
      tpu.enqueue_dma source(%dma_start3A_268 : memref<40x4x128xf32, #tpu.memory_space<vmem>>) target(%dma_start3A_263 : memref<40x4x128xf32, #tpu.memory_space<hbm>>) target_semaphore(%arg10 : memref<!tpu.dma_semaphore, #tpu.memory_space<semaphore_mem>>)
      %add3A_269 = arith.constant 2 : i32
      %add3A_270 = arith.addi %add3A_188, %add3A_269 : i32
      %lt3A_271 = arith.constant 10 : i32
      %lt3A_272 = arith.cmpi slt, %add3A_270, %lt3A_271 : i32
      %convert_element_type3A_273 = arith.extui %lt3A_272 : i1 to i32
      %cond3A_274 = arith.constant 0 : i32
      %cond3A_275 = arith.cmpi ne, %convert_element_type3A_273, %cond3A_274 : i32
      scf.if %cond3A_275 {
        %add3A_276 = arith.constant 2 : i32
        %add3A_277 = arith.addi %add3A_188, %add3A_276 : i32
        %jit3A_278 = arith.constant 5 : i32
        %div3A_279 = arith.divsi %add3A_277, %jit3A_278 : i32
        %sign3A_280 = arith.constant 0 : i32
        %sign3A_281 = arith.cmpi sgt, %add3A_277, %sign3A_280 : i32
        %sign3A_282 = arith.extui %sign3A_281 : i1 to i32
        %sign3A_283 = arith.constant 0 : i32
        %sign3A_284 = arith.cmpi slt, %add3A_277, %sign3A_283 : i32
        %sign3A_285 = arith.extui %sign3A_284 : i1 to i32
        %sign3A_286 = arith.subi %sign3A_282, %sign3A_285 : i32
        %sign3A_287 = arith.constant 0 : i32
        %sign3A_288 = arith.cmpi sgt, %jit3A_278, %sign3A_287 : i32
        %sign3A_289 = arith.extui %sign3A_288 : i1 to i32
        %sign3A_290 = arith.constant 0 : i32
        %sign3A_291 = arith.cmpi slt, %jit3A_278, %sign3A_290 : i32
        %sign3A_292 = arith.extui %sign3A_291 : i1 to i32
        %sign3A_293 = arith.subi %sign3A_289, %sign3A_292 : i32
        %ne3A_294 = arith.cmpi ne, %sign3A_286, %sign3A_293 : i32
        %rem3A_295 = arith.remsi %add3A_277, %jit3A_278 : i32
        %ne3A_296 = arith.constant 0 : i32
        %ne3A_297 = arith.cmpi ne, %rem3A_295, %ne3A_296 : i32
        %and3A_298 = arith.andi %ne3A_294, %ne3A_297 : i1
        %sub3A_299 = arith.constant 1 : i32
        %sub3A_300 = arith.subi %div3A_279, %sub3A_299 : i32
        %select_n3A_301 = arith.select %and3A_298, %sub3A_300, %div3A_279 : i32
        %mul3A_302 = arith.constant 5 : i32
        %mul3A_303 = arith.muli %select_n3A_301, %mul3A_302 : i32
        %sub3A_304 = arith.subi %add3A_277, %mul3A_303 : i32
        %mul3A_305 = arith.constant 4 : i32
        %mul3A_306 = arith.muli %add3A, %mul3A_305 : i32
        %mul3A_307 = arith.constant 2 : i32
        %mul3A_308 = arith.muli %mul3A_307, %select_n3A_301 : i32
        %add3A_309 = arith.addi %mul3A_306, %mul3A_308 : i32
        %mul3A_310 = arith.constant 5 : i32
        %mul3A_311 = arith.muli %sub3A_304, %mul3A_310 : i32
        %mul3A_312 = arith.constant 40 : i32
        %mul3A_313 = arith.muli %sub3A_304, %mul3A_312 : i32
        %mul3A_314 = arith.constant 2 : i32
        %mul3A_315 = arith.muli %mul3A_314, %add3A_309 : i32
        %dma_start3A_316 = arith.constant 1 : i32
        %dma_start3A_317 = arith.constant 0 : i32
        %dma_start3A_318 = arith.constant 0 : i32
        %dma_start3A_319 = arith.constant 0 : i32
        %dma_start3A_320 = arith.constant 0 : i32
        %dma_start3A_321 = tpu.memref_slice %arg6[%dma_start3A_316, %dma_start3A_317, %dma_start3A_318, %dma_start3A_319, %dma_start3A_320] : memref<2x5x2x8x128xi32, #tpu.memory_space<vmem>> -> memref<1x5x2x8x128xi32, #tpu.memory_space<vmem>>
        %dma_start3A_322 = tpu.memref_squeeze %dma_start3A_321 : memref<1x5x2x8x128xi32, #tpu.memory_space<vmem>> -> memref<5x2x8x128xi32, #tpu.memory_space<vmem>>
        %dma_start3A_323 = arith.constant 0 : i32
        %dma_start3A_324 = arith.constant 0 : i32
        %dma_start3A_325 = tpu.memref_slice %arg3[%mul3A_311, %add3A_309, %dma_start3A_323, %dma_start3A_324] : memref<25x128x8x128xi32, #tpu.memory_space<hbm>> -> memref<5x2x8x128xi32, #tpu.memory_space<hbm>>
        %dma_start3A_326 = arith.constant 0 : i32
        %dma_start3A_327 = arith.constant 0 : i32
        %dma_start3A_328 = arith.constant 0 : i32
        %dma_start3A_329 = arith.constant 0 : i32
        %dma_start3A_330 = tpu.memref_slice %arg6[%dma_start3A_316, %dma_start3A_326, %dma_start3A_327, %dma_start3A_328, %dma_start3A_329] : memref<2x5x2x8x128xi32, #tpu.memory_space<vmem>> -> memref<1x5x2x8x128xi32, #tpu.memory_space<vmem>>
        %dma_start3A_331 = tpu.memref_squeeze %dma_start3A_330 : memref<1x5x2x8x128xi32, #tpu.memory_space<vmem>> -> memref<5x2x8x128xi32, #tpu.memory_space<vmem>>
        %dma_start3A_332 = arith.constant 0 : i32
        %dma_start3A_333 = arith.constant 0 : i32
        %dma_start3A_334 = tpu.memref_slice %arg3[%mul3A_311, %add3A_309, %dma_start3A_332, %dma_start3A_333] : memref<25x128x8x128xi32, #tpu.memory_space<hbm>> -> memref<5x2x8x128xi32, #tpu.memory_space<hbm>>
        tpu.enqueue_dma source(%dma_start3A_334 : memref<5x2x8x128xi32, #tpu.memory_space<hbm>>) target(%dma_start3A_331 : memref<5x2x8x128xi32, #tpu.memory_space<vmem>>) target_semaphore(%arg9 : memref<!tpu.dma_semaphore, #tpu.memory_space<semaphore_mem>>)
      } else {
      }
    }
    %scan3A_62 = arith.constant 5 : i32
    %mul3A_63 = arith.constant 4 : i32
    %mul3A_64 = arith.muli %add3A, %mul3A_63 : i32
    %add3A_65 = arith.constant 2 : i32
    %add3A_66 = arith.addi %mul3A_64, %add3A_65 : i32
    %mul3A_67 = arith.constant 2 : i32
    %mul3A_68 = arith.muli %mul3A_67, %add3A_66 : i32
    %mul3A_69 = arith.constant 4 : i32
    %mul3A_70 = arith.muli %add3A, %mul3A_69 : i32
    %add3A_71 = arith.constant 2 : i32
    %add3A_72 = arith.addi %mul3A_70, %add3A_71 : i32
    %mul3A_73 = arith.constant 2 : i32
    %mul3A_74 = arith.muli %mul3A_73, %add3A_72 : i32
    %dma_wait3A = arith.constant 0 : i32
    %dma_wait3A_75 = arith.constant 0 : i32
    %dma_wait3A_76 = arith.constant 0 : i32
    %dma_wait3A_77 = arith.constant 0 : i32
    %dma_wait3A_78 = tpu.memref_slice %arg7[%dma_wait3A, %dma_wait3A_75, %dma_wait3A_76, %dma_wait3A_77] : memref<2x40x4x128xf32, #tpu.memory_space<vmem>> -> memref<1x40x4x128xf32, #tpu.memory_space<vmem>>
    %dma_wait3A_79 = tpu.memref_squeeze %dma_wait3A_78 : memref<1x40x4x128xf32, #tpu.memory_space<vmem>> -> memref<40x4x128xf32, #tpu.memory_space<vmem>>
    %dma_wait3A_80 = arith.constant 120 : i32
    %dma_wait3A_81 = arith.constant 0 : i32
    %dma_wait3A_82 = tpu.memref_slice %arg4[%dma_wait3A_80, %mul3A_68, %dma_wait3A_81] : memref<200x256x128xf32, #tpu.memory_space<hbm>> -> memref<40x4x128xf32, #tpu.memory_space<hbm>>
    %dma_wait3A_83 = arith.constant 120 : i32
    %dma_wait3A_84 = arith.constant 0 : i32
    %dma_wait3A_85 = tpu.memref_slice %arg4[%dma_wait3A_83, %mul3A_68, %dma_wait3A_84] : memref<200x256x128xf32, #tpu.memory_space<hbm>> -> memref<40x4x128xf32, #tpu.memory_space<hbm>>
    %dma_wait3A_86 = arith.constant 0 : i32
    %dma_wait3A_87 = arith.constant 0 : i32
    %dma_wait3A_88 = arith.constant 0 : i32
    %dma_wait3A_89 = tpu.memref_slice %arg7[%dma_wait3A, %dma_wait3A_86, %dma_wait3A_87, %dma_wait3A_88] : memref<2x40x4x128xf32, #tpu.memory_space<vmem>> -> memref<1x40x4x128xf32, #tpu.memory_space<vmem>>
    %dma_wait3A_90 = tpu.memref_squeeze %dma_wait3A_89 : memref<1x40x4x128xf32, #tpu.memory_space<vmem>> -> memref<40x4x128xf32, #tpu.memory_space<vmem>>
    tpu.wait_dma2 semaphore(%arg10 : memref<!tpu.dma_semaphore, #tpu.memory_space<semaphore_mem>>) src(%dma_wait3A_90 : memref<40x4x128xf32, #tpu.memory_space<vmem>>) dst(%dma_wait3A_85 : memref<40x4x128xf32, #tpu.memory_space<hbm>>)
    %dma_wait3A_91 = arith.constant 1 : i32
    %dma_wait3A_92 = arith.constant 0 : i32
    %dma_wait3A_93 = arith.constant 0 : i32
    %dma_wait3A_94 = arith.constant 0 : i32
    %dma_wait3A_95 = tpu.memref_slice %arg7[%dma_wait3A_91, %dma_wait3A_92, %dma_wait3A_93, %dma_wait3A_94] : memref<2x40x4x128xf32, #tpu.memory_space<vmem>> -> memref<1x40x4x128xf32, #tpu.memory_space<vmem>>
    %dma_wait3A_96 = tpu.memref_squeeze %dma_wait3A_95 : memref<1x40x4x128xf32, #tpu.memory_space<vmem>> -> memref<40x4x128xf32, #tpu.memory_space<vmem>>
    %dma_wait3A_97 = arith.constant 160 : i32
    %dma_wait3A_98 = arith.constant 0 : i32
    %dma_wait3A_99 = tpu.memref_slice %arg4[%dma_wait3A_97, %mul3A_74, %dma_wait3A_98] : memref<200x256x128xf32, #tpu.memory_space<hbm>> -> memref<40x4x128xf32, #tpu.memory_space<hbm>>
    %dma_wait3A_100 = arith.constant 160 : i32
    %dma_wait3A_101 = arith.constant 0 : i32
    %dma_wait3A_102 = tpu.memref_slice %arg4[%dma_wait3A_100, %mul3A_74, %dma_wait3A_101] : memref<200x256x128xf32, #tpu.memory_space<hbm>> -> memref<40x4x128xf32, #tpu.memory_space<hbm>>
    %dma_wait3A_103 = arith.constant 0 : i32
    %dma_wait3A_104 = arith.constant 0 : i32
    %dma_wait3A_105 = arith.constant 0 : i32
    %dma_wait3A_106 = tpu.memref_slice %arg7[%dma_wait3A_91, %dma_wait3A_103, %dma_wait3A_104, %dma_wait3A_105] : memref<2x40x4x128xf32, #tpu.memory_space<vmem>> -> memref<1x40x4x128xf32, #tpu.memory_space<vmem>>
    %dma_wait3A_107 = tpu.memref_squeeze %dma_wait3A_106 : memref<1x40x4x128xf32, #tpu.memory_space<vmem>> -> memref<40x4x128xf32, #tpu.memory_space<vmem>>
    tpu.wait_dma2 semaphore(%arg10 : memref<!tpu.dma_semaphore, #tpu.memory_space<semaphore_mem>>) src(%dma_wait3A_107 : memref<40x4x128xf32, #tpu.memory_space<vmem>>) dst(%dma_wait3A_102 : memref<40x4x128xf32, #tpu.memory_space<hbm>>)
    return
  }
}

module attributes {stable_mosaic.version = 14 : i64} {
  func.func @_tc_dtable(%arg0: memref<2x782x128xf32, #tpu.memory_space<vmem>>, %arg1: memref<391x128xi32, #tpu.memory_space<vmem>>) attributes {dimension_semantics = [], scalar_prefetch = 0 : i64, scratch_operands = 0 : i64, tpu.core_type = #tpu.core_type<tc>} {
    %get3A = arith.constant 0 : index
    %get3A_0 = arith.constant 0 : index
    %get3A_1 = arith.constant 0 : index
    %get3A_2 = vector.load %arg0[%get3A, %get3A_0, %get3A_1] : memref<2x782x128xf32, #tpu.memory_space<vmem>>, vector<1x782x128xf32>
    %get3A_3 = vector.shape_cast %get3A_2 : vector<1x782x128xf32> to vector<782x128xf32>
    %get3A_4 = arith.constant 1 : index
    %get3A_5 = arith.constant 0 : index
    %get3A_6 = arith.constant 0 : index
    %get3A_7 = vector.load %arg0[%get3A_4, %get3A_5, %get3A_6] : memref<2x782x128xf32, #tpu.memory_space<vmem>>, vector<1x782x128xf32>
    %get3A_8 = vector.shape_cast %get3A_7 : vector<1x782x128xf32> to vector<782x128xf32>
    %sub3A = arith.subf %get3A_8, %get3A_3 : vector<782x128xf32>
    %exp3A = math.exp %sub3A : vector<782x128xf32>
    %add3A = arith.constant 1.000000e+00 : f32
    %add3A_9 = vector.broadcast %add3A : f32 to vector<782x128xf32>
    %add3A_10 = arith.addf %add3A_9, %exp3A : vector<782x128xf32>
    %div3A = arith.constant 1.000000e+00 : f32
    %div3A_11 = vector.broadcast %div3A : f32 to vector<782x128xf32>
    %div3A_12 = arith.divf %div3A_11, %add3A_10 : vector<782x128xf32>
    %bitcast_convert_type3A = tpu.bitcast %div3A_12 : vector<782x128xf32> -> vector<782x128xi32>
    %add3A_13 = arith.constant 32768 : i32
    %add3A_14 = vector.broadcast %add3A_13 : i32 to vector<782x128xi32>
    %add3A_15 = arith.addi %bitcast_convert_type3A, %add3A_14 : vector<782x128xi32>
    %slice3A = vector.extract_strided_slice %add3A_15 {offsets = [0, 0], sizes = [391, 128], strides = [1, 1]} : vector<782x128xi32> to vector<391x128xi32>
    %shift_right_logical3A = arith.constant 16 : i32
    %shift_right_logical3A_16 = vector.broadcast %shift_right_logical3A : i32 to vector<391x128xi32>
    %shift_right_logical3A_17 = arith.shrui %slice3A, %shift_right_logical3A_16 : vector<391x128xi32>
    %and3A = arith.constant 65535 : i32
    %and3A_18 = vector.broadcast %and3A : i32 to vector<391x128xi32>
    %and3A_19 = arith.andi %shift_right_logical3A_17, %and3A_18 : vector<391x128xi32>
    %slice3A_20 = vector.extract_strided_slice %add3A_15 {offsets = [391, 0], sizes = [391, 128], strides = [1, 1]} : vector<782x128xi32> to vector<391x128xi32>
    %and3A_21 = arith.constant -65536 : i32
    %and3A_22 = vector.broadcast %and3A_21 : i32 to vector<391x128xi32>
    %and3A_23 = arith.andi %slice3A_20, %and3A_22 : vector<391x128xi32>
    %or3A = arith.ori %and3A_19, %and3A_23 : vector<391x128xi32>
    %bitcast_convert_type3A_24 = tpu.bitcast %or3A : vector<391x128xi32> -> vector<391x128xi32>
    %swap3A = arith.constant 0 : index
    %swap3A_25 = arith.constant 0 : index
    %swap3A_26 = vector.load %arg1[%swap3A, %swap3A_25] : memref<391x128xi32, #tpu.memory_space<vmem>>, vector<391x128xi32>
    tpu.vector_store %arg1[%swap3A, %swap3A_25], %bitcast_convert_type3A_24 {strides = array<i32>} : memref<391x128xi32, #tpu.memory_space<vmem>>, vector<391x128xi32>,
    return
  }
}

</mosaic_0001>

<sc_bundles>
// kernel: kernel.4.cloned.1.call-start
scs
__scs_entry_jumppad:
0x0: {  	(pc) =	sbr.rel $0x88, $3  }
0x1: {  	(tag) =	ssettag $0x0;
	lr =	simm.s32 $0x1  }
0x2: {  	[smem:$0x3F9F] =	sst lr;
	_ =	strace $0xD0000000  }
0x3: {  	_ = 	snop  }
0x4: {  	_ = 	snop  }
0x5: {  	_ = 	snop  }
0x6: {  	_ = 	snop  }
0x7: {  	_ = 	snop  }
__scs_overlays_trampoline_lowered:
0x8: {  	[smem:$0x3FAE] =	sst s0  }
0x9: {  	[smem:$0x3FAF] =	sst s1  }
0xa: {  	[smem:$0x3FB0] =	sst s2  }
0xb: {  	[smem:$0x3FB1] =	sst s3  }
0xc: {  	[smem:$0x3FB2] =	sst s4  }
0xd: {  	[smem:$0x3FB3] =	sst s5  }
0xe: {  	[smem:$0x3FB4] =	sst s6  }
0xf: {  	[smem:$0x3FB5] =	sst s7  }
0x10: {  	[smem:$0x3FB6] =	sst s8  }
0x11: {  	[smem:$0x3FB7] =	sst s9;
	s0 =	simm.s32 @!p0 $0x0  }
0x12: {  	s1 =	sld [smem:$0x3F9D];
	s0 =	simm.s32 @p0 $0x1  }
0x13: {  	[smem:$0x3FB8] =	sst s0;
	s0 =	simm.s32 @!p1 $0x0  }
0x14: {  	s2 =	sld [smem:$0x3F9C];
	s0 =	simm.s32 @p1 $0x1  }
0x15: {  	[smem:$0x3FB9] =	sst s0;
	s0 =	simm.s32 @!p2 $0x0  }
0x16: {  	s3 =	sld [smem:$0x3FDB];
	s0 =	simm.s32 @p2 $0x1  }
0x17: {  	s4 =	simm.s32 $0x1BF5;
	[smem:$0x3FBB] =	sst s0  }
0x18: {  	s0 =	sld [smem:$0x3F9E];
	_ =	swait.ge [sflag:s4], $0x0  }
0x19: {  	s7 =	sld [smem:$0x3F9F]  }
0x1a: {  	s8 =	sadd.s32 $0xFFFFE003, lr  }
0x1b: {  	s9 =	sadd.s32 $0xFFFFFEF7, lr;
	s5 =	simm.s32 $0xFFFFFFFF;
	p2 =	slt.u32 s8, $0xFFFFF086  }
0x1c: {  	p1 =	slt.u32 s9, $0xF7A;
	s5 =	simm.s32 @!p2 $0x0  }
0x1d: {  	s5 =	simm.s32 @p1 $0x1;
	p0 =	seq.s32 s7, s2  }
0x1e: {  	s7 =	smul.u32 @!p0 $0xF7A, s2;
	p2 =	seq.s32 @!p0 s5, $0x0  }
0x1f: {  	s9 =	smul.u32 $0xF7A, s1;
	s8 =	simm.s32 @!p0 $0x1BF5;
	p2 =	por !p2, p0  }
0x20: {  	[sflag:s8] =	ssyncset.s32 @!p0 $0xFFFFF086;
	s6 =	sadd.s32 @!p0 s3, s7;
	s7 =	simm.s32 @!p0 $0x108  }
0x21: {  	s3 =	sadd.s32 s3, s9;
	s6 =	sadd.s32 @!p0 $0x88, s6;
	s7 =	simm.s32 @p2 $0x1082  }
0x22: {  	[simem:s7], [sflag:s8] =	dma.local @!p0 [hbm:s6], $0xF7A  }
0x23: {  	s9 =	sor.u32 $0xD0000000, s2;
	s6 =	simm.s32 $0x108;
	_ =	swait.ge @!p0 [sflag:s8], $0x0  }
0x24: {  	s3 =	sadd.s32 $0x88, s3;
	s6 =	simm.s32 @!p1 $0x1082;
	[sflag:s4] =	ssyncset.s32 $0xFFFFF086  }
0x25: {  	[simem:s6], [sflag:s4] =	dma.local [hbm:s3], $0xF7A  }
0x26: {  	[smem:$0x3F9F] =	sst s1;
	(tag) =	ssettag s2;
	_ =	strace s9  }
0x27: {  	s1 =	sld [smem:$0x3FAF]  }
0x28: {  	s2 =	sld [smem:$0x3FB0]  }
0x29: {  	s4 =	sld [smem:$0x3FB2]  }
0x2a: {  	p0 =	seq.s32 s5, $0x0;
	s5 =	sld [smem:$0x3FB3]  }
0x2b: {  	s6 =	sld [smem:$0x3FB4]  }
0x2c: {  	s7 =	sld [smem:$0x3FB5]  }
0x2d: {  	s3 =	simm.s32 $0x108;
	s8 =	sld [smem:$0x3FB6]  }
0x2e: {  	s3 =	simm.s32 @!p0 $0x1082;
	s9 =	sld [smem:$0x3FB7]  }
0x2f: {  	lr =	sadd.s32 s0, s3;
	s0 =	sld [smem:$0x3FAE]  }
0x30: {  	s3 =	sld [smem:$0x3FB1]  }
0x31: {  	[smem:$0x3FBA] =	sst s10  }
0x32: {  	s10 =	sld [smem:$0x3FB8];
	_ =	sdelay $0x3  }
0x33: {  	p0 =	seq.s32 s10, $0x1;
	s10 =	sld [smem:$0x3FBA];
	_ =	sdelay $0x3  }
0x34: {  	[smem:$0x3FBA] =	sst s10  }
0x35: {  	s10 =	sld [smem:$0x3FB9];
	_ =	sdelay $0x3  }
0x36: {  	p1 =	seq.s32 s10, $0x1;
	s10 =	sld [smem:$0x3FBA];
	_ =	sdelay $0x3  }
0x37: {  	[smem:$0x3FBA] =	sst s10  }
0x38: {  	s10 =	sld [smem:$0x3FBB]  }
0x39: {  	_ = 	snop;
	(pc) =	sbr.ind lr, $3  }
0x3a: {  	_ = 	snop  }
0x3b: {  	_ = 	snop  }
0x3c: {  	p2 =	seq.s32 s10, $0x1;
	s10 =	sld [smem:$0x3FBA]  }
0x3d: {  	_ =	shalt  }
0x3e: {  	_ =	shalt  }
0x3f: {  	_ =	shalt  }
0x40: {  	_ =	shalt  }
0x41: {  	_ =	shalt  }
0x42: {  	_ =	shalt  }
0x43: {  	_ =	shalt  }
0x44: {  	_ =	shalt  }
0x45: {  	_ =	shalt  }
0x46: {  	_ =	shalt  }
0x47: {  	_ =	shalt  }
0x48: {  	_ =	shalt  }
0x49: {  	_ =	shalt  }
0x4a: {  	_ =	shalt  }
0x4b: {  	_ =	shalt  }
0x4c: {  	_ =	shalt  }
0x4d: {  	_ =	shalt  }
0x4e: {  	_ =	shalt  }
0x4f: {  	_ =	shalt  }
0x50: {  	_ =	shalt  }
0x51: {  	_ =	shalt  }
0x52: {  	_ =	shalt  }
0x53: {  	_ =	shalt  }
0x54: {  	_ =	shalt  }
0x55: {  	_ =	shalt  }
0x56: {  	_ =	shalt  }
0x57: {  	_ =	shalt  }
0x58: {  	_ =	shalt  }
0x59: {  	_ =	shalt  }
0x5a: {  	_ =	shalt  }
0x5b: {  	_ =	shalt  }
0x5c: {  	_ =	shalt  }
0x5d: {  	_ =	shalt  }
0x5e: {  	_ =	shalt  }
0x5f: {  	_ =	shalt  }
0x60: {  	_ =	shalt  }
0x61: {  	_ =	shalt  }
0x62: {  	_ =	shalt  }
0x63: {  	_ =	shalt  }
0x64: {  	_ =	shalt  }
0x65: {  	_ =	shalt  }
0x66: {  	_ =	shalt  }
0x67: {  	_ =	shalt  }
0x68: {  	_ =	shalt  }
0x69: {  	_ =	shalt  }
0x6a: {  	_ =	shalt  }
0x6b: {  	_ =	shalt  }
0x6c: {  	_ =	shalt  }
0x6d: {  	_ =	shalt  }
0x6e: {  	_ =	shalt  }
0x6f: {  	_ =	shalt  }
0x70: {  	_ =	shalt  }
0x71: {  	_ =	shalt  }
0x72: {  	_ =	shalt  }
0x73: {  	_ =	shalt  }
0x74: {  	_ =	shalt  }
0x75: {  	_ =	shalt  }
0x76: {  	_ =	shalt  }
0x77: {  	_ =	shalt  }
0x78: {  	_ =	shalt  }
0x79: {  	_ =	shalt  }
0x7a: {  	_ =	shalt  }
0x7b: {  	_ =	shalt  }
0x7c: {  	_ =	shalt  }
0x7d: {  	_ =	shalt  }
0x7e: {  	_ =	shalt  }
0x7f: {  	_ =	shalt  }
0x80: {  	_ =	shalt  }
0x81: {  	_ =	shalt  }
0x82: {  	_ =	shalt  }
0x83: {  	_ =	shalt  }
0x84: {  	_ =	shalt  }
0x85: {  	_ =	shalt  }
0x86: {  	_ =	shalt  }
0x87: {  	_ =	shalt  }
.Lfunc_end0:
.L_simem_size_0:
called_computation_lowered:
.L_overlay_start_0:
0x88: {  	s2 =	sld [smem:$0x3FD9]  }
0x89: {  	s3 =	sld [smem:$0x3FFE];
	_ =	sdelay $0x1  }
0x8a: {  	s1 =	srdreg.scid  }
0x8b: {  	s0 =	sand.u32 $0x1, s1  }
0x8c: {  	s17 =	sshll.u32 s0, $0xA;
	s2 =	sadd.s32 s3, s2  }
0x8d: {  	s2 =	sadd.s32 s2, s17  }
0x8e: {  	[smem:$0x3FC6] =	sst s2  }
0x8f: {  	_ = 	snop  }
0x90: {  	s2 =	sld [smem:$0x3FC9]  }
0x91: {  	s18 =	sld [smem:$0x3FD0];
	(tm) =	ssettm $0x1  }
0x92: {  	s4 =	sld [smem:$0x3FFB];
	_ =	sdelay $0x3  }
0x93: {  	_ =	strace s4  }
0x94: {  	s4 =	sld [smem:$0x3FFC];
	_ =	sdelay $0x3  }
0x95: {  	_ =	strace s4  }
0x96: {  	s4 =	sld [smem:$0x3FFD];
	_ =	sdelay $0x3  }
0x97: {  	_ =	strace s4  }
0x98: {  	_ =	strace $0x8FFFFFFF  }
0x99: {  	s19 =	sld [smem:$0x3FDB];
	_ =	sdelay $0x1  }
0x9a: {  	s5 =	simm.s32 $_scs_section_size  }
0x9b: {  	s6 =	simm.s32 $_size__tile_overlayer_lowered;
	s7 =	simm.s32 $_tile_overlayer_lowered  }
0x9c: {  	s22 =	simm.s32 $0x1BFF;
	s21 =	sshll.u32 s7, $0x1;
	s4 =	sadd.s32 s5, s19  }
0x9d: {  	s8 =	simm.s32 $0x0;
	s20 =	sshll.u32 s6, $0x1;
	s6 =	sadd.s32 s21, s4  }
0x9e: {  	[timem:s8], [sflag:s22] =	dma.local [hbm:s6], s20  }
0x9f: {  	_ =	swait.ge [sflag:s22], s20  }
0xa0: {  	s5 =	ssub.s32 $0x0, s20;
	[sflag:s22] =	ssyncset.done $0x0  }
0xa1: {  	[sflag:s22] =	ssyncadd.s32 s5;
	_ =	sdelay $0x1  }
0xa2: {  	s23 =	simm.s32 $0x1B8B  }
0xa3: {  	_ =	swait.ge [sflag:s23], $0x1  }
0xa4: {  	[sflag:s23] =	ssyncset.done $0x0  }
0xa5: {  	s25 =	simm.s32 $0x1B8E;
	s24 =	sld [smem:$0x3FFE];
	[sflag:s23] =	ssyncadd.s32 $0xFFFFFFFF  }
0xa6: {  	s26 =	simm.s32 $execute0_lowered;
	[smem:$0x3FD2] =	sst s25  }
0xa7: {  	s6 =	sshll.u32 s26, $0x1;
	_ =	strace $0x80000046;
	[dreg:$0x1] =	wrdreg $0xFFFFFFFF  }
0xa8: {  	s28 =	simm.s32 $_size_execute0_lowered;
	s4 =	sadd.s32 s4, s6;
	[dreg:$0x0] =	wrdreg $0x0  }
0xa9: {  	s6 =	sshll.u32 s28, $0x1;
	[dreg:$0x2] =	wrdreg s4  }
0xaa: {  	[dreg:$0x3] =	wrdreg s6  }
0xab: {  	[dreg:$0x4] =	wrdreg $0xC0  }
0xac: {  	_ =	task [dreg:s8], $0x5FFFF  }
0xad: {  	[dreg:$0x1] =	wrdreg $0xFFFFFFFF  }
0xae: {  	[dreg:$0x0] =	wrdreg $0x60  }
0xaf: {  	[dreg:$0x2] =	wrdreg s24  }
0xb0: {  	[dreg:$0x3] =	wrdreg s2  }
0xb1: {  	[dreg:$0x4] =	wrdreg s18  }
0xb2: {  	[dreg:$0x5] =	wrdreg $0x1B3800  }
0xb3: {  	[dreg:$0x6] =	wrdreg $0x9  }
0xb4: {  	_ =	task.clear_ibuf [dreg:s8], $0x7FFFF;
	_ =	strace $0x90000046  }
0xb5: {  	s29 =	simm.s32 $0x9;
	_ =	strace $0x80000048  }
0xb6: {  	_ =	swait.ge [sflag:s29], $0x1  }
0xb7: {  	[sflag:s29] =	ssyncadd.s32 $0xFFFFFFFF  }
0xb8: {  	_ =	strace $0x90000048  }
0xb9: {  	_ =	sfence  }
0xba: {  	s30 =	sld [smem:$0x0];
	_ =	sdelay $0x2  }
0xbb: {  	s31 =	sshll.u32 s1, $0xD;
	s1 =	sshrl.u32 s1, $0x2  }
0xbc: {  	s3 =	sand.u32 $0x4000, s31;
	s1 =	sadd.s32 s1, s30  }
0xbd: {  	s0 =	sor.u32 s3, s0;
	s1 =	sshll.u32 s1, $0x11  }
0xbe: {  	s0 =	sor.u32 s1, s0  }
0xbf: {  	s0 =	sadd.s32 $0x8F2B, s0  }
0xc0: {  	[sflag:s0] =	ssyncadd.remote.s32 $0x1  }
0xc1: {  	_ =	sfence.sel $0xFFFF  }
0xc2: {  	[dreg:$0x0] =	wrdreg $0xFFFFFFFF;
	(pc) =	sbr.abs _section_cstart, $3  }
0xc3: {  	[dreg:$0x1] =	wrdreg $0xFFFFFFFF  }
0xc4: {  	_ =	task.clear_ibuf [dreg:s8], $0x2FFFF;
	_ =	strace $0x9FFFFFFF  }
0xc5: {  	(tm) =	ssettm $0x7FFFFFFF  }
tec
execute0_lowered:
.L_overlay_start_1:
0x0: {  	(tag) =	ssettag $0x1  }
0x1: {  	s0 =	rddreg [dreg:$0x0]  }
0x2: {  	s1 =	rddreg [dreg:$0x1]  }
0x3: {  	s9 =	rddreg [dreg:$0x3];
	s5 =	simm.s32 $0x0  }
0x4: {  	s3 =	stileid.u32;
	s2 =	srdreg.scid;
	s20 =	simm.s32 $0x200  }
0x5: {  	s21 =	simm.s32 $0x1;
	[smem:$0x7FF] =	sst s5;
	s10 =	smul.u32 $0xC38, s3  }
0x6: {  	s2 =	sand.u32 $0x1, s2;
	s4 =	sshll.u32 s3, $0x3;
	_ =	strace $0x80000047  }
0x7: {  	s6 =	sshll.u32 s2, $0x2;
	s2 =	ssub.s32 $0x2, s2;
	s7 =	sshrl.u32 s10, $0x3  }
0x8: {  	s4 =	sor.u32 s6, s4;
	s28 =	sshrl.u32 s2, $0x1;
	[dreg:$0x5] =	wrdreg s10  }
0x9: {  	s30 =	sadd.s32 s10, s9;
	s0 =	sadd.s32 s7, s0;
	s29 =	sshll.u32 s4, $0x7  }
.Ltmp0:
0xa: {  	[dreg:$0x9] =	wrdreg s30;
	s1 =	sadd.s32 s1, s29;
	(pc) =	sbr.rel .LBB2_1-.Ltmp0, $4  }
0xb: {  	s2 =	ssub.s32 s2, s28;
	s0 =	sadd.s32 $0x600, s0;
	[dreg:$0x6] =	wrdreg s1  }
0xc: {  	s22 =	simm.s32 $0x8000;
	s31 =	smax.u32 s2, $0x1;
	[dreg:$0x8] =	wrdreg s0  }
0xd: {  	s8 =	sshll.u32 s4, $0xA;
	s1 =	sadd.s32 $0x14000, s1;
	[dreg:$0xa] =	wrdreg s31  }
0xe: {  	s12 =	sshll.u32 s4, $0x8;
	s2 =	simm.s32 $0x0;
	[dreg:$0x7] =	wrdreg s1  }
.LBB2_8:
0xf: {  	s1 =	simm.s32 $0x2  }
0x10: {  	_ =	swait.ge [sflag:s1], $0x5000  }
0x11: {  	[sflag:s1] =	ssyncset.done $0x0  }
0x12: {  	[sflag:s1] =	ssyncadd.s32 $0xFFFFB000  }
0x13: {  	_ =	swait.ge [sflag:s1], $0x5000  }
0x14: {  	s2 =	rddreg [dreg:$0xb]  }
0x15: {  	s0 =	rddreg [dreg:$0xa];
	s2 =	sadd.s32 $0x1, s2  }
0x16: {  	p0 =	sne.s32 s2, s0  }
.Ltmp1:
0x17: {  	_ = 	snop;
	(pc) =	sbr.rel @!p0 .LBB2_9-.Ltmp1, $3  }
0x18: {  	_ =	sdelay $0x1  }
0x19: {  	[sflag:s1] =	ssyncset.done $0x0  }
0x1a: {  	[sflag:s1] =	ssyncadd.s32 $0xFFFFB000  }
.LBB2_1:
0x1b: {  	[dreg:$0xb] =	wrdreg s2  }
0x1c: {  	s0 =	rddreg [dreg:$0x6];
	s1 =	simm.s32 $0x800  }
0x1d: {  	s18 =	simm.s32 $0x20000;
	s3 =	simm.s32 $0xC380;
	s19 =	rddreg [dreg:$0x7]  }
0x1e: {  	[tilespmem:s3], [sflag:$0x1] =	stream.strided.gather [hbm4b:s0+s1], $0x2800, s18, s1, $0x38;
	[tilespmem:$0x1BFB8] =	vst v63  }
0x1f: {  	s23 =	simm.s32 $0xEB80;
	s24 =	rddreg [dreg:$0x5]  }
0x20: {  	[tilespmem:s23], [sflag:$0x1] =	stream.strided.gather [hbm4b:s19+s1], $0x2800, s18, s1, $0x38;
	[tilespmem:$0x1BFB8] =	vst v63  }
0x21: {  	s25 =	rddreg [dreg:$0x8];
	s26 =	simm.s32 $0x4  }
0x22: {  	[tilespmem:s24], [sflag:$0x4] =	stream.linear.gather [hbm4b:s25+s5], $0xC38, $0x38;
	[tilespmem:$0x1BFB8] =	vst v63  }
0x23: {  	_ =	swait.ge [sflag:s26], $0xC38  }
0x24: {  	[sflag:s26] =	ssyncset.done $0x0  }
0x25: {  	s29 =	rddreg [dreg:$0x9];
	[sflag:s26] =	ssyncadd.s32 $0xFFFFF3C8  }
0x26: {  	[spmem:s29] =	stream.linear.scatter [tilespmem:s24], [sflag:$0x4], $0xC38, $0x38;
	[tilespmem:$0x1BFB8] =	vst v63  }
0x27: {  	_ =	swait.ge [sflag:s26], $0xC38  }
0x28: {  	[sflag:s26] =	ssyncset.done $0x0  }
0x29: {  	[sflag:s26] =	ssyncadd.s32 $0xFFFFF3C8  }
0x2a: {  	[bflag:$0x0] =	sbarrier.arrive $0xFFFF  }
0x2b: {  	s31 =	simm.s32 $0x3;
	s30 =	rddreg [dreg:$0x3]  }
0x2c: {  	[tilespmem:s5], [sflag:$0x3] =	stream.linear.gather [spmem:s30], $0xC380, $0x38;
	[tilespmem:$0x1BFB8] =	vst v63  }
0x2d: {  	_ =	swait.ge [sflag:s31], $0xC380  }
0x2e: {  	[sflag:s31] =	ssyncset.done $0x0  }
0x2f: {  	s28 =	simm.s32 $0x0;
	[sflag:s31] =	ssyncadd.s32 $0xFFFF3C80  }
.LBB2_2:
0x30: {  	_ =	swait.ge [sflag:s21], $0x2800  }
0x31: {  	p1 =	seq.s32 s28, $0x0;
	[sflag:s21] =	ssyncset.done $0x0  }
0x32: {  	s0 =	simm.s32 @!p1 $0x2;
	[sflag:s21] =	ssyncadd.s32 $0xFFFFD800  }
0x33: {  	s2 =	simm.s32 $0x0;
	_ =	swait.ge @!p1 [sflag:s0], $0x5000  }
0x34: {  	s4 =	sand.u32 $0x3800, s2;
	s2 =	sand.u32 $0x380, s2;
	[sflag:s0] =	ssyncset.done @!p1 $0x0  }
0x35: {  	s26 =	sor.u32 s2, s4;
	[sflag:s0] =	ssyncadd.s32 @!p1 $0xFFFFB000  }
0x36: {  	v0 =	vld [tilespmem:s26+$0xC380];
	_ =	sdelay $0x4  }
0x37: {  	vm0 =	vgt.s32 v0, $0xC37F;
	v1 =	vadd.s32 $0xFFFF3C80, v0  }
0x38: {  	v0 =	vsel vm0, v1, v0;
	_ =	sdelay $0x4  }
0x39: {  	v0 =	vld.idx.msk [tilespmem:v0+s5+$0x0], $0xffff;
	_ =	sdelay $0x4  }
0x3a: {  	v1 =	vand.u32 $0xFFFF0000, v0;
	v0 =	vshll.u32 v0, $0x10  }
0x3b: {  	v0 =	vsel vm0, v1, v0  }
0x3c: {  	s30 =	simm.s32 $0x11480;
	v1 =	vsub.f32 $1.000000000e+00, v0  }
0x3d: {  	[tilespmem:s30+$0xFFFFFF00] =	vst v0  }
0x3e: {  	[tilespmem:s30+$0xFFFFFF80] =	vst v1  }
0x3f: {  	v0 =	vld [tilespmem:s26+$0xC390];
	_ =	sdelay $0x4  }
0x40: {  	vm0 =	vgt.s32 v0, $0xC37F;
	v1 =	vadd.s32 $0xFFFF3C80, v0  }
0x41: {  	v0 =	vsel vm0, v1, v0;
	_ =	sdelay $0x4  }
0x42: {  	v0 =	vld.idx.msk [tilespmem:v0+s5+$0x0], $0xffff;
	_ =	sdelay $0x4  }
0x43: {  	v1 =	vand.u32 $0xFFFF0000, v0;
	v0 =	vshll.u32 v0, $0x10  }
0x44: {  	v0 =	vsel vm0, v1, v0  }
0x45: {  	v1 =	vsub.f32 $1.000000000e+00, v0  }
0x46: {  	[tilespmem:s30+$0xFFFFFF10] =	vst v0  }
0x47: {  	[tilespmem:s30+$0xFFFFFF90] =	vst v1  }
0x48: {  	s13 =	simm.s32 $0x100;
	s14 =	simm.s32 $0x80;
	v0 =	vld [tilespmem:s26+$0xC3A0]  }
0x49: {  	s2 =	sand.u32 $0x380, s14;
	s0 =	sand.u32 $0x3800, s13  }
0x4a: {  	s2 =	sor.u32 s2, s0  }
0x4b: {  	v1 =	vld [tilespmem:s2+$0xC380];
	_ =	sdelay $0x1  }
0x4c: {  	vm0 =	vgt.s32 v0, $0xC37F;
	v2 =	vadd.s32 $0xFFFF3C80, v0  }
0x4d: {  	v0 =	vsel vm0, v2, v0;
	_ =	sdelay $0x1  }
0x4e: {  	vm1 =	vgt.s32 v1, $0xC37F;
	v2 =	vadd.s32 $0xFFFF3C80, v1  }
0x4f: {  	v1 =	vsel vm1, v2, v1;
	_ =	sdelay $0x1  }
0x50: {  	v0 =	vld.idx.msk [tilespmem:v0+s5+$0x0], $0xffff;
	_ =	sdelay $0x2  }
0x51: {  	v1 =	vld.idx.msk [tilespmem:v1+s5+$0x0], $0xffff;
	_ =	sdelay $0x1  }
0x52: {  	v2 =	vand.u32 $0xFFFF0000, v0;
	v0 =	vshll.u32 v0, $0x10  }
0x53: {  	v0 =	vsel vm0, v2, v0  }
0x54: {  	v2 =	vsub.f32 $1.000000000e+00, v0  }
0x55: {  	v3 =	vand.u32 $0xFFFF0000, v1;
	v1 =	vshll.u32 v1, $0x10;
	[tilespmem:s30+$0xFFFFFF20] =	vst v0  }
0x56: {  	v0 =	vsel vm1, v3, v1;
	[tilespmem:s30+$0xFFFFFFA0] =	vst v2  }
0x57: {  	s31 =	simm.s32 $0x11680;
	v1 =	vsub.f32 $1.000000000e+00, v0;
	v2 =	vld [tilespmem:s26+$0xC3B0]  }
0x58: {  	[tilespmem:s31+$0xFFFFFF00] =	vst v0  }
0x59: {  	[tilespmem:s31+$0xFFFFFF80] =	vst v1  }
0x5a: {  	v0 =	vld [tilespmem:s2+$0xC390];
	_ =	sdelay $0x1  }
0x5b: {  	vm0 =	vgt.s32 v2, $0xC37F;
	v1 =	vadd.s32 $0xFFFF3C80, v2  }
0x5c: {  	v1 =	vsel vm0, v1, v2;
	_ =	sdelay $0x1  }
0x5d: {  	vm1 =	vgt.s32 v0, $0xC37F;
	v2 =	vadd.s32 $0xFFFF3C80, v0  }
0x5e: {  	v0 =	vsel vm1, v2, v0;
	_ =	sdelay $0x1  }
0x5f: {  	v1 =	vld.idx.msk [tilespmem:v1+s5+$0x0], $0xffff;
	_ =	sdelay $0x2  }
0x60: {  	v0 =	vld.idx.msk [tilespmem:v0+s5+$0x0], $0xffff;
	_ =	sdelay $0x1  }
0x61: {  	v2 =	vand.u32 $0xFFFF0000, v1;
	v1 =	vshll.u32 v1, $0x10  }
0x62: {  	v1 =	vsel vm0, v2, v1  }
0x63: {  	v2 =	vsub.f32 $1.000000000e+00, v1  }
0x64: {  	v3 =	vand.u32 $0xFFFF0000, v0;
	v0 =	vshll.u32 v0, $0x10;
	[tilespmem:s30+$0xFFFFFF30] =	vst v1  }
0x65: {  	v0 =	vsel vm1, v3, v0;
	[tilespmem:s30+$0xFFFFFFB0] =	vst v2  }
0x66: {  	v1 =	vsub.f32 $1.000000000e+00, v0;
	v2 =	vld [tilespmem:s26+$0xC3C0]  }
0x67: {  	[tilespmem:s31+$0xFFFFFF10] =	vst v0  }
0x68: {  	[tilespmem:s31+$0xFFFFFF90] =	vst v1  }
0x69: {  	s15 =	simm.s32 $0x200;
	s16 =	simm.s32 $0x100;
	v0 =	vld [tilespmem:s2+$0xC3A0]  }
0x6a: {  	s4 =	sand.u32 $0x380, s16;
	s0 =	sand.u32 $0x3800, s15  }
0x6b: {  	s16 =	sor.u32 s4, s0;
	vm0 =	vgt.s32 v2, $0xC37F;
	v1 =	vadd.s32 $0xFFFF3C80, v2  }
0x6c: {  	v3 =	vld [tilespmem:s16+$0xC380];
	v1 =	vsel vm0, v1, v2;
	_ =	sdelay $0x1  }
0x6d: {  	vm1 =	vgt.s32 v0, $0xC37F;
	v2 =	vadd.s32 $0xFFFF3C80, v0  }
0x6e: {  	v0 =	vsel vm1, v2, v0;
	_ =	sdelay $0x1  }
0x6f: {  	vm2 =	vgt.s32 v3, $0xC37F;
	v2 =	vadd.s32 $0xFFFF3C80, v3;
	v1 =	vld.idx.msk [tilespmem:v1+s5+$0x0], $0xffff  }
0x70: {  	v2 =	vsel vm2, v2, v3;
	_ =	sdelay $0x1  }
0x71: {  	v0 =	vld.idx.msk [tilespmem:v0+s5+$0x0], $0xffff;
	_ =	sdelay $0x1  }
0x72: {  	v3 =	vand.u32 $0xFFFF0000, v1;
	v1 =	vshll.u32 v1, $0x10  }
0x73: {  	v2 =	vld.idx.msk [tilespmem:v2+s5+$0x0], $0xffff;
	v1 =	vsel vm0, v3, v1  }
0x74: {  	v3 =	vsub.f32 $1.000000000e+00, v1  }
0x75: {  	v4 =	vand.u32 $0xFFFF0000, v0;
	v0 =	vshll.u32 v0, $0x10;
	[tilespmem:s30+$0xFFFFFF40] =	vst v1  }
0x76: {  	v0 =	vsel vm1, v4, v0;
	[tilespmem:s30+$0xFFFFFFC0] =	vst v3  }
0x77: {  	v1 =	vsub.f32 $1.000000000e+00, v0;
	v3 =	vld [tilespmem:s26+$0xC3D0]  }
0x78: {  	v4 =	vand.u32 $0xFFFF0000, v2;
	v2 =	vshll.u32 v2, $0x10;
	[tilespmem:s31+$0xFFFFFF20] =	vst v0  }
0x79: {  	v0 =	vsel vm2, v4, v2;
	[tilespmem:s31+$0xFFFFFFA0] =	vst v1  }
0x7a: {  	s0 =	simm.s32 $0x11880;
	v1 =	vsub.f32 $1.000000000e+00, v0;
	v2 =	vld [tilespmem:s2+$0xC3B0]  }
0x7b: {  	[tilespmem:s0+$0xFFFFFF00] =	vst v0  }
0x7c: {  	[tilespmem:s0+$0xFFFFFF80] =	vst v1;
	vm0 =	vgt.s32 v3, $0xC37F;
	v0 =	vadd.s32 $0xFFFF3C80, v3  }
0x7d: {  	v1 =	vld [tilespmem:s16+$0xC390];
	v0 =	vsel vm0, v0, v3;
	_ =	sdelay $0x1  }
0x7e: {  	vm1 =	vgt.s32 v2, $0xC37F;
	v3 =	vadd.s32 $0xFFFF3C80, v2  }
0x7f: {  	v2 =	vsel vm1, v3, v2;
	_ =	sdelay $0x1  }
0x80: {  	vm2 =	vgt.s32 v1, $0xC37F;
	v3 =	vadd.s32 $0xFFFF3C80, v1;
	v0 =	vld.idx.msk [tilespmem:v0+s5+$0x0], $0xffff  }
0x81: {  	v1 =	vsel vm2, v3, v1;
	_ =	sdelay $0x1  }
0x82: {  	v2 =	vld.idx.msk [tilespmem:v2+s5+$0x0], $0xffff;
	_ =	sdelay $0x1  }
0x83: {  	s17 =	simm.s32 $0x300;
	s6 =	simm.s32 $0x180;
	v3 =	vand.u32 $0xFFFF0000, v0;
	v0 =	vshll.u32 v0, $0x10  }
0x84: {  	s6 =	sand.u32 $0x380, s6;
	s4 =	sand.u32 $0x3800, s17;
	v1 =	vld.idx.msk [tilespmem:v1+s5+$0x0], $0xffff;
	v0 =	vsel vm0, v3, v0  }
0x85: {  	s9 =	sor.u32 s6, s4;
	v3 =	vsub.f32 $1.000000000e+00, v0  }
0x86: {  	v4 =	vld [tilespmem:s9+$0xC380];
	v5 =	vand.u32 $0xFFFF0000, v2;
	v2 =	vshll.u32 v2, $0x10;
	[tilespmem:s30+$0xFFFFFF50] =	vst v0  }
0x87: {  	v0 =	vsel vm1, v5, v2;
	[tilespmem:s30+$0xFFFFFFD0] =	vst v3  }
0x88: {  	v2 =	vsub.f32 $1.000000000e+00, v0;
	v3 =	vld [tilespmem:s26+$0xC3E0]  }
0x89: {  	v5 =	vand.u32 $0xFFFF0000, v1;
	v1 =	vshll.u32 v1, $0x10;
	[tilespmem:s31+$0xFFFFFF30] =	vst v0  }
0x8a: {  	v0 =	vsel vm2, v5, v1;
	[tilespmem:s31+$0xFFFFFFB0] =	vst v2  }
0x8b: {  	vm0 =	vgt.s32 v4, $0xC37F;
	v1 =	vadd.s32 $0xFFFF3C80, v4;
	v2 =	vsub.f32 $1.000000000e+00, v0;
	v5 =	vld [tilespmem:s2+$0xC3C0]  }
0x8c: {  	v1 =	vsel vm0, v1, v4;
	[tilespmem:s0+$0xFFFFFF10] =	vst v0  }
0x8d: {  	[tilespmem:s0+$0xFFFFFF90] =	vst v2;
	vm1 =	vgt.s32 v3, $0xC37F;
	v0 =	vadd.s32 $0xFFFF3C80, v3  }
0x8e: {  	v2 =	vld [tilespmem:s16+$0xC3A0];
	v0 =	vsel vm1, v0, v3;
	_ =	sdelay $0x1  }
0x8f: {  	vm2 =	vgt.s32 v5, $0xC37F;
	v3 =	vadd.s32 $0xFFFF3C80, v5  }
0x90: {  	v1 =	vld.idx.msk [tilespmem:v1+s5+$0x0], $0xffff;
	v3 =	vsel vm2, v3, v5;
	_ =	sdelay $0x1  }
0x91: {  	vm3 =	vgt.s32 v2, $0xC37F;
	v4 =	vadd.s32 $0xFFFF3C80, v2;
	v0 =	vld.idx.msk [tilespmem:v0+s5+$0x0], $0xffff  }
0x92: {  	v2 =	vsel vm3, v4, v2;
	_ =	sdelay $0x1  }
0x93: {  	v4 =	vand.u32 $0xFFFF0000, v1;
	v1 =	vshll.u32 v1, $0x10;
	v3 =	vld.idx.msk [tilespmem:v3+s5+$0x0], $0xffff  }
0x94: {  	v1 =	vsel vm0, v4, v1  }
0x95: {  	s4 =	simm.s32 $0x11A80;
	v4 =	vsub.f32 $1.000000000e+00, v1;
	v5 =	vand.u32 $0xFFFF0000, v0;
	v0 =	vshll.u32 v0, $0x10  }
0x96: {  	[tilespmem:s4+$0xFFFFFF00] =	vst v1;
	v2 =	vld.idx.msk [tilespmem:v2+s5+$0x0], $0xffff;
	v0 =	vsel vm1, v5, v0  }
0x97: {  	[tilespmem:s4+$0xFFFFFF80] =	vst v4;
	v1 =	vsub.f32 $1.000000000e+00, v0  }
0x98: {  	v4 =	vld [tilespmem:s9+$0xC390];
	v5 =	vand.u32 $0xFFFF0000, v3;
	v3 =	vshll.u32 v3, $0x10;
	[tilespmem:s30+$0xFFFFFF60] =	vst v0  }
0x99: {  	v0 =	vsel vm2, v5, v3;
	[tilespmem:s30+$0xFFFFFFE0] =	vst v1  }
0x9a: {  	v1 =	vsub.f32 $1.000000000e+00, v0;
	v3 =	vld [tilespmem:s26+$0xC3F0]  }
0x9b: {  	v5 =	vand.u32 $0xFFFF0000, v2;
	v2 =	vshll.u32 v2, $0x10;
	[tilespmem:s31+$0xFFFFFF40] =	vst v0  }
0x9c: {  	v0 =	vsel vm3, v5, v2;
	[tilespmem:s31+$0xFFFFFFC0] =	vst v1  }
0x9d: {  	vm1 =	vgt.s32 v4, $0xC37F;
	v2 =	vadd.s32 $0xFFFF3C80, v4;
	v1 =	vsub.f32 $1.000000000e+00, v0;
	v5 =	vld [tilespmem:s2+$0xC3D0]  }
0x9e: {  	[tilespmem:s0+$0xFFFFFF20] =	vst v0;
	v0 =	vsel vm1, v2, v4  }
0x9f: {  	[tilespmem:s0+$0xFFFFFFA0] =	vst v1;
	vm2 =	vgt.s32 v3, $0xC37F;
	v1 =	vadd.s32 $0xFFFF3C80, v3  }
0xa0: {  	v2 =	vld [tilespmem:s16+$0xC3B0];
	v1 =	vsel vm2, v1, v3;
	_ =	sdelay $0x1  }
0xa1: {  	vm3 =	vgt.s32 v5, $0xC37F;
	v3 =	vadd.s32 $0xFFFF3C80, v5  }
0xa2: {  	v0 =	vld.idx.msk [tilespmem:v0+s5+$0x0], $0xffff;
	v3 =	vsel vm3, v3, v5;
	_ =	sdelay $0x1  }
0xa3: {  	vm0 =	vgt.s32 v2, $0xC37F;
	v4 =	vadd.s32 $0xFFFF3C80, v2;
	v1 =	vld.idx.msk [tilespmem:v1+s5+$0x0], $0xffff  }
0xa4: {  	v2 =	vsel vm0, v4, v2;
	_ =	sdelay $0x1  }
0xa5: {  	v4 =	vand.u32 $0xFFFF0000, v0;
	v0 =	vshll.u32 v0, $0x10;
	v3 =	vld.idx.msk [tilespmem:v3+s5+$0x0], $0xffff  }
0xa6: {  	s18 =	simm.s32 $0x400;
	s7 =	simm.s32 $0x200;
	v0 =	vsel vm1, v4, v0  }
0xa7: {  	s7 =	sand.u32 $0x380, s7;
	s6 =	sand.u32 $0x3800, s18;
	v4 =	vsub.f32 $1.000000000e+00, v0;
	v5 =	vand.u32 $0xFFFF0000, v1;
	v1 =	vshll.u32 v1, $0x10  }
0xa8: {  	s11 =	sor.u32 s7, s6;
	[tilespmem:s4+$0xFFFFFF10] =	vst v0;
	v2 =	vld.idx.msk [tilespmem:v2+s5+$0x0], $0xffff;
	v0 =	vsel vm2, v5, v1  }
0xa9: {  	[tilespmem:s4+$0xFFFFFF90] =	vst v4;
	v1 =	vld [tilespmem:s11+$0xC380];
	v4 =	vsub.f32 $1.000000000e+00, v0  }
0xaa: {  	v5 =	vand.u32 $0xFFFF0000, v3;
	v3 =	vshll.u32 v3, $0x10;
	[tilespmem:s30+$0xFFFFFF70] =	vst v0  }
0xab: {  	v0 =	vld [tilespmem:s9+$0xC3A0];
	v3 =	vsel vm3, v5, v3;
	[tilespmem:s30+$0xFFFFFFF0] =	vst v4  }
0xac: {  	v4 =	vsub.f32 $1.000000000e+00, v3;
	v5 =	vld [tilespmem:s26+$0xC780]  }
0xad: {  	v6 =	vand.u32 $0xFFFF0000, v2;
	v2 =	vshll.u32 v2, $0x10;
	[tilespmem:s31+$0xFFFFFF50] =	vst v3  }
0xae: {  	v2 =	vsel vm0, v6, v2;
	vm1 =	vgt.s32 v1, $0xC37F;
	v3 =	vadd.s32 $0xFFFF3C80, v1;
	[tilespmem:s31+$0xFFFFFFD0] =	vst v4  }
0xaf: {  	v1 =	vsel vm1, v3, v1;
	v3 =	vsub.f32 $1.000000000e+00, v2;
	v4 =	vld [tilespmem:s2+$0xC3E0]  }
0xb0: {  	[tilespmem:s0+$0xFFFFFF30] =	vst v2;
	vm2 =	vgt.s32 v0, $0xC37F;
	v2 =	vadd.s32 $0xFFFF3C80, v0  }
0xb1: {  	v0 =	vsel vm2, v2, v0;
	[tilespmem:s0+$0xFFFFFFB0] =	vst v3;
	vm3 =	vgt.s32 v5, $0xC37F;
	v2 =	vadd.s32 $0xFFFF3C80, v5  }
0xb2: {  	v3 =	vld [tilespmem:s16+$0xC3C0];
	v2 =	vsel vm3, v2, v5;
	_ =	sdelay $0x1  }
0xb3: {  	v1 =	vld.idx.msk [tilespmem:v1+s5+$0x0], $0xffff;
	vm4 =	vgt.s32 v4, $0xC37F;
	v5 =	vadd.s32 $0xFFFF3C80, v4  }
0xb4: {  	v4 =	vsel vm4, v5, v4  }
0xb5: {  	v0 =	vld.idx.msk [tilespmem:v0+s5+$0x0], $0xffff  }
0xb6: {  	vm0 =	vgt.s32 v3, $0xC37F;
	v5 =	vadd.s32 $0xFFFF3C80, v3;
	v2 =	vld.idx.msk [tilespmem:v2+s5+$0x0], $0xffff  }
0xb7: {  	v3 =	vsel vm0, v5, v3  }
0xb8: {  	v5 =	vand.u32 $0xFFFF0000, v1;
	v1 =	vshll.u32 v1, $0x10  }
0xb9: {  	v1 =	vsel vm1, v5, v1;
	v4 =	vld.idx.msk [tilespmem:v4+s5+$0x0], $0xffff  }
0xba: {  	s10 =	simm.s32 $0x11C80;
	v6 =	vand.u32 $0xFFFF0000, v0;
	v0 =	vshll.u32 v0, $0x10;
	v5 =	vsub.f32 $1.000000000e+00, v1  }
0xbb: {  	[tilespmem:s10+$0xFFFFFF00] =	vst v1;
	v0 =	vsel vm2, v6, v0;
	v1 =	vand.u32 $0xFFFF0000, v2;
	v2 =	vshll.u32 v2, $0x10  }
0xbc: {  	[tilespmem:s4+$0xFFFFFF20] =	vst v0;
	v3 =	vld.idx.msk [tilespmem:v3+s5+$0x0], $0xffff;
	v1 =	vsel vm3, v1, v2  }
0xbd: {  	[tilespmem:s10+$0xFFFFFF80] =	vst v5;
	v2 =	vsub.f32 $1.000000000e+00, v1  }
0xbe: {  	v0 =	vsub.f32 $1.000000000e+00, v0;
	v5 =	vld [tilespmem:s11+$0xC390];
	v6 =	vand.u32 $0xFFFF0000, v4;
	v4 =	vshll.u32 v4, $0x10;
	[tilespmem:s30+$0x0] =	vst v1  }
0xbf: {  	v1 =	vsel vm4, v6, v4;
	[tilespmem:s30+$0x80] =	vst v2  }
0xc0: {  	[tilespmem:s4+$0xFFFFFFA0] =	vst v0;
	v0 =	vsub.f32 $1.000000000e+00, v1;
	v2 =	vld [tilespmem:s26+$0xC790]  }
0xc1: {  	[tilespmem:s31+$0xFFFFFF60] =	vst v1;
	v4 =	vand.u32 $0xFFFF0000, v3;
	v3 =	vshll.u32 v3, $0x10  }
0xc2: {  	v1 =	vsel vm0, v4, v3;
	v3 =	vld [tilespmem:s9+$0xC3B0];
	[tilespmem:s31+$0xFFFFFFE0] =	vst v0  }
0xc3: {  	vm0 =	vgt.s32 v5, $0xC37F;
	v0 =	vadd.s32 $0xFFFF3C80, v5;
	v4 =	vsub.f32 $1.000000000e+00, v1;
	v6 =	vld [tilespmem:s2+$0xC3F0]  }
0xc4: {  	v0 =	vsel vm0, v0, v5;
	[tilespmem:s0+$0xFFFFFF40] =	vst v1  }
0xc5: {  	[tilespmem:s0+$0xFFFFFFC0] =	vst v4;
	vm4 =	vgt.s32 v2, $0xC37F;
	v1 =	vadd.s32 $0xFFFF3C80, v2  }
0xc6: {  	v4 =	vld [tilespmem:s16+$0xC3D0];
	v1 =	vsel vm4, v1, v2  }
0xc7: {  	vm1 =	vgt.s32 v3, $0xC37F;
	v2 =	vadd.s32 $0xFFFF3C80, v3  }
0xc8: {  	v2 =	vsel vm1, v2, v3;
	vm3 =	vgt.s32 v6, $0xC37F;
	v3 =	vadd.s32 $0xFFFF3C80, v6  }
0xc9: {  	s19 =	simm.s32 $0x500;
	s23 =	simm.s32 $0x280;
	v0 =	vld.idx.msk [tilespmem:v0+s5+$0x0], $0xffff;
	v3 =	vsel vm3, v3, v6  }
0xca: {  	s6 =	sand.u32 $0x3800, s19;
	s7 =	sand.u32 $0x380, s23  }
0xcb: {  	s13 =	sor.u32 s7, s6;
	vm2 =	vgt.s32 v4, $0xC37F;
	v5 =	vadd.s32 $0xFFFF3C80, v4;
	v1 =	vld.idx.msk [tilespmem:v1+s5+$0x0], $0xffff  }
0xcc: {  	v6 =	vld [tilespmem:s13+$0xC380];
	v4 =	vsel vm2, v5, v4  }
0xcd: {  	v2 =	vld.idx.msk [tilespmem:v2+s5+$0x0], $0xffff  }
0xce: {  	v5 =	vand.u32 $0xFFFF0000, v0;
	v0 =	vshll.u32 v0, $0x10;
	v3 =	vld.idx.msk [tilespmem:v3+s5+$0x0], $0xffff  }
0xcf: {  	v0 =	vsel vm0, v5, v0  }
0xd0: {  	v5 =	vsub.f32 $1.000000000e+00, v0;
	v7 =	vand.u32 $0xFFFF0000, v1;
	v1 =	vshll.u32 v1, $0x10  }
0xd1: {  	vm0 =	vgt.s32 v6, $0xC37F;
	[tilespmem:s10+$0xFFFFFF10] =	vst v0;
	v0 =	vld.idx.msk [tilespmem:v4+s5+$0x0], $0xffff;
	v1 =	vsel vm4, v7, v1  }
0xd2: {  	v4 =	vadd.s32 $0xFFFF3C80, v6;
	[tilespmem:s10+$0xFFFFFF90] =	vst v5;
	v5 =	vand.u32 $0xFFFF0000, v2;
	v7 =	vsub.f32 $1.000000000e+00, v1  }
0xd3: {  	v8 =	vld [tilespmem:s11+$0xC3A0];
	v2 =	vshll.u32 v2, $0x10;
	v9 =	vand.u32 $0xFFFF0000, v3;
	v3 =	vshll.u32 v3, $0x10;
	[tilespmem:s30+$0x10] =	vst v1  }
0xd4: {  	v1 =	vsel vm0, v4, v6;
	v2 =	vsel vm1, v5, v2;
	v3 =	vsel vm3, v9, v3;
	[tilespmem:s30+$0x90] =	vst v7  }
0xd5: {  	[tilespmem:s4+$0xFFFFFF30] =	vst v2;
	v4 =	vsub.f32 $1.000000000e+00, v3;
	v5 =	vld [tilespmem:s26+$0xC7A0]  }
0xd6: {  	v2 =	vsub.f32 $1.000000000e+00, v2;
	[tilespmem:s31+$0xFFFFFF70] =	vst v3;
	v6 =	vand.u32 $0xFFFF0000, v0;
	v0 =	vshll.u32 v0, $0x10  }
0xd7: {  	v0 =	vsel vm2, v6, v0;
	[tilespmem:s31+$0xFFFFFFF0] =	vst v4  }
0xd8: {  	[tilespmem:s4+$0xFFFFFFB0] =	vst v2;
	vm1 =	vgt.s32 v8, $0xC37F;
	v3 =	vadd.s32 $0xFFFF3C80, v8;
	v2 =	vsub.f32 $1.000000000e+00, v0;
	v4 =	vld [tilespmem:s2+$0xC780]  }
0xd9: {  	v1 =	vld.idx.msk [tilespmem:v1+s5+$0x0], $0xffff;
	v3 =	vsel vm1, v3, v8;
	[tilespmem:s0+$0xFFFFFF50] =	vst v0  }
0xda: {  	v0 =	vld [tilespmem:s9+$0xC3C0];
	[tilespmem:s0+$0xFFFFFFD0] =	vst v2;
	vm4 =	vgt.s32 v5, $0xC37F;
	v2 =	vadd.s32 $0xFFFF3C80, v5  }
0xdb: {  	v6 =	vld [tilespmem:s16+$0xC3E0];
	v2 =	vsel vm4, v2, v5;
	_ =	sdelay $0x1  }
0xdc: {  	vm3 =	vgt.s32 v4, $0xC37F;
	v5 =	vadd.s32 $0xFFFF3C80, v4  }
0xdd: {  	v7 =	vand.u32 $0xFFFF0000, v1;
	v1 =	vshll.u32 v1, $0x10;
	v3 =	vld.idx.msk [tilespmem:v3+s5+$0x0], $0xffff;
	v4 =	vsel vm3, v5, v4  }
0xde: {  	v1 =	vsel vm0, v7, v1;
	vm0 =	vgt.s32 v0, $0xC37F;
	v5 =	vadd.s32 $0xFFFF3C80, v0  }
0xdf: {  	v0 =	vsel vm0, v5, v0;
	vm2 =	vgt.s32 v6, $0xC37F;
	v5 =	vadd.s32 $0xFFFF3C80, v6;
	v2 =	vld.idx.msk [tilespmem:v2+s5+$0x0], $0xffff  }
0xe0: {  	s7 =	simm.s32 $0x11E80;
	v7 =	vsub.f32 $1.000000000e+00, v1;
	v5 =	vsel vm2, v5, v6  }
0xe1: {  	[tilespmem:s7+$0xFFFFFF00] =	vst v1  }
0xe2: {  	[tilespmem:s7+$0xFFFFFF80] =	vst v7;
	v1 =	vand.u32 $0xFFFF0000, v3;
	v3 =	vshll.u32 v3, $0x10;
	v4 =	vld.idx.msk [tilespmem:v4+s5+$0x0], $0xffff  }
0xe3: {  	v6 =	vld [tilespmem:s13+$0xC390];
	v1 =	vsel vm1, v1, v3  }
0xe4: {  	v0 =	vld.idx.msk [tilespmem:v0+s5+$0x0], $0xffff;
	v3 =	vsub.f32 $1.000000000e+00, v1;
	v7 =	vand.u32 $0xFFFF0000, v2;
	v2 =	vshll.u32 v2, $0x10  }
0xe5: {  	[tilespmem:s10+$0xFFFFFF20] =	vst v1;
	v1 =	vld.idx.msk [tilespmem:v5+s5+$0x0], $0xffff;
	v2 =	vsel vm4, v7, v2  }
0xe6: {  	[tilespmem:s10+$0xFFFFFFA0] =	vst v3;
	v3 =	vsub.f32 $1.000000000e+00, v2  }
0xe7: {  	v5 =	vand.u32 $0xFFFF0000, v4;
	v4 =	vshll.u32 v4, $0x10;
	[tilespmem:s30+$0x20] =	vst v2  }
0xe8: {  	v2 =	vld [tilespmem:s11+$0xC3B0];
	v4 =	vsel vm3, v5, v4;
	[tilespmem:s30+$0xA0] =	vst v3  }
0xe9: {  	vm1 =	vgt.s32 v6, $0xC37F;
	v8 =	vadd.s32 $0xFFFF3C80, v6;
	v5 =	vsub.f32 $1.000000000e+00, v4;
	v7 =	vld [tilespmem:s26+$0xC7B0]  }
0xea: {  	v3 =	vand.u32 $0xFFFF0000, v0;
	[tilespmem:s31+$0x0] =	vst v4;
	v9 =	vand.u32 $0xFFFF0000, v1;
	v1 =	vshll.u32 v1, $0x10  }
0xeb: {  	s24 =	simm.s32 $0x600;
	s14 =	simm.s32 $0x300;
	v0 =	vshll.u32 v0, $0x10;
	v4 =	vsel vm1, v8, v6;
	v1 =	vsel vm2, v9, v1;
	[tilespmem:s31+$0x80] =	vst v5  }
0xec: {  	s14 =	sand.u32 $0x380, s14;
	s6 =	sand.u32 $0x3800, s24;
	v0 =	vsel vm0, v3, v0;
	v3 =	vsub.f32 $1.000000000e+00, v1;
	v5 =	vld [tilespmem:s2+$0xC790]  }
0xed: {  	s6 =	sor.u32 s14, s6;
	v6 =	vsub.f32 $1.000000000e+00, v0;
	[tilespmem:s0+$0xFFFFFF60] =	vst v1;
	vm4 =	vgt.s32 v2, $0xC37F;
	v1 =	vadd.s32 $0xFFFF3C80, v2  }
0xee: {  	v8 =	vld [tilespmem:s6+$0xC380];
	v1 =	vsel vm4, v1, v2;
	[tilespmem:s0+$0xFFFFFFE0] =	vst v3;
	vm6 =	vgt.s32 v7, $0xC37F;
	v2 =	vadd.s32 $0xFFFF3C80, v7  }
0xef: {  	[tilespmem:s4+$0xFFFFFF40] =	vst v0;
	v0 =	vld [tilespmem:s16+$0xC3F0];
	v2 =	vsel vm6, v2, v7  }
0xf0: {  	[tilespmem:s4+$0xFFFFFFC0] =	vst v6;
	v3 =	vld.idx.msk [tilespmem:v4+s5+$0x0], $0xffff  }
0xf1: {  	v4 =	vld [tilespmem:s9+$0xC3D0];
	vm5 =	vgt.s32 v5, $0xC37F;
	v6 =	vadd.s32 $0xFFFF3C80, v5  }
0xf2: {  	v5 =	vsel vm5, v6, v5  }
0xf3: {  	v1 =	vld.idx.msk [tilespmem:v1+s5+$0x0], $0xffff  }
0xf4: {  	vm3 =	vgt.s32 v0, $0xC37F;
	v6 =	vadd.s32 $0xFFFF3C80, v0;
	v2 =	vld.idx.msk [tilespmem:v2+s5+$0x0], $0xffff  }
0xf5: {  	vm0 =	vgt.s32 v8, $0xC37F;
	v7 =	vand.u32 $0xFFFF0000, v3;
	v0 =	vsel vm3, v6, v0  }
0xf6: {  	v3 =	vshll.u32 v3, $0x10;
	vm2 =	vgt.s32 v4, $0xC37F;
	v6 =	vadd.s32 $0xFFFF3C80, v4  }
0xf7: {  	v3 =	vsel vm1, v7, v3;
	v4 =	vsel vm2, v6, v4;
	v6 =	vadd.s32 $0xFFFF3C80, v8;
	v5 =	vld.idx.msk [tilespmem:v5+s5+$0x0], $0xffff  }
0xf8: {  	v7 =	vsub.f32 $1.000000000e+00, v3;
	v6 =	vsel vm0, v6, v8;
	v8 =	vand.u32 $0xFFFF0000, v1  }
0xf9: {  	[tilespmem:s7+$0xFFFFFF10] =	vst v3;
	v1 =	vshll.u32 v1, $0x10;
	v3 =	vand.u32 $0xFFFF0000, v2;
	v2 =	vshll.u32 v2, $0x10  }
0xfa: {  	[tilespmem:s7+$0xFFFFFF90] =	vst v7;
	v1 =	vsel vm4, v8, v1;
	v0 =	vld.idx.msk [tilespmem:v0+s5+$0x0], $0xffff;
	v2 =	vsel vm6, v3, v2  }
0xfb: {  	[tilespmem:s10+$0xFFFFFF30] =	vst v1;
	v3 =	vld [tilespmem:s13+$0xC3A0];
	v7 =	vsub.f32 $1.000000000e+00, v2  }
0xfc: {  	v1 =	vsub.f32 $1.000000000e+00, v1;
	v4 =	vld.idx.msk [tilespmem:v4+s5+$0x0], $0xffff;
	v8 =	vand.u32 $0xFFFF0000, v5;
	v5 =	vshll.u32 v5, $0x10;
	[tilespmem:s30+$0x30] =	vst v2  }
0xfd: {  	v2 =	vsel vm5, v8, v5;
	[tilespmem:s30+$0xB0] =	vst v7  }
0xfe: {  	[tilespmem:s10+$0xFFFFFFB0] =	vst v1;
	v1 =	vsub.f32 $1.000000000e+00, v2;
	v5 =	vld [tilespmem:s26+$0xC7C0]  }
0xff: {  	v6 =	vld.idx.msk [tilespmem:v6+s5+$0x0], $0xffff;
	[tilespmem:s31+$0x10] =	vst v2;
	v7 =	vand.u32 $0xFFFF0000, v0;
	v0 =	vshll.u32 v0, $0x10  }
0x100: {  	v8 =	vld [tilespmem:s11+$0xC3C0];
	vm1 =	vgt.s32 v3, $0xC37F;
	v2 =	vadd.s32 $0xFFFF3C80, v3;
	v0 =	vsel vm3, v7, v0;
	[tilespmem:s31+$0x90] =	vst v1  }
0x101: {  	v1 =	vand.u32 $0xFFFF0000, v4;
	v4 =	vshll.u32 v4, $0x10;
	v7 =	vsub.f32 $1.000000000e+00, v0;
	v9 =	vld [tilespmem:s2+$0xC7A0]  }
0x102: {  	v2 =	vsel vm1, v2, v3;
	v1 =	vsel vm2, v1, v4;
	[tilespmem:s0+$0xFFFFFF70] =	vst v0  }
0x103: {  	v0 =	vsub.f32 $1.000000000e+00, v1;
	[tilespmem:s0+$0xFFFFFFF0] =	vst v7;
	vm5 =	vgt.s32 v5, $0xC37F;
	v3 =	vadd.s32 $0xFFFF3C80, v5  }
0x104: {  	v4 =	vand.u32 $0xFFFF0000, v6;
	[tilespmem:s4+$0xFFFFFF50] =	vst v1;
	v1 =	vshll.u32 v6, $0x10;
	v6 =	vld [tilespmem:s16+$0xC780];
	v3 =	vsel vm5, v3, v5  }
0x105: {  	vm3 =	vgt.s32 v8, $0xC37F;
	[tilespmem:s4+$0xFFFFFFD0] =	vst v0;
	v0 =	vsel vm0, v4, v1;
	v1 =	vadd.s32 $0xFFFF3C80, v8  }
0x106: {  	v1 =	vsel vm3, v1, v8;
	v4 =	vld [tilespmem:s9+$0xC3E0];
	vm6 =	vgt.s32 v9, $0xC37F;
	v5 =	vadd.s32 $0xFFFF3C80, v9  }
0x107: {  	s18 =	simm.s32 $0x12080;
	v7 =	vsub.f32 $1.000000000e+00, v0;
	v2 =	vld.idx.msk [tilespmem:v2+s5+$0x0], $0xffff;
	v5 =	vsel vm6, v5, v9  }
0x108: {  	[tilespmem:s18+$0xFFFFFF00] =	vst v0  }
0x109: {  	[tilespmem:s18+$0xFFFFFF80] =	vst v7;
	vm4 =	vgt.s32 v6, $0xC37F;
	v0 =	vadd.s32 $0xFFFF3C80, v6;
	v3 =	vld.idx.msk [tilespmem:v3+s5+$0x0], $0xffff  }
0x10a: {  	v7 =	vld [tilespmem:s6+$0xC390];
	v0 =	vsel vm4, v0, v6  }
0x10b: {  	v1 =	vld.idx.msk [tilespmem:v1+s5+$0x0], $0xffff;
	vm2 =	vgt.s32 v4, $0xC37F;
	v6 =	vadd.s32 $0xFFFF3C80, v4  }
0x10c: {  	v4 =	vsel vm2, v6, v4;
	v6 =	vand.u32 $0xFFFF0000, v2;
	v2 =	vshll.u32 v2, $0x10;
	v5 =	vld.idx.msk [tilespmem:v5+s5+$0x0], $0xffff  }
0x10d: {  	v2 =	vsel vm1, v6, v2  }
0x10e: {  	v6 =	vsub.f32 $1.000000000e+00, v2;
	v8 =	vand.u32 $0xFFFF0000, v3;
	v3 =	vshll.u32 v3, $0x10  }
0x10f: {  	[tilespmem:s7+$0xFFFFFF20] =	vst v2;
	v0 =	vld.idx.msk [tilespmem:v0+s5+$0x0], $0xffff;
	v2 =	vsel vm5, v8, v3  }
0x110: {  	vm0 =	vgt.s32 v7, $0xC37F;
	[tilespmem:s7+$0xFFFFFFA0] =	vst v6;
	v3 =	vand.u32 $0xFFFF0000, v1;
	v6 =	vsub.f32 $1.000000000e+00, v2  }
0x111: {  	v1 =	vshll.u32 v1, $0x10;
	v4 =	vld.idx.msk [tilespmem:v4+s5+$0x0], $0xffff;
	v9 =	vand.u32 $0xFFFF0000, v5;
	v5 =	vshll.u32 v5, $0x10;
	[tilespmem:s30+$0x40] =	vst v2  }
0x112: {  	v8 =	vadd.s32 $0xFFFF3C80, v7;
	v1 =	vsel vm3, v3, v1;
	v3 =	vld [tilespmem:s13+$0xC3B0];
	v5 =	vsel vm6, v9, v5;
	[tilespmem:s30+$0xC0] =	vst v6  }
0x113: {  	v2 =	vsel vm0, v8, v7;
	[tilespmem:s10+$0xFFFFFF40] =	vst v1;
	v6 =	vsub.f32 $1.000000000e+00, v5;
	v7 =	vld [tilespmem:s26+$0xC7D0]  }
0x114: {  	v1 =	vsub.f32 $1.000000000e+00, v1;
	[tilespmem:s31+$0x20] =	vst v5;
	v8 =	vand.u32 $0xFFFF0000, v0;
	v0 =	vshll.u32 v0, $0x10  }
0x115: {  	v0 =	vsel vm4, v8, v0;
	[tilespmem:s31+$0xA0] =	vst v6  }
0x116: {  	[tilespmem:s10+$0xFFFFFFC0] =	vst v1;
	v1 =	vand.u32 $0xFFFF0000, v4;
	v4 =	vshll.u32 v4, $0x10;
	v5 =	vsub.f32 $1.000000000e+00, v0;
	v6 =	vld [tilespmem:s2+$0xC7B0]  }
0x117: {  	v1 =	vsel vm2, v1, v4;
	vm1 =	vgt.s32 v3, $0xC37F;
	v4 =	vadd.s32 $0xFFFF3C80, v3;
	[tilespmem:s0+$0x0] =	vst v0  }
0x118: {  	s25 =	simm.s32 $0x700;
	s24 =	simm.s32 $0x380;
	v0 =	vsel vm1, v4, v3;
	v3 =	vld [tilespmem:s11+$0xC3D0];
	[tilespmem:s0+$0x80] =	vst v5;
	vm5 =	vgt.s32 v7, $0xC37F;
	v4 =	vadd.s32 $0xFFFF3C80, v7  }
0x119: {  	s14 =	sand.u32 $0x3800, s25;
	s15 =	sand.u32 $0x380, s24;
	v5 =	vsub.f32 $1.000000000e+00, v1;
	v8 =	vld [tilespmem:s16+$0xC790];
	v4 =	vsel vm5, v4, v7  }
0x11a: {  	s19 =	sor.u32 s15, s14;
	v2 =	vld.idx.msk [tilespmem:v2+s5+$0x0], $0xffff;
	[tilespmem:s4+$0xFFFFFF60] =	vst v1  }
0x11b: {  	v1 =	vld [tilespmem:s19+$0xC380];
	[tilespmem:s4+$0xFFFFFFE0] =	vst v5;
	vm6 =	vgt.s32 v6, $0xC37F;
	v5 =	vadd.s32 $0xFFFF3C80, v6  }
0x11c: {  	v7 =	vld [tilespmem:s9+$0xC3F0];
	v5 =	vsel vm6, v5, v6  }
0x11d: {  	v0 =	vld.idx.msk [tilespmem:v0+s5+$0x0], $0xffff;
	vm3 =	vgt.s32 v3, $0xC37F;
	v6 =	vadd.s32 $0xFFFF3C80, v3  }
0x11e: {  	v3 =	vsel vm3, v6, v3;
	vm4 =	vgt.s32 v8, $0xC37F;
	v6 =	vadd.s32 $0xFFFF3C80, v8;
	v4 =	vld.idx.msk [tilespmem:v4+s5+$0x0], $0xffff  }
0x11f: {  	v9 =	vand.u32 $0xFFFF0000, v2;
	v2 =	vshll.u32 v2, $0x10;
	v6 =	vsel vm4, v6, v8  }
0x120: {  	v2 =	vsel vm0, v9, v2  }
0x121: {  	v9 =	vsub.f32 $1.000000000e+00, v2;
	[tilespmem:s18+$0xFFFFFF10] =	vst v2;
	vm2 =	vgt.s32 v7, $0xC37F;
	v2 =	vadd.s32 $0xFFFF3C80, v7;
	v5 =	vld.idx.msk [tilespmem:v5+s5+$0x0], $0xffff  }
0x122: {  	vm0 =	vgt.s32 v1, $0xC37F;
	v2 =	vsel vm2, v2, v7;
	v7 =	vand.u32 $0xFFFF0000, v0  }
0x123: {  	[tilespmem:s18+$0xFFFFFF90] =	vst v9;
	v0 =	vshll.u32 v0, $0x10;
	v3 =	vld.idx.msk [tilespmem:v3+s5+$0x0], $0xffff;
	v9 =	vand.u32 $0xFFFF0000, v4;
	v4 =	vshll.u32 v4, $0x10  }
0x124: {  	v8 =	vadd.s32 $0xFFFF3C80, v1;
	v0 =	vsel vm1, v7, v0;
	v6 =	vld.idx.msk [tilespmem:v6+s5+$0x0], $0xffff;
	v4 =	vsel vm5, v9, v4  }
0x125: {  	v1 =	vsel vm0, v8, v1;
	[tilespmem:s7+$0xFFFFFF30] =	vst v0;
	v7 =	vsub.f32 $1.000000000e+00, v4  }
0x126: {  	v8 =	vld [tilespmem:s6+$0xC3A0];
	v0 =	vsub.f32 $1.000000000e+00, v0;
	v9 =	vand.u32 $0xFFFF0000, v5;
	v5 =	vshll.u32 v5, $0x10;
	[tilespmem:s30+$0x50] =	vst v4  }
0x127: {  	v2 =	vld.idx.msk [tilespmem:v2+s5+$0x0], $0xffff;
	v4 =	vsel vm6, v9, v5;
	[tilespmem:s30+$0xD0] =	vst v7  }
0x128: {  	[tilespmem:s7+$0xFFFFFFB0] =	vst v0;
	v0 =	vand.u32 $0xFFFF0000, v3;
	v3 =	vshll.u32 v3, $0x10;
	v5 =	vsub.f32 $1.000000000e+00, v4;
	v7 =	vld [tilespmem:s26+$0xC7E0]  }
0x129: {  	[tilespmem:s31+$0x30] =	vst v4;
	v0 =	vsel vm3, v0, v3;
	v9 =	vand.u32 $0xFFFF0000, v6;
	v6 =	vshll.u32 v6, $0x10  }
0x12a: {  	v1 =	vld.idx.msk [tilespmem:v1+s5+$0x0], $0xffff;
	[tilespmem:s10+$0xFFFFFF50] =	vst v0;
	v3 =	vsel vm4, v9, v6  }
0x12b: {  	v10 =	vld [tilespmem:s13+$0xC3C0];
	vm6 =	vgt.s32 v8, $0xC37F;
	v4 =	vadd.s32 $0xFFFF3C80, v8;
	[tilespmem:s31+$0xB0] =	vst v5;
	v5 =	vsub.f32 $1.000000000e+00, v3  }
0x12c: {  	v4 =	vsel vm6, v4, v8;
	v0 =	vsub.f32 $1.000000000e+00, v0;
	v8 =	vand.u32 $0xFFFF0000, v2;
	[tilespmem:s0+$0x10] =	vst v3  }
0x12d: {  	v3 =	vld [tilespmem:s2+$0xC7C0];
	v2 =	vshll.u32 v2, $0x10;
	[tilespmem:s0+$0x90] =	vst v5;
	vm7 =	vgt.s32 v7, $0xC37F;
	v5 =	vadd.s32 $0xFFFF3C80, v7  }
0x12e: {  	[tilespmem:s10+$0xFFFFFFD0] =	vst v0;
	v2 =	vsel vm2, v8, v2;
	v0 =	vsel vm7, v5, v7  }
0x12f: {  	v6 =	vand.u32 $0xFFFF0000, v1;
	v1 =	vshll.u32 v1, $0x10;
	v8 =	vld [tilespmem:s16+$0xC7A0];
	v5 =	vsub.f32 $1.000000000e+00, v2  }
0x130: {  	vm3 =	vgt.s32 v10, $0xC37F;
	v1 =	vsel vm0, v6, v1;
	v9 =	vld [tilespmem:s11+$0xC3E0];
	[tilespmem:s4+$0xFFFFFF70] =	vst v2;
	v7 =	vadd.s32 $0xFFFF3C80, v10  }
0x131: {  	s25 =	simm.s32 $0x12280;
	v4 =	vld.idx.msk [tilespmem:v4+s5+$0x0], $0xffff;
	v2 =	vsel vm3, v7, v10;
	[tilespmem:s4+$0xFFFFFFF0] =	vst v5;
	v5 =	vsub.f32 $1.000000000e+00, v1  }
0x132: {  	[tilespmem:s25+$0xFFFFFF00] =	vst v1;
	vm5 =	vgt.s32 v3, $0xC37F;
	v6 =	vadd.s32 $0xFFFF3C80, v3;
	v7 =	vld [tilespmem:s9+$0xC780]  }
0x133: {  	v1 =	vsel vm5, v6, v3;
	[tilespmem:s25+$0xFFFFFF80] =	vst v5;
	v5 =	vld.idx.msk [tilespmem:v0+s5+$0x0], $0xffff  }
0x134: {  	vm4 =	vgt.s32 v8, $0xC37F;
	v3 =	vadd.s32 $0xFFFF3C80, v8  }
0x135: {  	vm1 =	vgt.s32 v9, $0xC37F;
	v6 =	vsel vm4, v3, v8;
	v8 =	vadd.s32 $0xFFFF3C80, v9  }
0x136: {  	v3 =	vld.idx.msk [tilespmem:v2+s5+$0x0], $0xffff;
	v8 =	vsel vm1, v8, v9;
	v2 =	vand.u32 $0xFFFF0000, v4;
	v4 =	vshll.u32 v4, $0x10  }
0x137: {  	v0 =	vld [tilespmem:s19+$0xC390];
	v10 =	vsel vm6, v2, v4;
	vm2 =	vgt.s32 v7, $0xC37F;
	v9 =	vadd.s32 $0xFFFF3C80, v7  }
0x138: {  	v4 =	vld.idx.msk [tilespmem:v1+s5+$0x0], $0xffff;
	v11 =	vand.u32 $0xFFFF0000, v5;
	v12 =	vshll.u32 v5, $0x10;
	v5 =	vsel vm2, v9, v7;
	_ =	sdelay $0x1  }
0x139: {  	p0 =	sgt.u32 s28, $0x2;
	s14 =	simm.s32 $0xFFFFFFFB;
	v1 =	vsub.f32 $1.000000000e+00, v10  }
0x13a: {  	s29 =	sshll.u32 s28, $0x1;
	s17 =	simm.s32 $0x200;
	s14 =	simm.s32 @!p0 $0x0;
	[tilespmem:s18+$0xFFFFFF20] =	vst v10;
	v2 =	vld.idx.msk [tilespmem:v6+s5+$0x0], $0xffff;
	v6 =	vsel vm7, v11, v12  }
0x13b: {  	s17 =	simm.s32 @!p0 $0x2;
	s23 =	sadd.s32 s29, s14;
	s14 =	simm.s32 $0x800;
	vm0 =	vgt.s32 v0, $0xC37F;
	[tilespmem:s18+$0xFFFFFFA0] =	vst v1;
	v7 =	vand.u32 $0xFFFF0000, v3;
	v1 =	vld.idx.msk [tilespmem:v8+s5+$0x0], $0xffff;
	v8 =	vsub.f32 $1.000000000e+00, v6  }
.LBB2_3:
0x13c: {  	p0 =	sne.s32 s14, $0x2700;
	v3 =	vshll.u32 v3, $0x10;
	v5 =	vld.idx.msk [tilespmem:v5+s5+$0x0], $0xffff;
	v9 =	vand.u32 $0xFFFF0000, v4;
	v4 =	vshll.u32 v4, $0x10;
	[tilespmem:s30+$0x60] =	vst v6  }
0x13d: {  	v6 =	vadd.s32 $0xFFFF3C80, v0;
	v3 =	vsel vm3, v7, v3;
	v4 =	vsel vm5, v9, v4;
	[tilespmem:s30+$0xE0] =	vst v8  }
0x13e: {  	v0 =	vsel vm0, v6, v0;
	[tilespmem:s7+$0xFFFFFF40] =	vst v3;
	v6 =	vsub.f32 $1.000000000e+00, v4;
	v7 =	vld [tilespmem:s26+$0xC7F0];
	s26 =	smov.u32 s2;
	s2 =	smov.u32 s16;
	s16 =	smov.u32 s9  }
0x13f: {  	s24 =	sadd.s32 $0x80, s24;
	v3 =	vsub.f32 $1.000000000e+00, v3;
	v8 =	vand.u32 $0xFFFF0000, v2;
	v2 =	vshll.u32 v2, $0x10;
	s9 =	smov.u32 s11;
	s11 =	smov.u32 s13;
	[tilespmem:s31+$0x40] =	vst v4  }
0x140: {  	s15 =	sand.u32 $0x3800, s14;
	s1 =	sand.u32 $0x380, s24;
	s13 =	smov.u32 s6;
	v2 =	vsel vm4, v8, v2;
	v4 =	vld [tilespmem:s6+$0xC3B0];
	[tilespmem:s31+$0xC0] =	vst v6  }
0x141: {  	v6 =	vsub.f32 $1.000000000e+00, v2;
	s6 =	smov.u32 s19;
	s19 =	sor.u32 s1, s15;
	[tilespmem:s7+$0xFFFFFFC0] =	vst v3;
	v3 =	vand.u32 $0xFFFF0000, v1;
	v1 =	vshll.u32 v1, $0x10;
	v8 =	vld [tilespmem:s26+$0xC7D0]  }
0x142: {  	v9 =	vld [tilespmem:s19+$0xC380];
	v1 =	vsel vm1, v3, v1;
	v3 =	vand.u32 $0xFFFF0000, v5;
	v5 =	vshll.u32 v5, $0x10;
	[tilespmem:s0+$0x20] =	vst v2  }
0x143: {  	v0 =	vld.idx.msk [tilespmem:v0+s5+$0x0], $0xffff;
	v2 =	vsel vm2, v3, v5;
	[tilespmem:s0+$0xA0] =	vst v6;
	vm7 =	vgt.s32 v7, $0xC37F;
	v3 =	vadd.s32 $0xFFFF3C80, v7  }
0x144: {  	[tilespmem:s10+$0xFFFFFF60] =	vst v1;
	v5 =	vsub.f32 $1.000000000e+00, v2;
	v6 =	vld [tilespmem:s2+$0xC7B0];
	v3 =	vsel vm7, v3, v7  }
0x145: {  	v1 =	vsub.f32 $1.000000000e+00, v1;
	vm6 =	vgt.s32 v4, $0xC37F;
	v7 =	vadd.s32 $0xFFFF3C80, v4;
	[tilespmem:s4+$0x0] =	vst v2  }
0x146: {  	v2 =	vsel vm6, v7, v4;
	v4 =	vld [tilespmem:s11+$0xC3D0];
	[tilespmem:s4+$0x80] =	vst v5;
	vm8 =	vgt.s32 v8, $0xC37F;
	v5 =	vadd.s32 $0xFFFF3C80, v8  }
0x147: {  	[tilespmem:s10+$0xFFFFFFE0] =	vst v1;
	v1 =	vld [tilespmem:s16+$0xC790];
	v5 =	vsel vm8, v5, v8  }
0x148: {  	v7 =	vld [tilespmem:s9+$0xC3F0]  }
0x149: {  	vm1 =	vgt.s32 v9, $0xC37F;
	vm5 =	vgt.s32 v6, $0xC37F;
	v8 =	vadd.s32 $0xFFFF3C80, v6;
	v3 =	vld.idx.msk [tilespmem:v3+s5+$0x0], $0xffff  }
0x14a: {  	v10 =	vand.u32 $0xFFFF0000, v0;
	v0 =	vshll.u32 v0, $0x10;
	v6 =	vsel vm5, v8, v6  }
0x14b: {  	v0 =	vsel vm0, v10, v0;
	v2 =	vld.idx.msk [tilespmem:v2+s5+$0x0], $0xffff;
	vm2 =	vgt.s32 v4, $0xC37F;
	v8 =	vadd.s32 $0xFFFF3C80, v4  }
0x14c: {  	v4 =	vsel vm2, v8, v4;
	vm4 =	vgt.s32 v1, $0xC37F;
	v8 =	vadd.s32 $0xFFFF3C80, v1;
	v5 =	vld.idx.msk [tilespmem:v5+s5+$0x0], $0xffff  }
0x14d: {  	v10 =	vadd.s32 $0xFFFF3C80, v9;
	v11 =	vsub.f32 $1.000000000e+00, v0;
	v1 =	vsel vm4, v8, v1  }
0x14e: {  	v8 =	vsel vm1, v10, v9;
	vm3 =	vgt.s32 v7, $0xC37F;
	[tilespmem:s25+$0xFFFFFF10] =	vst v0  }
0x14f: {  	v0 =	vadd.s32 $0xFFFF3C80, v7;
	v9 =	vand.u32 $0xFFFF0000, v3;
	v3 =	vshll.u32 v3, $0x10;
	[tilespmem:s25+$0xFFFFFF90] =	vst v11;
	v6 =	vld.idx.msk [tilespmem:v6+s5+$0x0], $0xffff  }
0x150: {  	v0 =	vsel vm3, v0, v7;
	v3 =	vsel vm7, v9, v3;
	v10 =	vld [tilespmem:s6+$0xC3A0]  }
0x151: {  	v7 =	vand.u32 $0xFFFF0000, v2;
	v4 =	vld.idx.msk [tilespmem:v4+s5+$0x0], $0xffff;
	[tilespmem:s30+$0x70] =	vst v3;
	v3 =	vsub.f32 $1.000000000e+00, v3  }
0x152: {  	v2 =	vshll.u32 v2, $0x10;
	v9 =	vand.u32 $0xFFFF0000, v5;
	v5 =	vshll.u32 v5, $0x10;
	v1 =	vld.idx.msk [tilespmem:v1+s5+$0x0], $0xffff  }
0x153: {  	v2 =	vsel vm6, v7, v2;
	v5 =	vsel vm8, v9, v5;
	[tilespmem:s30+$0xF0] =	vst v3;
	s30 =	smov.u32 s31;
	s31 =	smov.u32 s0;
	s0 =	smov.u32 s4  }
0x154: {  	v7 =	vsub.f32 $1.000000000e+00, v5;
	s4 =	smov.u32 s10;
	s10 =	smov.u32 s7;
	s7 =	smov.u32 s18;
	v3 =	vld.idx.msk [tilespmem:v8+s5+$0x0], $0xffff;
	[tilespmem:s18+$0xFFFFFF30] =	vst v2  }
0x155: {  	v2 =	vsub.f32 $1.000000000e+00, v2;
	v8 =	vand.u32 $0xFFFF0000, v6;
	v6 =	vshll.u32 v6, $0x10;
	s18 =	smov.u32 s25;
	v0 =	vld.idx.msk [tilespmem:v0+s5+$0x0], $0xffff;
	[tilespmem:s30+$0x50] =	vst v5  }
0x156: {  	vm0 =	vgt.s32 v10, $0xC37F;
	v5 =	vsel vm5, v8, v6;
	[tilespmem:s30+$0xD0] =	vst v7  }
0x157: {  	v6 =	vadd.s32 $0xFFFF3C80, v10;
	v7 =	vsub.f32 $1.000000000e+00, v5;
	[tilespmem:s7+$0xFFFFFFB0] =	vst v2;
	v2 =	vand.u32 $0xFFFF0000, v4;
	v8 =	vld [tilespmem:s26+$0xC7E0]  }
0x158: {  	v4 =	vshll.u32 v4, $0x10;
	v9 =	vand.u32 $0xFFFF0000, v1;
	v1 =	vshll.u32 v1, $0x10;
	[tilespmem:s31+$0x30] =	vst v5  }
0x159: {  	v5 =	vsel vm0, v6, v10;
	v2 =	vsel vm2, v2, v4;
	v1 =	vsel vm4, v9, v1;
	v6 =	vld [tilespmem:s13+$0xC3C0];
	[tilespmem:s31+$0xB0] =	vst v7  }
0x15a: {  	v4 =	vand.u32 $0xFFFF0000, v3;
	v7 =	vsub.f32 $1.000000000e+00, v1;
	[tilespmem:s10+$0xFFFFFF50] =	vst v2;
	v9 =	vld [tilespmem:s2+$0xC7C0]  }
0x15b: {  	v2 =	vsub.f32 $1.000000000e+00, v2;
	v10 =	vand.u32 $0xFFFF0000, v0;
	v0 =	vshll.u32 v0, $0x10;
	[tilespmem:s0+$0x10] =	vst v1  }
0x15c: {  	v0 =	vsel vm3, v10, v0;
	[tilespmem:s0+$0x90] =	vst v7;
	vm6 =	vgt.s32 v8, $0xC37F;
	v1 =	vadd.s32 $0xFFFF3C80, v8  }
0x15d: {  	v3 =	vshll.u32 v3, $0x10;
	[tilespmem:s10+$0xFFFFFFD0] =	vst v2;
	v2 =	vsub.f32 $1.000000000e+00, v0;
	v7 =	vld [tilespmem:s16+$0xC7A0];
	v1 =	vsel vm6, v1, v8  }
0x15e: {  	v3 =	vsel vm1, v4, v3;
	v5 =	vld.idx.msk [tilespmem:v5+s5+$0x0], $0xffff;
	vm3 =	vgt.s32 v6, $0xC37F;
	v4 =	vadd.s32 $0xFFFF3C80, v6;
	[tilespmem:s4+$0xFFFFFF70] =	vst v0  }
0x15f: {  	v4 =	vsel vm3, v4, v6;
	v6 =	vld [tilespmem:s11+$0xC3E0];
	[tilespmem:s4+$0xFFFFFFF0] =	vst v2;
	vm5 =	vgt.s32 v9, $0xC37F;
	v0 =	vadd.s32 $0xFFFF3C80, v9  }
0x160: {  	s25 =	sadd.s32 $0x200, s25;
	v2 =	vsub.f32 $1.000000000e+00, v3;
	v8 =	vld [tilespmem:s9+$0xC780];
	v9 =	vsel vm5, v0, v9  }
0x161: {  	[tilespmem:s25+$0xFFFFFF00] =	vst v3  }
0x162: {  	[tilespmem:s25+$0xFFFFFF80] =	vst v2;
	vm4 =	vgt.s32 v7, $0xC37F;
	v2 =	vadd.s32 $0xFFFF3C80, v7;
	v1 =	vld.idx.msk [tilespmem:v1+s5+$0x0], $0xffff  }
0x163: {  	v0 =	vld [tilespmem:s19+$0xC390];
	v2 =	vsel vm4, v2, v7  }
0x164: {  	v3 =	vld.idx.msk [tilespmem:v4+s5+$0x0], $0xffff;
	vm1 =	vgt.s32 v6, $0xC37F;
	v4 =	vadd.s32 $0xFFFF3C80, v6  }
0x165: {  	v10 =	vsel vm1, v4, v6;
	vm2 =	vgt.s32 v8, $0xC37F;
	v6 =	vadd.s32 $0xFFFF3C80, v8;
	v4 =	vld.idx.msk [tilespmem:v9+s5+$0x0], $0xffff  }
.Ltmp2:
0x166: {  	v7 =	vand.u32 $0xFFFF0000, v5;
	v9 =	vshll.u32 v5, $0x10;
	v5 =	vsel vm2, v6, v8;
	(pc) =	sbr.rel @p0 .LBB2_3-.Ltmp2, $4  }
0x167: {  	v6 =	vsel vm0, v7, v9  }
0x168: {  	v7 =	vsub.f32 $1.000000000e+00, v6;
	v8 =	vand.u32 $0xFFFF0000, v1;
	v1 =	vshll.u32 v1, $0x10;
	v2 =	vld.idx.msk [tilespmem:v2+s5+$0x0], $0xffff  }
0x169: {  	[tilespmem:s18+$0xFFFFFF20] =	vst v6;
	v6 =	vsel vm6, v8, v1  }
0x16a: {  	s14 =	sadd.s32 $0x100, s14;
	vm0 =	vgt.s32 v0, $0xC37F;
	[tilespmem:s18+$0xFFFFFFA0] =	vst v7;
	v7 =	vand.u32 $0xFFFF0000, v3;
	v1 =	vld.idx.msk [tilespmem:v10+s5+$0x0], $0xffff;
	v8 =	vsub.f32 $1.000000000e+00, v6  }
0x16b: {  	v9 =	vadd.s32 $0xFFFF3C80, v0  }
0x16c: {  	v0 =	vsel vm0, v9, v0  }
0x16d: {  	v3 =	vshll.u32 v3, $0x10;
	[tilespmem:s30+$0x60] =	vst v6  }
0x16e: {  	v9 =	vand.u32 $0xFFFF0000, v4;
	v4 =	vshll.u32 v4, $0x10;
	v3 =	vsel vm3, v7, v3;
	[tilespmem:s30+$0xE0] =	vst v8  }
0x16f: {  	v5 =	vld.idx.msk [tilespmem:v5+s5+$0x0], $0xffff;
	v4 =	vsel vm5, v9, v4;
	[tilespmem:s7+$0xFFFFFF40] =	vst v3;
	v3 =	vsub.f32 $1.000000000e+00, v3  }
0x170: {  	v7 =	vand.u32 $0xFFFF0000, v2;
	v2 =	vshll.u32 v2, $0x10;
	[tilespmem:s31+$0x40] =	vst v4  }
0x171: {  	v6 =	vsub.f32 $1.000000000e+00, v4;
	v2 =	vsel vm4, v7, v2;
	[tilespmem:s7+$0xFFFFFFC0] =	vst v3;
	v4 =	vld.idx.msk [tilespmem:v0+s5+$0x0], $0xffff  }
0x172: {  	v3 =	vand.u32 $0xFFFF0000, v1;
	v1 =	vshll.u32 v1, $0x10;
	[tilespmem:s0+$0x20] =	vst v2  }
0x173: {  	[tilespmem:s31+$0xC0] =	vst v6;
	v6 =	vsub.f32 $1.000000000e+00, v2;
	v3 =	vsel vm1, v3, v1  }
0x174: {  	v7 =	vand.u32 $0xFFFF0000, v5;
	v5 =	vshll.u32 v5, $0x10;
	[tilespmem:s10+$0xFFFFFF60] =	vst v3  }
0x175: {  	v5 =	vsel vm2, v7, v5;
	v3 =	vsub.f32 $1.000000000e+00, v3;
	[tilespmem:s0+$0xA0] =	vst v6  }
0x176: {  	v8 =	vld [tilespmem:s6+$0xC3B0];
	v6 =	vsub.f32 $1.000000000e+00, v5;
	[tilespmem:s4+$0x0] =	vst v5;
	v5 =	vand.u32 $0xFFFF0000, v4;
	v4 =	vshll.u32 v4, $0x10  }
0x177: {  	v0 =	vld [tilespmem:s26+$0xC7F0];
	[tilespmem:s10+$0xFFFFFFE0] =	vst v3;
	v4 =	vsel vm0, v5, v4  }
0x178: {  	v1 =	vld [tilespmem:s2+$0xC7D0];
	[tilespmem:s4+$0x80] =	vst v6;
	v3 =	vsub.f32 $1.000000000e+00, v4  }
0x179: {  	v7 =	vld [tilespmem:s13+$0xC3D0];
	[tilespmem:s25+$0xFFFFFF10] =	vst v4  }
0x17a: {  	v2 =	vld [tilespmem:s16+$0xC7B0];
	[tilespmem:s25+$0xFFFFFF90] =	vst v3  }
0x17b: {  	v3 =	vld [tilespmem:s19+$0xC3A0];
	_ =	sdelay $0x4  }
0x17c: {  	vm0 =	vgt.s32 v3, $0xC37F;
	v4 =	vadd.s32 $0xFFFF3C80, v3  }
0x17d: {  	v3 =	vsel vm0, v4, v3;
	_ =	sdelay $0x4  }
0x17e: {  	v3 =	vld.idx.msk [tilespmem:v3+s5+$0x0], $0xffff;
	_ =	sdelay $0x4  }
0x17f: {  	v4 =	vand.u32 $0xFFFF0000, v3;
	v3 =	vshll.u32 v3, $0x10  }
0x180: {  	v3 =	vsel vm0, v4, v3  }
0x181: {  	v4 =	vsub.f32 $1.000000000e+00, v3  }
0x182: {  	[tilespmem:s25+$0xFFFFFF20] =	vst v3  }
0x183: {  	[tilespmem:s25+$0xFFFFFFA0] =	vst v4  }
0x184: {  	v3 =	vld [tilespmem:s19+$0xC3B0];
	_ =	sdelay $0x2  }
0x185: {  	vm0 =	vgt.s32 v8, $0xC37F;
	v4 =	vadd.s32 $0xFFFF3C80, v8  }
0x186: {  	v4 =	vsel vm0, v4, v8  }
0x187: {  	vm1 =	vgt.s32 v3, $0xC37F;
	v5 =	vadd.s32 $0xFFFF3C80, v3  }
0x188: {  	v3 =	vsel vm1, v5, v3;
	_ =	sdelay $0x2  }
0x189: {  	v4 =	vld.idx.msk [tilespmem:v4+s5+$0x0], $0xffff;
	_ =	sdelay $0x1  }
0x18a: {  	v3 =	vld.idx.msk [tilespmem:v3+s5+$0x0], $0xffff;
	_ =	sdelay $0x2  }
0x18b: {  	v5 =	vand.u32 $0xFFFF0000, v4;
	v4 =	vshll.u32 v4, $0x10  }
0x18c: {  	v4 =	vsel vm0, v5, v4  }
0x18d: {  	v5 =	vsub.f32 $1.000000000e+00, v4;
	v6 =	vand.u32 $0xFFFF0000, v3;
	v3 =	vshll.u32 v3, $0x10  }
0x18e: {  	[tilespmem:s18+$0xFFFFFF30] =	vst v4;
	v3 =	vsel vm1, v6, v3  }
0x18f: {  	[tilespmem:s18+$0xFFFFFFB0] =	vst v5;
	v4 =	vsub.f32 $1.000000000e+00, v3  }
0x190: {  	v5 =	vld [tilespmem:s6+$0xC3C0];
	[tilespmem:s25+$0xFFFFFF30] =	vst v3  }
0x191: {  	[tilespmem:s25+$0xFFFFFFB0] =	vst v4  }
0x192: {  	v3 =	vld [tilespmem:s19+$0xC3C0];
	_ =	sdelay $0x2  }
0x193: {  	vm0 =	vgt.s32 v5, $0xC37F;
	v4 =	vadd.s32 $0xFFFF3C80, v5  }
0x194: {  	v4 =	vsel vm0, v4, v5  }
0x195: {  	vm1 =	vgt.s32 v3, $0xC37F;
	v5 =	vadd.s32 $0xFFFF3C80, v3  }
0x196: {  	v3 =	vsel vm1, v5, v3;
	_ =	sdelay $0x2  }
0x197: {  	v4 =	vld.idx.msk [tilespmem:v4+s5+$0x0], $0xffff;
	_ =	sdelay $0x1  }
0x198: {  	v3 =	vld.idx.msk [tilespmem:v3+s5+$0x0], $0xffff;
	_ =	sdelay $0x2  }
0x199: {  	v5 =	vand.u32 $0xFFFF0000, v4;
	v4 =	vshll.u32 v4, $0x10  }
0x19a: {  	v4 =	vsel vm0, v5, v4  }
0x19b: {  	v5 =	vsub.f32 $1.000000000e+00, v4;
	v6 =	vand.u32 $0xFFFF0000, v3;
	v3 =	vshll.u32 v3, $0x10  }
0x19c: {  	[tilespmem:s18+$0xFFFFFF40] =	vst v4;
	v3 =	vsel vm1, v6, v3  }
0x19d: {  	[tilespmem:s18+$0xFFFFFFC0] =	vst v5;
	v4 =	vsub.f32 $1.000000000e+00, v3  }
0x19e: {  	v5 =	vld [tilespmem:s6+$0xC3D0];
	[tilespmem:s25+$0xFFFFFF40] =	vst v3  }
0x19f: {  	[tilespmem:s25+$0xFFFFFFC0] =	vst v4  }
0x1a0: {  	v3 =	vld [tilespmem:s19+$0xC3D0]  }
0x1a1: {  	vm0 =	vgt.s32 v7, $0xC37F;
	v4 =	vadd.s32 $0xFFFF3C80, v7  }
0x1a2: {  	v4 =	vsel vm0, v4, v7  }
0x1a3: {  	vm1 =	vgt.s32 v5, $0xC37F;
	v6 =	vadd.s32 $0xFFFF3C80, v5  }
0x1a4: {  	v5 =	vsel vm1, v6, v5  }
0x1a5: {  	vm2 =	vgt.s32 v3, $0xC37F;
	v6 =	vadd.s32 $0xFFFF3C80, v3  }
0x1a6: {  	v3 =	vsel vm2, v6, v3  }
0x1a7: {  	v4 =	vld.idx.msk [tilespmem:v4+s5+$0x0], $0xffff;
	_ =	sdelay $0x1  }
0x1a8: {  	v5 =	vld.idx.msk [tilespmem:v5+s5+$0x0], $0xffff;
	_ =	sdelay $0x1  }
0x1a9: {  	v3 =	vld.idx.msk [tilespmem:v3+s5+$0x0], $0xffff  }
0x1aa: {  	v6 =	vand.u32 $0xFFFF0000, v4;
	v4 =	vshll.u32 v4, $0x10  }
0x1ab: {  	v4 =	vsel vm0, v6, v4  }
0x1ac: {  	v7 =	vand.u32 $0xFFFF0000, v5;
	v5 =	vshll.u32 v5, $0x10;
	v6 =	vsub.f32 $1.000000000e+00, v4  }
0x1ad: {  	[tilespmem:s7+$0xFFFFFF50] =	vst v4;
	v4 =	vsel vm1, v7, v5  }
0x1ae: {  	v5 =	vsub.f32 $1.000000000e+00, v4;
	[tilespmem:s7+$0xFFFFFFD0] =	vst v6;
	v6 =	vand.u32 $0xFFFF0000, v3;
	v3 =	vshll.u32 v3, $0x10  }
0x1af: {  	[tilespmem:s18+$0xFFFFFF50] =	vst v4;
	v7 =	vld [tilespmem:s13+$0xC3E0];
	v3 =	vsel vm2, v6, v3  }
0x1b0: {  	[tilespmem:s18+$0xFFFFFFD0] =	vst v5;
	v4 =	vsub.f32 $1.000000000e+00, v3  }
0x1b1: {  	v5 =	vld [tilespmem:s6+$0xC3E0];
	[tilespmem:s25+$0xFFFFFF50] =	vst v3  }
0x1b2: {  	[tilespmem:s25+$0xFFFFFFD0] =	vst v4  }
0x1b3: {  	v3 =	vld [tilespmem:s19+$0xC3E0]  }
0x1b4: {  	vm0 =	vgt.s32 v7, $0xC37F;
	v4 =	vadd.s32 $0xFFFF3C80, v7  }
0x1b5: {  	v4 =	vsel vm0, v4, v7  }
0x1b6: {  	vm1 =	vgt.s32 v5, $0xC37F;
	v6 =	vadd.s32 $0xFFFF3C80, v5  }
0x1b7: {  	v5 =	vsel vm1, v6, v5  }
0x1b8: {  	vm2 =	vgt.s32 v3, $0xC37F;
	v6 =	vadd.s32 $0xFFFF3C80, v3  }
0x1b9: {  	v3 =	vsel vm2, v6, v3  }
0x1ba: {  	v4 =	vld.idx.msk [tilespmem:v4+s5+$0x0], $0xffff;
	_ =	sdelay $0x1  }
0x1bb: {  	v5 =	vld.idx.msk [tilespmem:v5+s5+$0x0], $0xffff;
	_ =	sdelay $0x1  }
0x1bc: {  	v3 =	vld.idx.msk [tilespmem:v3+s5+$0x0], $0xffff  }
0x1bd: {  	v6 =	vand.u32 $0xFFFF0000, v4;
	v4 =	vshll.u32 v4, $0x10  }
0x1be: {  	v4 =	vsel vm0, v6, v4  }
0x1bf: {  	v7 =	vand.u32 $0xFFFF0000, v5;
	v5 =	vshll.u32 v5, $0x10;
	v6 =	vsub.f32 $1.000000000e+00, v4  }
0x1c0: {  	v8 =	vld [tilespmem:s11+$0xC3F0];
	[tilespmem:s7+$0xFFFFFF60] =	vst v4;
	v4 =	vsel vm1, v7, v5  }
0x1c1: {  	v5 =	vsub.f32 $1.000000000e+00, v4;
	[tilespmem:s7+$0xFFFFFFE0] =	vst v6;
	v6 =	vand.u32 $0xFFFF0000, v3;
	v3 =	vshll.u32 v3, $0x10  }
0x1c2: {  	[tilespmem:s18+$0xFFFFFF60] =	vst v4;
	v7 =	vld [tilespmem:s13+$0xC3F0];
	v3 =	vsel vm2, v6, v3  }
0x1c3: {  	[tilespmem:s18+$0xFFFFFFE0] =	vst v5;
	v4 =	vsub.f32 $1.000000000e+00, v3  }
0x1c4: {  	v5 =	vld [tilespmem:s6+$0xC3F0];
	[tilespmem:s25+$0xFFFFFF60] =	vst v3  }
0x1c5: {  	vm0 =	vgt.s32 v8, $0xC37F;
	v3 =	vadd.s32 $0xFFFF3C80, v8;
	[tilespmem:s25+$0xFFFFFFE0] =	vst v4  }
0x1c6: {  	v3 =	vsel vm0, v3, v8;
	v4 =	vld [tilespmem:s19+$0xC3F0]  }
0x1c7: {  	vm1 =	vgt.s32 v7, $0xC37F;
	v6 =	vadd.s32 $0xFFFF3C80, v7  }
0x1c8: {  	v6 =	vsel vm1, v6, v7  }
0x1c9: {  	vm2 =	vgt.s32 v5, $0xC37F;
	v7 =	vadd.s32 $0xFFFF3C80, v5  }
0x1ca: {  	v5 =	vsel vm2, v7, v5  }
0x1cb: {  	v3 =	vld.idx.msk [tilespmem:v3+s5+$0x0], $0xffff;
	vm3 =	vgt.s32 v4, $0xC37F;
	v7 =	vadd.s32 $0xFFFF3C80, v4  }
0x1cc: {  	v4 =	vsel vm3, v7, v4  }
0x1cd: {  	v6 =	vld.idx.msk [tilespmem:v6+s5+$0x0], $0xffff;
	_ =	sdelay $0x1  }
0x1ce: {  	v5 =	vld.idx.msk [tilespmem:v5+s5+$0x0], $0xffff  }
0x1cf: {  	v7 =	vand.u32 $0xFFFF0000, v3;
	v3 =	vshll.u32 v3, $0x10  }
0x1d0: {  	v3 =	vsel vm0, v7, v3;
	v4 =	vld.idx.msk [tilespmem:v4+s5+$0x0], $0xffff  }
0x1d1: {  	v7 =	vsub.f32 $1.000000000e+00, v3;
	v8 =	vand.u32 $0xFFFF0000, v6;
	v6 =	vshll.u32 v6, $0x10  }
0x1d2: {  	[tilespmem:s10+$0xFFFFFF70] =	vst v3;
	v3 =	vsel vm1, v8, v6  }
0x1d3: {  	[tilespmem:s10+$0xFFFFFFF0] =	vst v7;
	v6 =	vsub.f32 $1.000000000e+00, v3;
	v7 =	vand.u32 $0xFFFF0000, v5;
	v5 =	vshll.u32 v5, $0x10  }
0x1d4: {  	[tilespmem:s7+$0xFFFFFF70] =	vst v3;
	v8 =	vld [tilespmem:s11+$0xC780];
	v3 =	vsel vm2, v7, v5  }
0x1d5: {  	[tilespmem:s7+$0xFFFFFFF0] =	vst v6;
	v5 =	vsub.f32 $1.000000000e+00, v3;
	v6 =	vand.u32 $0xFFFF0000, v4;
	v4 =	vshll.u32 v4, $0x10  }
0x1d6: {  	[tilespmem:s18+$0xFFFFFF70] =	vst v3;
	v7 =	vld [tilespmem:s13+$0xC780];
	v3 =	vsel vm3, v6, v4  }
0x1d7: {  	[tilespmem:s18+$0xFFFFFFF0] =	vst v5;
	v4 =	vsub.f32 $1.000000000e+00, v3  }
0x1d8: {  	v5 =	vld [tilespmem:s6+$0xC780];
	[tilespmem:s25+$0xFFFFFF70] =	vst v3  }
0x1d9: {  	vm0 =	vgt.s32 v8, $0xC37F;
	v3 =	vadd.s32 $0xFFFF3C80, v8;
	[tilespmem:s25+$0xFFFFFFF0] =	vst v4  }
0x1da: {  	v3 =	vsel vm0, v3, v8;
	v4 =	vld [tilespmem:s19+$0xC780]  }
0x1db: {  	vm1 =	vgt.s32 v7, $0xC37F;
	v6 =	vadd.s32 $0xFFFF3C80, v7  }
0x1dc: {  	v6 =	vsel vm1, v6, v7  }
0x1dd: {  	vm2 =	vgt.s32 v5, $0xC37F;
	v7 =	vadd.s32 $0xFFFF3C80, v5  }
0x1de: {  	v5 =	vsel vm2, v7, v5  }
0x1df: {  	v3 =	vld.idx.msk [tilespmem:v3+s5+$0x0], $0xffff;
	vm3 =	vgt.s32 v4, $0xC37F;
	v7 =	vadd.s32 $0xFFFF3C80, v4  }
0x1e0: {  	v4 =	vsel vm3, v7, v4  }
0x1e1: {  	v6 =	vld.idx.msk [tilespmem:v6+s5+$0x0], $0xffff;
	_ =	sdelay $0x1  }
0x1e2: {  	v5 =	vld.idx.msk [tilespmem:v5+s5+$0x0], $0xffff  }
0x1e3: {  	v7 =	vand.u32 $0xFFFF0000, v3;
	v3 =	vshll.u32 v3, $0x10  }
0x1e4: {  	v3 =	vsel vm0, v7, v3;
	v4 =	vld.idx.msk [tilespmem:v4+s5+$0x0], $0xffff  }
0x1e5: {  	v7 =	vsub.f32 $1.000000000e+00, v3;
	v8 =	vand.u32 $0xFFFF0000, v6;
	v6 =	vshll.u32 v6, $0x10  }
0x1e6: {  	v9 =	vld [tilespmem:s9+$0xC790];
	[tilespmem:s10+$0x0] =	vst v3;
	v3 =	vsel vm1, v8, v6  }
0x1e7: {  	[tilespmem:s10+$0x80] =	vst v7;
	v6 =	vsub.f32 $1.000000000e+00, v3;
	v7 =	vand.u32 $0xFFFF0000, v5;
	v5 =	vshll.u32 v5, $0x10  }
0x1e8: {  	[tilespmem:s7+$0x0] =	vst v3;
	v8 =	vld [tilespmem:s11+$0xC790];
	v3 =	vsel vm2, v7, v5  }
0x1e9: {  	[tilespmem:s7+$0x80] =	vst v6;
	v5 =	vsub.f32 $1.000000000e+00, v3;
	v6 =	vand.u32 $0xFFFF0000, v4;
	v4 =	vshll.u32 v4, $0x10  }
0x1ea: {  	[tilespmem:s18+$0x0] =	vst v3;
	v7 =	vld [tilespmem:s13+$0xC790];
	v3 =	vsel vm3, v6, v4  }
0x1eb: {  	vm1 =	vgt.s32 v9, $0xC37F;
	[tilespmem:s18+$0x80] =	vst v5;
	v4 =	vadd.s32 $0xFFFF3C80, v9;
	v5 =	vsub.f32 $1.000000000e+00, v3  }
0x1ec: {  	v6 =	vld [tilespmem:s6+$0xC790];
	v4 =	vsel vm1, v4, v9;
	[tilespmem:s25+$0x0] =	vst v3  }
0x1ed: {  	vm2 =	vgt.s32 v8, $0xC37F;
	v3 =	vadd.s32 $0xFFFF3C80, v8;
	[tilespmem:s25+$0x80] =	vst v5  }
0x1ee: {  	v3 =	vsel vm2, v3, v8;
	v5 =	vld [tilespmem:s19+$0xC790]  }
0x1ef: {  	vm3 =	vgt.s32 v7, $0xC37F;
	v8 =	vadd.s32 $0xFFFF3C80, v7  }
0x1f0: {  	v7 =	vsel vm3, v8, v7  }
0x1f1: {  	vm4 =	vgt.s32 v6, $0xC37F;
	v8 =	vadd.s32 $0xFFFF3C80, v6;
	v4 =	vld.idx.msk [tilespmem:v4+s5+$0x0], $0xffff  }
0x1f2: {  	v6 =	vsel vm4, v8, v6  }
0x1f3: {  	v3 =	vld.idx.msk [tilespmem:v3+s5+$0x0], $0xffff;
	vm0 =	vgt.s32 v5, $0xC37F;
	v8 =	vadd.s32 $0xFFFF3C80, v5  }
0x1f4: {  	v5 =	vsel vm0, v8, v5  }
0x1f5: {  	v7 =	vld.idx.msk [tilespmem:v7+s5+$0x0], $0xffff  }
0x1f6: {  	v8 =	vand.u32 $0xFFFF0000, v4;
	v4 =	vshll.u32 v4, $0x10  }
0x1f7: {  	v6 =	vld.idx.msk [tilespmem:v6+s5+$0x0], $0xffff;
	v4 =	vsel vm1, v8, v4  }
0x1f8: {  	v9 =	vand.u32 $0xFFFF0000, v3;
	v3 =	vshll.u32 v3, $0x10;
	v8 =	vsub.f32 $1.000000000e+00, v4  }
0x1f9: {  	[tilespmem:s4+$0x10] =	vst v4;
	v3 =	vsel vm2, v9, v3;
	v4 =	vld.idx.msk [tilespmem:v5+s5+$0x0], $0xffff  }
0x1fa: {  	[tilespmem:s4+$0x90] =	vst v8;
	v5 =	vsub.f32 $1.000000000e+00, v3;
	v8 =	vand.u32 $0xFFFF0000, v7;
	v7 =	vshll.u32 v7, $0x10  }
0x1fb: {  	[tilespmem:s10+$0x10] =	vst v3;
	v9 =	vld [tilespmem:s9+$0xC7A0];
	v3 =	vsel vm3, v8, v7  }
0x1fc: {  	v7 =	vand.u32 $0xFFFF0000, v6;
	v6 =	vshll.u32 v6, $0x10;
	[tilespmem:s10+$0x90] =	vst v5;
	v5 =	vsub.f32 $1.000000000e+00, v3  }
0x1fd: {  	[tilespmem:s7+$0x10] =	vst v3;
	v3 =	vsel vm4, v7, v6;
	v8 =	vld [tilespmem:s11+$0xC7A0]  }
0x1fe: {  	[tilespmem:s7+$0x90] =	vst v5;
	v5 =	vsub.f32 $1.000000000e+00, v3;
	v6 =	vand.u32 $0xFFFF0000, v4;
	v4 =	vshll.u32 v4, $0x10  }
0x1ff: {  	[tilespmem:s18+$0x10] =	vst v3;
	v7 =	vld [tilespmem:s13+$0xC7A0];
	v3 =	vsel vm0, v6, v4  }
0x200: {  	vm3 =	vgt.s32 v9, $0xC37F;
	v4 =	vadd.s32 $0xFFFF3C80, v9;
	[tilespmem:s18+$0x90] =	vst v5;
	v5 =	vsub.f32 $1.000000000e+00, v3  }
0x201: {  	v4 =	vsel vm3, v4, v9;
	v6 =	vld [tilespmem:s6+$0xC7A0];
	[tilespmem:s25+$0x10] =	vst v3  }
0x202: {  	vm4 =	vgt.s32 v8, $0xC37F;
	v3 =	vadd.s32 $0xFFFF3C80, v8;
	[tilespmem:s25+$0x90] =	vst v5  }
0x203: {  	v3 =	vsel vm4, v3, v8;
	v5 =	vld [tilespmem:s19+$0xC7A0]  }
0x204: {  	vm5 =	vgt.s32 v7, $0xC37F;
	v8 =	vadd.s32 $0xFFFF3C80, v7  }
0x205: {  	v7 =	vsel vm5, v8, v7  }
0x206: {  	v4 =	vld.idx.msk [tilespmem:v4+s5+$0x0], $0xffff;
	vm2 =	vgt.s32 v6, $0xC37F;
	v8 =	vadd.s32 $0xFFFF3C80, v6  }
0x207: {  	v6 =	vsel vm2, v8, v6  }
0x208: {  	v3 =	vld.idx.msk [tilespmem:v3+s5+$0x0], $0xffff;
	vm1 =	vgt.s32 v5, $0xC37F;
	v8 =	vadd.s32 $0xFFFF3C80, v5  }
0x209: {  	v5 =	vsel vm1, v8, v5  }
0x20a: {  	vm0 =	vgt.s32 v2, $0xC37F;
	v7 =	vld.idx.msk [tilespmem:v7+s5+$0x0], $0xffff  }
0x20b: {  	v8 =	vadd.s32 $0xFFFF3C80, v2;
	v9 =	vand.u32 $0xFFFF0000, v4;
	v4 =	vshll.u32 v4, $0x10  }
0x20c: {  	v2 =	vsel vm0, v8, v2;
	v4 =	vsel vm3, v9, v4;
	v6 =	vld.idx.msk [tilespmem:v6+s5+$0x0], $0xffff  }
0x20d: {  	v8 =	vsub.f32 $1.000000000e+00, v4;
	v9 =	vand.u32 $0xFFFF0000, v3;
	v3 =	vshll.u32 v3, $0x10  }
0x20e: {  	[tilespmem:s4+$0x20] =	vst v4;
	v3 =	vsel vm4, v9, v3;
	v4 =	vld.idx.msk [tilespmem:v5+s5+$0x0], $0xffff  }
0x20f: {  	[tilespmem:s4+$0xA0] =	vst v8;
	v5 =	vsub.f32 $1.000000000e+00, v3;
	v8 =	vand.u32 $0xFFFF0000, v7;
	v7 =	vshll.u32 v7, $0x10  }
0x210: {  	[tilespmem:s10+$0x20] =	vst v3;
	v9 =	vld [tilespmem:s9+$0xC7B0];
	v3 =	vsel vm5, v8, v7  }
0x211: {  	v2 =	vld.idx.msk [tilespmem:v2+s5+$0x0], $0xffff;
	[tilespmem:s10+$0xA0] =	vst v5;
	v5 =	vsub.f32 $1.000000000e+00, v3;
	v7 =	vand.u32 $0xFFFF0000, v6;
	v6 =	vshll.u32 v6, $0x10  }
0x212: {  	[tilespmem:s7+$0x20] =	vst v3;
	v8 =	vld [tilespmem:s11+$0xC7B0];
	v3 =	vsel vm2, v7, v6  }
0x213: {  	[tilespmem:s7+$0xA0] =	vst v5;
	v5 =	vsub.f32 $1.000000000e+00, v3;
	v6 =	vand.u32 $0xFFFF0000, v4;
	v4 =	vshll.u32 v4, $0x10  }
0x214: {  	[tilespmem:s18+$0x20] =	vst v3;
	v7 =	vld [tilespmem:s13+$0xC7B0];
	v3 =	vsel vm1, v6, v4  }
0x215: {  	vm3 =	vgt.s32 v9, $0xC37F;
	v4 =	vadd.s32 $0xFFFF3C80, v9;
	[tilespmem:s18+$0xA0] =	vst v5;
	v5 =	vsub.f32 $1.000000000e+00, v3  }
0x216: {  	v6 =	vand.u32 $0xFFFF0000, v2;
	v4 =	vsel vm3, v4, v9;
	v9 =	vld [tilespmem:s6+$0xC7B0];
	[tilespmem:s25+$0x20] =	vst v3  }
0x217: {  	v2 =	vshll.u32 v2, $0x10;
	vm5 =	vgt.s32 v8, $0xC37F;
	v3 =	vadd.s32 $0xFFFF3C80, v8;
	[tilespmem:s25+$0xA0] =	vst v5  }
0x218: {  	v2 =	vsel vm0, v6, v2;
	v3 =	vsel vm5, v3, v8;
	v5 =	vld [tilespmem:s19+$0xC7B0]  }
0x219: {  	v6 =	vsub.f32 $1.000000000e+00, v2;
	vm4 =	vgt.s32 v7, $0xC37F;
	v8 =	vadd.s32 $0xFFFF3C80, v7  }
0x21a: {  	[tilespmem:s0+$0x30] =	vst v2;
	v2 =	vsel vm4, v8, v7  }
0x21b: {  	[tilespmem:s0+$0xB0] =	vst v6;
	v4 =	vld.idx.msk [tilespmem:v4+s5+$0x0], $0xffff;
	vm2 =	vgt.s32 v9, $0xC37F;
	v6 =	vadd.s32 $0xFFFF3C80, v9  }
0x21c: {  	v7 =	vld [tilespmem:s16+$0xC7C0];
	v6 =	vsel vm2, v6, v9  }
0x21d: {  	v3 =	vld.idx.msk [tilespmem:v3+s5+$0x0], $0xffff;
	vm1 =	vgt.s32 v5, $0xC37F;
	v8 =	vadd.s32 $0xFFFF3C80, v5  }
0x21e: {  	v5 =	vsel vm1, v8, v5  }
0x21f: {  	v2 =	vld.idx.msk [tilespmem:v2+s5+$0x0], $0xffff  }
0x220: {  	v8 =	vand.u32 $0xFFFF0000, v4;
	v4 =	vshll.u32 v4, $0x10  }
0x221: {  	vm0 =	vgt.s32 v7, $0xC37F;
	v9 =	vadd.s32 $0xFFFF3C80, v7;
	v4 =	vsel vm3, v8, v4;
	v6 =	vld.idx.msk [tilespmem:v6+s5+$0x0], $0xffff  }
0x222: {  	v8 =	vsub.f32 $1.000000000e+00, v4;
	v10 =	vand.u32 $0xFFFF0000, v3;
	v3 =	vshll.u32 v3, $0x10  }
0x223: {  	v7 =	vsel vm0, v9, v7;
	[tilespmem:s4+$0x30] =	vst v4;
	v3 =	vsel vm5, v10, v3;
	v4 =	vld.idx.msk [tilespmem:v5+s5+$0x0], $0xffff  }
0x224: {  	[tilespmem:s4+$0xB0] =	vst v8;
	v5 =	vsub.f32 $1.000000000e+00, v3;
	v8 =	vand.u32 $0xFFFF0000, v2;
	v2 =	vshll.u32 v2, $0x10  }
0x225: {  	[tilespmem:s10+$0x30] =	vst v3;
	v9 =	vld [tilespmem:s9+$0xC7C0];
	v2 =	vsel vm4, v8, v2  }
0x226: {  	[tilespmem:s10+$0xB0] =	vst v5;
	v3 =	vsub.f32 $1.000000000e+00, v2;
	v5 =	vand.u32 $0xFFFF0000, v6;
	v6 =	vshll.u32 v6, $0x10  }
0x227: {  	[tilespmem:s7+$0x30] =	vst v2;
	v8 =	vld [tilespmem:s11+$0xC7C0];
	v2 =	vsel vm2, v5, v6  }
0x228: {  	v5 =	vld.idx.msk [tilespmem:v7+s5+$0x0], $0xffff;
	[tilespmem:s7+$0xB0] =	vst v3;
	v3 =	vsub.f32 $1.000000000e+00, v2;
	v6 =	vand.u32 $0xFFFF0000, v4;
	v4 =	vshll.u32 v4, $0x10  }
0x229: {  	[tilespmem:s18+$0x30] =	vst v2;
	v7 =	vld [tilespmem:s13+$0xC7C0];
	v2 =	vsel vm1, v6, v4  }
0x22a: {  	vm6 =	vgt.s32 v9, $0xC37F;
	v4 =	vadd.s32 $0xFFFF3C80, v9;
	[tilespmem:s18+$0xB0] =	vst v3;
	v3 =	vsub.f32 $1.000000000e+00, v2  }
0x22b: {  	v4 =	vsel vm6, v4, v9;
	v6 =	vld [tilespmem:s6+$0xC7C0];
	[tilespmem:s25+$0x30] =	vst v2  }
0x22c: {  	vm5 =	vgt.s32 v8, $0xC37F;
	v2 =	vadd.s32 $0xFFFF3C80, v8;
	[tilespmem:s25+$0xB0] =	vst v3  }
0x22d: {  	v3 =	vand.u32 $0xFFFF0000, v5;
	v2 =	vsel vm5, v2, v8;
	v8 =	vld [tilespmem:s19+$0xC7C0]  }
0x22e: {  	v5 =	vshll.u32 v5, $0x10;
	vm4 =	vgt.s32 v7, $0xC37F;
	v9 =	vadd.s32 $0xFFFF3C80, v7  }
0x22f: {  	v3 =	vsel vm0, v3, v5;
	v5 =	vsel vm4, v9, v7  }
0x230: {  	v7 =	vsub.f32 $1.000000000e+00, v3;
	v4 =	vld.idx.msk [tilespmem:v4+s5+$0x0], $0xffff;
	vm3 =	vgt.s32 v6, $0xC37F;
	v9 =	vadd.s32 $0xFFFF3C80, v6  }
0x231: {  	[tilespmem:s0+$0x40] =	vst v3;
	v3 =	vsel vm3, v9, v6  }
0x232: {  	[tilespmem:s0+$0xC0] =	vst v7;
	v2 =	vld.idx.msk [tilespmem:v2+s5+$0x0], $0xffff;
	vm2 =	vgt.s32 v8, $0xC37F;
	v6 =	vadd.s32 $0xFFFF3C80, v8  }
0x233: {  	v7 =	vld [tilespmem:s16+$0xC7D0];
	v6 =	vsel vm2, v6, v8  }
0x234: {  	vm1 =	vgt.s32 v1, $0xC37F;
	v5 =	vld.idx.msk [tilespmem:v5+s5+$0x0], $0xffff  }
0x235: {  	v8 =	vadd.s32 $0xFFFF3C80, v1;
	v9 =	vand.u32 $0xFFFF0000, v4;
	v4 =	vshll.u32 v4, $0x10  }
0x236: {  	v1 =	vsel vm1, v8, v1;
	v4 =	vsel vm6, v9, v4;
	v3 =	vld.idx.msk [tilespmem:v3+s5+$0x0], $0xffff  }
0x237: {  	v8 =	vsub.f32 $1.000000000e+00, v4;
	v9 =	vand.u32 $0xFFFF0000, v2;
	v2 =	vshll.u32 v2, $0x10  }
0x238: {  	vm0 =	vgt.s32 v7, $0xC37F;
	v10 =	vadd.s32 $0xFFFF3C80, v7;
	[tilespmem:s4+$0x40] =	vst v4;
	v2 =	vsel vm5, v9, v2;
	v4 =	vld.idx.msk [tilespmem:v6+s5+$0x0], $0xffff  }
0x239: {  	[tilespmem:s4+$0xC0] =	vst v8;
	v6 =	vsub.f32 $1.000000000e+00, v2;
	v8 =	vand.u32 $0xFFFF0000, v5;
	v5 =	vshll.u32 v5, $0x10  }
0x23a: {  	v7 =	vsel vm0, v10, v7;
	[tilespmem:s10+$0x40] =	vst v2;
	v9 =	vld [tilespmem:s9+$0xC7D0];
	v2 =	vsel vm4, v8, v5  }
0x23b: {  	v1 =	vld.idx.msk [tilespmem:v1+s5+$0x0], $0xffff;
	[tilespmem:s10+$0xC0] =	vst v6;
	v5 =	vsub.f32 $1.000000000e+00, v2;
	v6 =	vand.u32 $0xFFFF0000, v3;
	v3 =	vshll.u32 v3, $0x10  }
0x23c: {  	[tilespmem:s7+$0x40] =	vst v2;
	v8 =	vld [tilespmem:s11+$0xC7D0];
	v2 =	vsel vm3, v6, v3  }
0x23d: {  	[tilespmem:s7+$0xC0] =	vst v5;
	v3 =	vsub.f32 $1.000000000e+00, v2;
	v5 =	vand.u32 $0xFFFF0000, v4;
	v4 =	vshll.u32 v4, $0x10  }
0x23e: {  	[tilespmem:s18+$0x40] =	vst v2;
	v6 =	vld [tilespmem:s13+$0xC7D0];
	v2 =	vsel vm2, v5, v4  }
0x23f: {  	v4 =	vld.idx.msk [tilespmem:v7+s5+$0x0], $0xffff;
	vm5 =	vgt.s32 v9, $0xC37F;
	v5 =	vadd.s32 $0xFFFF3C80, v9;
	[tilespmem:s18+$0xC0] =	vst v3;
	v3 =	vsub.f32 $1.000000000e+00, v2  }
0x240: {  	v7 =	vand.u32 $0xFFFF0000, v1;
	v5 =	vsel vm5, v5, v9;
	v9 =	vld [tilespmem:s6+$0xC7D0];
	[tilespmem:s25+$0x40] =	vst v2  }
0x241: {  	v1 =	vshll.u32 v1, $0x10;
	vm6 =	vgt.s32 v8, $0xC37F;
	v2 =	vadd.s32 $0xFFFF3C80, v8;
	[tilespmem:s25+$0xC0] =	vst v3  }
0x242: {  	v1 =	vsel vm1, v7, v1;
	v2 =	vsel vm6, v2, v8;
	v3 =	vld [tilespmem:s19+$0xC7D0]  }
0x243: {  	v7 =	vsub.f32 $1.000000000e+00, v1;
	vm4 =	vgt.s32 v6, $0xC37F;
	v8 =	vadd.s32 $0xFFFF3C80, v6  }
0x244: {  	[tilespmem:s31+$0x50] =	vst v1;
	v1 =	vand.u32 $0xFFFF0000, v4;
	v6 =	vsel vm4, v8, v6  }
0x245: {  	[tilespmem:s31+$0xD0] =	vst v7;
	v4 =	vshll.u32 v4, $0x10;
	v5 =	vld.idx.msk [tilespmem:v5+s5+$0x0], $0xffff;
	vm3 =	vgt.s32 v9, $0xC37F;
	v7 =	vadd.s32 $0xFFFF3C80, v9  }
0x246: {  	v8 =	vld [tilespmem:s2+$0xC7E0];
	v1 =	vsel vm0, v1, v4;
	v4 =	vsel vm3, v7, v9  }
0x247: {  	v7 =	vsub.f32 $1.000000000e+00, v1;
	v2 =	vld.idx.msk [tilespmem:v2+s5+$0x0], $0xffff;
	vm2 =	vgt.s32 v3, $0xC37F;
	v9 =	vadd.s32 $0xFFFF3C80, v3  }
0x248: {  	[tilespmem:s0+$0x50] =	vst v1;
	v1 =	vsel vm2, v9, v3  }
0x249: {  	[tilespmem:s0+$0xD0] =	vst v7;
	v3 =	vld.idx.msk [tilespmem:v6+s5+$0x0], $0xffff  }
0x24a: {  	v6 =	vld [tilespmem:s16+$0xC7E0];
	v7 =	vand.u32 $0xFFFF0000, v5;
	v5 =	vshll.u32 v5, $0x10  }
0x24b: {  	vm1 =	vgt.s32 v8, $0xC37F;
	v9 =	vadd.s32 $0xFFFF3C80, v8;
	v5 =	vsel vm5, v7, v5;
	v4 =	vld.idx.msk [tilespmem:v4+s5+$0x0], $0xffff  }
0x24c: {  	v7 =	vsub.f32 $1.000000000e+00, v5;
	v10 =	vand.u32 $0xFFFF0000, v2;
	v2 =	vshll.u32 v2, $0x10  }
0x24d: {  	v8 =	vsel vm1, v9, v8;
	[tilespmem:s4+$0x50] =	vst v5;
	v2 =	vsel vm6, v10, v2;
	v1 =	vld.idx.msk [tilespmem:v1+s5+$0x0], $0xffff  }
0x24e: {  	[tilespmem:s4+$0xD0] =	vst v7;
	v5 =	vsub.f32 $1.000000000e+00, v2;
	v7 =	vand.u32 $0xFFFF0000, v3;
	v3 =	vshll.u32 v3, $0x10  }
0x24f: {  	vm0 =	vgt.s32 v6, $0xC37F;
	v9 =	vadd.s32 $0xFFFF3C80, v6;
	[tilespmem:s10+$0x50] =	vst v2;
	v10 =	vld [tilespmem:s9+$0xC7E0];
	v2 =	vsel vm4, v7, v3  }
0x250: {  	[tilespmem:s10+$0xD0] =	vst v5;
	v3 =	vsub.f32 $1.000000000e+00, v2;
	v5 =	vand.u32 $0xFFFF0000, v4;
	v4 =	vshll.u32 v4, $0x10  }
0x251: {  	v6 =	vsel vm0, v9, v6;
	[tilespmem:s7+$0x50] =	vst v2;
	v7 =	vld [tilespmem:s11+$0xC7E0];
	v2 =	vsel vm3, v5, v4  }
0x252: {  	v4 =	vld.idx.msk [tilespmem:v8+s5+$0x0], $0xffff;
	[tilespmem:s7+$0xD0] =	vst v3;
	v3 =	vsub.f32 $1.000000000e+00, v2;
	v5 =	vand.u32 $0xFFFF0000, v1;
	v1 =	vshll.u32 v1, $0x10  }
0x253: {  	[tilespmem:s18+$0x50] =	vst v2;
	v8 =	vld [tilespmem:s13+$0xC7E0];
	v1 =	vsel vm2, v5, v1  }
0x254: {  	vm6 =	vgt.s32 v10, $0xC37F;
	v2 =	vadd.s32 $0xFFFF3C80, v10;
	[tilespmem:s18+$0xD0] =	vst v3;
	v3 =	vsub.f32 $1.000000000e+00, v1  }
0x255: {  	v2 =	vsel vm6, v2, v10;
	v5 =	vld [tilespmem:s6+$0xC7E0];
	[tilespmem:s25+$0x50] =	vst v1  }
0x256: {  	v1 =	vld.idx.msk [tilespmem:v6+s5+$0x0], $0xffff;
	vm5 =	vgt.s32 v7, $0xC37F;
	v6 =	vadd.s32 $0xFFFF3C80, v7;
	[tilespmem:s25+$0xD0] =	vst v3  }
0x257: {  	v3 =	vand.u32 $0xFFFF0000, v4;
	v6 =	vsel vm5, v6, v7;
	v7 =	vld [tilespmem:s19+$0xC7E0]  }
0x258: {  	v4 =	vshll.u32 v4, $0x10;
	vm2 =	vgt.s32 v8, $0xC37F;
	v9 =	vadd.s32 $0xFFFF3C80, v8  }
0x259: {  	v3 =	vsel vm1, v3, v4;
	v4 =	vsel vm2, v9, v8  }
0x25a: {  	v8 =	vsub.f32 $1.000000000e+00, v3;
	v2 =	vld.idx.msk [tilespmem:v2+s5+$0x0], $0xffff;
	vm4 =	vgt.s32 v5, $0xC37F;
	v9 =	vadd.s32 $0xFFFF3C80, v5  }
0x25b: {  	[tilespmem:s31+$0x60] =	vst v3;
	v3 =	vand.u32 $0xFFFF0000, v1;
	v5 =	vsel vm4, v9, v5  }
0x25c: {  	v1 =	vshll.u32 v1, $0x10;
	[tilespmem:s31+$0xE0] =	vst v8;
	v6 =	vld.idx.msk [tilespmem:v6+s5+$0x0], $0xffff;
	vm3 =	vgt.s32 v7, $0xC37F;
	v8 =	vadd.s32 $0xFFFF3C80, v7  }
0x25d: {  	v1 =	vsel vm0, v3, v1;
	v9 =	vld [tilespmem:s2+$0xC7F0];
	v3 =	vsel vm3, v8, v7  }
0x25e: {  	vm0 =	vgt.s32 v0, $0xC37F;
	v7 =	vsub.f32 $1.000000000e+00, v1;
	v4 =	vld.idx.msk [tilespmem:v4+s5+$0x0], $0xffff  }
0x25f: {  	[tilespmem:s0+$0x60] =	vst v1;
	v8 =	vadd.s32 $0xFFFF3C80, v0;
	v1 =	vand.u32 $0xFFFF0000, v2;
	v2 =	vshll.u32 v2, $0x10  }
0x260: {  	v0 =	vsel vm0, v8, v0;
	[tilespmem:s0+$0xE0] =	vst v7;
	v1 =	vsel vm6, v1, v2;
	v2 =	vld.idx.msk [tilespmem:v5+s5+$0x0], $0xffff  }
0x261: {  	v5 =	vld [tilespmem:s16+$0xC7F0];
	v7 =	vsub.f32 $1.000000000e+00, v1;
	v8 =	vand.u32 $0xFFFF0000, v6;
	v6 =	vshll.u32 v6, $0x10  }
0x262: {  	vm1 =	vgt.s32 v9, $0xC37F;
	v10 =	vadd.s32 $0xFFFF3C80, v9;
	[tilespmem:s4+$0x60] =	vst v1;
	v1 =	vsel vm5, v8, v6;
	v3 =	vld.idx.msk [tilespmem:v3+s5+$0x0], $0xffff  }
0x263: {  	[tilespmem:s4+$0xE0] =	vst v7;
	v6 =	vsub.f32 $1.000000000e+00, v1;
	v7 =	vand.u32 $0xFFFF0000, v4;
	v4 =	vshll.u32 v4, $0x10  }
0x264: {  	v8 =	vsel vm1, v10, v9;
	[tilespmem:s10+$0x60] =	vst v1;
	v9 =	vld [tilespmem:s9+$0xC7F0];
	v1 =	vsel vm2, v7, v4  }
0x265: {  	[tilespmem:s10+$0xE0] =	vst v6;
	v4 =	vsub.f32 $1.000000000e+00, v1;
	v6 =	vand.u32 $0xFFFF0000, v2;
	v2 =	vshll.u32 v2, $0x10  }
0x266: {  	[tilespmem:s7+$0x60] =	vst v1;
	vm2 =	vgt.s32 v5, $0xC37F;
	v7 =	vadd.s32 $0xFFFF3C80, v5;
	v10 =	vld [tilespmem:s11+$0xC7F0];
	v1 =	vsel vm4, v6, v2  }
0x267: {  	v0 =	vld.idx.msk [tilespmem:v0+s5+$0x0], $0xffff;
	[tilespmem:s7+$0xE0] =	vst v4;
	v2 =	vsub.f32 $1.000000000e+00, v1;
	v4 =	vand.u32 $0xFFFF0000, v3;
	v3 =	vshll.u32 v3, $0x10  }
0x268: {  	v5 =	vsel vm2, v7, v5;
	[tilespmem:s18+$0x60] =	vst v1;
	v6 =	vld [tilespmem:s13+$0xC7F0];
	v1 =	vsel vm3, v4, v3  }
0x269: {  	v3 =	vld.idx.msk [tilespmem:v8+s5+$0x0], $0xffff;
	vm4 =	vgt.s32 v9, $0xC37F;
	v4 =	vadd.s32 $0xFFFF3C80, v9;
	[tilespmem:s18+$0xE0] =	vst v2;
	v2 =	vsub.f32 $1.000000000e+00, v1  }
0x26a: {  	v4 =	vsel vm4, v4, v9;
	v7 =	vld [tilespmem:s6+$0xC7F0];
	[tilespmem:s25+$0x60] =	vst v1  }
0x26b: {  	vm3 =	vgt.s32 v10, $0xC37F;
	v1 =	vadd.s32 $0xFFFF3C80, v10;
	[tilespmem:s25+$0xE0] =	vst v2  }
0x26c: {  	v2 =	vand.u32 $0xFFFF0000, v0;
	v1 =	vsel vm3, v1, v10;
	v8 =	vld [tilespmem:s19+$0xC7F0]  }
0x26d: {  	v0 =	vshll.u32 v0, $0x10;
	v5 =	vld.idx.msk [tilespmem:v5+s5+$0x0], $0xffff;
	vm5 =	vgt.s32 v6, $0xC37F;
	v9 =	vadd.s32 $0xFFFF3C80, v6  }
0x26e: {  	v0 =	vsel vm0, v2, v0;
	v2 =	vand.u32 $0xFFFF0000, v3;
	v6 =	vsel vm5, v9, v6  }
0x26f: {  	v3 =	vshll.u32 v3, $0x10;
	v4 =	vld.idx.msk [tilespmem:v4+s5+$0x0], $0xffff;
	vm6 =	vgt.s32 v7, $0xC37F;
	v9 =	vadd.s32 $0xFFFF3C80, v7  }
0x270: {  	v10 =	vsub.f32 $1.000000000e+00, v0;
	v2 =	vsel vm1, v2, v3;
	v3 =	vsel vm6, v9, v7  }
0x271: {  	[tilespmem:s30+$0x70] =	vst v0;
	v0 =	vsub.f32 $1.000000000e+00, v2;
	v1 =	vld.idx.msk [tilespmem:v1+s5+$0x0], $0xffff;
	vm0 =	vgt.s32 v8, $0xC37F;
	v7 =	vadd.s32 $0xFFFF3C80, v8  }
0x272: {  	[tilespmem:s30+$0xF0] =	vst v10;
	v9 =	vand.u32 $0xFFFF0000, v5;
	v5 =	vshll.u32 v5, $0x10;
	v7 =	vsel vm0, v7, v8  }
0x273: {  	[tilespmem:s31+$0x70] =	vst v2;
	v2 =	vsel vm2, v9, v5;
	v5 =	vld.idx.msk [tilespmem:v6+s5+$0x0], $0xffff  }
0x274: {  	[tilespmem:s31+$0xF0] =	vst v0;
	v0 =	vsub.f32 $1.000000000e+00, v2;
	v6 =	vand.u32 $0xFFFF0000, v4;
	v4 =	vshll.u32 v4, $0x10  }
0x275: {  	[tilespmem:s0+$0x70] =	vst v2;
	v2 =	vsel vm4, v6, v4;
	v3 =	vld.idx.msk [tilespmem:v3+s5+$0x0], $0xffff  }
0x276: {  	[tilespmem:s0+$0xF0] =	vst v0;
	v0 =	vsub.f32 $1.000000000e+00, v2;
	v4 =	vand.u32 $0xFFFF0000, v1;
	v1 =	vshll.u32 v1, $0x10  }
0x277: {  	[tilespmem:s4+$0x70] =	vst v2;
	v1 =	vsel vm3, v4, v1;
	v2 =	vld.idx.msk [tilespmem:v7+s5+$0x0], $0xffff  }
0x278: {  	[tilespmem:s4+$0xF0] =	vst v0;
	v0 =	vsub.f32 $1.000000000e+00, v1;
	v4 =	vand.u32 $0xFFFF0000, v5;
	v5 =	vshll.u32 v5, $0x10  }
0x279: {  	[tilespmem:s10+$0x70] =	vst v1;
	v1 =	vsel vm5, v4, v5  }
0x27a: {  	[tilespmem:s10+$0xF0] =	vst v0;
	v0 =	vsub.f32 $1.000000000e+00, v1;
	v4 =	vand.u32 $0xFFFF0000, v3;
	v3 =	vshll.u32 v3, $0x10  }
0x27b: {  	s24 =	smul.u32 $0x140000, s23;
	p0 =	seq.s32 s28, $0x4;
	[tilespmem:s7+$0x70] =	vst v1;
	v1 =	vsel vm6, v4, v3  }
0x27c: {  	s1 =	sadd.s32 @!p0 $0x2, s29;
	[tilespmem:s7+$0xF0] =	vst v0;
	v0 =	vsub.f32 $1.000000000e+00, v1;
	v3 =	vand.u32 $0xFFFF0000, v2;
	v2 =	vshll.u32 v2, $0x10  }
0x27d: {  	s2 =	smulhi.u32 @!p0 $0x66666667, s1;
	s0 =	sor.u32 s17, s24;
	[tilespmem:s18+$0x70] =	vst v1;
	v1 =	vsel vm0, v3, v2  }
0x27e: {  	s0 =	sor.u32 s12, s0;
	[tilespmem:s18+$0xF0] =	vst v0;
	v0 =	vsub.f32 $1.000000000e+00, v1  }
0x27f: {  	s3 =	rddreg [dreg:$0x2];
	s2 =	sshrl.u32 @!p0 s2, $0x1;
	s0 =	sshrl.u32 s0, $0x3;
	[tilespmem:s25+$0x70] =	vst v1  }
0x280: {  	s26 =	simm.s32 $0x11380;
	s0 =	sadd.s32 s3, s0;
	s4 =	smul.u32 @!p0 $0xFFFFFFFB, s2;
	[tilespmem:s25+$0xF0] =	vst v0  }
0x281: {  	[hbm4b:s0+s20] =	stream.strided.scatter [tilespmem:s26], [sflag:$0x2], $0x5000, s22, s20, $0x38;
	[tilespmem:$0x1BFB8] =	vst v63  }
0x282: {  	s0 =	sadd.s32 @!p0 s1, s4  }
0x283: {  	s1 =	sshll.u32 @!p0 s2, $0xB;
	s0 =	smul.u32 @!p0 $0xA0000, s0  }
0x284: {  	s1 =	sadd.s32 @!p0 s8, s1  }
0x285: {  	s0 =	sadd.s32 @!p0 s0, s1  }
0x286: {  	s2 =	simm.s32 @!p0 $0x20000;
	s1 =	rddreg [dreg:$0x1];
	s0 =	sshrl.u32 @!p0 s0, $0x3  }
0x287: {  	s4 =	simm.s32 @!p0 $0xC380;
	s0 =	sadd.s32 @!p0 s1, s0;
	s1 =	simm.s32 @!p0 $0x800  }
0x288: {  	[tilespmem:s4], [sflag:$0x1] =	stream.strided.gather @!p0 [hbm4b:s0+s1], $0x2800, s2, s1, $0x38;
	[tilespmem:$0x1BFB8] =	vst v63  }
0x289: {  	_ =	swait.ge [sflag:s21], $0x2800  }
0x28a: {  	[sflag:s21] =	ssyncset.done $0x0  }
0x28b: {  	s0 =	simm.s32 @!p1 $0x2;
	[sflag:s21] =	ssyncadd.s32 $0xFFFFD800  }
0x28c: {  	s6 =	simm.s32 $0x0;
	_ =	swait.ge @!p1 [sflag:s0], $0x5000  }
0x28d: {  	s7 =	sand.u32 $0x3800, s6;
	s1 =	sand.u32 $0x380, s6;
	[sflag:s0] =	ssyncset.done @!p1 $0x0  }
0x28e: {  	s2 =	sor.u32 s1, s7;
	[sflag:s0] =	ssyncadd.s32 @!p1 $0xFFFFB000  }
0x28f: {  	v0 =	vld [tilespmem:s2+$0xEB80];
	_ =	sdelay $0x4  }
0x290: {  	vm0 =	vgt.s32 v0, $0xC37F;
	v1 =	vadd.s32 $0xFFFF3C80, v0  }
0x291: {  	v0 =	vsel vm0, v1, v0;
	_ =	sdelay $0x4  }
0x292: {  	v0 =	vld.idx.msk [tilespmem:v0+s5+$0x0], $0xffff;
	_ =	sdelay $0x4  }
0x293: {  	v1 =	vand.u32 $0xFFFF0000, v0;
	v0 =	vshll.u32 v0, $0x10  }
0x294: {  	v0 =	vsel vm0, v1, v0  }
0x295: {  	s30 =	simm.s32 $0x0;
	v1 =	vsub.f32 $1.000000000e+00, v0  }
0x296: {  	[tilespmem:s30+$0x16380] =	vst v0  }
0x297: {  	[tilespmem:s30+$0x16400] =	vst v1  }
0x298: {  	v0 =	vld [tilespmem:s2+$0xEB90];
	_ =	sdelay $0x4  }
0x299: {  	vm0 =	vgt.s32 v0, $0xC37F;
	v1 =	vadd.s32 $0xFFFF3C80, v0  }
0x29a: {  	v0 =	vsel vm0, v1, v0;
	_ =	sdelay $0x4  }
0x29b: {  	v0 =	vld.idx.msk [tilespmem:v0+s5+$0x0], $0xffff;
	_ =	sdelay $0x4  }
0x29c: {  	v1 =	vand.u32 $0xFFFF0000, v0;
	v0 =	vshll.u32 v0, $0x10  }
0x29d: {  	v0 =	vsel vm0, v1, v0  }
0x29e: {  	v1 =	vsub.f32 $1.000000000e+00, v0  }
0x29f: {  	[tilespmem:s30+$0x16390] =	vst v0  }
0x2a0: {  	[tilespmem:s30+$0x16410] =	vst v1  }
0x2a1: {  	s9 =	simm.s32 $0x80;
	s10 =	simm.s32 $0x100;
	v0 =	vld [tilespmem:s2+$0xEBA0]  }
0x2a2: {  	s1 =	sand.u32 $0x3800, s10;
	s0 =	sand.u32 $0x380, s9  }
0x2a3: {  	s16 =	sor.u32 s0, s1  }
0x2a4: {  	v1 =	vld [tilespmem:s16+$0xEB80];
	_ =	sdelay $0x1  }
0x2a5: {  	vm0 =	vgt.s32 v0, $0xC37F;
	v2 =	vadd.s32 $0xFFFF3C80, v0  }
0x2a6: {  	v0 =	vsel vm0, v2, v0;
	_ =	sdelay $0x1  }
0x2a7: {  	vm1 =	vgt.s32 v1, $0xC37F;
	v2 =	vadd.s32 $0xFFFF3C80, v1  }
0x2a8: {  	v1 =	vsel vm1, v2, v1;
	_ =	sdelay $0x1  }
0x2a9: {  	v0 =	vld.idx.msk [tilespmem:v0+s5+$0x0], $0xffff;
	_ =	sdelay $0x2  }
0x2aa: {  	v1 =	vld.idx.msk [tilespmem:v1+s5+$0x0], $0xffff;
	_ =	sdelay $0x1  }
0x2ab: {  	v2 =	vand.u32 $0xFFFF0000, v0;
	v0 =	vshll.u32 v0, $0x10  }
0x2ac: {  	v0 =	vsel vm0, v2, v0  }
0x2ad: {  	v2 =	vsub.f32 $1.000000000e+00, v0  }
0x2ae: {  	v3 =	vand.u32 $0xFFFF0000, v1;
	v1 =	vshll.u32 v1, $0x10;
	[tilespmem:s30+$0x163A0] =	vst v0  }
0x2af: {  	v0 =	vsel vm1, v3, v1;
	[tilespmem:s30+$0x16420] =	vst v2  }
0x2b0: {  	s31 =	simm.s32 $0x200;
	v1 =	vsub.f32 $1.000000000e+00, v0;
	v2 =	vld [tilespmem:s2+$0xEBB0]  }
0x2b1: {  	[tilespmem:s31+$0x16380] =	vst v0  }
0x2b2: {  	[tilespmem:s31+$0x16400] =	vst v1  }
0x2b3: {  	v0 =	vld [tilespmem:s16+$0xEB90];
	_ =	sdelay $0x1  }
0x2b4: {  	vm0 =	vgt.s32 v2, $0xC37F;
	v1 =	vadd.s32 $0xFFFF3C80, v2  }
0x2b5: {  	v1 =	vsel vm0, v1, v2;
	_ =	sdelay $0x1  }
0x2b6: {  	vm1 =	vgt.s32 v0, $0xC37F;
	v2 =	vadd.s32 $0xFFFF3C80, v0  }
0x2b7: {  	v0 =	vsel vm1, v2, v0;
	_ =	sdelay $0x1  }
0x2b8: {  	v1 =	vld.idx.msk [tilespmem:v1+s5+$0x0], $0xffff;
	_ =	sdelay $0x2  }
0x2b9: {  	v0 =	vld.idx.msk [tilespmem:v0+s5+$0x0], $0xffff;
	_ =	sdelay $0x1  }
0x2ba: {  	v2 =	vand.u32 $0xFFFF0000, v1;
	v1 =	vshll.u32 v1, $0x10  }
0x2bb: {  	v1 =	vsel vm0, v2, v1  }
0x2bc: {  	v2 =	vsub.f32 $1.000000000e+00, v1  }
0x2bd: {  	v3 =	vand.u32 $0xFFFF0000, v0;
	v0 =	vshll.u32 v0, $0x10;
	[tilespmem:s30+$0x163B0] =	vst v1  }
0x2be: {  	v0 =	vsel vm1, v3, v0;
	[tilespmem:s30+$0x16430] =	vst v2  }
0x2bf: {  	v1 =	vsub.f32 $1.000000000e+00, v0;
	v2 =	vld [tilespmem:s2+$0xEBC0]  }
0x2c0: {  	[tilespmem:s31+$0x16390] =	vst v0  }
0x2c1: {  	[tilespmem:s31+$0x16410] =	vst v1  }
0x2c2: {  	s11 =	simm.s32 $0x100;
	s13 =	simm.s32 $0x200;
	v0 =	vld [tilespmem:s16+$0xEBA0]  }
0x2c3: {  	s1 =	sand.u32 $0x3800, s13;
	s0 =	sand.u32 $0x380, s11  }
0x2c4: {  	s4 =	sor.u32 s0, s1;
	vm0 =	vgt.s32 v2, $0xC37F;
	v1 =	vadd.s32 $0xFFFF3C80, v2  }
0x2c5: {  	v3 =	vld [tilespmem:s4+$0xEB80];
	v1 =	vsel vm0, v1, v2;
	_ =	sdelay $0x1  }
0x2c6: {  	vm1 =	vgt.s32 v0, $0xC37F;
	v2 =	vadd.s32 $0xFFFF3C80, v0  }
0x2c7: {  	v0 =	vsel vm1, v2, v0;
	_ =	sdelay $0x1  }
0x2c8: {  	vm2 =	vgt.s32 v3, $0xC37F;
	v2 =	vadd.s32 $0xFFFF3C80, v3;
	v1 =	vld.idx.msk [tilespmem:v1+s5+$0x0], $0xffff  }
0x2c9: {  	v2 =	vsel vm2, v2, v3;
	_ =	sdelay $0x1  }
0x2ca: {  	v0 =	vld.idx.msk [tilespmem:v0+s5+$0x0], $0xffff;
	_ =	sdelay $0x1  }
0x2cb: {  	v3 =	vand.u32 $0xFFFF0000, v1;
	v1 =	vshll.u32 v1, $0x10  }
0x2cc: {  	v2 =	vld.idx.msk [tilespmem:v2+s5+$0x0], $0xffff;
	v1 =	vsel vm0, v3, v1  }
0x2cd: {  	v3 =	vsub.f32 $1.000000000e+00, v1  }
0x2ce: {  	v4 =	vand.u32 $0xFFFF0000, v0;
	v0 =	vshll.u32 v0, $0x10;
	[tilespmem:s30+$0x163C0] =	vst v1  }
0x2cf: {  	v0 =	vsel vm1, v4, v0;
	[tilespmem:s30+$0x16440] =	vst v3  }
0x2d0: {  	v1 =	vsub.f32 $1.000000000e+00, v0;
	v3 =	vld [tilespmem:s2+$0xEBD0]  }
0x2d1: {  	v4 =	vand.u32 $0xFFFF0000, v2;
	v2 =	vshll.u32 v2, $0x10;
	[tilespmem:s31+$0x163A0] =	vst v0  }
0x2d2: {  	v0 =	vsel vm2, v4, v2;
	[tilespmem:s31+$0x16420] =	vst v1  }
0x2d3: {  	s0 =	simm.s32 $0x400;
	v1 =	vsub.f32 $1.000000000e+00, v0;
	v2 =	vld [tilespmem:s16+$0xEBB0]  }
0x2d4: {  	[tilespmem:s0+$0x16380] =	vst v0  }
0x2d5: {  	[tilespmem:s0+$0x16400] =	vst v1;
	vm0 =	vgt.s32 v3, $0xC37F;
	v0 =	vadd.s32 $0xFFFF3C80, v3  }
0x2d6: {  	v1 =	vld [tilespmem:s4+$0xEB90];
	v0 =	vsel vm0, v0, v3;
	_ =	sdelay $0x1  }
0x2d7: {  	vm1 =	vgt.s32 v2, $0xC37F;
	v3 =	vadd.s32 $0xFFFF3C80, v2  }
0x2d8: {  	v2 =	vsel vm1, v3, v2;
	_ =	sdelay $0x1  }
0x2d9: {  	vm2 =	vgt.s32 v1, $0xC37F;
	v3 =	vadd.s32 $0xFFFF3C80, v1;
	v0 =	vld.idx.msk [tilespmem:v0+s5+$0x0], $0xffff  }
0x2da: {  	v1 =	vsel vm2, v3, v1;
	_ =	sdelay $0x1  }
0x2db: {  	v2 =	vld.idx.msk [tilespmem:v2+s5+$0x0], $0xffff;
	_ =	sdelay $0x1  }
0x2dc: {  	s14 =	simm.s32 $0x180;
	s15 =	simm.s32 $0x300;
	v3 =	vand.u32 $0xFFFF0000, v0;
	v0 =	vshll.u32 v0, $0x10  }
0x2dd: {  	s6 =	sand.u32 $0x3800, s15;
	s1 =	sand.u32 $0x380, s14;
	v1 =	vld.idx.msk [tilespmem:v1+s5+$0x0], $0xffff;
	v0 =	vsel vm0, v3, v0  }
0x2de: {  	s10 =	sor.u32 s1, s6;
	v3 =	vsub.f32 $1.000000000e+00, v0  }
0x2df: {  	v4 =	vld [tilespmem:s10+$0xEB80];
	v5 =	vand.u32 $0xFFFF0000, v2;
	v2 =	vshll.u32 v2, $0x10;
	[tilespmem:s30+$0x163D0] =	vst v0  }
0x2e0: {  	v0 =	vsel vm1, v5, v2;
	[tilespmem:s30+$0x16450] =	vst v3  }
0x2e1: {  	v2 =	vsub.f32 $1.000000000e+00, v0;
	v3 =	vld [tilespmem:s2+$0xEBE0]  }
0x2e2: {  	v5 =	vand.u32 $0xFFFF0000, v1;
	v1 =	vshll.u32 v1, $0x10;
	[tilespmem:s31+$0x163B0] =	vst v0  }
0x2e3: {  	v0 =	vsel vm2, v5, v1;
	[tilespmem:s31+$0x16430] =	vst v2  }
0x2e4: {  	vm0 =	vgt.s32 v4, $0xC37F;
	v1 =	vadd.s32 $0xFFFF3C80, v4;
	v2 =	vsub.f32 $1.000000000e+00, v0;
	v5 =	vld [tilespmem:s16+$0xEBC0]  }
0x2e5: {  	v1 =	vsel vm0, v1, v4;
	[tilespmem:s0+$0x16390] =	vst v0  }
0x2e6: {  	[tilespmem:s0+$0x16410] =	vst v2;
	vm1 =	vgt.s32 v3, $0xC37F;
	v0 =	vadd.s32 $0xFFFF3C80, v3  }
0x2e7: {  	v2 =	vld [tilespmem:s4+$0xEBA0];
	v0 =	vsel vm1, v0, v3;
	_ =	sdelay $0x1  }
0x2e8: {  	vm2 =	vgt.s32 v5, $0xC37F;
	v3 =	vadd.s32 $0xFFFF3C80, v5  }
0x2e9: {  	v1 =	vld.idx.msk [tilespmem:v1+s5+$0x0], $0xffff;
	v3 =	vsel vm2, v3, v5;
	_ =	sdelay $0x1  }
0x2ea: {  	vm3 =	vgt.s32 v2, $0xC37F;
	v4 =	vadd.s32 $0xFFFF3C80, v2;
	v0 =	vld.idx.msk [tilespmem:v0+s5+$0x0], $0xffff  }
0x2eb: {  	v2 =	vsel vm3, v4, v2;
	_ =	sdelay $0x1  }
0x2ec: {  	v4 =	vand.u32 $0xFFFF0000, v1;
	v1 =	vshll.u32 v1, $0x10;
	v3 =	vld.idx.msk [tilespmem:v3+s5+$0x0], $0xffff  }
0x2ed: {  	v1 =	vsel vm0, v4, v1  }
0x2ee: {  	s9 =	simm.s32 $0x600;
	v4 =	vsub.f32 $1.000000000e+00, v1;
	v5 =	vand.u32 $0xFFFF0000, v0;
	v0 =	vshll.u32 v0, $0x10  }
0x2ef: {  	[tilespmem:s9+$0x16380] =	vst v1;
	v2 =	vld.idx.msk [tilespmem:v2+s5+$0x0], $0xffff;
	v0 =	vsel vm1, v5, v0  }
0x2f0: {  	[tilespmem:s9+$0x16400] =	vst v4;
	v1 =	vsub.f32 $1.000000000e+00, v0  }
0x2f1: {  	v4 =	vld [tilespmem:s10+$0xEB90];
	v5 =	vand.u32 $0xFFFF0000, v3;
	v3 =	vshll.u32 v3, $0x10;
	[tilespmem:s30+$0x163E0] =	vst v0  }
0x2f2: {  	v0 =	vsel vm2, v5, v3;
	[tilespmem:s30+$0x16460] =	vst v1  }
0x2f3: {  	v1 =	vsub.f32 $1.000000000e+00, v0;
	v3 =	vld [tilespmem:s2+$0xEBF0]  }
0x2f4: {  	v5 =	vand.u32 $0xFFFF0000, v2;
	v2 =	vshll.u32 v2, $0x10;
	[tilespmem:s31+$0x163C0] =	vst v0  }
0x2f5: {  	v0 =	vsel vm3, v5, v2;
	[tilespmem:s31+$0x16440] =	vst v1  }
0x2f6: {  	vm1 =	vgt.s32 v4, $0xC37F;
	v2 =	vadd.s32 $0xFFFF3C80, v4;
	v1 =	vsub.f32 $1.000000000e+00, v0;
	v5 =	vld [tilespmem:s16+$0xEBD0]  }
0x2f7: {  	[tilespmem:s0+$0x163A0] =	vst v0;
	v0 =	vsel vm1, v2, v4  }
0x2f8: {  	[tilespmem:s0+$0x16420] =	vst v1;
	vm2 =	vgt.s32 v3, $0xC37F;
	v1 =	vadd.s32 $0xFFFF3C80, v3  }
0x2f9: {  	v2 =	vld [tilespmem:s4+$0xEBB0];
	v1 =	vsel vm2, v1, v3;
	_ =	sdelay $0x1  }
0x2fa: {  	vm3 =	vgt.s32 v5, $0xC37F;
	v3 =	vadd.s32 $0xFFFF3C80, v5  }
0x2fb: {  	v0 =	vld.idx.msk [tilespmem:v0+s5+$0x0], $0xffff;
	v3 =	vsel vm3, v3, v5;
	_ =	sdelay $0x1  }
0x2fc: {  	vm0 =	vgt.s32 v2, $0xC37F;
	v4 =	vadd.s32 $0xFFFF3C80, v2;
	v1 =	vld.idx.msk [tilespmem:v1+s5+$0x0], $0xffff  }
0x2fd: {  	v2 =	vsel vm0, v4, v2;
	_ =	sdelay $0x1  }
0x2fe: {  	v4 =	vand.u32 $0xFFFF0000, v0;
	v0 =	vshll.u32 v0, $0x10;
	v3 =	vld.idx.msk [tilespmem:v3+s5+$0x0], $0xffff  }
0x2ff: {  	s17 =	simm.s32 $0x200;
	s18 =	simm.s32 $0x400;
	v0 =	vsel vm1, v4, v0  }
0x300: {  	s6 =	sand.u32 $0x3800, s18;
	s1 =	sand.u32 $0x380, s17;
	v4 =	vsub.f32 $1.000000000e+00, v0;
	v5 =	vand.u32 $0xFFFF0000, v1;
	v1 =	vshll.u32 v1, $0x10  }
0x301: {  	s13 =	sor.u32 s1, s6;
	[tilespmem:s9+$0x16390] =	vst v0;
	v2 =	vld.idx.msk [tilespmem:v2+s5+$0x0], $0xffff;
	v0 =	vsel vm2, v5, v1  }
0x302: {  	[tilespmem:s9+$0x16410] =	vst v4;
	v1 =	vld [tilespmem:s13+$0xEB80];
	v4 =	vsub.f32 $1.000000000e+00, v0  }
0x303: {  	v5 =	vand.u32 $0xFFFF0000, v3;
	v3 =	vshll.u32 v3, $0x10;
	[tilespmem:s30+$0x163F0] =	vst v0  }
0x304: {  	v0 =	vld [tilespmem:s10+$0xEBA0];
	v3 =	vsel vm3, v5, v3;
	[tilespmem:s30+$0x16470] =	vst v4  }
0x305: {  	v4 =	vsub.f32 $1.000000000e+00, v3;
	v5 =	vld [tilespmem:s2+$0xEF80]  }
0x306: {  	v6 =	vand.u32 $0xFFFF0000, v2;
	v2 =	vshll.u32 v2, $0x10;
	[tilespmem:s31+$0x163D0] =	vst v3  }
0x307: {  	v2 =	vsel vm0, v6, v2;
	vm1 =	vgt.s32 v1, $0xC37F;
	v3 =	vadd.s32 $0xFFFF3C80, v1;
	[tilespmem:s31+$0x16450] =	vst v4  }
0x308: {  	v1 =	vsel vm1, v3, v1;
	v3 =	vsub.f32 $1.000000000e+00, v2;
	v4 =	vld [tilespmem:s16+$0xEBE0]  }
0x309: {  	[tilespmem:s0+$0x163B0] =	vst v2;
	vm2 =	vgt.s32 v0, $0xC37F;
	v2 =	vadd.s32 $0xFFFF3C80, v0  }
0x30a: {  	v0 =	vsel vm2, v2, v0;
	[tilespmem:s0+$0x16430] =	vst v3;
	vm3 =	vgt.s32 v5, $0xC37F;
	v2 =	vadd.s32 $0xFFFF3C80, v5  }
0x30b: {  	v3 =	vld [tilespmem:s4+$0xEBC0];
	v2 =	vsel vm3, v2, v5;
	_ =	sdelay $0x1  }
0x30c: {  	v1 =	vld.idx.msk [tilespmem:v1+s5+$0x0], $0xffff;
	vm4 =	vgt.s32 v4, $0xC37F;
	v5 =	vadd.s32 $0xFFFF3C80, v4  }
0x30d: {  	v4 =	vsel vm4, v5, v4  }
0x30e: {  	v0 =	vld.idx.msk [tilespmem:v0+s5+$0x0], $0xffff  }
0x30f: {  	vm0 =	vgt.s32 v3, $0xC37F;
	v5 =	vadd.s32 $0xFFFF3C80, v3;
	v2 =	vld.idx.msk [tilespmem:v2+s5+$0x0], $0xffff  }
0x310: {  	v3 =	vsel vm0, v5, v3  }
0x311: {  	v5 =	vand.u32 $0xFFFF0000, v1;
	v1 =	vshll.u32 v1, $0x10  }
0x312: {  	v1 =	vsel vm1, v5, v1;
	v4 =	vld.idx.msk [tilespmem:v4+s5+$0x0], $0xffff  }
0x313: {  	s11 =	simm.s32 $0x800;
	v6 =	vand.u32 $0xFFFF0000, v0;
	v0 =	vshll.u32 v0, $0x10;
	v5 =	vsub.f32 $1.000000000e+00, v1  }
0x314: {  	[tilespmem:s11+$0x16380] =	vst v1;
	v0 =	vsel vm2, v6, v0;
	v1 =	vand.u32 $0xFFFF0000, v2;
	v2 =	vshll.u32 v2, $0x10  }
0x315: {  	[tilespmem:s9+$0x163A0] =	vst v0;
	v3 =	vld.idx.msk [tilespmem:v3+s5+$0x0], $0xffff;
	v1 =	vsel vm3, v1, v2  }
0x316: {  	[tilespmem:s11+$0x16400] =	vst v5;
	v2 =	vsub.f32 $1.000000000e+00, v1  }
0x317: {  	v0 =	vsub.f32 $1.000000000e+00, v0;
	v5 =	vld [tilespmem:s13+$0xEB90];
	v6 =	vand.u32 $0xFFFF0000, v4;
	v4 =	vshll.u32 v4, $0x10;
	[tilespmem:s30+$0x16480] =	vst v1  }
0x318: {  	v1 =	vsel vm4, v6, v4;
	[tilespmem:s30+$0x16500] =	vst v2  }
0x319: {  	[tilespmem:s9+$0x16420] =	vst v0;
	v0 =	vsub.f32 $1.000000000e+00, v1;
	v2 =	vld [tilespmem:s2+$0xEF90]  }
0x31a: {  	[tilespmem:s31+$0x163E0] =	vst v1;
	v4 =	vand.u32 $0xFFFF0000, v3;
	v3 =	vshll.u32 v3, $0x10  }
0x31b: {  	v1 =	vsel vm0, v4, v3;
	v3 =	vld [tilespmem:s10+$0xEBB0];
	[tilespmem:s31+$0x16460] =	vst v0  }
0x31c: {  	vm0 =	vgt.s32 v5, $0xC37F;
	v0 =	vadd.s32 $0xFFFF3C80, v5;
	v4 =	vsub.f32 $1.000000000e+00, v1;
	v6 =	vld [tilespmem:s16+$0xEBF0]  }
0x31d: {  	v0 =	vsel vm0, v0, v5;
	[tilespmem:s0+$0x163C0] =	vst v1  }
0x31e: {  	[tilespmem:s0+$0x16440] =	vst v4;
	vm4 =	vgt.s32 v2, $0xC37F;
	v1 =	vadd.s32 $0xFFFF3C80, v2  }
0x31f: {  	v4 =	vld [tilespmem:s4+$0xEBD0];
	v1 =	vsel vm4, v1, v2  }
0x320: {  	vm1 =	vgt.s32 v3, $0xC37F;
	v2 =	vadd.s32 $0xFFFF3C80, v3  }
0x321: {  	v2 =	vsel vm1, v2, v3;
	vm3 =	vgt.s32 v6, $0xC37F;
	v3 =	vadd.s32 $0xFFFF3C80, v6  }
0x322: {  	s23 =	simm.s32 $0x500;
	s19 =	simm.s32 $0x280;
	v0 =	vld.idx.msk [tilespmem:v0+s5+$0x0], $0xffff;
	v3 =	vsel vm3, v3, v6  }
0x323: {  	s6 =	sand.u32 $0x3800, s23;
	s1 =	sand.u32 $0x380, s19  }
0x324: {  	s19 =	sor.u32 s1, s6;
	vm2 =	vgt.s32 v4, $0xC37F;
	v5 =	vadd.s32 $0xFFFF3C80, v4;
	v1 =	vld.idx.msk [tilespmem:v1+s5+$0x0], $0xffff  }
0x325: {  	v6 =	vld [tilespmem:s19+$0xEB80];
	v4 =	vsel vm2, v5, v4  }
0x326: {  	v2 =	vld.idx.msk [tilespmem:v2+s5+$0x0], $0xffff  }
0x327: {  	v5 =	vand.u32 $0xFFFF0000, v0;
	v0 =	vshll.u32 v0, $0x10;
	v3 =	vld.idx.msk [tilespmem:v3+s5+$0x0], $0xffff  }
0x328: {  	v0 =	vsel vm0, v5, v0  }
0x329: {  	v5 =	vsub.f32 $1.000000000e+00, v0;
	v7 =	vand.u32 $0xFFFF0000, v1;
	v1 =	vshll.u32 v1, $0x10  }
0x32a: {  	vm0 =	vgt.s32 v6, $0xC37F;
	[tilespmem:s11+$0x16390] =	vst v0;
	v0 =	vld.idx.msk [tilespmem:v4+s5+$0x0], $0xffff;
	v1 =	vsel vm4, v7, v1  }
0x32b: {  	v4 =	vadd.s32 $0xFFFF3C80, v6;
	[tilespmem:s11+$0x16410] =	vst v5;
	v5 =	vand.u32 $0xFFFF0000, v2;
	v7 =	vsub.f32 $1.000000000e+00, v1  }
0x32c: {  	v8 =	vld [tilespmem:s13+$0xEBA0];
	v2 =	vshll.u32 v2, $0x10;
	v9 =	vand.u32 $0xFFFF0000, v3;
	v3 =	vshll.u32 v3, $0x10;
	[tilespmem:s30+$0x16490] =	vst v1  }
0x32d: {  	v1 =	vsel vm0, v4, v6;
	v2 =	vsel vm1, v5, v2;
	v3 =	vsel vm3, v9, v3;
	[tilespmem:s30+$0x16510] =	vst v7  }
0x32e: {  	[tilespmem:s9+$0x163B0] =	vst v2;
	v4 =	vsub.f32 $1.000000000e+00, v3;
	v5 =	vld [tilespmem:s2+$0xEFA0]  }
0x32f: {  	v2 =	vsub.f32 $1.000000000e+00, v2;
	[tilespmem:s31+$0x163F0] =	vst v3;
	v6 =	vand.u32 $0xFFFF0000, v0;
	v0 =	vshll.u32 v0, $0x10  }
0x330: {  	v0 =	vsel vm2, v6, v0;
	[tilespmem:s31+$0x16470] =	vst v4  }
0x331: {  	[tilespmem:s9+$0x16430] =	vst v2;
	vm1 =	vgt.s32 v8, $0xC37F;
	v3 =	vadd.s32 $0xFFFF3C80, v8;
	v2 =	vsub.f32 $1.000000000e+00, v0;
	v4 =	vld [tilespmem:s16+$0xEF80]  }
0x332: {  	v1 =	vld.idx.msk [tilespmem:v1+s5+$0x0], $0xffff;
	v3 =	vsel vm1, v3, v8;
	[tilespmem:s0+$0x163D0] =	vst v0  }
0x333: {  	v0 =	vld [tilespmem:s10+$0xEBC0];
	[tilespmem:s0+$0x16450] =	vst v2;
	vm4 =	vgt.s32 v5, $0xC37F;
	v2 =	vadd.s32 $0xFFFF3C80, v5  }
0x334: {  	v6 =	vld [tilespmem:s4+$0xEBE0];
	v2 =	vsel vm4, v2, v5;
	_ =	sdelay $0x1  }
0x335: {  	vm3 =	vgt.s32 v4, $0xC37F;
	v5 =	vadd.s32 $0xFFFF3C80, v4  }
0x336: {  	v7 =	vand.u32 $0xFFFF0000, v1;
	v1 =	vshll.u32 v1, $0x10;
	v3 =	vld.idx.msk [tilespmem:v3+s5+$0x0], $0xffff;
	v4 =	vsel vm3, v5, v4  }
0x337: {  	v1 =	vsel vm0, v7, v1;
	vm0 =	vgt.s32 v0, $0xC37F;
	v5 =	vadd.s32 $0xFFFF3C80, v0  }
0x338: {  	v0 =	vsel vm0, v5, v0;
	vm2 =	vgt.s32 v6, $0xC37F;
	v5 =	vadd.s32 $0xFFFF3C80, v6;
	v2 =	vld.idx.msk [tilespmem:v2+s5+$0x0], $0xffff  }
0x339: {  	s7 =	simm.s32 $0xA00;
	v7 =	vsub.f32 $1.000000000e+00, v1;
	v5 =	vsel vm2, v5, v6  }
0x33a: {  	[tilespmem:s7+$0x16380] =	vst v1  }
0x33b: {  	[tilespmem:s7+$0x16400] =	vst v7;
	v1 =	vand.u32 $0xFFFF0000, v3;
	v3 =	vshll.u32 v3, $0x10;
	v4 =	vld.idx.msk [tilespmem:v4+s5+$0x0], $0xffff  }
0x33c: {  	v6 =	vld [tilespmem:s19+$0xEB90];
	v1 =	vsel vm1, v1, v3  }
0x33d: {  	v0 =	vld.idx.msk [tilespmem:v0+s5+$0x0], $0xffff;
	v3 =	vsub.f32 $1.000000000e+00, v1;
	v7 =	vand.u32 $0xFFFF0000, v2;
	v2 =	vshll.u32 v2, $0x10  }
0x33e: {  	[tilespmem:s11+$0x163A0] =	vst v1;
	v1 =	vld.idx.msk [tilespmem:v5+s5+$0x0], $0xffff;
	v2 =	vsel vm4, v7, v2  }
0x33f: {  	[tilespmem:s11+$0x16420] =	vst v3;
	v3 =	vsub.f32 $1.000000000e+00, v2  }
0x340: {  	v5 =	vand.u32 $0xFFFF0000, v4;
	v4 =	vshll.u32 v4, $0x10;
	[tilespmem:s30+$0x164A0] =	vst v2  }
0x341: {  	v2 =	vld [tilespmem:s13+$0xEBB0];
	v4 =	vsel vm3, v5, v4;
	[tilespmem:s30+$0x16520] =	vst v3  }
0x342: {  	vm1 =	vgt.s32 v6, $0xC37F;
	v8 =	vadd.s32 $0xFFFF3C80, v6;
	v5 =	vsub.f32 $1.000000000e+00, v4;
	v7 =	vld [tilespmem:s2+$0xEFB0]  }
0x343: {  	v3 =	vand.u32 $0xFFFF0000, v0;
	[tilespmem:s31+$0x16480] =	vst v4;
	v9 =	vand.u32 $0xFFFF0000, v1;
	v1 =	vshll.u32 v1, $0x10  }
0x344: {  	s24 =	simm.s32 $0x300;
	s25 =	simm.s32 $0x600;
	v0 =	vshll.u32 v0, $0x10;
	v4 =	vsel vm1, v8, v6;
	v1 =	vsel vm2, v9, v1;
	[tilespmem:s31+$0x16500] =	vst v5  }
0x345: {  	s6 =	sand.u32 $0x3800, s25;
	s1 =	sand.u32 $0x380, s24;
	v0 =	vsel vm0, v3, v0;
	v3 =	vsub.f32 $1.000000000e+00, v1;
	v5 =	vld [tilespmem:s16+$0xEF90]  }
0x346: {  	s6 =	sor.u32 s1, s6;
	v6 =	vsub.f32 $1.000000000e+00, v0;
	[tilespmem:s0+$0x163E0] =	vst v1;
	vm4 =	vgt.s32 v2, $0xC37F;
	v1 =	vadd.s32 $0xFFFF3C80, v2  }
0x347: {  	v8 =	vld [tilespmem:s6+$0xEB80];
	v1 =	vsel vm4, v1, v2;
	[tilespmem:s0+$0x16460] =	vst v3;
	vm6 =	vgt.s32 v7, $0xC37F;
	v2 =	vadd.s32 $0xFFFF3C80, v7  }
0x348: {  	[tilespmem:s9+$0x163C0] =	vst v0;
	v0 =	vld [tilespmem:s4+$0xEBF0];
	v2 =	vsel vm6, v2, v7  }
0x349: {  	[tilespmem:s9+$0x16440] =	vst v6;
	v3 =	vld.idx.msk [tilespmem:v4+s5+$0x0], $0xffff  }
0x34a: {  	v4 =	vld [tilespmem:s10+$0xEBD0];
	vm5 =	vgt.s32 v5, $0xC37F;
	v6 =	vadd.s32 $0xFFFF3C80, v5  }
0x34b: {  	v5 =	vsel vm5, v6, v5  }
0x34c: {  	v1 =	vld.idx.msk [tilespmem:v1+s5+$0x0], $0xffff  }
0x34d: {  	vm3 =	vgt.s32 v0, $0xC37F;
	v6 =	vadd.s32 $0xFFFF3C80, v0;
	v2 =	vld.idx.msk [tilespmem:v2+s5+$0x0], $0xffff  }
0x34e: {  	vm0 =	vgt.s32 v8, $0xC37F;
	v7 =	vand.u32 $0xFFFF0000, v3;
	v0 =	vsel vm3, v6, v0  }
0x34f: {  	v3 =	vshll.u32 v3, $0x10;
	vm2 =	vgt.s32 v4, $0xC37F;
	v6 =	vadd.s32 $0xFFFF3C80, v4  }
0x350: {  	v3 =	vsel vm1, v7, v3;
	v4 =	vsel vm2, v6, v4;
	v6 =	vadd.s32 $0xFFFF3C80, v8;
	v5 =	vld.idx.msk [tilespmem:v5+s5+$0x0], $0xffff  }
0x351: {  	v7 =	vsub.f32 $1.000000000e+00, v3;
	v6 =	vsel vm0, v6, v8;
	v8 =	vand.u32 $0xFFFF0000, v1  }
0x352: {  	[tilespmem:s7+$0x16390] =	vst v3;
	v1 =	vshll.u32 v1, $0x10;
	v3 =	vand.u32 $0xFFFF0000, v2;
	v2 =	vshll.u32 v2, $0x10  }
0x353: {  	[tilespmem:s7+$0x16410] =	vst v7;
	v1 =	vsel vm4, v8, v1;
	v0 =	vld.idx.msk [tilespmem:v0+s5+$0x0], $0xffff;
	v2 =	vsel vm6, v3, v2  }
0x354: {  	[tilespmem:s11+$0x163B0] =	vst v1;
	v3 =	vld [tilespmem:s19+$0xEBA0];
	v7 =	vsub.f32 $1.000000000e+00, v2  }
0x355: {  	v1 =	vsub.f32 $1.000000000e+00, v1;
	v4 =	vld.idx.msk [tilespmem:v4+s5+$0x0], $0xffff;
	v8 =	vand.u32 $0xFFFF0000, v5;
	v5 =	vshll.u32 v5, $0x10;
	[tilespmem:s30+$0x164B0] =	vst v2  }
0x356: {  	v2 =	vsel vm5, v8, v5;
	[tilespmem:s30+$0x16530] =	vst v7  }
0x357: {  	[tilespmem:s11+$0x16430] =	vst v1;
	v1 =	vsub.f32 $1.000000000e+00, v2;
	v5 =	vld [tilespmem:s2+$0xEFC0]  }
0x358: {  	v6 =	vld.idx.msk [tilespmem:v6+s5+$0x0], $0xffff;
	[tilespmem:s31+$0x16490] =	vst v2;
	v7 =	vand.u32 $0xFFFF0000, v0;
	v0 =	vshll.u32 v0, $0x10  }
0x359: {  	v8 =	vld [tilespmem:s13+$0xEBC0];
	vm1 =	vgt.s32 v3, $0xC37F;
	v2 =	vadd.s32 $0xFFFF3C80, v3;
	v0 =	vsel vm3, v7, v0;
	[tilespmem:s31+$0x16510] =	vst v1  }
0x35a: {  	v1 =	vand.u32 $0xFFFF0000, v4;
	v4 =	vshll.u32 v4, $0x10;
	v7 =	vsub.f32 $1.000000000e+00, v0;
	v9 =	vld [tilespmem:s16+$0xEFA0]  }
0x35b: {  	v2 =	vsel vm1, v2, v3;
	v1 =	vsel vm2, v1, v4;
	[tilespmem:s0+$0x163F0] =	vst v0  }
0x35c: {  	v0 =	vsub.f32 $1.000000000e+00, v1;
	[tilespmem:s0+$0x16470] =	vst v7;
	vm5 =	vgt.s32 v5, $0xC37F;
	v3 =	vadd.s32 $0xFFFF3C80, v5  }
0x35d: {  	v4 =	vand.u32 $0xFFFF0000, v6;
	[tilespmem:s9+$0x163D0] =	vst v1;
	v1 =	vshll.u32 v6, $0x10;
	v6 =	vld [tilespmem:s4+$0xEF80];
	v3 =	vsel vm5, v3, v5  }
0x35e: {  	vm3 =	vgt.s32 v8, $0xC37F;
	[tilespmem:s9+$0x16450] =	vst v0;
	v0 =	vsel vm0, v4, v1;
	v1 =	vadd.s32 $0xFFFF3C80, v8  }
0x35f: {  	v1 =	vsel vm3, v1, v8;
	v4 =	vld [tilespmem:s10+$0xEBE0];
	vm6 =	vgt.s32 v9, $0xC37F;
	v5 =	vadd.s32 $0xFFFF3C80, v9  }
0x360: {  	s18 =	simm.s32 $0xC00;
	v7 =	vsub.f32 $1.000000000e+00, v0;
	v2 =	vld.idx.msk [tilespmem:v2+s5+$0x0], $0xffff;
	v5 =	vsel vm6, v5, v9  }
0x361: {  	[tilespmem:s18+$0x16380] =	vst v0  }
0x362: {  	[tilespmem:s18+$0x16400] =	vst v7;
	vm4 =	vgt.s32 v6, $0xC37F;
	v0 =	vadd.s32 $0xFFFF3C80, v6;
	v3 =	vld.idx.msk [tilespmem:v3+s5+$0x0], $0xffff  }
0x363: {  	v7 =	vld [tilespmem:s6+$0xEB90];
	v0 =	vsel vm4, v0, v6  }
0x364: {  	v1 =	vld.idx.msk [tilespmem:v1+s5+$0x0], $0xffff;
	vm2 =	vgt.s32 v4, $0xC37F;
	v6 =	vadd.s32 $0xFFFF3C80, v4  }
0x365: {  	v4 =	vsel vm2, v6, v4;
	v6 =	vand.u32 $0xFFFF0000, v2;
	v2 =	vshll.u32 v2, $0x10;
	v5 =	vld.idx.msk [tilespmem:v5+s5+$0x0], $0xffff  }
0x366: {  	v2 =	vsel vm1, v6, v2  }
0x367: {  	v6 =	vsub.f32 $1.000000000e+00, v2;
	v8 =	vand.u32 $0xFFFF0000, v3;
	v3 =	vshll.u32 v3, $0x10  }
0x368: {  	[tilespmem:s7+$0x163A0] =	vst v2;
	v0 =	vld.idx.msk [tilespmem:v0+s5+$0x0], $0xffff;
	v2 =	vsel vm5, v8, v3  }
0x369: {  	vm0 =	vgt.s32 v7, $0xC37F;
	[tilespmem:s7+$0x16420] =	vst v6;
	v3 =	vand.u32 $0xFFFF0000, v1;
	v6 =	vsub.f32 $1.000000000e+00, v2  }
0x36a: {  	v1 =	vshll.u32 v1, $0x10;
	v4 =	vld.idx.msk [tilespmem:v4+s5+$0x0], $0xffff;
	v9 =	vand.u32 $0xFFFF0000, v5;
	v5 =	vshll.u32 v5, $0x10;
	[tilespmem:s30+$0x164C0] =	vst v2  }
0x36b: {  	v8 =	vadd.s32 $0xFFFF3C80, v7;
	v1 =	vsel vm3, v3, v1;
	v3 =	vld [tilespmem:s19+$0xEBB0];
	v5 =	vsel vm6, v9, v5;
	[tilespmem:s30+$0x16540] =	vst v6  }
0x36c: {  	v2 =	vsel vm0, v8, v7;
	[tilespmem:s11+$0x163C0] =	vst v1;
	v6 =	vsub.f32 $1.000000000e+00, v5;
	v7 =	vld [tilespmem:s2+$0xEFD0]  }
0x36d: {  	v1 =	vsub.f32 $1.000000000e+00, v1;
	[tilespmem:s31+$0x164A0] =	vst v5;
	v8 =	vand.u32 $0xFFFF0000, v0;
	v0 =	vshll.u32 v0, $0x10  }
0x36e: {  	v0 =	vsel vm4, v8, v0;
	[tilespmem:s31+$0x16520] =	vst v6  }
0x36f: {  	[tilespmem:s11+$0x16440] =	vst v1;
	v1 =	vand.u32 $0xFFFF0000, v4;
	v4 =	vshll.u32 v4, $0x10;
	v5 =	vsub.f32 $1.000000000e+00, v0;
	v6 =	vld [tilespmem:s16+$0xEFB0]  }
0x370: {  	v1 =	vsel vm2, v1, v4;
	vm1 =	vgt.s32 v3, $0xC37F;
	v4 =	vadd.s32 $0xFFFF3C80, v3;
	[tilespmem:s0+$0x16480] =	vst v0  }
0x371: {  	s14 =	simm.s32 $0x700;
	s24 =	simm.s32 $0x380;
	v0 =	vsel vm1, v4, v3;
	v3 =	vld [tilespmem:s13+$0xEBD0];
	[tilespmem:s0+$0x16500] =	vst v5;
	vm5 =	vgt.s32 v7, $0xC37F;
	v4 =	vadd.s32 $0xFFFF3C80, v7  }
0x372: {  	s26 =	sand.u32 $0x3800, s14;
	s15 =	sand.u32 $0x380, s24;
	v5 =	vsub.f32 $1.000000000e+00, v1;
	v8 =	vld [tilespmem:s4+$0xEF90];
	v4 =	vsel vm5, v4, v7  }
0x373: {  	s25 =	sor.u32 s15, s26;
	v2 =	vld.idx.msk [tilespmem:v2+s5+$0x0], $0xffff;
	[tilespmem:s9+$0x163E0] =	vst v1  }
0x374: {  	v1 =	vld [tilespmem:s25+$0xEB80];
	[tilespmem:s9+$0x16460] =	vst v5;
	vm6 =	vgt.s32 v6, $0xC37F;
	v5 =	vadd.s32 $0xFFFF3C80, v6  }
0x375: {  	v7 =	vld [tilespmem:s10+$0xEBF0];
	v5 =	vsel vm6, v5, v6  }
0x376: {  	v0 =	vld.idx.msk [tilespmem:v0+s5+$0x0], $0xffff;
	vm3 =	vgt.s32 v3, $0xC37F;
	v6 =	vadd.s32 $0xFFFF3C80, v3  }
0x377: {  	v3 =	vsel vm3, v6, v3;
	vm4 =	vgt.s32 v8, $0xC37F;
	v6 =	vadd.s32 $0xFFFF3C80, v8;
	v4 =	vld.idx.msk [tilespmem:v4+s5+$0x0], $0xffff  }
0x378: {  	v9 =	vand.u32 $0xFFFF0000, v2;
	v2 =	vshll.u32 v2, $0x10;
	v6 =	vsel vm4, v6, v8  }
0x379: {  	v2 =	vsel vm0, v9, v2  }
0x37a: {  	v9 =	vsub.f32 $1.000000000e+00, v2;
	[tilespmem:s18+$0x16390] =	vst v2;
	vm2 =	vgt.s32 v7, $0xC37F;
	v2 =	vadd.s32 $0xFFFF3C80, v7;
	v5 =	vld.idx.msk [tilespmem:v5+s5+$0x0], $0xffff  }
0x37b: {  	vm0 =	vgt.s32 v1, $0xC37F;
	v2 =	vsel vm2, v2, v7;
	v7 =	vand.u32 $0xFFFF0000, v0  }
0x37c: {  	[tilespmem:s18+$0x16410] =	vst v9;
	v0 =	vshll.u32 v0, $0x10;
	v3 =	vld.idx.msk [tilespmem:v3+s5+$0x0], $0xffff;
	v9 =	vand.u32 $0xFFFF0000, v4;
	v4 =	vshll.u32 v4, $0x10  }
0x37d: {  	v8 =	vadd.s32 $0xFFFF3C80, v1;
	v0 =	vsel vm1, v7, v0;
	v6 =	vld.idx.msk [tilespmem:v6+s5+$0x0], $0xffff;
	v4 =	vsel vm5, v9, v4  }
0x37e: {  	v1 =	vsel vm0, v8, v1;
	v8 =	vld [tilespmem:s6+$0xEBA0];
	[tilespmem:s7+$0x163B0] =	vst v0;
	v7 =	vsub.f32 $1.000000000e+00, v4  }
0x37f: {  	v0 =	vsub.f32 $1.000000000e+00, v0;
	v9 =	vand.u32 $0xFFFF0000, v5;
	v5 =	vshll.u32 v5, $0x10;
	[tilespmem:s30+$0x164D0] =	vst v4  }
0x380: {  	v2 =	vld.idx.msk [tilespmem:v2+s5+$0x0], $0xffff;
	v4 =	vsel vm6, v9, v5;
	[tilespmem:s30+$0x16550] =	vst v7  }
0x381: {  	[tilespmem:s7+$0x16430] =	vst v0;
	v0 =	vand.u32 $0xFFFF0000, v3;
	v3 =	vshll.u32 v3, $0x10;
	v5 =	vsub.f32 $1.000000000e+00, v4;
	v7 =	vld [tilespmem:s2+$0xEFE0]  }
0x382: {  	[tilespmem:s31+$0x164B0] =	vst v4;
	v0 =	vsel vm3, v0, v3;
	v9 =	vand.u32 $0xFFFF0000, v6;
	v6 =	vshll.u32 v6, $0x10  }
0x383: {  	vm5 =	vgt.s32 v8, $0xC37F;
	v10 =	vld [tilespmem:s19+$0xEBC0];
	v4 =	vadd.s32 $0xFFFF3C80, v8;
	[tilespmem:s11+$0x163D0] =	vst v0;
	v3 =	vsel vm4, v9, v6  }
0x384: {  	v1 =	vld.idx.msk [tilespmem:v1+s5+$0x0], $0xffff;
	v4 =	vsel vm5, v4, v8;
	[tilespmem:s31+$0x16530] =	vst v5;
	v5 =	vsub.f32 $1.000000000e+00, v3  }
0x385: {  	v0 =	vsub.f32 $1.000000000e+00, v0;
	v8 =	vand.u32 $0xFFFF0000, v2;
	[tilespmem:s0+$0x16490] =	vst v3;
	v3 =	vld [tilespmem:s16+$0xEFC0];
	v2 =	vshll.u32 v2, $0x10  }
0x386: {  	v2 =	vsel vm2, v8, v2;
	[tilespmem:s0+$0x16510] =	vst v5;
	vm6 =	vgt.s32 v7, $0xC37F;
	v5 =	vadd.s32 $0xFFFF3C80, v7  }
0x387: {  	[tilespmem:s11+$0x16450] =	vst v0;
	v0 =	vld [tilespmem:s4+$0xEFA0];
	v5 =	vsel vm6, v5, v7;
	v7 =	vsub.f32 $1.000000000e+00, v2  }
0x388: {  	vm4 =	vgt.s32 v10, $0xC37F;
	v8 =	vadd.s32 $0xFFFF3C80, v10;
	v9 =	vld [tilespmem:s13+$0xEBE0];
	[tilespmem:s9+$0x163F0] =	vst v2  }
0x389: {  	v6 =	vand.u32 $0xFFFF0000, v1;
	v1 =	vshll.u32 v1, $0x10;
	v4 =	vld.idx.msk [tilespmem:v4+s5+$0x0], $0xffff;
	v2 =	vsel vm4, v8, v10;
	[tilespmem:s9+$0x16470] =	vst v7  }
0x38a: {  	s23 =	simm.s32 $0xE00;
	v1 =	vsel vm0, v6, v1;
	vm0 =	vgt.s32 v3, $0xC37F;
	v7 =	vadd.s32 $0xFFFF3C80, v3;
	v8 =	vld [tilespmem:s10+$0xEF80]  }
0x38b: {  	v6 =	vsub.f32 $1.000000000e+00, v1;
	[tilespmem:s23+$0x16380] =	vst v1;
	v1 =	vsel vm0, v7, v3  }
0x38c: {  	vm1 =	vgt.s32 v0, $0xC37F;
	v3 =	vadd.s32 $0xFFFF3C80, v0  }
0x38d: {  	vm3 =	vgt.s32 v9, $0xC37F;
	v5 =	vld.idx.msk [tilespmem:v5+s5+$0x0], $0xffff;
	v0 =	vsel vm1, v3, v0;
	v3 =	vadd.s32 $0xFFFF3C80, v9  }
0x38e: {  	s3 =	sor.u32 $0x1, s29;
	[tilespmem:s23+$0x16400] =	vst v6;
	v6 =	vld.idx.msk [tilespmem:v2+s5+$0x0], $0xffff;
	v2 =	vand.u32 $0xFFFF0000, v4;
	v9 =	vsel vm3, v3, v9  }
0x38f: {  	s17 =	smulhi.u32 $0x66666667, s3;
	v7 =	vld [tilespmem:s25+$0xEB90];
	v3 =	vshll.u32 v4, $0x10;
	vm2 =	vgt.s32 v8, $0xC37F;
	v4 =	vadd.s32 $0xFFFF3C80, v8  }
0x390: {  	v10 =	vsel vm5, v2, v3;
	v2 =	vld.idx.msk [tilespmem:v1+s5+$0x0], $0xffff;
	v4 =	vsel vm2, v4, v8  }
0x391: {  	s15 =	sshrl.u32 s17, $0x1  }
0x392: {  	s26 =	smul.u32 $0xFFFFFFFB, s15;
	v1 =	vsub.f32 $1.000000000e+00, v10;
	v11 =	vand.u32 $0xFFFF0000, v5;
	v5 =	vshll.u32 v5, $0x10  }
0x393: {  	[tilespmem:s18+$0x163A0] =	vst v10;
	v3 =	vld.idx.msk [tilespmem:v0+s5+$0x0], $0xffff;
	v0 =	vsel vm6, v11, v5  }
0x394: {  	s17 =	sshll.u32 s15, $0x9;
	s15 =	simm.s32 $0x4000;
	s26 =	sadd.s32 s3, s26;
	vm5 =	vgt.s32 v7, $0xC37F;
	[tilespmem:s18+$0x16420] =	vst v1;
	v8 =	vand.u32 $0xFFFF0000, v6;
	v5 =	vld.idx.msk [tilespmem:v9+s5+$0x0], $0xffff;
	v1 =	vsub.f32 $1.000000000e+00, v0  }
.LBB2_5:
0x395: {  	p1 =	sne.s32 s15, $0x13800;
	v6 =	vshll.u32 v6, $0x10;
	v4 =	vld.idx.msk [tilespmem:v4+s5+$0x0], $0xffff;
	v9 =	vand.u32 $0xFFFF0000, v2;
	v2 =	vshll.u32 v2, $0x10;
	[tilespmem:s30+$0x164E0] =	vst v0  }
0x396: {  	v0 =	vadd.s32 $0xFFFF3C80, v7;
	v6 =	vsel vm4, v8, v6;
	v2 =	vsel vm0, v9, v2;
	[tilespmem:s30+$0x16560] =	vst v1  }
0x397: {  	v0 =	vsel vm5, v0, v7;
	[tilespmem:s7+$0x163C0] =	vst v6;
	v1 =	vsub.f32 $1.000000000e+00, v2;
	v7 =	vld [tilespmem:s2+$0xEFF0];
	s2 =	smov.u32 s16;
	s16 =	smov.u32 s4;
	s4 =	smov.u32 s10  }
0x398: {  	s24 =	sadd.s32 $0x80, s24;
	s14 =	sadd.s32 $0x100, s14;
	v6 =	vsub.f32 $1.000000000e+00, v6;
	v8 =	vand.u32 $0xFFFF0000, v3;
	v3 =	vshll.u32 v3, $0x10;
	s10 =	smov.u32 s13;
	[tilespmem:s31+$0x164C0] =	vst v2  }
0x399: {  	s1 =	sand.u32 $0x3800, s14;
	s3 =	sand.u32 $0x380, s24;
	s13 =	smov.u32 s19;
	v3 =	vsel vm1, v8, v3;
	v2 =	vld [tilespmem:s6+$0xEBB0];
	[tilespmem:s31+$0x16540] =	vst v1  }
0x39a: {  	s19 =	smov.u32 s6;
	v1 =	vand.u32 $0xFFFF0000, v5;
	v5 =	vshll.u32 v5, $0x10;
	s6 =	smov.u32 s25;
	s25 =	sor.u32 s3, s1;
	[tilespmem:s7+$0x16440] =	vst v6;
	v6 =	vsub.f32 $1.000000000e+00, v3;
	v8 =	vld [tilespmem:s2+$0xEFD0]  }
0x39b: {  	v1 =	vsel vm3, v1, v5;
	v5 =	vand.u32 $0xFFFF0000, v4;
	v4 =	vshll.u32 v4, $0x10;
	v9 =	vld [tilespmem:s25+$0xEB80];
	[tilespmem:s0+$0x164A0] =	vst v3  }
0x39c: {  	v3 =	vsel vm2, v5, v4;
	v0 =	vld.idx.msk [tilespmem:v0+s5+$0x0], $0xffff;
	[tilespmem:s0+$0x16520] =	vst v6;
	vm7 =	vgt.s32 v7, $0xC37F;
	v4 =	vadd.s32 $0xFFFF3C80, v7  }
0x39d: {  	v5 =	vsub.f32 $1.000000000e+00, v3;
	[tilespmem:s11+$0x163E0] =	vst v1;
	v6 =	vld [tilespmem:s16+$0xEFB0];
	v4 =	vsel vm7, v4, v7  }
0x39e: {  	v1 =	vsub.f32 $1.000000000e+00, v1;
	vm6 =	vgt.s32 v2, $0xC37F;
	v7 =	vadd.s32 $0xFFFF3C80, v2;
	[tilespmem:s9+$0x16480] =	vst v3  }
0x39f: {  	v2 =	vsel vm6, v7, v2;
	v3 =	vld [tilespmem:s13+$0xEBD0];
	[tilespmem:s9+$0x16500] =	vst v5;
	vm8 =	vgt.s32 v8, $0xC37F;
	v5 =	vadd.s32 $0xFFFF3C80, v8  }
0x3a0: {  	[tilespmem:s11+$0x16460] =	vst v1;
	v1 =	vld [tilespmem:s4+$0xEF90];
	v5 =	vsel vm8, v5, v8  }
0x3a1: {  	v7 =	vld [tilespmem:s10+$0xEBF0]  }
0x3a2: {  	vm0 =	vgt.s32 v9, $0xC37F;
	vm4 =	vgt.s32 v6, $0xC37F;
	v8 =	vadd.s32 $0xFFFF3C80, v6;
	v4 =	vld.idx.msk [tilespmem:v4+s5+$0x0], $0xffff  }
0x3a3: {  	v10 =	vand.u32 $0xFFFF0000, v0;
	v0 =	vshll.u32 v0, $0x10;
	v6 =	vsel vm4, v8, v6  }
0x3a4: {  	v0 =	vsel vm5, v10, v0;
	v2 =	vld.idx.msk [tilespmem:v2+s5+$0x0], $0xffff;
	vm1 =	vgt.s32 v3, $0xC37F;
	v8 =	vadd.s32 $0xFFFF3C80, v3  }
0x3a5: {  	v3 =	vsel vm1, v8, v3;
	vm3 =	vgt.s32 v1, $0xC37F;
	v8 =	vadd.s32 $0xFFFF3C80, v1;
	v5 =	vld.idx.msk [tilespmem:v5+s5+$0x0], $0xffff  }
0x3a6: {  	v10 =	vadd.s32 $0xFFFF3C80, v9;
	v11 =	vsub.f32 $1.000000000e+00, v0;
	v1 =	vsel vm3, v8, v1  }
0x3a7: {  	v8 =	vsel vm0, v10, v9;
	vm2 =	vgt.s32 v7, $0xC37F;
	[tilespmem:s23+$0x16390] =	vst v0  }
0x3a8: {  	v0 =	vadd.s32 $0xFFFF3C80, v7;
	v9 =	vand.u32 $0xFFFF0000, v4;
	v4 =	vshll.u32 v4, $0x10;
	[tilespmem:s23+$0x16410] =	vst v11;
	v6 =	vld.idx.msk [tilespmem:v6+s5+$0x0], $0xffff  }
0x3a9: {  	v0 =	vsel vm2, v0, v7;
	v4 =	vsel vm7, v9, v4;
	v10 =	vld [tilespmem:s6+$0xEBA0]  }
0x3aa: {  	v7 =	vand.u32 $0xFFFF0000, v2;
	v3 =	vld.idx.msk [tilespmem:v3+s5+$0x0], $0xffff;
	[tilespmem:s30+$0x164F0] =	vst v4;
	v4 =	vsub.f32 $1.000000000e+00, v4  }
0x3ab: {  	v2 =	vshll.u32 v2, $0x10;
	v9 =	vand.u32 $0xFFFF0000, v5;
	v5 =	vshll.u32 v5, $0x10;
	v1 =	vld.idx.msk [tilespmem:v1+s5+$0x0], $0xffff  }
0x3ac: {  	v2 =	vsel vm6, v7, v2;
	v5 =	vsel vm8, v9, v5;
	[tilespmem:s30+$0x16570] =	vst v4;
	s30 =	smov.u32 s31;
	s31 =	smov.u32 s0;
	s0 =	smov.u32 s9  }
0x3ad: {  	v7 =	vsub.f32 $1.000000000e+00, v5;
	s9 =	smov.u32 s11;
	s11 =	smov.u32 s7;
	s7 =	smov.u32 s18;
	v4 =	vld.idx.msk [tilespmem:v8+s5+$0x0], $0xffff;
	[tilespmem:s18+$0x163B0] =	vst v2  }
0x3ae: {  	v2 =	vsub.f32 $1.000000000e+00, v2;
	v8 =	vand.u32 $0xFFFF0000, v6;
	v6 =	vshll.u32 v6, $0x10;
	s18 =	smov.u32 s23;
	v0 =	vld.idx.msk [tilespmem:v0+s5+$0x0], $0xffff;
	[tilespmem:s30+$0x164D0] =	vst v5  }
0x3af: {  	vm5 =	vgt.s32 v10, $0xC37F;
	v5 =	vsel vm4, v8, v6;
	[tilespmem:s30+$0x16550] =	vst v7  }
0x3b0: {  	v6 =	vadd.s32 $0xFFFF3C80, v10;
	v7 =	vsub.f32 $1.000000000e+00, v5;
	[tilespmem:s7+$0x16430] =	vst v2;
	v2 =	vand.u32 $0xFFFF0000, v3;
	v8 =	vld [tilespmem:s2+$0xEFE0]  }
0x3b1: {  	v3 =	vshll.u32 v3, $0x10;
	v9 =	vand.u32 $0xFFFF0000, v1;
	v1 =	vshll.u32 v1, $0x10;
	[tilespmem:s31+$0x164B0] =	vst v5  }
0x3b2: {  	v5 =	vsel vm5, v6, v10;
	v2 =	vsel vm1, v2, v3;
	v1 =	vsel vm3, v9, v1;
	v6 =	vld [tilespmem:s19+$0xEBC0];
	[tilespmem:s31+$0x16530] =	vst v7  }
0x3b3: {  	v3 =	vand.u32 $0xFFFF0000, v4;
	v7 =	vsub.f32 $1.000000000e+00, v1;
	[tilespmem:s11+$0x163D0] =	vst v2;
	v9 =	vld [tilespmem:s16+$0xEFC0]  }
0x3b4: {  	v2 =	vsub.f32 $1.000000000e+00, v2;
	v10 =	vand.u32 $0xFFFF0000, v0;
	v0 =	vshll.u32 v0, $0x10;
	[tilespmem:s0+$0x16490] =	vst v1  }
0x3b5: {  	v0 =	vsel vm2, v10, v0;
	[tilespmem:s0+$0x16510] =	vst v7;
	vm6 =	vgt.s32 v8, $0xC37F;
	v1 =	vadd.s32 $0xFFFF3C80, v8  }
0x3b6: {  	v4 =	vshll.u32 v4, $0x10;
	[tilespmem:s11+$0x16450] =	vst v2;
	v2 =	vsub.f32 $1.000000000e+00, v0;
	v10 =	vld [tilespmem:s4+$0xEFA0];
	v1 =	vsel vm6, v1, v8  }
0x3b7: {  	v3 =	vsel vm0, v3, v4;
	v4 =	vld.idx.msk [tilespmem:v5+s5+$0x0], $0xffff;
	vm4 =	vgt.s32 v6, $0xC37F;
	v5 =	vadd.s32 $0xFFFF3C80, v6;
	[tilespmem:s9+$0x163F0] =	vst v0  }
0x3b8: {  	v0 =	vsel vm4, v5, v6;
	v5 =	vld [tilespmem:s13+$0xEBE0];
	[tilespmem:s9+$0x16470] =	vst v2;
	vm0 =	vgt.s32 v9, $0xC37F;
	v2 =	vadd.s32 $0xFFFF3C80, v9  }
0x3b9: {  	s23 =	sshra.s32 s15, $0x2;
	v6 =	vsub.f32 $1.000000000e+00, v3;
	v8 =	vld [tilespmem:s10+$0xEF80];
	v2 =	vsel vm0, v2, v9  }
0x3ba: {  	[tilespmem:s23+$0x16380] =	vst v3  }
0x3bb: {  	[tilespmem:s23+$0x16400] =	vst v6;
	vm1 =	vgt.s32 v10, $0xC37F;
	v3 =	vadd.s32 $0xFFFF3C80, v10;
	v1 =	vld.idx.msk [tilespmem:v1+s5+$0x0], $0xffff  }
0x3bc: {  	v7 =	vld [tilespmem:s25+$0xEB90];
	v3 =	vsel vm1, v3, v10  }
0x3bd: {  	v6 =	vld.idx.msk [tilespmem:v0+s5+$0x0], $0xffff;
	vm3 =	vgt.s32 v5, $0xC37F;
	v0 =	vadd.s32 $0xFFFF3C80, v5  }
0x3be: {  	v5 =	vsel vm3, v0, v5;
	vm2 =	vgt.s32 v8, $0xC37F;
	v0 =	vadd.s32 $0xFFFF3C80, v8;
	v2 =	vld.idx.msk [tilespmem:v2+s5+$0x0], $0xffff  }
.Ltmp3:
0x3bf: {  	v9 =	vand.u32 $0xFFFF0000, v4;
	v10 =	vshll.u32 v4, $0x10;
	v4 =	vsel vm2, v0, v8;
	(pc) =	sbr.rel @p1 .LBB2_5-.Ltmp3, $4  }
0x3c0: {  	v0 =	vsel vm5, v9, v10  }
0x3c1: {  	v8 =	vsub.f32 $1.000000000e+00, v0;
	v9 =	vand.u32 $0xFFFF0000, v1;
	v1 =	vshll.u32 v1, $0x10;
	v3 =	vld.idx.msk [tilespmem:v3+s5+$0x0], $0xffff  }
0x3c2: {  	[tilespmem:s18+$0x163A0] =	vst v0;
	v0 =	vsel vm6, v9, v1  }
0x3c3: {  	s15 =	sadd.s32 $0x800, s15;
	vm5 =	vgt.s32 v7, $0xC37F;
	[tilespmem:s18+$0x16420] =	vst v8;
	v8 =	vand.u32 $0xFFFF0000, v6;
	v5 =	vld.idx.msk [tilespmem:v5+s5+$0x0], $0xffff;
	v1 =	vsub.f32 $1.000000000e+00, v0  }
0x3c4: {  	v9 =	vadd.s32 $0xFFFF3C80, v7  }
0x3c5: {  	v7 =	vsel vm5, v9, v7;
	_ =	sdelay $0x4  }
0x3c6: {  	v7 =	vld.idx.msk [tilespmem:v7+s5+$0x0], $0xffff;
	_ =	sdelay $0x4  }
0x3c7: {  	v44 =	vand.u32 $0xFFFF0000, v7;
	v7 =	vshll.u32 v7, $0x10  }
0x3c8: {  	v7 =	vsel vm5, v44, v7  }
0x3c9: {  	v9 =	vsub.f32 $1.000000000e+00, v7  }
0x3ca: {  	[tilespmem:s23+$0x16390] =	vst v7  }
0x3cb: {  	[tilespmem:s23+$0x16410] =	vst v9  }
0x3cc: {  	v7 =	vld [tilespmem:s25+$0xEBA0];
	_ =	sdelay $0x4  }
0x3cd: {  	vm8 =	vgt.s32 v7, $0xC37F;
	v45 =	vadd.s32 $0xFFFF3C80, v7  }
0x3ce: {  	v7 =	vsel vm8, v45, v7;
	_ =	sdelay $0x4  }
0x3cf: {  	v7 =	vld.idx.msk [tilespmem:v7+s5+$0x0], $0xffff;
	_ =	sdelay $0x4  }
0x3d0: {  	v46 =	vand.u32 $0xFFFF0000, v7;
	v7 =	vshll.u32 v7, $0x10  }
0x3d1: {  	v10 =	vld [tilespmem:s6+$0xEBB0];
	v7 =	vsel vm8, v46, v7  }
0x3d2: {  	v9 =	vsub.f32 $1.000000000e+00, v7  }
0x3d3: {  	[tilespmem:s23+$0x163A0] =	vst v7  }
0x3d4: {  	[tilespmem:s23+$0x16420] =	vst v9  }
0x3d5: {  	v7 =	vld [tilespmem:s25+$0xEBB0]  }
0x3d6: {  	vm9 =	vgt.s32 v10, $0xC37F;
	v47 =	vadd.s32 $0xFFFF3C80, v10  }
0x3d7: {  	v9 =	vsel vm9, v47, v10;
	_ =	sdelay $0x2  }
0x3d8: {  	vm6 =	vgt.s32 v7, $0xC37F;
	v48 =	vadd.s32 $0xFFFF3C80, v7  }
0x3d9: {  	v7 =	vsel vm6, v48, v7  }
0x3da: {  	v9 =	vld.idx.msk [tilespmem:v9+s5+$0x0], $0xffff;
	_ =	sdelay $0x3  }
0x3db: {  	v7 =	vld.idx.msk [tilespmem:v7+s5+$0x0], $0xffff  }
0x3dc: {  	v49 =	vand.u32 $0xFFFF0000, v9;
	v9 =	vshll.u32 v9, $0x10  }
0x3dd: {  	v9 =	vsel vm9, v49, v9  }
0x3de: {  	v10 =	vsub.f32 $1.000000000e+00, v9  }
0x3df: {  	[tilespmem:s18+$0x163B0] =	vst v9  }
0x3e0: {  	[tilespmem:s18+$0x16430] =	vst v10;
	v11 =	vand.u32 $0xFFFF0000, v7;
	v7 =	vshll.u32 v7, $0x10  }
0x3e1: {  	v10 =	vld [tilespmem:s6+$0xEBC0];
	v7 =	vsel vm6, v11, v7  }
0x3e2: {  	v50 =	vsub.f32 $1.000000000e+00, v7  }
0x3e3: {  	[tilespmem:s23+$0x163B0] =	vst v7  }
0x3e4: {  	[tilespmem:s23+$0x16430] =	vst v50  }
0x3e5: {  	v7 =	vld [tilespmem:s25+$0xEBC0]  }
0x3e6: {  	vm10 =	vgt.s32 v10, $0xC37F;
	v51 =	vadd.s32 $0xFFFF3C80, v10  }
0x3e7: {  	v9 =	vsel vm10, v51, v10;
	_ =	sdelay $0x2  }
0x3e8: {  	vm11 =	vgt.s32 v7, $0xC37F;
	v52 =	vadd.s32 $0xFFFF3C80, v7  }
0x3e9: {  	v7 =	vsel vm11, v52, v7  }
0x3ea: {  	v9 =	vld.idx.msk [tilespmem:v9+s5+$0x0], $0xffff;
	_ =	sdelay $0x2  }
0x3eb: {  	v6 =	vshll.u32 v6, $0x10  }
0x3ec: {  	v6 =	vsel vm4, v8, v6;
	v7 =	vld.idx.msk [tilespmem:v7+s5+$0x0], $0xffff  }
0x3ed: {  	v8 =	vsub.f32 $1.000000000e+00, v6;
	v53 =	vand.u32 $0xFFFF0000, v9;
	v9 =	vshll.u32 v9, $0x10  }
0x3ee: {  	[tilespmem:s7+$0x163C0] =	vst v6;
	v54 =	vsel vm10, v53, v9  }
0x3ef: {  	[tilespmem:s7+$0x16440] =	vst v8;
	v55 =	vsub.f32 $1.000000000e+00, v54  }
0x3f0: {  	[tilespmem:s18+$0x163C0] =	vst v54  }
0x3f1: {  	v57 =	vld [tilespmem:s19+$0xEBD0];
	[tilespmem:s18+$0x16440] =	vst v55;
	v56 =	vand.u32 $0xFFFF0000, v7;
	v7 =	vshll.u32 v7, $0x10  }
0x3f2: {  	v8 =	vld [tilespmem:s6+$0xEBD0];
	v58 =	vsel vm11, v56, v7  }
0x3f3: {  	v7 =	vsub.f32 $1.000000000e+00, v58  }
0x3f4: {  	[tilespmem:s23+$0x163C0] =	vst v58  }
0x3f5: {  	[tilespmem:s23+$0x16440] =	vst v7  }
0x3f6: {  	vm12 =	vgt.s32 v57, $0xC37F;
	v59 =	vadd.s32 $0xFFFF3C80, v57;
	v6 =	vld [tilespmem:s25+$0xEBD0]  }
0x3f7: {  	vm13 =	vgt.s32 v8, $0xC37F;
	v60 =	vadd.s32 $0xFFFF3C80, v8;
	v7 =	vsel vm12, v59, v57  }
0x3f8: {  	v8 =	vsel vm13, v60, v8;
	_ =	sdelay $0x2  }
0x3f9: {  	vm14 =	vgt.s32 v6, $0xC37F;
	v61 =	vadd.s32 $0xFFFF3C80, v6  }
0x3fa: {  	v7 =	vld.idx.msk [tilespmem:v7+s5+$0x0], $0xffff;
	v6 =	vsel vm14, v61, v6  }
0x3fb: {  	v8 =	vld.idx.msk [tilespmem:v8+s5+$0x0], $0xffff;
	_ =	sdelay $0x3  }
0x3fc: {  	v62 =	vand.u32 $0xFFFF0000, v7;
	v7 =	vshll.u32 v7, $0x10;
	v6 =	vld.idx.msk [tilespmem:v6+s5+$0x0], $0xffff  }
0x3fd: {  	v63 =	vand.u32 $0xFFFF0000, v8;
	v8 =	vshll.u32 v8, $0x10;
	v7 =	vsel vm12, v62, v7  }
0x3fe: {  	v12 =	vsel vm13, v63, v8;
	v9 =	vsub.f32 $1.000000000e+00, v7;
	[tilespmem:s7+$0x163D0] =	vst v7  }
0x3ff: {  	v8 =	vsub.f32 $1.000000000e+00, v12;
	[tilespmem:s18+$0x163D0] =	vst v12  }
0x400: {  	[tilespmem:s7+$0x16450] =	vst v9  }
0x401: {  	[tilespmem:s18+$0x16450] =	vst v8;
	v14 =	vld [tilespmem:s19+$0xEBE0];
	v13 =	vand.u32 $0xFFFF0000, v6;
	v6 =	vshll.u32 v6, $0x10  }
0x402: {  	v8 =	vld [tilespmem:s6+$0xEBE0];
	v6 =	vsel vm14, v13, v6  }
0x403: {  	v15 =	vsub.f32 $1.000000000e+00, v6  }
0x404: {  	[tilespmem:s23+$0x163D0] =	vst v6  }
0x405: {  	[tilespmem:s23+$0x16450] =	vst v15  }
0x406: {  	vm15 =	vgt.s32 v14, $0xC37F;
	v16 =	vadd.s32 $0xFFFF3C80, v14;
	v6 =	vld [tilespmem:s25+$0xEBE0]  }
0x407: {  	vm9 =	vgt.s32 v8, $0xC37F;
	v17 =	vadd.s32 $0xFFFF3C80, v8;
	v7 =	vsel vm15, v16, v14  }
0x408: {  	v8 =	vsel vm9, v17, v8;
	_ =	sdelay $0x1  }
0x409: {  	v19 =	vand.u32 $0xFFFF0000, v5;
	v20 =	vshll.u32 v5, $0x10  }
0x40a: {  	v5 =	vsel vm3, v19, v20;
	vm10 =	vgt.s32 v6, $0xC37F;
	v18 =	vadd.s32 $0xFFFF3C80, v6  }
0x40b: {  	v9 =	vsub.f32 $1.000000000e+00, v5;
	v7 =	vld.idx.msk [tilespmem:v7+s5+$0x0], $0xffff;
	v6 =	vsel vm10, v18, v6  }
0x40c: {  	[tilespmem:s11+$0x163E0] =	vst v5;
	v8 =	vld.idx.msk [tilespmem:v8+s5+$0x0], $0xffff  }
0x40d: {  	[tilespmem:s11+$0x16460] =	vst v9  }
0x40e: {  	v24 =	vld [tilespmem:s13+$0xEBF0];
	_ =	sdelay $0x1  }
0x40f: {  	v21 =	vand.u32 $0xFFFF0000, v7;
	v7 =	vshll.u32 v7, $0x10;
	v6 =	vld.idx.msk [tilespmem:v6+s5+$0x0], $0xffff  }
0x410: {  	v23 =	vand.u32 $0xFFFF0000, v8;
	v8 =	vshll.u32 v8, $0x10;
	v22 =	vsel vm15, v21, v7  }
0x411: {  	v25 =	vsel vm9, v23, v8;
	v7 =	vsub.f32 $1.000000000e+00, v22;
	[tilespmem:s7+$0x163E0] =	vst v22  }
0x412: {  	vm11 =	vgt.s32 v24, $0xC37F;
	v30 =	vadd.s32 $0xFFFF3C80, v24;
	v26 =	vsub.f32 $1.000000000e+00, v25;
	[tilespmem:s18+$0x163E0] =	vst v25  }
0x413: {  	v5 =	vsel vm11, v30, v24;
	[tilespmem:s7+$0x16460] =	vst v7  }
0x414: {  	[tilespmem:s18+$0x16460] =	vst v26;
	v28 =	vld [tilespmem:s19+$0xEBF0];
	v27 =	vand.u32 $0xFFFF0000, v6;
	v6 =	vshll.u32 v6, $0x10  }
0x415: {  	v7 =	vld [tilespmem:s6+$0xEBF0];
	v29 =	vsel vm10, v27, v6  }
0x416: {  	v6 =	vsub.f32 $1.000000000e+00, v29  }
0x417: {  	[tilespmem:s23+$0x163E0] =	vst v29  }
0x418: {  	v5 =	vld.idx.msk [tilespmem:v5+s5+$0x0], $0xffff;
	[tilespmem:s23+$0x16460] =	vst v6  }
0x419: {  	vm12 =	vgt.s32 v28, $0xC37F;
	v31 =	vadd.s32 $0xFFFF3C80, v28;
	v6 =	vld [tilespmem:s25+$0xEBF0]  }
0x41a: {  	vm13 =	vgt.s32 v7, $0xC37F;
	v32 =	vadd.s32 $0xFFFF3C80, v7;
	v8 =	vsel vm12, v31, v28  }
0x41b: {  	v7 =	vsel vm13, v32, v7;
	_ =	sdelay $0x1  }
0x41c: {  	v34 =	vand.u32 $0xFFFF0000, v5;
	v5 =	vshll.u32 v5, $0x10  }
0x41d: {  	v5 =	vsel vm11, v34, v5;
	vm14 =	vgt.s32 v6, $0xC37F;
	v33 =	vadd.s32 $0xFFFF3C80, v6  }
0x41e: {  	v9 =	vsub.f32 $1.000000000e+00, v5;
	v8 =	vld.idx.msk [tilespmem:v8+s5+$0x0], $0xffff;
	v6 =	vsel vm14, v33, v6  }
0x41f: {  	[tilespmem:s11+$0x163F0] =	vst v5;
	v7 =	vld.idx.msk [tilespmem:v7+s5+$0x0], $0xffff  }
0x420: {  	[tilespmem:s11+$0x16470] =	vst v9  }
0x421: {  	v38 =	vld [tilespmem:s13+$0xEF80];
	_ =	sdelay $0x1  }
0x422: {  	v35 =	vand.u32 $0xFFFF0000, v8;
	v8 =	vshll.u32 v8, $0x10;
	v6 =	vld.idx.msk [tilespmem:v6+s5+$0x0], $0xffff  }
0x423: {  	v37 =	vand.u32 $0xFFFF0000, v7;
	v7 =	vshll.u32 v7, $0x10;
	v36 =	vsel vm12, v35, v8  }
0x424: {  	v39 =	vsel vm13, v37, v7;
	v8 =	vsub.f32 $1.000000000e+00, v36;
	[tilespmem:s7+$0x163F0] =	vst v36  }
0x425: {  	vm15 =	vgt.s32 v38, $0xC37F;
	v43 =	vadd.s32 $0xFFFF3C80, v38;
	v7 =	vsub.f32 $1.000000000e+00, v39;
	[tilespmem:s18+$0x163F0] =	vst v39  }
0x426: {  	v5 =	vsel vm15, v43, v38;
	[tilespmem:s7+$0x16470] =	vst v8  }
0x427: {  	[tilespmem:s18+$0x16470] =	vst v7;
	v41 =	vld [tilespmem:s19+$0xEF80];
	v40 =	vand.u32 $0xFFFF0000, v6;
	v6 =	vshll.u32 v6, $0x10  }
0x428: {  	v7 =	vld [tilespmem:s6+$0xEF80];
	v42 =	vsel vm14, v40, v6  }
0x429: {  	v6 =	vsub.f32 $1.000000000e+00, v42  }
0x42a: {  	[tilespmem:s23+$0x163F0] =	vst v42  }
0x42b: {  	v5 =	vld.idx.msk [tilespmem:v5+s5+$0x0], $0xffff;
	[tilespmem:s23+$0x16470] =	vst v6  }
0x42c: {  	vm9 =	vgt.s32 v41, $0xC37F;
	v44 =	vadd.s32 $0xFFFF3C80, v41;
	v6 =	vld [tilespmem:s25+$0xEF80]  }
0x42d: {  	vm10 =	vgt.s32 v7, $0xC37F;
	v45 =	vadd.s32 $0xFFFF3C80, v7;
	v8 =	vsel vm9, v44, v41  }
0x42e: {  	v7 =	vsel vm10, v45, v7  }
0x42f: {  	v4 =	vld.idx.msk [tilespmem:v4+s5+$0x0], $0xffff  }
0x430: {  	v48 =	vand.u32 $0xFFFF0000, v5;
	v5 =	vshll.u32 v5, $0x10  }
0x431: {  	v49 =	vsel vm15, v48, v5;
	vm11 =	vgt.s32 v6, $0xC37F;
	v46 =	vadd.s32 $0xFFFF3C80, v6  }
0x432: {  	v51 =	vsub.f32 $1.000000000e+00, v49;
	v8 =	vld.idx.msk [tilespmem:v8+s5+$0x0], $0xffff;
	v6 =	vsel vm11, v46, v6  }
0x433: {  	[tilespmem:s11+$0x16480] =	vst v49;
	v7 =	vld.idx.msk [tilespmem:v7+s5+$0x0], $0xffff  }
0x434: {  	v47 =	vand.u32 $0xFFFF0000, v4;
	v4 =	vshll.u32 v4, $0x10;
	[tilespmem:s11+$0x16500] =	vst v51  }
0x435: {  	v4 =	vsel vm2, v47, v4;
	v57 =	vld [tilespmem:s13+$0xEF90]  }
0x436: {  	v9 =	vsub.f32 $1.000000000e+00, v4  }
0x437: {  	[tilespmem:s9+$0x16480] =	vst v4;
	v52 =	vand.u32 $0xFFFF0000, v8;
	v8 =	vshll.u32 v8, $0x10;
	v50 =	vld.idx.msk [tilespmem:v6+s5+$0x0], $0xffff  }
0x438: {  	[tilespmem:s9+$0x16500] =	vst v9;
	v56 =	vand.u32 $0xFFFF0000, v7;
	v7 =	vshll.u32 v7, $0x10;
	v54 =	vsel vm9, v52, v8  }
0x439: {  	v53 =	vld [tilespmem:s10+$0xEF90];
	v58 =	vsel vm10, v56, v7;
	v55 =	vsub.f32 $1.000000000e+00, v54;
	[tilespmem:s7+$0x16480] =	vst v54  }
0x43a: {  	vm13 =	vgt.s32 v57, $0xC37F;
	v13 =	vadd.s32 $0xFFFF3C80, v57;
	v59 =	vsub.f32 $1.000000000e+00, v58;
	[tilespmem:s18+$0x16480] =	vst v58  }
0x43b: {  	v4 =	vsel vm13, v13, v57;
	[tilespmem:s7+$0x16500] =	vst v55  }
0x43c: {  	[tilespmem:s18+$0x16500] =	vst v59;
	v61 =	vld [tilespmem:s19+$0xEF90];
	v60 =	vand.u32 $0xFFFF0000, v50;
	v5 =	vshll.u32 v50, $0x10  }
0x43d: {  	v12 =	vld [tilespmem:s6+$0xEF90];
	v62 =	vsel vm11, v60, v5  }
0x43e: {  	v63 =	vadd.s32 $0xFFFF3C80, v53;
	vm12 =	vgt.s32 v53, $0xC37F;
	v11 =	vsub.f32 $1.000000000e+00, v62  }
0x43f: {  	v5 =	vsel vm12, v63, v53;
	[tilespmem:s23+$0x16480] =	vst v62  }
0x440: {  	v4 =	vld.idx.msk [tilespmem:v4+s5+$0x0], $0xffff;
	[tilespmem:s23+$0x16500] =	vst v11  }
0x441: {  	vm14 =	vgt.s32 v61, $0xC37F;
	v14 =	vadd.s32 $0xFFFF3C80, v61;
	v6 =	vld [tilespmem:s25+$0xEF90]  }
0x442: {  	vm15 =	vgt.s32 v12, $0xC37F;
	v15 =	vadd.s32 $0xFFFF3C80, v12;
	v8 =	vsel vm14, v14, v61  }
0x443: {  	v7 =	vsel vm15, v15, v12  }
0x444: {  	v5 =	vld.idx.msk [tilespmem:v5+s5+$0x0], $0xffff  }
0x445: {  	v18 =	vand.u32 $0xFFFF0000, v4;
	v4 =	vshll.u32 v4, $0x10  }
0x446: {  	v4 =	vsel vm13, v18, v4;
	vm8 =	vgt.s32 v6, $0xC37F;
	v16 =	vadd.s32 $0xFFFF3C80, v6  }
0x447: {  	v20 =	vsub.f32 $1.000000000e+00, v4;
	v8 =	vld.idx.msk [tilespmem:v8+s5+$0x0], $0xffff;
	v6 =	vsel vm8, v16, v6  }
0x448: {  	[tilespmem:s11+$0x16490] =	vst v4;
	v7 =	vld.idx.msk [tilespmem:v7+s5+$0x0], $0xffff  }
0x449: {  	[tilespmem:s11+$0x16510] =	vst v20;
	v17 =	vand.u32 $0xFFFF0000, v5;
	v5 =	vshll.u32 v5, $0x10  }
0x44a: {  	v26 =	vld [tilespmem:s13+$0xEFA0];
	v5 =	vsel vm12, v17, v5  }
0x44b: {  	v9 =	vsub.f32 $1.000000000e+00, v5  }
0x44c: {  	v30 =	vand.u32 $0xFFFF0000, v3;
	[tilespmem:s9+$0x16490] =	vst v5;
	v21 =	vand.u32 $0xFFFF0000, v8;
	v8 =	vshll.u32 v8, $0x10;
	v19 =	vld.idx.msk [tilespmem:v6+s5+$0x0], $0xffff  }
0x44d: {  	v25 =	vand.u32 $0xFFFF0000, v7;
	v7 =	vshll.u32 v7, $0x10;
	[tilespmem:s9+$0x16510] =	vst v9;
	v23 =	vsel vm14, v21, v8  }
0x44e: {  	v31 =	vshll.u32 v3, $0x10;
	v27 =	vsel vm15, v25, v7;
	v22 =	vld [tilespmem:s10+$0xEFA0];
	v24 =	vsub.f32 $1.000000000e+00, v23;
	[tilespmem:s7+$0x16490] =	vst v23  }
0x44f: {  	vm10 =	vgt.s32 v26, $0xC37F;
	v38 =	vadd.s32 $0xFFFF3C80, v26;
	v28 =	vsub.f32 $1.000000000e+00, v27;
	[tilespmem:s18+$0x16490] =	vst v27  }
0x450: {  	v3 =	vsel vm1, v30, v31;
	v39 =	vsel vm10, v38, v26;
	[tilespmem:s7+$0x16510] =	vst v24  }
0x451: {  	v37 =	vsub.f32 $1.000000000e+00, v3;
	[tilespmem:s18+$0x16510] =	vst v28;
	v32 =	vld [tilespmem:s19+$0xEFA0];
	v29 =	vand.u32 $0xFFFF0000, v19;
	v5 =	vshll.u32 v19, $0x10  }
0x452: {  	[tilespmem:s0+$0x164A0] =	vst v3;
	v36 =	vld [tilespmem:s6+$0xEFA0];
	v33 =	vsel vm8, v29, v5  }
0x453: {  	[tilespmem:s0+$0x16520] =	vst v37;
	vm9 =	vgt.s32 v22, $0xC37F;
	v34 =	vadd.s32 $0xFFFF3C80, v22;
	v35 =	vsub.f32 $1.000000000e+00, v33  }
0x454: {  	v41 =	vld [tilespmem:s4+$0xEFB0];
	v5 =	vsel vm9, v34, v22;
	[tilespmem:s23+$0x16490] =	vst v33  }
0x455: {  	v3 =	vld.idx.msk [tilespmem:v39+s5+$0x0], $0xffff;
	[tilespmem:s23+$0x16510] =	vst v35  }
0x456: {  	vm11 =	vgt.s32 v32, $0xC37F;
	v40 =	vadd.s32 $0xFFFF3C80, v32;
	v6 =	vld [tilespmem:s25+$0xEFA0]  }
0x457: {  	vm12 =	vgt.s32 v36, $0xC37F;
	v42 =	vadd.s32 $0xFFFF3C80, v36;
	v4 =	vsel vm11, v40, v32  }
0x458: {  	v7 =	vsel vm12, v42, v36  }
0x459: {  	v5 =	vld.idx.msk [tilespmem:v5+s5+$0x0], $0xffff  }
0x45a: {  	v44 =	vadd.s32 $0xFFFF3C80, v41;
	v47 =	vand.u32 $0xFFFF0000, v3;
	v3 =	vshll.u32 v3, $0x10  }
0x45b: {  	v3 =	vsel vm10, v47, v3;
	vm13 =	vgt.s32 v6, $0xC37F;
	v43 =	vadd.s32 $0xFFFF3C80, v6  }
0x45c: {  	vm14 =	vgt.s32 v41, $0xC37F;
	v49 =	vsub.f32 $1.000000000e+00, v3;
	v4 =	vld.idx.msk [tilespmem:v4+s5+$0x0], $0xffff;
	v6 =	vsel vm13, v43, v6  }
0x45d: {  	v8 =	vsel vm14, v44, v41;
	[tilespmem:s11+$0x164A0] =	vst v3;
	v7 =	vld.idx.msk [tilespmem:v7+s5+$0x0], $0xffff  }
0x45e: {  	[tilespmem:s11+$0x16520] =	vst v49;
	v45 =	vand.u32 $0xFFFF0000, v5;
	v5 =	vshll.u32 v5, $0x10  }
0x45f: {  	v56 =	vld [tilespmem:s13+$0xEFB0];
	v5 =	vsel vm9, v45, v5  }
0x460: {  	v46 =	vsub.f32 $1.000000000e+00, v5  }
0x461: {  	[tilespmem:s9+$0x164A0] =	vst v5;
	v50 =	vand.u32 $0xFFFF0000, v4;
	v4 =	vshll.u32 v4, $0x10;
	v48 =	vld.idx.msk [tilespmem:v6+s5+$0x0], $0xffff  }
0x462: {  	v53 =	vld.idx.msk [tilespmem:v8+s5+$0x0], $0xffff;
	v55 =	vand.u32 $0xFFFF0000, v7;
	v7 =	vshll.u32 v7, $0x10;
	[tilespmem:s9+$0x16520] =	vst v46;
	v52 =	vsel vm11, v50, v4  }
0x463: {  	v57 =	vsel vm12, v55, v7;
	v51 =	vld [tilespmem:s10+$0xEFB0];
	v54 =	vsub.f32 $1.000000000e+00, v52;
	[tilespmem:s7+$0x164A0] =	vst v52  }
0x464: {  	v15 =	vadd.s32 $0xFFFF3C80, v56;
	vm9 =	vgt.s32 v56, $0xC37F;
	v58 =	vsub.f32 $1.000000000e+00, v57;
	[tilespmem:s18+$0x164A0] =	vst v57  }
0x465: {  	v4 =	vsel vm9, v15, v56;
	[tilespmem:s7+$0x16520] =	vst v54  }
0x466: {  	[tilespmem:s18+$0x16520] =	vst v58;
	v60 =	vld [tilespmem:s19+$0xEFB0];
	v59 =	vand.u32 $0xFFFF0000, v48;
	v5 =	vshll.u32 v48, $0x10  }
0x467: {  	v12 =	vand.u32 $0xFFFF0000, v53;
	v14 =	vshll.u32 v53, $0x10;
	v13 =	vld [tilespmem:s6+$0xEFB0];
	v61 =	vsel vm13, v59, v5  }
0x468: {  	vm15 =	vgt.s32 v51, $0xC37F;
	v62 =	vadd.s32 $0xFFFF3C80, v51;
	v63 =	vsub.f32 $1.000000000e+00, v61  }
0x469: {  	v3 =	vsel vm14, v12, v14;
	v5 =	vsel vm15, v62, v51;
	[tilespmem:s23+$0x164A0] =	vst v61  }
0x46a: {  	v7 =	vsub.f32 $1.000000000e+00, v3;
	v4 =	vld.idx.msk [tilespmem:v4+s5+$0x0], $0xffff;
	[tilespmem:s23+$0x16520] =	vst v63  }
0x46b: {  	[tilespmem:s0+$0x164B0] =	vst v3;
	vm10 =	vgt.s32 v60, $0xC37F;
	v16 =	vadd.s32 $0xFFFF3C80, v60;
	v6 =	vld [tilespmem:s25+$0xEFB0]  }
0x46c: {  	[tilespmem:s0+$0x16530] =	vst v7;
	vm11 =	vgt.s32 v13, $0xC37F;
	v18 =	vadd.s32 $0xFFFF3C80, v13;
	v17 =	vsel vm10, v16, v60  }
0x46d: {  	v19 =	vld [tilespmem:s4+$0xEFC0];
	v7 =	vsel vm11, v18, v13  }
0x46e: {  	v5 =	vld.idx.msk [tilespmem:v5+s5+$0x0], $0xffff  }
0x46f: {  	v23 =	vand.u32 $0xFFFF0000, v4;
	v4 =	vshll.u32 v4, $0x10  }
0x470: {  	v4 =	vsel vm9, v23, v4;
	vm12 =	vgt.s32 v6, $0xC37F;
	v20 =	vadd.s32 $0xFFFF3C80, v6  }
0x471: {  	v25 =	vsub.f32 $1.000000000e+00, v4;
	v3 =	vld.idx.msk [tilespmem:v17+s5+$0x0], $0xffff;
	v6 =	vsel vm12, v20, v6  }
0x472: {  	vm13 =	vgt.s32 v19, $0xC37F;
	[tilespmem:s11+$0x164B0] =	vst v4;
	v7 =	vld.idx.msk [tilespmem:v7+s5+$0x0], $0xffff  }
0x473: {  	v22 =	vadd.s32 $0xFFFF3C80, v19;
	[tilespmem:s11+$0x16530] =	vst v25;
	v21 =	vand.u32 $0xFFFF0000, v5;
	v5 =	vshll.u32 v5, $0x10  }
0x474: {  	v8 =	vsel vm13, v22, v19;
	v30 =	vld [tilespmem:s13+$0xEFC0];
	v5 =	vsel vm15, v21, v5  }
0x475: {  	v9 =	vsub.f32 $1.000000000e+00, v5  }
0x476: {  	[tilespmem:s9+$0x164B0] =	vst v5;
	v26 =	vand.u32 $0xFFFF0000, v3;
	v3 =	vshll.u32 v3, $0x10;
	v24 =	vld.idx.msk [tilespmem:v6+s5+$0x0], $0xffff  }
0x477: {  	v29 =	vand.u32 $0xFFFF0000, v7;
	v7 =	vshll.u32 v7, $0x10;
	[tilespmem:s9+$0x16530] =	vst v9;
	v3 =	vsel vm10, v26, v3  }
0x478: {  	v31 =	vsel vm11, v29, v7;
	v27 =	vld [tilespmem:s10+$0xEFC0];
	v28 =	vsub.f32 $1.000000000e+00, v3;
	[tilespmem:s7+$0x164B0] =	vst v3  }
0x479: {  	v32 =	vld.idx.msk [tilespmem:v8+s5+$0x0], $0xffff;
	vm15 =	vgt.s32 v30, $0xC37F;
	v43 =	vadd.s32 $0xFFFF3C80, v30;
	v33 =	vsub.f32 $1.000000000e+00, v31;
	[tilespmem:s18+$0x164B0] =	vst v31  }
0x47a: {  	v35 =	vand.u32 $0xFFFF0000, v2;
	v45 =	vsel vm15, v43, v30;
	[tilespmem:s7+$0x16530] =	vst v28  }
0x47b: {  	v36 =	vshll.u32 v2, $0x10;
	[tilespmem:s18+$0x16530] =	vst v33;
	v37 =	vld [tilespmem:s19+$0xEFC0];
	v34 =	vand.u32 $0xFFFF0000, v24;
	v5 =	vshll.u32 v24, $0x10  }
0x47c: {  	v2 =	vsel vm0, v35, v36;
	v41 =	vld [tilespmem:s6+$0xEFC0];
	v38 =	vsel vm12, v34, v5  }
0x47d: {  	[tilespmem:s31+$0x164C0] =	vst v2;
	vm14 =	vgt.s32 v27, $0xC37F;
	v39 =	vadd.s32 $0xFFFF3C80, v27;
	v40 =	vsub.f32 $1.000000000e+00, v38  }
0x47e: {  	v44 =	vand.u32 $0xFFFF0000, v32;
	v47 =	vshll.u32 v32, $0x10;
	v5 =	vsel vm14, v39, v27;
	[tilespmem:s23+$0x164B0] =	vst v38  }
0x47f: {  	v42 =	vsub.f32 $1.000000000e+00, v2;
	v2 =	vsel vm13, v44, v47;
	v4 =	vld.idx.msk [tilespmem:v45+s5+$0x0], $0xffff;
	[tilespmem:s23+$0x16530] =	vst v40  }
0x480: {  	v51 =	vsub.f32 $1.000000000e+00, v2;
	vm8 =	vgt.s32 v37, $0xC37F;
	v48 =	vadd.s32 $0xFFFF3C80, v37;
	v46 =	vld [tilespmem:s25+$0xEFC0]  }
0x481: {  	[tilespmem:s31+$0x16540] =	vst v42;
	vm9 =	vgt.s32 v41, $0xC37F;
	v52 =	vadd.s32 $0xFFFF3C80, v41;
	v50 =	vsel vm8, v48, v37  }
0x482: {  	v49 =	vld [tilespmem:s16+$0xEFD0];
	[tilespmem:s0+$0x164C0] =	vst v2;
	v53 =	vsel vm9, v52, v41  }
0x483: {  	[tilespmem:s0+$0x16540] =	vst v51;
	v5 =	vld.idx.msk [tilespmem:v5+s5+$0x0], $0xffff  }
0x484: {  	v55 =	vld [tilespmem:s4+$0xEFD0];
	v59 =	vand.u32 $0xFFFF0000, v4  }
0x485: {  	v4 =	vshll.u32 v4, $0x10;
	vm10 =	vgt.s32 v46, $0xC37F;
	v54 =	vadd.s32 $0xFFFF3C80, v46  }
0x486: {  	v4 =	vsel vm15, v59, v4;
	v3 =	vld.idx.msk [tilespmem:v50+s5+$0x0], $0xffff;
	v6 =	vsel vm10, v54, v46  }
0x487: {  	v56 =	vadd.s32 $0xFFFF3C80, v49;
	vm11 =	vgt.s32 v49, $0xC37F;
	v61 =	vsub.f32 $1.000000000e+00, v4;
	v2 =	vld.idx.msk [tilespmem:v53+s5+$0x0], $0xffff  }
0x488: {  	v8 =	vsel vm11, v56, v49;
	[tilespmem:s11+$0x164C0] =	vst v4;
	v57 =	vand.u32 $0xFFFF0000, v5;
	v5 =	vshll.u32 v5, $0x10  }
0x489: {  	vm12 =	vgt.s32 v55, $0xC37F;
	v60 =	vadd.s32 $0xFFFF3C80, v55;
	[tilespmem:s11+$0x16540] =	vst v61;
	v5 =	vsel vm14, v57, v5  }
0x48a: {  	v15 =	vld [tilespmem:s13+$0xEFD0];
	v58 =	vsub.f32 $1.000000000e+00, v5;
	[tilespmem:s9+$0x164C0] =	vst v5;
	v5 =	vsel vm12, v60, v55  }
0x48b: {  	v62 =	vand.u32 $0xFFFF0000, v3;
	v3 =	vshll.u32 v3, $0x10;
	v6 =	vld.idx.msk [tilespmem:v6+s5+$0x0], $0xffff  }
0x48c: {  	v14 =	vand.u32 $0xFFFF0000, v2;
	v2 =	vshll.u32 v2, $0x10;
	[tilespmem:s9+$0x16540] =	vst v58;
	v3 =	vsel vm8, v62, v3  }
0x48d: {  	v12 =	vld.idx.msk [tilespmem:v8+s5+$0x0], $0xffff;
	v2 =	vsel vm9, v14, v2;
	v13 =	vsub.f32 $1.000000000e+00, v3;
	[tilespmem:s7+$0x164C0] =	vst v3  }
0x48e: {  	v63 =	vld [tilespmem:s10+$0xEFD0];
	v16 =	vsub.f32 $1.000000000e+00, v2;
	[tilespmem:s18+$0x164C0] =	vst v2  }
0x48f: {  	vm14 =	vgt.s32 v15, $0xC37F;
	[tilespmem:s7+$0x16540] =	vst v13;
	v5 =	vld.idx.msk [tilespmem:v5+s5+$0x0], $0xffff  }
0x490: {  	v25 =	vadd.s32 $0xFFFF3C80, v15;
	[tilespmem:s18+$0x16540] =	vst v16;
	v18 =	vld [tilespmem:s19+$0xEFD0];
	v17 =	vand.u32 $0xFFFF0000, v6;
	v6 =	vshll.u32 v6, $0x10  }
0x491: {  	v26 =	vsel vm14, v25, v15;
	v23 =	vld [tilespmem:s6+$0xEFD0];
	v19 =	vsel vm10, v17, v6  }
0x492: {  	v22 =	vand.u32 $0xFFFF0000, v12;
	v24 =	vshll.u32 v12, $0x10;
	v21 =	vsub.f32 $1.000000000e+00, v19  }
0x493: {  	v2 =	vsel vm11, v22, v24;
	vm13 =	vgt.s32 v63, $0xC37F;
	v20 =	vadd.s32 $0xFFFF3C80, v63;
	[tilespmem:s23+$0x164C0] =	vst v19  }
0x494: {  	v8 =	vsub.f32 $1.000000000e+00, v2;
	v6 =	vsel vm13, v20, v63;
	[tilespmem:s23+$0x16540] =	vst v21  }
0x495: {  	v29 =	vand.u32 $0xFFFF0000, v5;
	v5 =	vshll.u32 v5, $0x10;
	vm15 =	vgt.s32 v18, $0xC37F;
	v27 =	vld [tilespmem:s25+$0xEFD0]  }
0x496: {  	[tilespmem:s31+$0x164D0] =	vst v2;
	v3 =	vld.idx.msk [tilespmem:v26+s5+$0x0], $0xffff;
	v28 =	vadd.s32 $0xFFFF3C80, v18;
	vm8 =	vgt.s32 v23, $0xC37F;
	v2 =	vsel vm12, v29, v5  }
0x497: {  	[tilespmem:s31+$0x16550] =	vst v8;
	v30 =	vadd.s32 $0xFFFF3C80, v23;
	v9 =	vsel vm15, v28, v18;
	v33 =	vsub.f32 $1.000000000e+00, v2  }
0x498: {  	v31 =	vld [tilespmem:s16+$0xEFE0];
	v32 =	vsel vm8, v30, v23;
	[tilespmem:s0+$0x164D0] =	vst v2  }
0x499: {  	v6 =	vld.idx.msk [tilespmem:v6+s5+$0x0], $0xffff;
	[tilespmem:s0+$0x16550] =	vst v33  }
0x49a: {  	v7 =	vld [tilespmem:s4+$0xEFE0];
	vm9 =	vgt.s32 v27, $0xC37F;
	v34 =	vadd.s32 $0xFFFF3C80, v27  }
0x49b: {  	v39 =	vand.u32 $0xFFFF0000, v3;
	v3 =	vshll.u32 v3, $0x10;
	v35 =	vsel vm9, v34, v27  }
0x49c: {  	v3 =	vsel vm14, v39, v3;
	v36 =	vld.idx.msk [tilespmem:v9+s5+$0x0], $0xffff  }
0x49d: {  	vm10 =	vgt.s32 v31, $0xC37F;
	v38 =	vadd.s32 $0xFFFF3C80, v31;
	v40 =	vsub.f32 $1.000000000e+00, v3;
	v5 =	vld.idx.msk [tilespmem:v32+s5+$0x0], $0xffff  }
0x49e: {  	v9 =	vsel vm10, v38, v31;
	v37 =	vand.u32 $0xFFFF0000, v6;
	v6 =	vshll.u32 v6, $0x10  }
0x49f: {  	[tilespmem:s11+$0x164D0] =	vst v3;
	v6 =	vsel vm13, v37, v6;
	vm11 =	vgt.s32 v7, $0xC37F;
	v42 =	vadd.s32 $0xFFFF3C80, v7  }
0x4a0: {  	[tilespmem:s11+$0x16550] =	vst v40;
	v8 =	vsub.f32 $1.000000000e+00, v6;
	v7 =	vsel vm11, v42, v7;
	v2 =	vld.idx.msk [tilespmem:v35+s5+$0x0], $0xffff  }
0x4a1: {  	v46 =	vld [tilespmem:s13+$0xEFE0];
	[tilespmem:s9+$0x164D0] =	vst v6;
	v41 =	vand.u32 $0xFFFF0000, v36;
	v4 =	vshll.u32 v36, $0x10  }
0x4a2: {  	v45 =	vand.u32 $0xFFFF0000, v5;
	v5 =	vshll.u32 v5, $0x10;
	[tilespmem:s9+$0x16550] =	vst v8;
	v4 =	vsel vm15, v41, v4  }
0x4a3: {  	v47 =	vld.idx.msk [tilespmem:v9+s5+$0x0], $0xffff;
	v5 =	vsel vm8, v45, v5;
	v44 =	vsub.f32 $1.000000000e+00, v4;
	[tilespmem:s7+$0x164D0] =	vst v4  }
0x4a4: {  	v43 =	vld [tilespmem:s10+$0xEFE0];
	v48 =	vsub.f32 $1.000000000e+00, v5;
	[tilespmem:s18+$0x164D0] =	vst v5  }
0x4a5: {  	[tilespmem:s7+$0x16550] =	vst v44;
	v54 =	vld.idx.msk [tilespmem:v7+s5+$0x0], $0xffff;
	v49 =	vand.u32 $0xFFFF0000, v2;
	v2 =	vshll.u32 v2, $0x10  }
0x4a6: {  	vm13 =	vgt.s32 v46, $0xC37F;
	v55 =	vadd.s32 $0xFFFF3C80, v46;
	[tilespmem:s18+$0x16550] =	vst v48;
	v50 =	vld [tilespmem:s19+$0xEFE0];
	v2 =	vsel vm9, v49, v2  }
0x4a7: {  	v4 =	vsel vm13, v55, v46;
	v53 =	vld [tilespmem:s6+$0xEFE0];
	v52 =	vsub.f32 $1.000000000e+00, v2  }
0x4a8: {  	v56 =	vand.u32 $0xFFFF0000, v47;
	[tilespmem:s23+$0x164D0] =	vst v2  }
0x4a9: {  	v57 =	vshll.u32 v47, $0x10;
	vm12 =	vgt.s32 v43, $0xC37F;
	v51 =	vadd.s32 $0xFFFF3C80, v43;
	[tilespmem:s23+$0x16550] =	vst v52  }
0x4aa: {  	[tilespmem:s30+$0x164E0] =	vst v0;
	v0 =	vsel vm10, v56, v57;
	v3 =	vsel vm12, v51, v43;
	v6 =	vld [tilespmem:s25+$0xEFE0]  }
0x4ab: {  	[tilespmem:s30+$0x16560] =	vst v1;
	v61 =	vsub.f32 $1.000000000e+00, v0;
	v63 =	vand.u32 $0xFFFF0000, v54;
	v2 =	vshll.u32 v54, $0x10  }
0x4ac: {  	[tilespmem:s31+$0x164E0] =	vst v0;
	v4 =	vld.idx.msk [tilespmem:v4+s5+$0x0], $0xffff;
	vm14 =	vgt.s32 v50, $0xC37F;
	v58 =	vadd.s32 $0xFFFF3C80, v50;
	vm15 =	vgt.s32 v53, $0xC37F  }
0x4ad: {  	v59 =	vld [tilespmem:s2+$0xEFF0];
	[tilespmem:s31+$0x16560] =	vst v61;
	v62 =	vadd.s32 $0xFFFF3C80, v53;
	v0 =	vsel vm11, v63, v2;
	v60 =	vsel vm14, v58, v50  }
0x4ae: {  	v13 =	vld [tilespmem:s16+$0xEFF0];
	v7 =	vsel vm15, v62, v53;
	v15 =	vsub.f32 $1.000000000e+00, v0  }
0x4af: {  	[tilespmem:s0+$0x164E0] =	vst v0;
	v3 =	vld.idx.msk [tilespmem:v3+s5+$0x0], $0xffff;
	vm7 =	vgt.s32 v6, $0xC37F;
	v12 =	vadd.s32 $0xFFFF3C80, v6  }
0x4b0: {  	[tilespmem:s0+$0x16560] =	vst v15;
	v14 =	vsel vm7, v12, v6  }
0x4b1: {  	v20 =	vand.u32 $0xFFFF0000, v4;
	v4 =	vshll.u32 v4, $0x10;
	v5 =	vld [tilespmem:s4+$0xEFF0]  }
0x4b2: {  	v4 =	vsel vm13, v20, v4;
	v1 =	vld.idx.msk [tilespmem:v60+s5+$0x0], $0xffff  }
0x4b3: {  	v16 =	vadd.s32 $0xFFFF3C80, v59;
	vm8 =	vgt.s32 v59, $0xC37F;
	v22 =	vsub.f32 $1.000000000e+00, v4;
	v18 =	vld.idx.msk [tilespmem:v7+s5+$0x0], $0xffff  }
0x4b4: {  	[tilespmem:s11+$0x164E0] =	vst v4;
	vm9 =	vgt.s32 v13, $0xC37F;
	v17 =	vand.u32 $0xFFFF0000, v3;
	v3 =	vshll.u32 v3, $0x10  }
0x4b5: {  	v21 =	vadd.s32 $0xFFFF3C80, v13;
	[tilespmem:s11+$0x16560] =	vst v22;
	v6 =	vsel vm8, v16, v59;
	v0 =	vsel vm12, v17, v3;
	v2 =	vld.idx.msk [tilespmem:v14+s5+$0x0], $0xffff  }
0x4b6: {  	vm10 =	vgt.s32 v5, $0xC37F;
	v19 =	vsub.f32 $1.000000000e+00, v0;
	[tilespmem:s9+$0x164E0] =	vst v0;
	v0 =	vsel vm9, v21, v13  }
0x4b7: {  	v28 =	vld [tilespmem:s13+$0xEFF0];
	v27 =	vadd.s32 $0xFFFF3C80, v5;
	v23 =	vand.u32 $0xFFFF0000, v1;
	v1 =	vshll.u32 v1, $0x10  }
0x4b8: {  	v26 =	vand.u32 $0xFFFF0000, v18;
	v3 =	vshll.u32 v18, $0x10;
	[tilespmem:s9+$0x16560] =	vst v19;
	v1 =	vsel vm14, v23, v1  }
0x4b9: {  	v5 =	vsel vm10, v27, v5;
	v3 =	vsel vm15, v26, v3;
	v24 =	vld [tilespmem:s10+$0xEFF0];
	v25 =	vsub.f32 $1.000000000e+00, v1;
	[tilespmem:s7+$0x164E0] =	vst v1  }
0x4ba: {  	v6 =	vld.idx.msk [tilespmem:v6+s5+$0x0], $0xffff;
	v29 =	vsub.f32 $1.000000000e+00, v3;
	[tilespmem:s18+$0x164E0] =	vst v3;
	v30 =	vand.u32 $0xFFFF0000, v2;
	v2 =	vshll.u32 v2, $0x10  }
0x4bb: {  	[tilespmem:s7+$0x16560] =	vst v25;
	v0 =	vld.idx.msk [tilespmem:v0+s5+$0x0], $0xffff;
	v2 =	vsel vm7, v30, v2  }
0x4bc: {  	vm12 =	vgt.s32 v28, $0xC37F;
	v35 =	vadd.s32 $0xFFFF3C80, v28;
	[tilespmem:s18+$0x16560] =	vst v29;
	v31 =	vld [tilespmem:s19+$0xEFF0];
	v33 =	vsub.f32 $1.000000000e+00, v2  }
0x4bd: {  	v1 =	vsel vm12, v35, v28;
	v34 =	vld [tilespmem:s6+$0xEFF0];
	[tilespmem:s23+$0x164E0] =	vst v2  }
0x4be: {  	v5 =	vld.idx.msk [tilespmem:v5+s5+$0x0], $0xffff;
	vm11 =	vgt.s32 v24, $0xC37F;
	v32 =	vadd.s32 $0xFFFF3C80, v24;
	[tilespmem:s23+$0x16560] =	vst v33  }
0x4bf: {  	v36 =	vand.u32 $0xFFFF0000, v6;
	v6 =	vshll.u32 v6, $0x10;
	v3 =	vsel vm11, v32, v24;
	v37 =	vld [tilespmem:s25+$0xEFF0]  }
0x4c0: {  	v4 =	vsel vm8, v36, v6  }
0x4c1: {  	v39 =	vand.u32 $0xFFFF0000, v0;
	vm13 =	vgt.s32 v31, $0xC37F;
	v38 =	vadd.s32 $0xFFFF3C80, v31  }
0x4c2: {  	v1 =	vld.idx.msk [tilespmem:v1+s5+$0x0], $0xffff;
	vm14 =	vgt.s32 v34, $0xC37F;
	v40 =	vadd.s32 $0xFFFF3C80, v34;
	v8 =	vsel vm13, v38, v31  }
0x4c3: {  	v0 =	vshll.u32 v0, $0x10;
	v41 =	vsub.f32 $1.000000000e+00, v4;
	v7 =	vsel vm14, v40, v34  }
0x4c4: {  	[tilespmem:s30+$0x164F0] =	vst v4;
	v44 =	vand.u32 $0xFFFF0000, v5;
	v3 =	vld.idx.msk [tilespmem:v3+s5+$0x0], $0xffff;
	vm15 =	vgt.s32 v37, $0xC37F;
	v43 =	vadd.s32 $0xFFFF3C80, v37  }
0x4c5: {  	v5 =	vshll.u32 v5, $0x10;
	v0 =	vsel vm9, v39, v0;
	[tilespmem:s30+$0x16570] =	vst v41;
	v2 =	vsel vm15, v43, v37  }
0x4c6: {  	v45 =	vsel vm10, v44, v5;
	v42 =	vsub.f32 $1.000000000e+00, v0;
	[tilespmem:s31+$0x164F0] =	vst v0  }
0x4c7: {  	v47 =	vsub.f32 $1.000000000e+00, v45;
	[tilespmem:s0+$0x164F0] =	vst v45;
	v52 =	vand.u32 $0xFFFF0000, v1;
	v1 =	vshll.u32 v1, $0x10;
	v46 =	vld.idx.msk [tilespmem:v8+s5+$0x0], $0xffff  }
0x4c8: {  	[tilespmem:s31+$0x16570] =	vst v42;
	v53 =	vsel vm12, v52, v1;
	v50 =	vld.idx.msk [tilespmem:v7+s5+$0x0], $0xffff  }
0x4c9: {  	[tilespmem:s0+$0x16570] =	vst v47;
	v55 =	vsub.f32 $1.000000000e+00, v53;
	v48 =	vand.u32 $0xFFFF0000, v3;
	v3 =	vshll.u32 v3, $0x10  }
0x4ca: {  	[tilespmem:s11+$0x164F0] =	vst v53;
	v49 =	vsel vm11, v48, v3;
	v54 =	vld.idx.msk [tilespmem:v2+s5+$0x0], $0xffff  }
0x4cb: {  	[tilespmem:s11+$0x16570] =	vst v55;
	v51 =	vsub.f32 $1.000000000e+00, v49  }
0x4cc: {  	[tilespmem:s9+$0x164F0] =	vst v49;
	v56 =	vand.u32 $0xFFFF0000, v46;
	v5 =	vshll.u32 v46, $0x10  }
0x4cd: {  	v59 =	vand.u32 $0xFFFF0000, v50;
	v3 =	vshll.u32 v50, $0x10;
	[tilespmem:s9+$0x16570] =	vst v51;
	v57 =	vsel vm13, v56, v5  }
0x4ce: {  	s1 =	sadd.s32 s12, s17;
	s25 =	smul.u32 $0x140000, s26;
	v60 =	vsel vm14, v59, v3;
	v58 =	vsub.f32 $1.000000000e+00, v57;
	[tilespmem:s7+$0x164F0] =	vst v57  }
0x4cf: {  	s1 =	sand.u32 $0x7FFFFC00, s1;
	v61 =	vsub.f32 $1.000000000e+00, v60;
	[tilespmem:s18+$0x164F0] =	vst v60;
	v62 =	vand.u32 $0xFFFF0000, v54;
	v1 =	vshll.u32 v54, $0x10  }
.Ltmp4:
0x4d0: {  	s26 =	sand.u32 $0x200, s17;
	s0 =	sadd.s32 s1, s25;
	[tilespmem:s7+$0x16570] =	vst v58;
	v63 =	vsel vm15, v62, v1;
	(pc) =	sbr.rel @p0 .LBB2_8-.Ltmp4, $4  }
0x4d1: {  	s0 =	sor.u32 s26, s0;
	[tilespmem:s18+$0x16570] =	vst v61;
	v1 =	vsub.f32 $1.000000000e+00, v63  }
0x4d2: {  	s30 =	rddreg [dreg:$0x2];
	s0 =	sshrl.u32 s0, $0x3;
	[tilespmem:s23+$0x164F0] =	vst v63  }
0x4d3: {  	s31 =	simm.s32 $0x16380;
	s0 =	sadd.s32 s30, s0;
	[tilespmem:s23+$0x16570] =	vst v1  }
0x4d4: {  	[hbm4b:s0+s20] =	stream.strided.scatter [tilespmem:s31], [sflag:$0x2], $0x5000, s22, s20, $0x38;
	[tilespmem:$0x1BFB8] =	vst v63  }
0x4d5: {  	s0 =	sadd.s32 $0x3, s29  }
0x4d6: {  	s1 =	smulhi.u32 $0x66666667, s0;
	_ =	sdelay $0x1  }
0x4d7: {  	s1 =	sshrl.u32 s1, $0x1  }
0x4d8: {  	s2 =	smul.u32 $0xFFFFFFFB, s1;
	_ =	sdelay $0x1  }
0x4d9: {  	s0 =	sadd.s32 s0, s2  }
0x4da: {  	s1 =	sshll.u32 s1, $0xB;
	s0 =	smul.u32 $0xA0000, s0  }
.Ltmp5:
0x4db: {  	s1 =	sadd.s32 s8, s1;
	(pc) =	sbr.rel .LBB2_2-.Ltmp5, $4  }
0x4dc: {  	s29 =	rddreg [dreg:$0x1];
	s0 =	sadd.s32 s0, s1  }
0x4dd: {  	s30 =	simm.s32 $0x800;
	s31 =	simm.s32 $0x20000;
	s0 =	sshrl.u32 s0, $0x3  }
0x4de: {  	s3 =	simm.s32 $0xEB80;
	s28 =	sadd.s32 $0x1, s28;
	s0 =	sadd.s32 s29, s0  }
0x4df: {  	[tilespmem:s3], [sflag:$0x1] =	stream.strided.gather [hbm4b:s0+s30], $0x2800, s31, s30, $0x38;
	[tilespmem:$0x1BFB8] =	vst v63  }
.LBB2_9:
0x4e0: {  	_ =	sfence.sel $0x180000  }
0x4e1: {  	[bflag:$0x0] =	sbarrier.arrive $0xFFFF  }
0x4e2: {  	_ =	strace $0x90000047  }
0x4e3: {  	s0 =	stileid.u32;
	[bflag:$0x2] =	sbarrier.arrive $0xFFFF  }
0x4e4: {  	p0 =	sne.s32 s0, $0x0;
	s0 =	rddreg [dreg:$0x4]  }
0x4e5: {  	s0 =	sadd.s32 @!p0 $0x100000, s0  }
0x4e6: {  	[sflag:s0] =	ssyncadd.tile.s32 @!p0 $0x1;
	_ =	shalt  }
.Lfunc_end2:
_tile_overlayer_lowered:
.L_overlay_start_2:
0x4e7: {  	(tag) =	ssettag $0x2  }
0x4e8: {  	s0 =	rddreg [dreg:$0x0];
	s2 =	stileid.u32  }
0x4e9: {  	s1 =	rddreg [dreg:$0x1];
	p0 =	sne.s32 s2, $0x0  }
0x4ea: {  	s3 =	rddreg [dreg:$0x2];
	[bflag:$0x3] =	sbarrier.arrive $0xFFFF;
	s2 =	simm.s32 @!p0 $0x1C04  }
0x4eb: {  	[timem:s3], [sflag:s2] =	dma.local @!p0 [hbm:s0], s1  }
0x4ec: {  	s0 =	simm.s32 @!p0 $0x4  }
0x4ed: {  	_ =	swait.ge @!p0 [sflag:s0], s1  }
0x4ee: {  	s1 =	ssub.s32 @!p0 $0x0, s1;
	[sflag:s0] =	ssyncset.done @!p0 $0x0  }
0x4ef: {  	[sflag:s0] =	ssyncadd.s32 @!p0 s1  }
0x4f0: {  	[bflag:$0x3] =	sbarrier.arrive $0xFFFF  }
0x4f1: {  	_ =	shalt  }

</sc_bundles>
